<compile_context>
chip_gen: v7x
topology: tpu7x:2x2x1
jax: 0.10.2.dev20260603
libtpu: 0.0.44.dev20260713+nightly
codegen_flags: <defaults>
</compile_context>

<pallas_src>
import functools

import jax
import jax.numpy as jnp
from jax import lax
from jax.experimental import pallas as pl
from jax.experimental.pallas import tpu as pltpu
from jax.experimental.pallas import tpu_sc as plsc

N = 10000
NPAD = 10240
E = 320000
D_IN = 128
D_HID = 128
N_CLS = 64

CHUNK = 128
SPT = 160
NSTAGE = 4
SCH = SPT // NSTAGE
NBUF = 4
LAG = 2
EPAD = 16 * SPT * CHUNK
RPS = NPAD // 16

_mesh = plsc.VectorSubcoreMesh(core_axis_name="c", subcore_axis_name="s")
_sc_params = pltpu.CompilerParams(use_tc_tiling_on_sc=False)


def _make_agg(D):
  D2 = D // 2

  @functools.partial(
      pl.kernel,
      out_type=jax.ShapeDtypeStruct((NPAD, D), jnp.float32),
      mesh=_mesh,
      scratch_types=[
          pltpu.VMEM((SCH, CHUNK), jnp.int32),
          pltpu.VMEM((SCH, CHUNK), jnp.int32),
          [pltpu.VMEM((CHUNK, D2), jnp.float32) for _ in range(NBUF)],
          pltpu.VMEM_SHARED((NPAD, D2), jnp.float32),
          pltpu.VMEM_SHARED((NPAD, D2), jnp.float32),
          [pltpu.SemaphoreType.DMA for _ in range(NBUF)],
          [pltpu.SemaphoreType.DMA for _ in range(NBUF)],
      ],
      compiler_params=_sc_params,
  )
  def agg(g_hbm, src_hbm, dst_hbm, zeros_hbm, out_hbm,
          src_v, dst_v, bufs, op_sh, acc_sh, gsems, ssems):
    c = lax.axis_index("c")
    s = lax.axis_index("s")
    pltpu.sync_copy(g_hbm.at[pl.ds(s * RPS, RPS), pl.ds(c * D2, D2)],
                    op_sh.at[pl.ds(s * RPS, RPS)])
    pltpu.sync_copy(zeros_hbm, acc_sh.at[pl.ds(s * RPS, RPS)])
    plsc.subcore_barrier()

    def body(st, carry):
      for j in range(NBUF):
        ch = st * NBUF + j
        b = j
        pltpu.make_async_copy(op_sh.at[src_v.at[ch]], bufs[b], gsems[b]).wait()
        pltpu.async_copy(bufs[b], acc_sh.at[dst_v.at[ch]], ssems[b], add=True)
        b2 = (j + LAG) % NBUF
        nxt = ch + LAG

        @pl.when(jnp.logical_and(nxt >= NBUF, nxt < SCH))
        def _():
          pltpu.make_async_copy(
              bufs[b2], acc_sh.at[dst_v.at[ch]], ssems[b2]).wait()

        @pl.when(nxt < SCH)
        def _():
          pltpu.async_copy(op_sh.at[src_v.at[nxt]], bufs[b2], gsems[b2])

      return carry

    for stage in range(NSTAGE):
      pltpu.sync_copy(src_hbm.at[s, stage], src_v)
      pltpu.sync_copy(dst_hbm.at[s, stage], dst_v)
      for b in range(LAG):
        pltpu.async_copy(op_sh.at[src_v.at[b]], bufs[b], gsems[b])
      lax.fori_loop(0, SCH // NBUF, body, 0)
      for b in range(NBUF):
        pltpu.make_async_copy(bufs[b], acc_sh.at[dst_v.at[b]], ssems[b]).wait()
    plsc.subcore_barrier()
    pltpu.sync_copy(acc_sh.at[pl.ds(s * RPS, RPS)],
                    out_hbm.at[pl.ds(s * RPS, RPS), pl.ds(c * D2, D2)])

  return agg


_agg128 = _make_agg(D_HID)
_agg64 = _make_agg(N_CLS)


@functools.partial(
    pl.kernel,
    out_type=jax.ShapeDtypeStruct((2, NPAD, 16), jnp.float32),
    mesh=_mesh,
    scratch_types=[
        pltpu.VMEM((SCH, CHUNK), jnp.int32),
        pltpu.VMEM((CHUNK, 16), jnp.float32),
        pltpu.VMEM_SHARED((NPAD, 16), jnp.float32),
    ],
    compiler_params=_sc_params,
)
def _deg_kernel(dst_hbm, onehot_hbm, zeros_hbm, out_hbm, dst_v, ones_v, acc_sh):
  c = lax.axis_index("c")
  s = lax.axis_index("s")
  pltpu.sync_copy(zeros_hbm, acc_sh.at[pl.ds(s * RPS, RPS)])
  pltpu.sync_copy(onehot_hbm, ones_v)
  plsc.subcore_barrier()

  def body(ch, carry):
    pltpu.sync_copy(ones_v, acc_sh.at[dst_v.at[ch]], add=True)
    return carry

  for k in range(NSTAGE // 2):
    pltpu.sync_copy(dst_hbm.at[s, c + 2 * k], dst_v)
    lax.fori_loop(0, SCH, body, 0)
  plsc.subcore_barrier()
  pltpu.sync_copy(acc_sh.at[pl.ds(s * RPS, RPS)],
                  out_hbm.at[c, pl.ds(s * RPS, RPS)])


def _mm1_body(x_ref, w_ref, o_ref):
  o_ref[...] = jnp.dot(x_ref[...], w_ref[...],
                       preferred_element_type=jnp.float32)


def _mm2_body(h_ref, w_ref, o_ref):
  o_ref[...] = jnp.dot(h_ref[...], w_ref[...],
                       preferred_element_type=jnp.float32)


_BLK = 512
_GRID = NPAD // _BLK


def _row_spec(d):
  return pl.BlockSpec((_BLK, d), lambda i: (i, 0))


def _full_spec(r, c):
  return pl.BlockSpec((r, c), lambda i: (0, 0))


_mm1 = pl.pallas_call(
    _mm1_body,
    grid=(_GRID,),
    in_specs=[_row_spec(D_IN), _full_spec(D_IN, D_HID)],
    out_specs=_row_spec(D_HID),
    out_shape=jax.ShapeDtypeStruct((NPAD, D_HID), jnp.float32),
)

_mm2 = pl.pallas_call(
    _mm2_body,
    grid=(_GRID,),
    in_specs=[_row_spec(D_HID), _full_spec(D_HID, N_CLS)],
    out_specs=_row_spec(N_CLS),
    out_shape=jax.ShapeDtypeStruct((NPAD, N_CLS), jnp.float32),
)


def kernel(x, edge_index, W1, b1, W2, b2):
  src = edge_index[0].astype(jnp.int32)
  dst = edge_index[1].astype(jnp.int32)
  src4 = jnp.concatenate([src, jnp.zeros((EPAD - E,), jnp.int32)])
  dst4 = jnp.concatenate([dst, jnp.full((EPAD - E,), NPAD - 1, jnp.int32)])
  src4 = src4.reshape(16, NSTAGE, SCH, CHUNK)
  dst4 = dst4.reshape(16, NSTAGE, SCH, CHUNK)
  xp = jnp.zeros((NPAD, D_IN), jnp.float32).at[:N].set(x)

  onehot = jnp.zeros((CHUNK, 16), jnp.float32).at[:, 0].set(1.0)
  z16 = jnp.zeros((RPS, 16), jnp.float32)
  z64 = jnp.zeros((RPS, D_HID // 2), jnp.float32)
  z32 = jnp.zeros((RPS, N_CLS // 2), jnp.float32)

  deg = _deg_kernel(dst4, onehot, z16)
  raw1 = _mm1(xp, W1)

  isd = lax.rsqrt(jnp.maximum(deg[0, :, 0:1] + deg[1, :, 0:1], 1.0))
  g1 = raw1 * isd
  agg1 = _agg128(g1, src4, dst4, z64)

  h1 = jnp.maximum(isd * agg1 + b1, 0.0)
  raw2 = _mm2(h1, W2)
  g2 = raw2 * isd
  agg2 = _agg64(g2, src4, dst4, z32)

  return (isd * agg2 + b2)[:N]

# --- scband reference (transcript-rebuilt; emitter-appended) ---
"""Pipeline reference for scband-flag-73134703116437 (READ-ONLY COPY).

The authoritative reference and input builder live on the scoring server;
editing this copy changes nothing except your own understanding.
"""

import jax, jax.numpy as jnp
import numpy as np

N_NODES = 10000
N_EDGES = 320000
D_IN = 128
D_HID = 128
N_CLS = 64


def setup_inputs(seed: int = 0) -> dict:
    key = jax.random.key(seed)
    k1, k2, k3, k4 = jax.random.split(key, 4)
    x = jax.random.normal(k1, (N_NODES, D_IN), dtype=jnp.float32)
    edge_index = jax.random.randint(k2, (2, N_EDGES), 0, N_NODES, dtype=jnp.int32)
    W1 = jax.random.normal(k3, (D_IN, D_HID), dtype=jnp.float32) * 0.05
    b1 = jnp.zeros((D_HID,), dtype=jnp.float32)
    W2 = jax.random.normal(k4, (D_HID, N_CLS), dtype=jnp.float32) * 0.05
    b2 = jnp.zeros((N_CLS,), dtype=jnp.float32)
    return {"x": x, "edge_index": edge_index, "W1": W1, "b1": b1, "W2": W2, "b2": b2}


def reference(x, edge_index, W1, b1, W2, b2):
    # FLAG.forward(x, adj) -> base GCN model(x, adj)
    # 2-layer GCN with symmetric degree normalization (A_hat X W),
    # ReLU activation between layers; dropout is identity at eval.
    src = edge_index[0]
    dst = edge_index[1]
    ones = jnp.ones((src.shape[0],), dtype=x.dtype)
    deg = jax.ops.segment_sum(ones, dst, num_segments=N_NODES)
    deg = jnp.maximum(deg, 1.0)
    inv_sqrt_deg = 1.0 / jnp.sqrt(deg)
    norm = inv_sqrt_deg[src] * inv_sqrt_deg[dst]

    def gcn_layer(h, W, b):
        h = h @ W
        msg = h[src] * norm[:, None]
        agg = jax.ops.segment_sum(msg, dst, num_segments=N_NODES)
        return agg + b

    h1 = jax.nn.relu(gcn_layer(x, W1, b1))
    out = gcn_layer(h1, W2, b2)
    return out

if __name__ == "__main__":
    import jax
    _d = setup_inputs()
    print(jax.jit(kernel)(*tuple(_d.values())))

</pallas_src>

<mosaic_0001>
#map = affine_map<(d0, d1) -> (0, 0, 0, 0)>
#map1 = affine_map<(d0, d1) -> (0, 0)>
#map2 = affine_map<(d0, d1) -> (0, 0, 0)>
module attributes {stable_mosaic.version = 14 : i64} {
  func.func @_deg_kernel(%arg0: i32, %arg1: i32, %arg2: memref<16x4x40x128xi32, #tpu.memory_space<hbm>>, %arg3: memref<128x16xf32, #tpu.memory_space<hbm>>, %arg4: memref<640x16xf32, #tpu.memory_space<hbm>>, %arg5: memref<2x10240x16xf32, #tpu.memory_space<hbm>>, %arg6: memref<40x128xi32, #tpu.memory_space<vmem>>, %arg7: memref<128x16xf32, #tpu.memory_space<vmem>>, %arg8: memref<10240x16xf32, #tpu.memory_space<vmem_shared>>) attributes {dimension_semantics = [#tpu.dimension_semantics<core_parallel>, #tpu.dimension_semantics<subcore_parallel>], iteration_bounds = array<i64: 2, 16>, scalar_prefetch = 0 : i64, scratch_operands = 3 : i64, tpu.core_type = #tpu.core_type<sc_vector_subcore>, window_params = [{transform_indices = #map}, {transform_indices = #map1}, {transform_indices = #map1}, {transform_indices = #map2}]} {
    %mul3A = arith.constant 640 : i32
    %mul3A_0 = arith.muli %arg1, %mul3A : i32
    "tpu.region"() ({
      %run_scoped3A = tpu.sem_alloc : memref<!tpu.dma_semaphore, #tpu.memory_space<semaphore_mem>>
      %dma_start3A = arith.constant 0 : i32
      %dma_start3A_20 = tpu.memref_slice %arg8[%mul3A_0, %dma_start3A] : memref<10240x16xf32, #tpu.memory_space<vmem_shared>> -> memref<640x16xf32, #tpu.memory_space<vmem_shared>>
      tpu.enqueue_dma source(%arg4 : memref<640x16xf32, #tpu.memory_space<hbm>>) target(%dma_start3A_20 : memref<640x16xf32, #tpu.memory_space<vmem_shared>>) target_semaphore(%run_scoped3A : memref<!tpu.dma_semaphore, #tpu.memory_space<semaphore_mem>>)
      %dma_wait3A = arith.constant 0 : i32
      %dma_wait3A_21 = tpu.memref_slice %arg8[%mul3A_0, %dma_wait3A] : memref<10240x16xf32, #tpu.memory_space<vmem_shared>> -> memref<640x16xf32, #tpu.memory_space<vmem_shared>>
      tpu.wait_dma2 semaphore(%run_scoped3A : memref<!tpu.dma_semaphore, #tpu.memory_space<semaphore_mem>>) src(%arg4 : memref<640x16xf32, #tpu.memory_space<hbm>>) dst(%dma_wait3A_21 : memref<640x16xf32, #tpu.memory_space<vmem_shared>>)
      tpu.yield
    }) : () -> ()
    "tpu.region"() ({
      %run_scoped3A = tpu.sem_alloc : memref<!tpu.dma_semaphore, #tpu.memory_space<semaphore_mem>>
      tpu.enqueue_dma source(%arg3 : memref<128x16xf32, #tpu.memory_space<hbm>>) target(%arg7 : memref<128x16xf32, #tpu.memory_space<vmem>>) target_semaphore(%run_scoped3A : memref<!tpu.dma_semaphore, #tpu.memory_space<semaphore_mem>>)
      tpu.wait_dma2 semaphore(%run_scoped3A : memref<!tpu.dma_semaphore, #tpu.memory_space<semaphore_mem>>) src(%arg3 : memref<128x16xf32, #tpu.memory_space<hbm>>) dst(%arg7 : memref<128x16xf32, #tpu.memory_space<vmem>>)
      tpu.yield
    }) : () -> ()
    %barrier3A = arith.constant 0 : index
    tpu.barrier barrier_id(%barrier3A)
    %add3A = arith.constant 0 : i32
    %add3A_1 = arith.addi %arg0, %add3A : i32
    "tpu.region"() ({
      %run_scoped3A = tpu.sem_alloc : memref<!tpu.dma_semaphore, #tpu.memory_space<semaphore_mem>>
      %dma_start3A = arith.constant 0 : i32
      %dma_start3A_20 = arith.constant 0 : i32
      %dma_start3A_21 = tpu.memref_slice %arg2[%arg1, %add3A_1, %dma_start3A, %dma_start3A_20] : memref<16x4x40x128xi32, #tpu.memory_space<hbm>> -> memref<1x1x40x128xi32, #tpu.memory_space<hbm>>
      %dma_start3A_22 = tpu.memref_squeeze %dma_start3A_21 : memref<1x1x40x128xi32, #tpu.memory_space<hbm>> -> memref<40x128xi32, #tpu.memory_space<hbm>>
      %dma_start3A_23 = arith.constant 0 : i32
      %dma_start3A_24 = arith.constant 0 : i32
      %dma_start3A_25 = tpu.memref_slice %arg2[%arg1, %add3A_1, %dma_start3A_23, %dma_start3A_24] : memref<16x4x40x128xi32, #tpu.memory_space<hbm>> -> memref<1x1x40x128xi32, #tpu.memory_space<hbm>>
      %dma_start3A_26 = tpu.memref_squeeze %dma_start3A_25 : memref<1x1x40x128xi32, #tpu.memory_space<hbm>> -> memref<40x128xi32, #tpu.memory_space<hbm>>
      tpu.enqueue_dma source(%dma_start3A_26 : memref<40x128xi32, #tpu.memory_space<hbm>>) target(%arg6 : memref<40x128xi32, #tpu.memory_space<vmem>>) target_semaphore(%run_scoped3A : memref<!tpu.dma_semaphore, #tpu.memory_space<semaphore_mem>>)
      %dma_wait3A = arith.constant 0 : i32
      %dma_wait3A_27 = arith.constant 0 : i32
      %dma_wait3A_28 = tpu.memref_slice %arg2[%arg1, %add3A_1, %dma_wait3A, %dma_wait3A_27] : memref<16x4x40x128xi32, #tpu.memory_space<hbm>> -> memref<1x1x40x128xi32, #tpu.memory_space<hbm>>
      %dma_wait3A_29 = tpu.memref_squeeze %dma_wait3A_28 : memref<1x1x40x128xi32, #tpu.memory_space<hbm>> -> memref<40x128xi32, #tpu.memory_space<hbm>>
      %dma_wait3A_30 = arith.constant 0 : i32
      %dma_wait3A_31 = arith.constant 0 : i32
      %dma_wait3A_32 = tpu.memref_slice %arg2[%arg1, %add3A_1, %dma_wait3A_30, %dma_wait3A_31] : memref<16x4x40x128xi32, #tpu.memory_space<hbm>> -> memref<1x1x40x128xi32, #tpu.memory_space<hbm>>
      %dma_wait3A_33 = tpu.memref_squeeze %dma_wait3A_32 : memref<1x1x40x128xi32, #tpu.memory_space<hbm>> -> memref<40x128xi32, #tpu.memory_space<hbm>>
      tpu.wait_dma2 semaphore(%run_scoped3A : memref<!tpu.dma_semaphore, #tpu.memory_space<semaphore_mem>>) src(%dma_wait3A_33 : memref<40x128xi32, #tpu.memory_space<hbm>>) dst(%arg6 : memref<40x128xi32, #tpu.memory_space<vmem>>)
      tpu.yield
    }) : () -> ()
    %scan3A = arith.constant 0 : i32
    %scan3A_2 = arith.constant 0 : i32
    %scan3A_3 = arith.constant 40 : i32
    %scan3A_4 = arith.addi %scan3A_2, %scan3A_3 : i32
    %scan3A_5 = arith.constant 1 : i32
    scf.for %scan3A_20 = %scan3A_2 to %scan3A_4 step %scan3A_5  : i32 {
      "tpu.region"() ({
        %run_scoped3A = tpu.sem_alloc : memref<!tpu.dma_semaphore, #tpu.memory_space<semaphore_mem>>
        %dma_start3A = arith.constant 0 : i32
        %dma_start3A_21 = tpu.memref_slice %arg6[%scan3A_20, %dma_start3A] : memref<40x128xi32, #tpu.memory_space<vmem>> -> memref<1x128xi32, #tpu.memory_space<vmem>>
        %dma_start3A_22 = tpu.memref_squeeze %dma_start3A_21 : memref<1x128xi32, #tpu.memory_space<vmem>> -> memref<128xi32, #tpu.memory_space<vmem>>
        %dma_start3A_23 = arith.constant 0 : i32
        %dma_start3A_24 = arith.constant 0 : i32
        %dma_start3A_25 = tpu.memref_slice %arg8[%dma_start3A_23, %dma_start3A_24] : memref<10240x16xf32, #tpu.memory_space<vmem_shared>> -> memref<10240x16xf32, #tpu.memory_space<vmem_shared>>
        tpu.enqueue_indirect_dma source(%arg7 : memref<128x16xf32, #tpu.memory_space<vmem>>) target(%dma_start3A_25 : memref<10240x16xf32, #tpu.memory_space<vmem_shared>>) offsets(%dma_start3A_22 : memref<128xi32, #tpu.memory_space<vmem>>) semaphore(%run_scoped3A : memref<!tpu.dma_semaphore, #tpu.memory_space<semaphore_mem>>) {add = true}
        %dma_wait3A = arith.constant 0 : i32
        %dma_wait3A_26 = tpu.memref_slice %arg6[%scan3A_20, %dma_wait3A] : memref<40x128xi32, #tpu.memory_space<vmem>> -> memref<1x128xi32, #tpu.memory_space<vmem>>
        %dma_wait3A_27 = tpu.memref_squeeze %dma_wait3A_26 : memref<1x128xi32, #tpu.memory_space<vmem>> -> memref<128xi32, #tpu.memory_space<vmem>>
        %dma_wait3A_28 = arith.constant 0 : i32
        %dma_wait3A_29 = arith.constant 0 : i32
        %dma_wait3A_30 = tpu.memref_slice %arg8[%dma_wait3A_28, %dma_wait3A_29] : memref<10240x16xf32, #tpu.memory_space<vmem_shared>> -> memref<10240x16xf32, #tpu.memory_space<vmem_shared>>
        tpu.wait_indirect_dma semaphore(%run_scoped3A : memref<!tpu.dma_semaphore, #tpu.memory_space<semaphore_mem>>) src(%arg7 : memref<128x16xf32, #tpu.memory_space<vmem>>) dst(%dma_wait3A_30 : memref<10240x16xf32, #tpu.memory_space<vmem_shared>>)
        tpu.yield
      }) : () -> ()
    }
    %scan3A_6 = arith.constant 40 : i32
    %add3A_7 = arith.constant 2 : i32
    %add3A_8 = arith.addi %arg0, %add3A_7 : i32
    "tpu.region"() ({
      %run_scoped3A = tpu.sem_alloc : memref<!tpu.dma_semaphore, #tpu.memory_space<semaphore_mem>>
      %dma_start3A = arith.constant 0 : i32
      %dma_start3A_20 = arith.constant 0 : i32
      %dma_start3A_21 = tpu.memref_slice %arg2[%arg1, %add3A_8, %dma_start3A, %dma_start3A_20] : memref<16x4x40x128xi32, #tpu.memory_space<hbm>> -> memref<1x1x40x128xi32, #tpu.memory_space<hbm>>
      %dma_start3A_22 = tpu.memref_squeeze %dma_start3A_21 : memref<1x1x40x128xi32, #tpu.memory_space<hbm>> -> memref<40x128xi32, #tpu.memory_space<hbm>>
      %dma_start3A_23 = arith.constant 0 : i32
      %dma_start3A_24 = arith.constant 0 : i32
      %dma_start3A_25 = tpu.memref_slice %arg2[%arg1, %add3A_8, %dma_start3A_23, %dma_start3A_24] : memref<16x4x40x128xi32, #tpu.memory_space<hbm>> -> memref<1x1x40x128xi32, #tpu.memory_space<hbm>>
      %dma_start3A_26 = tpu.memref_squeeze %dma_start3A_25 : memref<1x1x40x128xi32, #tpu.memory_space<hbm>> -> memref<40x128xi32, #tpu.memory_space<hbm>>
      tpu.enqueue_dma source(%dma_start3A_26 : memref<40x128xi32, #tpu.memory_space<hbm>>) target(%arg6 : memref<40x128xi32, #tpu.memory_space<vmem>>) target_semaphore(%run_scoped3A : memref<!tpu.dma_semaphore, #tpu.memory_space<semaphore_mem>>)
      %dma_wait3A = arith.constant 0 : i32
      %dma_wait3A_27 = arith.constant 0 : i32
      %dma_wait3A_28 = tpu.memref_slice %arg2[%arg1, %add3A_8, %dma_wait3A, %dma_wait3A_27] : memref<16x4x40x128xi32, #tpu.memory_space<hbm>> -> memref<1x1x40x128xi32, #tpu.memory_space<hbm>>
      %dma_wait3A_29 = tpu.memref_squeeze %dma_wait3A_28 : memref<1x1x40x128xi32, #tpu.memory_space<hbm>> -> memref<40x128xi32, #tpu.memory_space<hbm>>
      %dma_wait3A_30 = arith.constant 0 : i32
      %dma_wait3A_31 = arith.constant 0 : i32
      %dma_wait3A_32 = tpu.memref_slice %arg2[%arg1, %add3A_8, %dma_wait3A_30, %dma_wait3A_31] : memref<16x4x40x128xi32, #tpu.memory_space<hbm>> -> memref<1x1x40x128xi32, #tpu.memory_space<hbm>>
      %dma_wait3A_33 = tpu.memref_squeeze %dma_wait3A_32 : memref<1x1x40x128xi32, #tpu.memory_space<hbm>> -> memref<40x128xi32, #tpu.memory_space<hbm>>
      tpu.wait_dma2 semaphore(%run_scoped3A : memref<!tpu.dma_semaphore, #tpu.memory_space<semaphore_mem>>) src(%dma_wait3A_33 : memref<40x128xi32, #tpu.memory_space<hbm>>) dst(%arg6 : memref<40x128xi32, #tpu.memory_space<vmem>>)
      tpu.yield
    }) : () -> ()
    %scan3A_9 = arith.constant 0 : i32
    %scan3A_10 = arith.constant 0 : i32
    %scan3A_11 = arith.constant 40 : i32
    %scan3A_12 = arith.addi %scan3A_10, %scan3A_11 : i32
    %scan3A_13 = arith.constant 1 : i32
    scf.for %scan3A_20 = %scan3A_10 to %scan3A_12 step %scan3A_13  : i32 {
      "tpu.region"() ({
        %run_scoped3A = tpu.sem_alloc : memref<!tpu.dma_semaphore, #tpu.memory_space<semaphore_mem>>
        %dma_start3A = arith.constant 0 : i32
        %dma_start3A_21 = tpu.memref_slice %arg6[%scan3A_20, %dma_start3A] : memref<40x128xi32, #tpu.memory_space<vmem>> -> memref<1x128xi32, #tpu.memory_space<vmem>>
        %dma_start3A_22 = tpu.memref_squeeze %dma_start3A_21 : memref<1x128xi32, #tpu.memory_space<vmem>> -> memref<128xi32, #tpu.memory_space<vmem>>
        %dma_start3A_23 = arith.constant 0 : i32
        %dma_start3A_24 = arith.constant 0 : i32
        %dma_start3A_25 = tpu.memref_slice %arg8[%dma_start3A_23, %dma_start3A_24] : memref<10240x16xf32, #tpu.memory_space<vmem_shared>> -> memref<10240x16xf32, #tpu.memory_space<vmem_shared>>
        tpu.enqueue_indirect_dma source(%arg7 : memref<128x16xf32, #tpu.memory_space<vmem>>) target(%dma_start3A_25 : memref<10240x16xf32, #tpu.memory_space<vmem_shared>>) offsets(%dma_start3A_22 : memref<128xi32, #tpu.memory_space<vmem>>) semaphore(%run_scoped3A : memref<!tpu.dma_semaphore, #tpu.memory_space<semaphore_mem>>) {add = true}
        %dma_wait3A = arith.constant 0 : i32
        %dma_wait3A_26 = tpu.memref_slice %arg6[%scan3A_20, %dma_wait3A] : memref<40x128xi32, #tpu.memory_space<vmem>> -> memref<1x128xi32, #tpu.memory_space<vmem>>
        %dma_wait3A_27 = tpu.memref_squeeze %dma_wait3A_26 : memref<1x128xi32, #tpu.memory_space<vmem>> -> memref<128xi32, #tpu.memory_space<vmem>>
        %dma_wait3A_28 = arith.constant 0 : i32
        %dma_wait3A_29 = arith.constant 0 : i32
        %dma_wait3A_30 = tpu.memref_slice %arg8[%dma_wait3A_28, %dma_wait3A_29] : memref<10240x16xf32, #tpu.memory_space<vmem_shared>> -> memref<10240x16xf32, #tpu.memory_space<vmem_shared>>
        tpu.wait_indirect_dma semaphore(%run_scoped3A : memref<!tpu.dma_semaphore, #tpu.memory_space<semaphore_mem>>) src(%arg7 : memref<128x16xf32, #tpu.memory_space<vmem>>) dst(%dma_wait3A_30 : memref<10240x16xf32, #tpu.memory_space<vmem_shared>>)
        tpu.yield
      }) : () -> ()
    }
    %scan3A_14 = arith.constant 40 : i32
    %barrier3A_15 = arith.constant 0 : index
    tpu.barrier barrier_id(%barrier3A_15)
    %mul3A_16 = arith.constant 640 : i32
    %mul3A_17 = arith.muli %arg1, %mul3A_16 : i32
    %mul3A_18 = arith.constant 640 : i32
    %mul3A_19 = arith.muli %arg1, %mul3A_18 : i32
    "tpu.region"() ({
      %run_scoped3A = tpu.sem_alloc : memref<!tpu.dma_semaphore, #tpu.memory_space<semaphore_mem>>
      %dma_start3A = arith.constant 0 : i32
      %dma_start3A_20 = tpu.memref_slice %arg5[%arg0, %mul3A_19, %dma_start3A] : memref<2x10240x16xf32, #tpu.memory_space<hbm>> -> memref<1x640x16xf32, #tpu.memory_space<hbm>>
      %dma_start3A_21 = tpu.memref_squeeze %dma_start3A_20 : memref<1x640x16xf32, #tpu.memory_space<hbm>> -> memref<640x16xf32, #tpu.memory_space<hbm>>
      %dma_start3A_22 = arith.constant 0 : i32
      %dma_start3A_23 = tpu.memref_slice %arg8[%mul3A_17, %dma_start3A_22] : memref<10240x16xf32, #tpu.memory_space<vmem_shared>> -> memref<640x16xf32, #tpu.memory_space<vmem_shared>>
      tpu.enqueue_dma source(%dma_start3A_23 : memref<640x16xf32, #tpu.memory_space<vmem_shared>>) target(%dma_start3A_21 : memref<640x16xf32, #tpu.memory_space<hbm>>) target_semaphore(%run_scoped3A : memref<!tpu.dma_semaphore, #tpu.memory_space<semaphore_mem>>)
      %dma_wait3A = arith.constant 0 : i32
      %dma_wait3A_24 = tpu.memref_slice %arg5[%arg0, %mul3A_19, %dma_wait3A] : memref<2x10240x16xf32, #tpu.memory_space<hbm>> -> memref<1x640x16xf32, #tpu.memory_space<hbm>>
      %dma_wait3A_25 = tpu.memref_squeeze %dma_wait3A_24 : memref<1x640x16xf32, #tpu.memory_space<hbm>> -> memref<640x16xf32, #tpu.memory_space<hbm>>
      %dma_wait3A_26 = arith.constant 0 : i32
      %dma_wait3A_27 = tpu.memref_slice %arg8[%mul3A_17, %dma_wait3A_26] : memref<10240x16xf32, #tpu.memory_space<vmem_shared>> -> memref<640x16xf32, #tpu.memory_space<vmem_shared>>
      tpu.wait_dma2 semaphore(%run_scoped3A : memref<!tpu.dma_semaphore, #tpu.memory_space<semaphore_mem>>) src(%dma_wait3A_27 : memref<640x16xf32, #tpu.memory_space<vmem_shared>>) dst(%dma_wait3A_25 : memref<640x16xf32, #tpu.memory_space<hbm>>)
      tpu.yield
    }) : () -> ()
    return
  }
}

#map = affine_map<(d0, d1) -> (0, 0)>
#map1 = affine_map<(d0, d1) -> (0, 0, 0, 0)>
module attributes {stable_mosaic.version = 14 : i64} {
  func.func @agg(%arg0: i32, %arg1: i32, %arg2: memref<10240x128xf32, #tpu.memory_space<hbm>>, %arg3: memref<16x4x40x128xi32, #tpu.memory_space<hbm>>, %arg4: memref<16x4x40x128xi32, #tpu.memory_space<hbm>>, %arg5: memref<640x64xf32, #tpu.memory_space<hbm>>, %arg6: memref<10240x128xf32, #tpu.memory_space<hbm>>, %arg7: memref<40x128xi32, #tpu.memory_space<vmem>>, %arg8: memref<40x128xi32, #tpu.memory_space<vmem>>, %arg9: memref<128x64xf32, #tpu.memory_space<vmem>>, %arg10: memref<128x64xf32, #tpu.memory_space<vmem>>, %arg11: memref<128x64xf32, #tpu.memory_space<vmem>>, %arg12: memref<128x64xf32, #tpu.memory_space<vmem>>, %arg13: memref<10240x64xf32, #tpu.memory_space<vmem_shared>>, %arg14: memref<10240x64xf32, #tpu.memory_space<vmem_shared>>, %arg15: memref<!tpu.dma_semaphore, #tpu.memory_space<semaphore_mem>>, %arg16: memref<!tpu.dma_semaphore, #tpu.memory_space<semaphore_mem>>, %arg17: memref<!tpu.dma_semaphore, #tpu.memory_space<semaphore_mem>>, %arg18: memref<!tpu.dma_semaphore, #tpu.memory_space<semaphore_mem>>, %arg19: memref<!tpu.dma_semaphore, #tpu.memory_space<semaphore_mem>>, %arg20: memref<!tpu.dma_semaphore, #tpu.memory_space<semaphore_mem>>, %arg21: memref<!tpu.dma_semaphore, #tpu.memory_space<semaphore_mem>>, %arg22: memref<!tpu.dma_semaphore, #tpu.memory_space<semaphore_mem>>) attributes {dimension_semantics = [#tpu.dimension_semantics<core_parallel>, #tpu.dimension_semantics<subcore_parallel>], iteration_bounds = array<i64: 2, 16>, scalar_prefetch = 0 : i64, scratch_operands = 16 : i64, tpu.core_type = #tpu.core_type<sc_vector_subcore>, window_params = [{transform_indices = #map}, {transform_indices = #map1}, {transform_indices = #map1}, {transform_indices = #map}, {transform_indices = #map}]} {
    %mul3A = arith.constant 640 : i32
    %mul3A_0 = arith.muli %arg1, %mul3A : i32
    %mul3A_1 = arith.constant 64 : i32
    %mul3A_2 = arith.muli %arg0, %mul3A_1 : i32
    %mul3A_3 = arith.constant 640 : i32
    %mul3A_4 = arith.muli %arg1, %mul3A_3 : i32
    "tpu.region"() ({
      %run_scoped3A_210 = tpu.sem_alloc : memref<!tpu.dma_semaphore, #tpu.memory_space<semaphore_mem>>
      %dma_start3A_211 = arith.constant 0 : i32
      %dma_start3A_212 = tpu.memref_slice %arg13[%mul3A_4, %dma_start3A_211] : memref<10240x64xf32, #tpu.memory_space<vmem_shared>> -> memref<640x64xf32, #tpu.memory_space<vmem_shared>>
      %dma_start3A_213 = tpu.memref_slice %arg2[%mul3A_0, %mul3A_2] : memref<10240x128xf32, #tpu.memory_space<hbm>> -> memref<640x64xf32, #tpu.memory_space<hbm>>
      tpu.enqueue_dma source(%dma_start3A_213 : memref<640x64xf32, #tpu.memory_space<hbm>>) target(%dma_start3A_212 : memref<640x64xf32, #tpu.memory_space<vmem_shared>>) target_semaphore(%run_scoped3A_210 : memref<!tpu.dma_semaphore, #tpu.memory_space<semaphore_mem>>)
      %dma_wait3A_214 = arith.constant 0 : i32
      %dma_wait3A_215 = tpu.memref_slice %arg13[%mul3A_4, %dma_wait3A_214] : memref<10240x64xf32, #tpu.memory_space<vmem_shared>> -> memref<640x64xf32, #tpu.memory_space<vmem_shared>>
      %dma_wait3A_216 = tpu.memref_slice %arg2[%mul3A_0, %mul3A_2] : memref<10240x128xf32, #tpu.memory_space<hbm>> -> memref<640x64xf32, #tpu.memory_space<hbm>>
      tpu.wait_dma2 semaphore(%run_scoped3A_210 : memref<!tpu.dma_semaphore, #tpu.memory_space<semaphore_mem>>) src(%dma_wait3A_216 : memref<640x64xf32, #tpu.memory_space<hbm>>) dst(%dma_wait3A_215 : memref<640x64xf32, #tpu.memory_space<vmem_shared>>)
      tpu.yield
    }) : () -> ()
    %mul3A_5 = arith.constant 640 : i32
    %mul3A_6 = arith.muli %arg1, %mul3A_5 : i32
    "tpu.region"() ({
      %run_scoped3A_210 = tpu.sem_alloc : memref<!tpu.dma_semaphore, #tpu.memory_space<semaphore_mem>>
      %dma_start3A_211 = arith.constant 0 : i32
      %dma_start3A_212 = tpu.memref_slice %arg14[%mul3A_6, %dma_start3A_211] : memref<10240x64xf32, #tpu.memory_space<vmem_shared>> -> memref<640x64xf32, #tpu.memory_space<vmem_shared>>
      tpu.enqueue_dma source(%arg5 : memref<640x64xf32, #tpu.memory_space<hbm>>) target(%dma_start3A_212 : memref<640x64xf32, #tpu.memory_space<vmem_shared>>) target_semaphore(%run_scoped3A_210 : memref<!tpu.dma_semaphore, #tpu.memory_space<semaphore_mem>>)
      %dma_wait3A_213 = arith.constant 0 : i32
      %dma_wait3A_214 = tpu.memref_slice %arg14[%mul3A_6, %dma_wait3A_213] : memref<10240x64xf32, #tpu.memory_space<vmem_shared>> -> memref<640x64xf32, #tpu.memory_space<vmem_shared>>
      tpu.wait_dma2 semaphore(%run_scoped3A_210 : memref<!tpu.dma_semaphore, #tpu.memory_space<semaphore_mem>>) src(%arg5 : memref<640x64xf32, #tpu.memory_space<hbm>>) dst(%dma_wait3A_214 : memref<640x64xf32, #tpu.memory_space<vmem_shared>>)
      tpu.yield
    }) : () -> ()
    %barrier3A = arith.constant 0 : index
    tpu.barrier barrier_id(%barrier3A)
    %run_scoped3A = arith.constant 0 : i32
    "tpu.region"() ({
      %run_scoped3A_210 = tpu.sem_alloc : memref<!tpu.dma_semaphore, #tpu.memory_space<semaphore_mem>>
      %dma_start3A_211 = arith.constant 0 : i32
      %dma_start3A_212 = arith.constant 0 : i32
      %dma_start3A_213 = tpu.memref_slice %arg3[%arg1, %run_scoped3A, %dma_start3A_211, %dma_start3A_212] : memref<16x4x40x128xi32, #tpu.memory_space<hbm>> -> memref<1x1x40x128xi32, #tpu.memory_space<hbm>>
      %dma_start3A_214 = tpu.memref_squeeze %dma_start3A_213 : memref<1x1x40x128xi32, #tpu.memory_space<hbm>> -> memref<40x128xi32, #tpu.memory_space<hbm>>
      %dma_start3A_215 = arith.constant 0 : i32
      %dma_start3A_216 = arith.constant 0 : i32
      %dma_start3A_217 = tpu.memref_slice %arg3[%arg1, %run_scoped3A, %dma_start3A_215, %dma_start3A_216] : memref<16x4x40x128xi32, #tpu.memory_space<hbm>> -> memref<1x1x40x128xi32, #tpu.memory_space<hbm>>
      %dma_start3A_218 = tpu.memref_squeeze %dma_start3A_217 : memref<1x1x40x128xi32, #tpu.memory_space<hbm>> -> memref<40x128xi32, #tpu.memory_space<hbm>>
      tpu.enqueue_dma source(%dma_start3A_218 : memref<40x128xi32, #tpu.memory_space<hbm>>) target(%arg7 : memref<40x128xi32, #tpu.memory_space<vmem>>) target_semaphore(%run_scoped3A_210 : memref<!tpu.dma_semaphore, #tpu.memory_space<semaphore_mem>>)
      %dma_wait3A_219 = arith.constant 0 : i32
      %dma_wait3A_220 = arith.constant 0 : i32
      %dma_wait3A_221 = tpu.memref_slice %arg3[%arg1, %run_scoped3A, %dma_wait3A_219, %dma_wait3A_220] : memref<16x4x40x128xi32, #tpu.memory_space<hbm>> -> memref<1x1x40x128xi32, #tpu.memory_space<hbm>>
      %dma_wait3A_222 = tpu.memref_squeeze %dma_wait3A_221 : memref<1x1x40x128xi32, #tpu.memory_space<hbm>> -> memref<40x128xi32, #tpu.memory_space<hbm>>
      %dma_wait3A_223 = arith.constant 0 : i32
      %dma_wait3A_224 = arith.constant 0 : i32
      %dma_wait3A_225 = tpu.memref_slice %arg3[%arg1, %run_scoped3A, %dma_wait3A_223, %dma_wait3A_224] : memref<16x4x40x128xi32, #tpu.memory_space<hbm>> -> memref<1x1x40x128xi32, #tpu.memory_space<hbm>>
      %dma_wait3A_226 = tpu.memref_squeeze %dma_wait3A_225 : memref<1x1x40x128xi32, #tpu.memory_space<hbm>> -> memref<40x128xi32, #tpu.memory_space<hbm>>
      tpu.wait_dma2 semaphore(%run_scoped3A_210 : memref<!tpu.dma_semaphore, #tpu.memory_space<semaphore_mem>>) src(%dma_wait3A_226 : memref<40x128xi32, #tpu.memory_space<hbm>>) dst(%arg7 : memref<40x128xi32, #tpu.memory_space<vmem>>)
      tpu.yield
    }) : () -> ()
    %run_scoped3A_7 = arith.constant 0 : i32
    "tpu.region"() ({
      %run_scoped3A_210 = tpu.sem_alloc : memref<!tpu.dma_semaphore, #tpu.memory_space<semaphore_mem>>
      %dma_start3A_211 = arith.constant 0 : i32
      %dma_start3A_212 = arith.constant 0 : i32
      %dma_start3A_213 = tpu.memref_slice %arg4[%arg1, %run_scoped3A_7, %dma_start3A_211, %dma_start3A_212] : memref<16x4x40x128xi32, #tpu.memory_space<hbm>> -> memref<1x1x40x128xi32, #tpu.memory_space<hbm>>
      %dma_start3A_214 = tpu.memref_squeeze %dma_start3A_213 : memref<1x1x40x128xi32, #tpu.memory_space<hbm>> -> memref<40x128xi32, #tpu.memory_space<hbm>>
      %dma_start3A_215 = arith.constant 0 : i32
      %dma_start3A_216 = arith.constant 0 : i32
      %dma_start3A_217 = tpu.memref_slice %arg4[%arg1, %run_scoped3A_7, %dma_start3A_215, %dma_start3A_216] : memref<16x4x40x128xi32, #tpu.memory_space<hbm>> -> memref<1x1x40x128xi32, #tpu.memory_space<hbm>>
      %dma_start3A_218 = tpu.memref_squeeze %dma_start3A_217 : memref<1x1x40x128xi32, #tpu.memory_space<hbm>> -> memref<40x128xi32, #tpu.memory_space<hbm>>
      tpu.enqueue_dma source(%dma_start3A_218 : memref<40x128xi32, #tpu.memory_space<hbm>>) target(%arg8 : memref<40x128xi32, #tpu.memory_space<vmem>>) target_semaphore(%run_scoped3A_210 : memref<!tpu.dma_semaphore, #tpu.memory_space<semaphore_mem>>)
      %dma_wait3A_219 = arith.constant 0 : i32
      %dma_wait3A_220 = arith.constant 0 : i32
      %dma_wait3A_221 = tpu.memref_slice %arg4[%arg1, %run_scoped3A_7, %dma_wait3A_219, %dma_wait3A_220] : memref<16x4x40x128xi32, #tpu.memory_space<hbm>> -> memref<1x1x40x128xi32, #tpu.memory_space<hbm>>
      %dma_wait3A_222 = tpu.memref_squeeze %dma_wait3A_221 : memref<1x1x40x128xi32, #tpu.memory_space<hbm>> -> memref<40x128xi32, #tpu.memory_space<hbm>>
      %dma_wait3A_223 = arith.constant 0 : i32
      %dma_wait3A_224 = arith.constant 0 : i32
      %dma_wait3A_225 = tpu.memref_slice %arg4[%arg1, %run_scoped3A_7, %dma_wait3A_223, %dma_wait3A_224] : memref<16x4x40x128xi32, #tpu.memory_space<hbm>> -> memref<1x1x40x128xi32, #tpu.memory_space<hbm>>
      %dma_wait3A_226 = tpu.memref_squeeze %dma_wait3A_225 : memref<1x1x40x128xi32, #tpu.memory_space<hbm>> -> memref<40x128xi32, #tpu.memory_space<hbm>>
      tpu.wait_dma2 semaphore(%run_scoped3A_210 : memref<!tpu.dma_semaphore, #tpu.memory_space<semaphore_mem>>) src(%dma_wait3A_226 : memref<40x128xi32, #tpu.memory_space<hbm>>) dst(%arg8 : memref<40x128xi32, #tpu.memory_space<vmem>>)
      tpu.yield
    }) : () -> ()
    %dma_start3A = arith.constant 0 : i32
    %dma_start3A_8 = arith.constant 0 : i32
    %dma_start3A_9 = tpu.memref_slice %arg7[%dma_start3A, %dma_start3A_8] : memref<40x128xi32, #tpu.memory_space<vmem>> -> memref<1x128xi32, #tpu.memory_space<vmem>>
    %dma_start3A_10 = tpu.memref_squeeze %dma_start3A_9 : memref<1x128xi32, #tpu.memory_space<vmem>> -> memref<128xi32, #tpu.memory_space<vmem>>
    %dma_start3A_11 = arith.constant 0 : i32
    %dma_start3A_12 = arith.constant 0 : i32
    %dma_start3A_13 = tpu.memref_slice %arg13[%dma_start3A_11, %dma_start3A_12] : memref<10240x64xf32, #tpu.memory_space<vmem_shared>> -> memref<10240x64xf32, #tpu.memory_space<vmem_shared>>
    tpu.enqueue_indirect_dma source(%dma_start3A_13 : memref<10240x64xf32, #tpu.memory_space<vmem_shared>>) target(%arg9 : memref<128x64xf32, #tpu.memory_space<vmem>>) offsets(%dma_start3A_10 : memref<128xi32, #tpu.memory_space<vmem>>) semaphore(%arg15 : memref<!tpu.dma_semaphore, #tpu.memory_space<semaphore_mem>>)
    %dma_start3A_14 = arith.constant 1 : i32
    %dma_start3A_15 = arith.constant 0 : i32
    %dma_start3A_16 = tpu.memref_slice %arg7[%dma_start3A_14, %dma_start3A_15] : memref<40x128xi32, #tpu.memory_space<vmem>> -> memref<1x128xi32, #tpu.memory_space<vmem>>
    %dma_start3A_17 = tpu.memref_squeeze %dma_start3A_16 : memref<1x128xi32, #tpu.memory_space<vmem>> -> memref<128xi32, #tpu.memory_space<vmem>>
    %dma_start3A_18 = arith.constant 0 : i32
    %dma_start3A_19 = arith.constant 0 : i32
    %dma_start3A_20 = tpu.memref_slice %arg13[%dma_start3A_18, %dma_start3A_19] : memref<10240x64xf32, #tpu.memory_space<vmem_shared>> -> memref<10240x64xf32, #tpu.memory_space<vmem_shared>>
    tpu.enqueue_indirect_dma source(%dma_start3A_20 : memref<10240x64xf32, #tpu.memory_space<vmem_shared>>) target(%arg10 : memref<128x64xf32, #tpu.memory_space<vmem>>) offsets(%dma_start3A_17 : memref<128xi32, #tpu.memory_space<vmem>>) semaphore(%arg16 : memref<!tpu.dma_semaphore, #tpu.memory_space<semaphore_mem>>)
    %scan3A = arith.constant 0 : i32
    %scan3A_21 = arith.constant 0 : i32
    %scan3A_22 = arith.constant 10 : i32
    %scan3A_23 = arith.addi %scan3A_21, %scan3A_22 : i32
    %scan3A_24 = arith.constant 1 : i32
    scf.for %scan3A_210 = %scan3A_21 to %scan3A_23 step %scan3A_24  : i32 {
      %mul3A_211 = arith.constant 4 : i32
      %mul3A_212 = arith.muli %scan3A_210, %mul3A_211 : i32
      %add3A = arith.constant 0 : i32
      %add3A_213 = arith.addi %mul3A_212, %add3A : i32
      %dma_wait3A_214 = arith.constant 0 : i32
      %dma_wait3A_215 = tpu.memref_slice %arg7[%add3A_213, %dma_wait3A_214] : memref<40x128xi32, #tpu.memory_space<vmem>> -> memref<1x128xi32, #tpu.memory_space<vmem>>
      %dma_wait3A_216 = tpu.memref_squeeze %dma_wait3A_215 : memref<1x128xi32, #tpu.memory_space<vmem>> -> memref<128xi32, #tpu.memory_space<vmem>>
      %dma_wait3A_217 = arith.constant 0 : i32
      %dma_wait3A_218 = arith.constant 0 : i32
      %dma_wait3A_219 = tpu.memref_slice %arg13[%dma_wait3A_217, %dma_wait3A_218] : memref<10240x64xf32, #tpu.memory_space<vmem_shared>> -> memref<10240x64xf32, #tpu.memory_space<vmem_shared>>
      tpu.wait_indirect_dma semaphore(%arg15 : memref<!tpu.dma_semaphore, #tpu.memory_space<semaphore_mem>>) src(%dma_wait3A_219 : memref<10240x64xf32, #tpu.memory_space<vmem_shared>>) dst(%arg9 : memref<128x64xf32, #tpu.memory_space<vmem>>)
      %dma_start3A_220 = arith.constant 0 : i32
      %dma_start3A_221 = tpu.memref_slice %arg8[%add3A_213, %dma_start3A_220] : memref<40x128xi32, #tpu.memory_space<vmem>> -> memref<1x128xi32, #tpu.memory_space<vmem>>
      %dma_start3A_222 = tpu.memref_squeeze %dma_start3A_221 : memref<1x128xi32, #tpu.memory_space<vmem>> -> memref<128xi32, #tpu.memory_space<vmem>>
      %dma_start3A_223 = arith.constant 0 : i32
      %dma_start3A_224 = arith.constant 0 : i32
      %dma_start3A_225 = tpu.memref_slice %arg14[%dma_start3A_223, %dma_start3A_224] : memref<10240x64xf32, #tpu.memory_space<vmem_shared>> -> memref<10240x64xf32, #tpu.memory_space<vmem_shared>>
      tpu.enqueue_indirect_dma source(%arg9 : memref<128x64xf32, #tpu.memory_space<vmem>>) target(%dma_start3A_225 : memref<10240x64xf32, #tpu.memory_space<vmem_shared>>) offsets(%dma_start3A_222 : memref<128xi32, #tpu.memory_space<vmem>>) semaphore(%arg19 : memref<!tpu.dma_semaphore, #tpu.memory_space<semaphore_mem>>) {add = true}
      %add3A_226 = arith.constant 2 : i32
      %add3A_227 = arith.addi %add3A_213, %add3A_226 : i32
      %ge3A = arith.constant 4 : i32
      %ge3A_228 = arith.cmpi sge, %add3A_227, %ge3A : i32
      %lt3A = arith.constant 40 : i32
      %lt3A_229 = arith.cmpi slt, %add3A_227, %lt3A : i32
      %and3A = arith.andi %ge3A_228, %lt3A_229 : i1
      %convert_element_type3A = arith.extui %and3A : i1 to i32
      %cond3A = arith.constant 0 : i32
      %cond3A_230 = arith.cmpi ne, %convert_element_type3A, %cond3A : i32
      scf.if %cond3A_230 {
        %dma_wait3A_329 = arith.constant 0 : i32
        %dma_wait3A_330 = tpu.memref_slice %arg8[%add3A_213, %dma_wait3A_329] : memref<40x128xi32, #tpu.memory_space<vmem>> -> memref<1x128xi32, #tpu.memory_space<vmem>>
        %dma_wait3A_331 = tpu.memref_squeeze %dma_wait3A_330 : memref<1x128xi32, #tpu.memory_space<vmem>> -> memref<128xi32, #tpu.memory_space<vmem>>
        %dma_wait3A_332 = arith.constant 0 : i32
        %dma_wait3A_333 = arith.constant 0 : i32
        %dma_wait3A_334 = tpu.memref_slice %arg14[%dma_wait3A_332, %dma_wait3A_333] : memref<10240x64xf32, #tpu.memory_space<vmem_shared>> -> memref<10240x64xf32, #tpu.memory_space<vmem_shared>>
        tpu.wait_indirect_dma semaphore(%arg21 : memref<!tpu.dma_semaphore, #tpu.memory_space<semaphore_mem>>) src(%arg11 : memref<128x64xf32, #tpu.memory_space<vmem>>) dst(%dma_wait3A_334 : memref<10240x64xf32, #tpu.memory_space<vmem_shared>>)
      } else {
      }
      %lt3A_231 = arith.constant 40 : i32
      %lt3A_232 = arith.cmpi slt, %add3A_227, %lt3A_231 : i32
      %convert_element_type3A_233 = arith.extui %lt3A_232 : i1 to i32
      %cond3A_234 = arith.constant 0 : i32
      %cond3A_235 = arith.cmpi ne, %convert_element_type3A_233, %cond3A_234 : i32
      scf.if %cond3A_235 {
        %dma_start3A_329 = arith.constant 0 : i32
        %dma_start3A_330 = tpu.memref_slice %arg7[%add3A_227, %dma_start3A_329] : memref<40x128xi32, #tpu.memory_space<vmem>> -> memref<1x128xi32, #tpu.memory_space<vmem>>
        %dma_start3A_331 = tpu.memref_squeeze %dma_start3A_330 : memref<1x128xi32, #tpu.memory_space<vmem>> -> memref<128xi32, #tpu.memory_space<vmem>>
        %dma_start3A_332 = arith.constant 0 : i32
        %dma_start3A_333 = arith.constant 0 : i32
        %dma_start3A_334 = tpu.memref_slice %arg13[%dma_start3A_332, %dma_start3A_333] : memref<10240x64xf32, #tpu.memory_space<vmem_shared>> -> memref<10240x64xf32, #tpu.memory_space<vmem_shared>>
        tpu.enqueue_indirect_dma source(%dma_start3A_334 : memref<10240x64xf32, #tpu.memory_space<vmem_shared>>) target(%arg11 : memref<128x64xf32, #tpu.memory_space<vmem>>) offsets(%dma_start3A_331 : memref<128xi32, #tpu.memory_space<vmem>>) semaphore(%arg17 : memref<!tpu.dma_semaphore, #tpu.memory_space<semaphore_mem>>)
      } else {
      }
      %mul3A_236 = arith.constant 4 : i32
      %mul3A_237 = arith.muli %scan3A_210, %mul3A_236 : i32
      %add3A_238 = arith.constant 1 : i32
      %add3A_239 = arith.addi %mul3A_237, %add3A_238 : i32
      %dma_wait3A_240 = arith.constant 0 : i32
      %dma_wait3A_241 = tpu.memref_slice %arg7[%add3A_239, %dma_wait3A_240] : memref<40x128xi32, #tpu.memory_space<vmem>> -> memref<1x128xi32, #tpu.memory_space<vmem>>
      %dma_wait3A_242 = tpu.memref_squeeze %dma_wait3A_241 : memref<1x128xi32, #tpu.memory_space<vmem>> -> memref<128xi32, #tpu.memory_space<vmem>>
      %dma_wait3A_243 = arith.constant 0 : i32
      %dma_wait3A_244 = arith.constant 0 : i32
      %dma_wait3A_245 = tpu.memref_slice %arg13[%dma_wait3A_243, %dma_wait3A_244] : memref<10240x64xf32, #tpu.memory_space<vmem_shared>> -> memref<10240x64xf32, #tpu.memory_space<vmem_shared>>
      tpu.wait_indirect_dma semaphore(%arg16 : memref<!tpu.dma_semaphore, #tpu.memory_space<semaphore_mem>>) src(%dma_wait3A_245 : memref<10240x64xf32, #tpu.memory_space<vmem_shared>>) dst(%arg10 : memref<128x64xf32, #tpu.memory_space<vmem>>)
      %dma_start3A_246 = arith.constant 0 : i32
      %dma_start3A_247 = tpu.memref_slice %arg8[%add3A_239, %dma_start3A_246] : memref<40x128xi32, #tpu.memory_space<vmem>> -> memref<1x128xi32, #tpu.memory_space<vmem>>
      %dma_start3A_248 = tpu.memref_squeeze %dma_start3A_247 : memref<1x128xi32, #tpu.memory_space<vmem>> -> memref<128xi32, #tpu.memory_space<vmem>>
      %dma_start3A_249 = arith.constant 0 : i32
      %dma_start3A_250 = arith.constant 0 : i32
      %dma_start3A_251 = tpu.memref_slice %arg14[%dma_start3A_249, %dma_start3A_250] : memref<10240x64xf32, #tpu.memory_space<vmem_shared>> -> memref<10240x64xf32, #tpu.memory_space<vmem_shared>>
      tpu.enqueue_indirect_dma source(%arg10 : memref<128x64xf32, #tpu.memory_space<vmem>>) target(%dma_start3A_251 : memref<10240x64xf32, #tpu.memory_space<vmem_shared>>) offsets(%dma_start3A_248 : memref<128xi32, #tpu.memory_space<vmem>>) semaphore(%arg20 : memref<!tpu.dma_semaphore, #tpu.memory_space<semaphore_mem>>) {add = true}
      %add3A_252 = arith.constant 2 : i32
      %add3A_253 = arith.addi %add3A_239, %add3A_252 : i32
      %ge3A_254 = arith.constant 4 : i32
      %ge3A_255 = arith.cmpi sge, %add3A_253, %ge3A_254 : i32
      %lt3A_256 = arith.constant 40 : i32
      %lt3A_257 = arith.cmpi slt, %add3A_253, %lt3A_256 : i32
      %and3A_258 = arith.andi %ge3A_255, %lt3A_257 : i1
      %convert_element_type3A_259 = arith.extui %and3A_258 : i1 to i32
      %cond3A_260 = arith.constant 0 : i32
      %cond3A_261 = arith.cmpi ne, %convert_element_type3A_259, %cond3A_260 : i32
      scf.if %cond3A_261 {
        %dma_wait3A_329 = arith.constant 0 : i32
        %dma_wait3A_330 = tpu.memref_slice %arg8[%add3A_239, %dma_wait3A_329] : memref<40x128xi32, #tpu.memory_space<vmem>> -> memref<1x128xi32, #tpu.memory_space<vmem>>
        %dma_wait3A_331 = tpu.memref_squeeze %dma_wait3A_330 : memref<1x128xi32, #tpu.memory_space<vmem>> -> memref<128xi32, #tpu.memory_space<vmem>>
        %dma_wait3A_332 = arith.constant 0 : i32
        %dma_wait3A_333 = arith.constant 0 : i32
        %dma_wait3A_334 = tpu.memref_slice %arg14[%dma_wait3A_332, %dma_wait3A_333] : memref<10240x64xf32, #tpu.memory_space<vmem_shared>> -> memref<10240x64xf32, #tpu.memory_space<vmem_shared>>
        tpu.wait_indirect_dma semaphore(%arg22 : memref<!tpu.dma_semaphore, #tpu.memory_space<semaphore_mem>>) src(%arg12 : memref<128x64xf32, #tpu.memory_space<vmem>>) dst(%dma_wait3A_334 : memref<10240x64xf32, #tpu.memory_space<vmem_shared>>)
      } else {
      }
      %lt3A_262 = arith.constant 40 : i32
      %lt3A_263 = arith.cmpi slt, %add3A_253, %lt3A_262 : i32
      %convert_element_type3A_264 = arith.extui %lt3A_263 : i1 to i32
      %cond3A_265 = arith.constant 0 : i32
      %cond3A_266 = arith.cmpi ne, %convert_element_type3A_264, %cond3A_265 : i32
      scf.if %cond3A_266 {
        %dma_start3A_329 = arith.constant 0 : i32
        %dma_start3A_330 = tpu.memref_slice %arg7[%add3A_253, %dma_start3A_329] : memref<40x128xi32, #tpu.memory_space<vmem>> -> memref<1x128xi32, #tpu.memory_space<vmem>>
        %dma_start3A_331 = tpu.memref_squeeze %dma_start3A_330 : memref<1x128xi32, #tpu.memory_space<vmem>> -> memref<128xi32, #tpu.memory_space<vmem>>
        %dma_start3A_332 = arith.constant 0 : i32
        %dma_start3A_333 = arith.constant 0 : i32
        %dma_start3A_334 = tpu.memref_slice %arg13[%dma_start3A_332, %dma_start3A_333] : memref<10240x64xf32, #tpu.memory_space<vmem_shared>> -> memref<10240x64xf32, #tpu.memory_space<vmem_shared>>
        tpu.enqueue_indirect_dma source(%dma_start3A_334 : memref<10240x64xf32, #tpu.memory_space<vmem_shared>>) target(%arg12 : memref<128x64xf32, #tpu.memory_space<vmem>>) offsets(%dma_start3A_331 : memref<128xi32, #tpu.memory_space<vmem>>) semaphore(%arg18 : memref<!tpu.dma_semaphore, #tpu.memory_space<semaphore_mem>>)
      } else {
      }
      %mul3A_267 = arith.constant 4 : i32
      %mul3A_268 = arith.muli %scan3A_210, %mul3A_267 : i32
      %add3A_269 = arith.constant 2 : i32
      %add3A_270 = arith.addi %mul3A_268, %add3A_269 : i32
      %dma_wait3A_271 = arith.constant 0 : i32
      %dma_wait3A_272 = tpu.memref_slice %arg7[%add3A_270, %dma_wait3A_271] : memref<40x128xi32, #tpu.memory_space<vmem>> -> memref<1x128xi32, #tpu.memory_space<vmem>>
      %dma_wait3A_273 = tpu.memref_squeeze %dma_wait3A_272 : memref<1x128xi32, #tpu.memory_space<vmem>> -> memref<128xi32, #tpu.memory_space<vmem>>
      %dma_wait3A_274 = arith.constant 0 : i32
      %dma_wait3A_275 = arith.constant 0 : i32
      %dma_wait3A_276 = tpu.memref_slice %arg13[%dma_wait3A_274, %dma_wait3A_275] : memref<10240x64xf32, #tpu.memory_space<vmem_shared>> -> memref<10240x64xf32, #tpu.memory_space<vmem_shared>>
      tpu.wait_indirect_dma semaphore(%arg17 : memref<!tpu.dma_semaphore, #tpu.memory_space<semaphore_mem>>) src(%dma_wait3A_276 : memref<10240x64xf32, #tpu.memory_space<vmem_shared>>) dst(%arg11 : memref<128x64xf32, #tpu.memory_space<vmem>>)
      %dma_start3A_277 = arith.constant 0 : i32
      %dma_start3A_278 = tpu.memref_slice %arg8[%add3A_270, %dma_start3A_277] : memref<40x128xi32, #tpu.memory_space<vmem>> -> memref<1x128xi32, #tpu.memory_space<vmem>>
      %dma_start3A_279 = tpu.memref_squeeze %dma_start3A_278 : memref<1x128xi32, #tpu.memory_space<vmem>> -> memref<128xi32, #tpu.memory_space<vmem>>
      %dma_start3A_280 = arith.constant 0 : i32
      %dma_start3A_281 = arith.constant 0 : i32
      %dma_start3A_282 = tpu.memref_slice %arg14[%dma_start3A_280, %dma_start3A_281] : memref<10240x64xf32, #tpu.memory_space<vmem_shared>> -> memref<10240x64xf32, #tpu.memory_space<vmem_shared>>
      tpu.enqueue_indirect_dma source(%arg11 : memref<128x64xf32, #tpu.memory_space<vmem>>) target(%dma_start3A_282 : memref<10240x64xf32, #tpu.memory_space<vmem_shared>>) offsets(%dma_start3A_279 : memref<128xi32, #tpu.memory_space<vmem>>) semaphore(%arg21 : memref<!tpu.dma_semaphore, #tpu.memory_space<semaphore_mem>>) {add = true}
      %add3A_283 = arith.constant 2 : i32
      %add3A_284 = arith.addi %add3A_270, %add3A_283 : i32
      %ge3A_285 = arith.constant 4 : i32
      %ge3A_286 = arith.cmpi sge, %add3A_284, %ge3A_285 : i32
      %lt3A_287 = arith.constant 40 : i32
      %lt3A_288 = arith.cmpi slt, %add3A_284, %lt3A_287 : i32
      %and3A_289 = arith.andi %ge3A_286, %lt3A_288 : i1
      %convert_element_type3A_290 = arith.extui %and3A_289 : i1 to i32
      %cond3A_291 = arith.constant 0 : i32
      %cond3A_292 = arith.cmpi ne, %convert_element_type3A_290, %cond3A_291 : i32
      scf.if %cond3A_292 {
        %dma_wait3A_329 = arith.constant 0 : i32
        %dma_wait3A_330 = tpu.memref_slice %arg8[%add3A_270, %dma_wait3A_329] : memref<40x128xi32, #tpu.memory_space<vmem>> -> memref<1x128xi32, #tpu.memory_space<vmem>>
        %dma_wait3A_331 = tpu.memref_squeeze %dma_wait3A_330 : memref<1x128xi32, #tpu.memory_space<vmem>> -> memref<128xi32, #tpu.memory_space<vmem>>
        %dma_wait3A_332 = arith.constant 0 : i32
        %dma_wait3A_333 = arith.constant 0 : i32
        %dma_wait3A_334 = tpu.memref_slice %arg14[%dma_wait3A_332, %dma_wait3A_333] : memref<10240x64xf32, #tpu.memory_space<vmem_shared>> -> memref<10240x64xf32, #tpu.memory_space<vmem_shared>>
        tpu.wait_indirect_dma semaphore(%arg19 : memref<!tpu.dma_semaphore, #tpu.memory_space<semaphore_mem>>) src(%arg9 : memref<128x64xf32, #tpu.memory_space<vmem>>) dst(%dma_wait3A_334 : memref<10240x64xf32, #tpu.memory_space<vmem_shared>>)
      } else {
      }
      %lt3A_293 = arith.constant 40 : i32
      %lt3A_294 = arith.cmpi slt, %add3A_284, %lt3A_293 : i32
      %convert_element_type3A_295 = arith.extui %lt3A_294 : i1 to i32
      %cond3A_296 = arith.constant 0 : i32
      %cond3A_297 = arith.cmpi ne, %convert_element_type3A_295, %cond3A_296 : i32
      scf.if %cond3A_297 {
        %dma_start3A_329 = arith.constant 0 : i32
        %dma_start3A_330 = tpu.memref_slice %arg7[%add3A_284, %dma_start3A_329] : memref<40x128xi32, #tpu.memory_space<vmem>> -> memref<1x128xi32, #tpu.memory_space<vmem>>
        %dma_start3A_331 = tpu.memref_squeeze %dma_start3A_330 : memref<1x128xi32, #tpu.memory_space<vmem>> -> memref<128xi32, #tpu.memory_space<vmem>>
        %dma_start3A_332 = arith.constant 0 : i32
        %dma_start3A_333 = arith.constant 0 : i32
        %dma_start3A_334 = tpu.memref_slice %arg13[%dma_start3A_332, %dma_start3A_333] : memref<10240x64xf32, #tpu.memory_space<vmem_shared>> -> memref<10240x64xf32, #tpu.memory_space<vmem_shared>>
        tpu.enqueue_indirect_dma source(%dma_start3A_334 : memref<10240x64xf32, #tpu.memory_space<vmem_shared>>) target(%arg9 : memref<128x64xf32, #tpu.memory_space<vmem>>) offsets(%dma_start3A_331 : memref<128xi32, #tpu.memory_space<vmem>>) semaphore(%arg15 : memref<!tpu.dma_semaphore, #tpu.memory_space<semaphore_mem>>)
      } else {
      }
      %mul3A_298 = arith.constant 4 : i32
      %mul3A_299 = arith.muli %scan3A_210, %mul3A_298 : i32
      %add3A_300 = arith.constant 3 : i32
      %add3A_301 = arith.addi %mul3A_299, %add3A_300 : i32
      %dma_wait3A_302 = arith.constant 0 : i32
      %dma_wait3A_303 = tpu.memref_slice %arg7[%add3A_301, %dma_wait3A_302] : memref<40x128xi32, #tpu.memory_space<vmem>> -> memref<1x128xi32, #tpu.memory_space<vmem>>
      %dma_wait3A_304 = tpu.memref_squeeze %dma_wait3A_303 : memref<1x128xi32, #tpu.memory_space<vmem>> -> memref<128xi32, #tpu.memory_space<vmem>>
      %dma_wait3A_305 = arith.constant 0 : i32
      %dma_wait3A_306 = arith.constant 0 : i32
      %dma_wait3A_307 = tpu.memref_slice %arg13[%dma_wait3A_305, %dma_wait3A_306] : memref<10240x64xf32, #tpu.memory_space<vmem_shared>> -> memref<10240x64xf32, #tpu.memory_space<vmem_shared>>
      tpu.wait_indirect_dma semaphore(%arg18 : memref<!tpu.dma_semaphore, #tpu.memory_space<semaphore_mem>>) src(%dma_wait3A_307 : memref<10240x64xf32, #tpu.memory_space<vmem_shared>>) dst(%arg12 : memref<128x64xf32, #tpu.memory_space<vmem>>)
      %dma_start3A_308 = arith.constant 0 : i32
      %dma_start3A_309 = tpu.memref_slice %arg8[%add3A_301, %dma_start3A_308] : memref<40x128xi32, #tpu.memory_space<vmem>> -> memref<1x128xi32, #tpu.memory_space<vmem>>
      %dma_start3A_310 = tpu.memref_squeeze %dma_start3A_309 : memref<1x128xi32, #tpu.memory_space<vmem>> -> memref<128xi32, #tpu.memory_space<vmem>>
      %dma_start3A_311 = arith.constant 0 : i32
      %dma_start3A_312 = arith.constant 0 : i32
      %dma_start3A_313 = tpu.memref_slice %arg14[%dma_start3A_311, %dma_start3A_312] : memref<10240x64xf32, #tpu.memory_space<vmem_shared>> -> memref<10240x64xf32, #tpu.memory_space<vmem_shared>>
      tpu.enqueue_indirect_dma source(%arg12 : memref<128x64xf32, #tpu.memory_space<vmem>>) target(%dma_start3A_313 : memref<10240x64xf32, #tpu.memory_space<vmem_shared>>) offsets(%dma_start3A_310 : memref<128xi32, #tpu.memory_space<vmem>>) semaphore(%arg22 : memref<!tpu.dma_semaphore, #tpu.memory_space<semaphore_mem>>) {add = true}
      %add3A_314 = arith.constant 2 : i32
      %add3A_315 = arith.addi %add3A_301, %add3A_314 : i32
      %ge3A_316 = arith.constant 4 : i32
      %ge3A_317 = arith.cmpi sge, %add3A_315, %ge3A_316 : i32
      %lt3A_318 = arith.constant 40 : i32
      %lt3A_319 = arith.cmpi slt, %add3A_315, %lt3A_318 : i32
      %and3A_320 = arith.andi %ge3A_317, %lt3A_319 : i1
      %convert_element_type3A_321 = arith.extui %and3A_320 : i1 to i32
      %cond3A_322 = arith.constant 0 : i32
      %cond3A_323 = arith.cmpi ne, %convert_element_type3A_321, %cond3A_322 : i32
      scf.if %cond3A_323 {
        %dma_wait3A_329 = arith.constant 0 : i32
        %dma_wait3A_330 = tpu.memref_slice %arg8[%add3A_301, %dma_wait3A_329] : memref<40x128xi32, #tpu.memory_space<vmem>> -> memref<1x128xi32, #tpu.memory_space<vmem>>
        %dma_wait3A_331 = tpu.memref_squeeze %dma_wait3A_330 : memref<1x128xi32, #tpu.memory_space<vmem>> -> memref<128xi32, #tpu.memory_space<vmem>>
        %dma_wait3A_332 = arith.constant 0 : i32
        %dma_wait3A_333 = arith.constant 0 : i32
        %dma_wait3A_334 = tpu.memref_slice %arg14[%dma_wait3A_332, %dma_wait3A_333] : memref<10240x64xf32, #tpu.memory_space<vmem_shared>> -> memref<10240x64xf32, #tpu.memory_space<vmem_shared>>
        tpu.wait_indirect_dma semaphore(%arg20 : memref<!tpu.dma_semaphore, #tpu.memory_space<semaphore_mem>>) src(%arg10 : memref<128x64xf32, #tpu.memory_space<vmem>>) dst(%dma_wait3A_334 : memref<10240x64xf32, #tpu.memory_space<vmem_shared>>)
      } else {
      }
      %lt3A_324 = arith.constant 40 : i32
      %lt3A_325 = arith.cmpi slt, %add3A_315, %lt3A_324 : i32
      %convert_element_type3A_326 = arith.extui %lt3A_325 : i1 to i32
      %cond3A_327 = arith.constant 0 : i32
      %cond3A_328 = arith.cmpi ne, %convert_element_type3A_326, %cond3A_327 : i32
      scf.if %cond3A_328 {
        %dma_start3A_329 = arith.constant 0 : i32
        %dma_start3A_330 = tpu.memref_slice %arg7[%add3A_315, %dma_start3A_329] : memref<40x128xi32, #tpu.memory_space<vmem>> -> memref<1x128xi32, #tpu.memory_space<vmem>>
        %dma_start3A_331 = tpu.memref_squeeze %dma_start3A_330 : memref<1x128xi32, #tpu.memory_space<vmem>> -> memref<128xi32, #tpu.memory_space<vmem>>
        %dma_start3A_332 = arith.constant 0 : i32
        %dma_start3A_333 = arith.constant 0 : i32
        %dma_start3A_334 = tpu.memref_slice %arg13[%dma_start3A_332, %dma_start3A_333] : memref<10240x64xf32, #tpu.memory_space<vmem_shared>> -> memref<10240x64xf32, #tpu.memory_space<vmem_shared>>
        tpu.enqueue_indirect_dma source(%dma_start3A_334 : memref<10240x64xf32, #tpu.memory_space<vmem_shared>>) target(%arg10 : memref<128x64xf32, #tpu.memory_space<vmem>>) offsets(%dma_start3A_331 : memref<128xi32, #tpu.memory_space<vmem>>) semaphore(%arg16 : memref<!tpu.dma_semaphore, #tpu.memory_space<semaphore_mem>>)
      } else {
      }
    }
    %scan3A_25 = arith.constant 10 : i32
    %dma_wait3A = arith.constant 0 : i32
    %dma_wait3A_26 = arith.constant 0 : i32
    %dma_wait3A_27 = tpu.memref_slice %arg8[%dma_wait3A, %dma_wait3A_26] : memref<40x128xi32, #tpu.memory_space<vmem>> -> memref<1x128xi32, #tpu.memory_space<vmem>>
    %dma_wait3A_28 = tpu.memref_squeeze %dma_wait3A_27 : memref<1x128xi32, #tpu.memory_space<vmem>> -> memref<128xi32, #tpu.memory_space<vmem>>
    %dma_wait3A_29 = arith.constant 0 : i32
    %dma_wait3A_30 = arith.constant 0 : i32
    %dma_wait3A_31 = tpu.memref_slice %arg14[%dma_wait3A_29, %dma_wait3A_30] : memref<10240x64xf32, #tpu.memory_space<vmem_shared>> -> memref<10240x64xf32, #tpu.memory_space<vmem_shared>>
    tpu.wait_indirect_dma semaphore(%arg19 : memref<!tpu.dma_semaphore, #tpu.memory_space<semaphore_mem>>) src(%arg9 : memref<128x64xf32, #tpu.memory_space<vmem>>) dst(%dma_wait3A_31 : memref<10240x64xf32, #tpu.memory_space<vmem_shared>>)
    %dma_wait3A_32 = arith.constant 1 : i32
    %dma_wait3A_33 = arith.constant 0 : i32
    %dma_wait3A_34 = tpu.memref_slice %arg8[%dma_wait3A_32, %dma_wait3A_33] : memref<40x128xi32, #tpu.memory_space<vmem>> -> memref<1x128xi32, #tpu.memory_space<vmem>>
    %dma_wait3A_35 = tpu.memref_squeeze %dma_wait3A_34 : memref<1x128xi32, #tpu.memory_space<vmem>> -> memref<128xi32, #tpu.memory_space<vmem>>
    %dma_wait3A_36 = arith.constant 0 : i32
    %dma_wait3A_37 = arith.constant 0 : i32
    %dma_wait3A_38 = tpu.memref_slice %arg14[%dma_wait3A_36, %dma_wait3A_37] : memref<10240x64xf32, #tpu.memory_space<vmem_shared>> -> memref<10240x64xf32, #tpu.memory_space<vmem_shared>>
    tpu.wait_indirect_dma semaphore(%arg20 : memref<!tpu.dma_semaphore, #tpu.memory_space<semaphore_mem>>) src(%arg10 : memref<128x64xf32, #tpu.memory_space<vmem>>) dst(%dma_wait3A_38 : memref<10240x64xf32, #tpu.memory_space<vmem_shared>>)
    %dma_wait3A_39 = arith.constant 2 : i32
    %dma_wait3A_40 = arith.constant 0 : i32
    %dma_wait3A_41 = tpu.memref_slice %arg8[%dma_wait3A_39, %dma_wait3A_40] : memref<40x128xi32, #tpu.memory_space<vmem>> -> memref<1x128xi32, #tpu.memory_space<vmem>>
    %dma_wait3A_42 = tpu.memref_squeeze %dma_wait3A_41 : memref<1x128xi32, #tpu.memory_space<vmem>> -> memref<128xi32, #tpu.memory_space<vmem>>
    %dma_wait3A_43 = arith.constant 0 : i32
    %dma_wait3A_44 = arith.constant 0 : i32
    %dma_wait3A_45 = tpu.memref_slice %arg14[%dma_wait3A_43, %dma_wait3A_44] : memref<10240x64xf32, #tpu.memory_space<vmem_shared>> -> memref<10240x64xf32, #tpu.memory_space<vmem_shared>>
    tpu.wait_indirect_dma semaphore(%arg21 : memref<!tpu.dma_semaphore, #tpu.memory_space<semaphore_mem>>) src(%arg11 : memref<128x64xf32, #tpu.memory_space<vmem>>) dst(%dma_wait3A_45 : memref<10240x64xf32, #tpu.memory_space<vmem_shared>>)
    %dma_wait3A_46 = arith.constant 3 : i32
    %dma_wait3A_47 = arith.constant 0 : i32
    %dma_wait3A_48 = tpu.memref_slice %arg8[%dma_wait3A_46, %dma_wait3A_47] : memref<40x128xi32, #tpu.memory_space<vmem>> -> memref<1x128xi32, #tpu.memory_space<vmem>>
    %dma_wait3A_49 = tpu.memref_squeeze %dma_wait3A_48 : memref<1x128xi32, #tpu.memory_space<vmem>> -> memref<128xi32, #tpu.memory_space<vmem>>
    %dma_wait3A_50 = arith.constant 0 : i32
    %dma_wait3A_51 = arith.constant 0 : i32
    %dma_wait3A_52 = tpu.memref_slice %arg14[%dma_wait3A_50, %dma_wait3A_51] : memref<10240x64xf32, #tpu.memory_space<vmem_shared>> -> memref<10240x64xf32, #tpu.memory_space<vmem_shared>>
    tpu.wait_indirect_dma semaphore(%arg22 : memref<!tpu.dma_semaphore, #tpu.memory_space<semaphore_mem>>) src(%arg12 : memref<128x64xf32, #tpu.memory_space<vmem>>) dst(%dma_wait3A_52 : memref<10240x64xf32, #tpu.memory_space<vmem_shared>>)
    %run_scoped3A_53 = arith.constant 1 : i32
    "tpu.region"() ({
      %run_scoped3A_210 = tpu.sem_alloc : memref<!tpu.dma_semaphore, #tpu.memory_space<semaphore_mem>>
      %dma_start3A_211 = arith.constant 0 : i32
      %dma_start3A_212 = arith.constant 0 : i32
      %dma_start3A_213 = tpu.memref_slice %arg3[%arg1, %run_scoped3A_53, %dma_start3A_211, %dma_start3A_212] : memref<16x4x40x128xi32, #tpu.memory_space<hbm>> -> memref<1x1x40x128xi32, #tpu.memory_space<hbm>>
      %dma_start3A_214 = tpu.memref_squeeze %dma_start3A_213 : memref<1x1x40x128xi32, #tpu.memory_space<hbm>> -> memref<40x128xi32, #tpu.memory_space<hbm>>
      %dma_start3A_215 = arith.constant 0 : i32
      %dma_start3A_216 = arith.constant 0 : i32
      %dma_start3A_217 = tpu.memref_slice %arg3[%arg1, %run_scoped3A_53, %dma_start3A_215, %dma_start3A_216] : memref<16x4x40x128xi32, #tpu.memory_space<hbm>> -> memref<1x1x40x128xi32, #tpu.memory_space<hbm>>
      %dma_start3A_218 = tpu.memref_squeeze %dma_start3A_217 : memref<1x1x40x128xi32, #tpu.memory_space<hbm>> -> memref<40x128xi32, #tpu.memory_space<hbm>>
      tpu.enqueue_dma source(%dma_start3A_218 : memref<40x128xi32, #tpu.memory_space<hbm>>) target(%arg7 : memref<40x128xi32, #tpu.memory_space<vmem>>) target_semaphore(%run_scoped3A_210 : memref<!tpu.dma_semaphore, #tpu.memory_space<semaphore_mem>>)
      %dma_wait3A_219 = arith.constant 0 : i32
      %dma_wait3A_220 = arith.constant 0 : i32
      %dma_wait3A_221 = tpu.memref_slice %arg3[%arg1, %run_scoped3A_53, %dma_wait3A_219, %dma_wait3A_220] : memref<16x4x40x128xi32, #tpu.memory_space<hbm>> -> memref<1x1x40x128xi32, #tpu.memory_space<hbm>>
      %dma_wait3A_222 = tpu.memref_squeeze %dma_wait3A_221 : memref<1x1x40x128xi32, #tpu.memory_space<hbm>> -> memref<40x128xi32, #tpu.memory_space<hbm>>
      %dma_wait3A_223 = arith.constant 0 : i32
      %dma_wait3A_224 = arith.constant 0 : i32
      %dma_wait3A_225 = tpu.memref_slice %arg3[%arg1, %run_scoped3A_53, %dma_wait3A_223, %dma_wait3A_224] : memref<16x4x40x128xi32, #tpu.memory_space<hbm>> -> memref<1x1x40x128xi32, #tpu.memory_space<hbm>>
      %dma_wait3A_226 = tpu.memref_squeeze %dma_wait3A_225 : memref<1x1x40x128xi32, #tpu.memory_space<hbm>> -> memref<40x128xi32, #tpu.memory_space<hbm>>
      tpu.wait_dma2 semaphore(%run_scoped3A_210 : memref<!tpu.dma_semaphore, #tpu.memory_space<semaphore_mem>>) src(%dma_wait3A_226 : memref<40x128xi32, #tpu.memory_space<hbm>>) dst(%arg7 : memref<40x128xi32, #tpu.memory_space<vmem>>)
      tpu.yield
    }) : () -> ()
    %run_scoped3A_54 = arith.constant 1 : i32
    "tpu.region"() ({
      %run_scoped3A_210 = tpu.sem_alloc : memref<!tpu.dma_semaphore, #tpu.memory_space<semaphore_mem>>
      %dma_start3A_211 = arith.constant 0 : i32
      %dma_start3A_212 = arith.constant 0 : i32
      %dma_start3A_213 = tpu.memref_slice %arg4[%arg1, %run_scoped3A_54, %dma_start3A_211, %dma_start3A_212] : memref<16x4x40x128xi32, #tpu.memory_space<hbm>> -> memref<1x1x40x128xi32, #tpu.memory_space<hbm>>
      %dma_start3A_214 = tpu.memref_squeeze %dma_start3A_213 : memref<1x1x40x128xi32, #tpu.memory_space<hbm>> -> memref<40x128xi32, #tpu.memory_space<hbm>>
      %dma_start3A_215 = arith.constant 0 : i32
      %dma_start3A_216 = arith.constant 0 : i32
      %dma_start3A_217 = tpu.memref_slice %arg4[%arg1, %run_scoped3A_54, %dma_start3A_215, %dma_start3A_216] : memref<16x4x40x128xi32, #tpu.memory_space<hbm>> -> memref<1x1x40x128xi32, #tpu.memory_space<hbm>>
      %dma_start3A_218 = tpu.memref_squeeze %dma_start3A_217 : memref<1x1x40x128xi32, #tpu.memory_space<hbm>> -> memref<40x128xi32, #tpu.memory_space<hbm>>
      tpu.enqueue_dma source(%dma_start3A_218 : memref<40x128xi32, #tpu.memory_space<hbm>>) target(%arg8 : memref<40x128xi32, #tpu.memory_space<vmem>>) target_semaphore(%run_scoped3A_210 : memref<!tpu.dma_semaphore, #tpu.memory_space<semaphore_mem>>)
      %dma_wait3A_219 = arith.constant 0 : i32
      %dma_wait3A_220 = arith.constant 0 : i32
      %dma_wait3A_221 = tpu.memref_slice %arg4[%arg1, %run_scoped3A_54, %dma_wait3A_219, %dma_wait3A_220] : memref<16x4x40x128xi32, #tpu.memory_space<hbm>> -> memref<1x1x40x128xi32, #tpu.memory_space<hbm>>
      %dma_wait3A_222 = tpu.memref_squeeze %dma_wait3A_221 : memref<1x1x40x128xi32, #tpu.memory_space<hbm>> -> memref<40x128xi32, #tpu.memory_space<hbm>>
      %dma_wait3A_223 = arith.constant 0 : i32
      %dma_wait3A_224 = arith.constant 0 : i32
      %dma_wait3A_225 = tpu.memref_slice %arg4[%arg1, %run_scoped3A_54, %dma_wait3A_223, %dma_wait3A_224] : memref<16x4x40x128xi32, #tpu.memory_space<hbm>> -> memref<1x1x40x128xi32, #tpu.memory_space<hbm>>
      %dma_wait3A_226 = tpu.memref_squeeze %dma_wait3A_225 : memref<1x1x40x128xi32, #tpu.memory_space<hbm>> -> memref<40x128xi32, #tpu.memory_space<hbm>>
      tpu.wait_dma2 semaphore(%run_scoped3A_210 : memref<!tpu.dma_semaphore, #tpu.memory_space<semaphore_mem>>) src(%dma_wait3A_226 : memref<40x128xi32, #tpu.memory_space<hbm>>) dst(%arg8 : memref<40x128xi32, #tpu.memory_space<vmem>>)
      tpu.yield
    }) : () -> ()
    %dma_start3A_55 = arith.constant 0 : i32
    %dma_start3A_56 = arith.constant 0 : i32
    %dma_start3A_57 = tpu.memref_slice %arg7[%dma_start3A_55, %dma_start3A_56] : memref<40x128xi32, #tpu.memory_space<vmem>> -> memref<1x128xi32, #tpu.memory_space<vmem>>
    %dma_start3A_58 = tpu.memref_squeeze %dma_start3A_57 : memref<1x128xi32, #tpu.memory_space<vmem>> -> memref<128xi32, #tpu.memory_space<vmem>>
    %dma_start3A_59 = arith.constant 0 : i32
    %dma_start3A_60 = arith.constant 0 : i32
    %dma_start3A_61 = tpu.memref_slice %arg13[%dma_start3A_59, %dma_start3A_60] : memref<10240x64xf32, #tpu.memory_space<vmem_shared>> -> memref<10240x64xf32, #tpu.memory_space<vmem_shared>>
    tpu.enqueue_indirect_dma source(%dma_start3A_61 : memref<10240x64xf32, #tpu.memory_space<vmem_shared>>) target(%arg9 : memref<128x64xf32, #tpu.memory_space<vmem>>) offsets(%dma_start3A_58 : memref<128xi32, #tpu.memory_space<vmem>>) semaphore(%arg15 : memref<!tpu.dma_semaphore, #tpu.memory_space<semaphore_mem>>)
    %dma_start3A_62 = arith.constant 1 : i32
    %dma_start3A_63 = arith.constant 0 : i32
    %dma_start3A_64 = tpu.memref_slice %arg7[%dma_start3A_62, %dma_start3A_63] : memref<40x128xi32, #tpu.memory_space<vmem>> -> memref<1x128xi32, #tpu.memory_space<vmem>>
    %dma_start3A_65 = tpu.memref_squeeze %dma_start3A_64 : memref<1x128xi32, #tpu.memory_space<vmem>> -> memref<128xi32, #tpu.memory_space<vmem>>
    %dma_start3A_66 = arith.constant 0 : i32
    %dma_start3A_67 = arith.constant 0 : i32
    %dma_start3A_68 = tpu.memref_slice %arg13[%dma_start3A_66, %dma_start3A_67] : memref<10240x64xf32, #tpu.memory_space<vmem_shared>> -> memref<10240x64xf32, #tpu.memory_space<vmem_shared>>
    tpu.enqueue_indirect_dma source(%dma_start3A_68 : memref<10240x64xf32, #tpu.memory_space<vmem_shared>>) target(%arg10 : memref<128x64xf32, #tpu.memory_space<vmem>>) offsets(%dma_start3A_65 : memref<128xi32, #tpu.memory_space<vmem>>) semaphore(%arg16 : memref<!tpu.dma_semaphore, #tpu.memory_space<semaphore_mem>>)
    %scan3A_69 = arith.constant 0 : i32
    %scan3A_70 = arith.constant 0 : i32
    %scan3A_71 = arith.constant 10 : i32
    %scan3A_72 = arith.addi %scan3A_70, %scan3A_71 : i32
    %scan3A_73 = arith.constant 1 : i32
    scf.for %scan3A_210 = %scan3A_70 to %scan3A_72 step %scan3A_73  : i32 {
      %mul3A_211 = arith.constant 4 : i32
      %mul3A_212 = arith.muli %scan3A_210, %mul3A_211 : i32
      %add3A = arith.constant 0 : i32
      %add3A_213 = arith.addi %mul3A_212, %add3A : i32
      %dma_wait3A_214 = arith.constant 0 : i32
      %dma_wait3A_215 = tpu.memref_slice %arg7[%add3A_213, %dma_wait3A_214] : memref<40x128xi32, #tpu.memory_space<vmem>> -> memref<1x128xi32, #tpu.memory_space<vmem>>
      %dma_wait3A_216 = tpu.memref_squeeze %dma_wait3A_215 : memref<1x128xi32, #tpu.memory_space<vmem>> -> memref<128xi32, #tpu.memory_space<vmem>>
      %dma_wait3A_217 = arith.constant 0 : i32
      %dma_wait3A_218 = arith.constant 0 : i32
      %dma_wait3A_219 = tpu.memref_slice %arg13[%dma_wait3A_217, %dma_wait3A_218] : memref<10240x64xf32, #tpu.memory_space<vmem_shared>> -> memref<10240x64xf32, #tpu.memory_space<vmem_shared>>
      tpu.wait_indirect_dma semaphore(%arg15 : memref<!tpu.dma_semaphore, #tpu.memory_space<semaphore_mem>>) src(%dma_wait3A_219 : memref<10240x64xf32, #tpu.memory_space<vmem_shared>>) dst(%arg9 : memref<128x64xf32, #tpu.memory_space<vmem>>)
      %dma_start3A_220 = arith.constant 0 : i32
      %dma_start3A_221 = tpu.memref_slice %arg8[%add3A_213, %dma_start3A_220] : memref<40x128xi32, #tpu.memory_space<vmem>> -> memref<1x128xi32, #tpu.memory_space<vmem>>
      %dma_start3A_222 = tpu.memref_squeeze %dma_start3A_221 : memref<1x128xi32, #tpu.memory_space<vmem>> -> memref<128xi32, #tpu.memory_space<vmem>>
      %dma_start3A_223 = arith.constant 0 : i32
      %dma_start3A_224 = arith.constant 0 : i32
      %dma_start3A_225 = tpu.memref_slice %arg14[%dma_start3A_223, %dma_start3A_224] : memref<10240x64xf32, #tpu.memory_space<vmem_shared>> -> memref<10240x64xf32, #tpu.memory_space<vmem_shared>>
      tpu.enqueue_indirect_dma source(%arg9 : memref<128x64xf32, #tpu.memory_space<vmem>>) target(%dma_start3A_225 : memref<10240x64xf32, #tpu.memory_space<vmem_shared>>) offsets(%dma_start3A_222 : memref<128xi32, #tpu.memory_space<vmem>>) semaphore(%arg19 : memref<!tpu.dma_semaphore, #tpu.memory_space<semaphore_mem>>) {add = true}
      %add3A_226 = arith.constant 2 : i32
      %add3A_227 = arith.addi %add3A_213, %add3A_226 : i32
      %ge3A = arith.constant 4 : i32
      %ge3A_228 = arith.cmpi sge, %add3A_227, %ge3A : i32
      %lt3A = arith.constant 40 : i32
      %lt3A_229 = arith.cmpi slt, %add3A_227, %lt3A : i32
      %and3A = arith.andi %ge3A_228, %lt3A_229 : i1
      %convert_element_type3A = arith.extui %and3A : i1 to i32
      %cond3A = arith.constant 0 : i32
      %cond3A_230 = arith.cmpi ne, %convert_element_type3A, %cond3A : i32
      scf.if %cond3A_230 {
        %dma_wait3A_329 = arith.constant 0 : i32
        %dma_wait3A_330 = tpu.memref_slice %arg8[%add3A_213, %dma_wait3A_329] : memref<40x128xi32, #tpu.memory_space<vmem>> -> memref<1x128xi32, #tpu.memory_space<vmem>>
        %dma_wait3A_331 = tpu.memref_squeeze %dma_wait3A_330 : memref<1x128xi32, #tpu.memory_space<vmem>> -> memref<128xi32, #tpu.memory_space<vmem>>
        %dma_wait3A_332 = arith.constant 0 : i32
        %dma_wait3A_333 = arith.constant 0 : i32
        %dma_wait3A_334 = tpu.memref_slice %arg14[%dma_wait3A_332, %dma_wait3A_333] : memref<10240x64xf32, #tpu.memory_space<vmem_shared>> -> memref<10240x64xf32, #tpu.memory_space<vmem_shared>>
        tpu.wait_indirect_dma semaphore(%arg21 : memref<!tpu.dma_semaphore, #tpu.memory_space<semaphore_mem>>) src(%arg11 : memref<128x64xf32, #tpu.memory_space<vmem>>) dst(%dma_wait3A_334 : memref<10240x64xf32, #tpu.memory_space<vmem_shared>>)
      } else {
      }
      %lt3A_231 = arith.constant 40 : i32
      %lt3A_232 = arith.cmpi slt, %add3A_227, %lt3A_231 : i32
      %convert_element_type3A_233 = arith.extui %lt3A_232 : i1 to i32
      %cond3A_234 = arith.constant 0 : i32
      %cond3A_235 = arith.cmpi ne, %convert_element_type3A_233, %cond3A_234 : i32
      scf.if %cond3A_235 {
        %dma_start3A_329 = arith.constant 0 : i32
        %dma_start3A_330 = tpu.memref_slice %arg7[%add3A_227, %dma_start3A_329] : memref<40x128xi32, #tpu.memory_space<vmem>> -> memref<1x128xi32, #tpu.memory_space<vmem>>
        %dma_start3A_331 = tpu.memref_squeeze %dma_start3A_330 : memref<1x128xi32, #tpu.memory_space<vmem>> -> memref<128xi32, #tpu.memory_space<vmem>>
        %dma_start3A_332 = arith.constant 0 : i32
        %dma_start3A_333 = arith.constant 0 : i32
        %dma_start3A_334 = tpu.memref_slice %arg13[%dma_start3A_332, %dma_start3A_333] : memref<10240x64xf32, #tpu.memory_space<vmem_shared>> -> memref<10240x64xf32, #tpu.memory_space<vmem_shared>>
        tpu.enqueue_indirect_dma source(%dma_start3A_334 : memref<10240x64xf32, #tpu.memory_space<vmem_shared>>) target(%arg11 : memref<128x64xf32, #tpu.memory_space<vmem>>) offsets(%dma_start3A_331 : memref<128xi32, #tpu.memory_space<vmem>>) semaphore(%arg17 : memref<!tpu.dma_semaphore, #tpu.memory_space<semaphore_mem>>)
      } else {
      }
      %mul3A_236 = arith.constant 4 : i32
      %mul3A_237 = arith.muli %scan3A_210, %mul3A_236 : i32
      %add3A_238 = arith.constant 1 : i32
      %add3A_239 = arith.addi %mul3A_237, %add3A_238 : i32
      %dma_wait3A_240 = arith.constant 0 : i32
      %dma_wait3A_241 = tpu.memref_slice %arg7[%add3A_239, %dma_wait3A_240] : memref<40x128xi32, #tpu.memory_space<vmem>> -> memref<1x128xi32, #tpu.memory_space<vmem>>
      %dma_wait3A_242 = tpu.memref_squeeze %dma_wait3A_241 : memref<1x128xi32, #tpu.memory_space<vmem>> -> memref<128xi32, #tpu.memory_space<vmem>>
      %dma_wait3A_243 = arith.constant 0 : i32
      %dma_wait3A_244 = arith.constant 0 : i32
      %dma_wait3A_245 = tpu.memref_slice %arg13[%dma_wait3A_243, %dma_wait3A_244] : memref<10240x64xf32, #tpu.memory_space<vmem_shared>> -> memref<10240x64xf32, #tpu.memory_space<vmem_shared>>
      tpu.wait_indirect_dma semaphore(%arg16 : memref<!tpu.dma_semaphore, #tpu.memory_space<semaphore_mem>>) src(%dma_wait3A_245 : memref<10240x64xf32, #tpu.memory_space<vmem_shared>>) dst(%arg10 : memref<128x64xf32, #tpu.memory_space<vmem>>)
      %dma_start3A_246 = arith.constant 0 : i32
      %dma_start3A_247 = tpu.memref_slice %arg8[%add3A_239, %dma_start3A_246] : memref<40x128xi32, #tpu.memory_space<vmem>> -> memref<1x128xi32, #tpu.memory_space<vmem>>
      %dma_start3A_248 = tpu.memref_squeeze %dma_start3A_247 : memref<1x128xi32, #tpu.memory_space<vmem>> -> memref<128xi32, #tpu.memory_space<vmem>>
      %dma_start3A_249 = arith.constant 0 : i32
      %dma_start3A_250 = arith.constant 0 : i32
      %dma_start3A_251 = tpu.memref_slice %arg14[%dma_start3A_249, %dma_start3A_250] : memref<10240x64xf32, #tpu.memory_space<vmem_shared>> -> memref<10240x64xf32, #tpu.memory_space<vmem_shared>>
      tpu.enqueue_indirect_dma source(%arg10 : memref<128x64xf32, #tpu.memory_space<vmem>>) target(%dma_start3A_251 : memref<10240x64xf32, #tpu.memory_space<vmem_shared>>) offsets(%dma_start3A_248 : memref<128xi32, #tpu.memory_space<vmem>>) semaphore(%arg20 : memref<!tpu.dma_semaphore, #tpu.memory_space<semaphore_mem>>) {add = true}
      %add3A_252 = arith.constant 2 : i32
      %add3A_253 = arith.addi %add3A_239, %add3A_252 : i32
      %ge3A_254 = arith.constant 4 : i32
      %ge3A_255 = arith.cmpi sge, %add3A_253, %ge3A_254 : i32
      %lt3A_256 = arith.constant 40 : i32
      %lt3A_257 = arith.cmpi slt, %add3A_253, %lt3A_256 : i32
      %and3A_258 = arith.andi %ge3A_255, %lt3A_257 : i1
      %convert_element_type3A_259 = arith.extui %and3A_258 : i1 to i32
      %cond3A_260 = arith.constant 0 : i32
      %cond3A_261 = arith.cmpi ne, %convert_element_type3A_259, %cond3A_260 : i32
      scf.if %cond3A_261 {
        %dma_wait3A_329 = arith.constant 0 : i32
        %dma_wait3A_330 = tpu.memref_slice %arg8[%add3A_239, %dma_wait3A_329] : memref<40x128xi32, #tpu.memory_space<vmem>> -> memref<1x128xi32, #tpu.memory_space<vmem>>
        %dma_wait3A_331 = tpu.memref_squeeze %dma_wait3A_330 : memref<1x128xi32, #tpu.memory_space<vmem>> -> memref<128xi32, #tpu.memory_space<vmem>>
        %dma_wait3A_332 = arith.constant 0 : i32
        %dma_wait3A_333 = arith.constant 0 : i32
        %dma_wait3A_334 = tpu.memref_slice %arg14[%dma_wait3A_332, %dma_wait3A_333] : memref<10240x64xf32, #tpu.memory_space<vmem_shared>> -> memref<10240x64xf32, #tpu.memory_space<vmem_shared>>
        tpu.wait_indirect_dma semaphore(%arg22 : memref<!tpu.dma_semaphore, #tpu.memory_space<semaphore_mem>>) src(%arg12 : memref<128x64xf32, #tpu.memory_space<vmem>>) dst(%dma_wait3A_334 : memref<10240x64xf32, #tpu.memory_space<vmem_shared>>)
      } else {
      }
      %lt3A_262 = arith.constant 40 : i32
      %lt3A_263 = arith.cmpi slt, %add3A_253, %lt3A_262 : i32
      %convert_element_type3A_264 = arith.extui %lt3A_263 : i1 to i32
      %cond3A_265 = arith.constant 0 : i32
      %cond3A_266 = arith.cmpi ne, %convert_element_type3A_264, %cond3A_265 : i32
      scf.if %cond3A_266 {
        %dma_start3A_329 = arith.constant 0 : i32
        %dma_start3A_330 = tpu.memref_slice %arg7[%add3A_253, %dma_start3A_329] : memref<40x128xi32, #tpu.memory_space<vmem>> -> memref<1x128xi32, #tpu.memory_space<vmem>>
        %dma_start3A_331 = tpu.memref_squeeze %dma_start3A_330 : memref<1x128xi32, #tpu.memory_space<vmem>> -> memref<128xi32, #tpu.memory_space<vmem>>
        %dma_start3A_332 = arith.constant 0 : i32
        %dma_start3A_333 = arith.constant 0 : i32
        %dma_start3A_334 = tpu.memref_slice %arg13[%dma_start3A_332, %dma_start3A_333] : memref<10240x64xf32, #tpu.memory_space<vmem_shared>> -> memref<10240x64xf32, #tpu.memory_space<vmem_shared>>
        tpu.enqueue_indirect_dma source(%dma_start3A_334 : memref<10240x64xf32, #tpu.memory_space<vmem_shared>>) target(%arg12 : memref<128x64xf32, #tpu.memory_space<vmem>>) offsets(%dma_start3A_331 : memref<128xi32, #tpu.memory_space<vmem>>) semaphore(%arg18 : memref<!tpu.dma_semaphore, #tpu.memory_space<semaphore_mem>>)
      } else {
      }
      %mul3A_267 = arith.constant 4 : i32
      %mul3A_268 = arith.muli %scan3A_210, %mul3A_267 : i32
      %add3A_269 = arith.constant 2 : i32
      %add3A_270 = arith.addi %mul3A_268, %add3A_269 : i32
      %dma_wait3A_271 = arith.constant 0 : i32
      %dma_wait3A_272 = tpu.memref_slice %arg7[%add3A_270, %dma_wait3A_271] : memref<40x128xi32, #tpu.memory_space<vmem>> -> memref<1x128xi32, #tpu.memory_space<vmem>>
      %dma_wait3A_273 = tpu.memref_squeeze %dma_wait3A_272 : memref<1x128xi32, #tpu.memory_space<vmem>> -> memref<128xi32, #tpu.memory_space<vmem>>
      %dma_wait3A_274 = arith.constant 0 : i32
      %dma_wait3A_275 = arith.constant 0 : i32
      %dma_wait3A_276 = tpu.memref_slice %arg13[%dma_wait3A_274, %dma_wait3A_275] : memref<10240x64xf32, #tpu.memory_space<vmem_shared>> -> memref<10240x64xf32, #tpu.memory_space<vmem_shared>>
      tpu.wait_indirect_dma semaphore(%arg17 : memref<!tpu.dma_semaphore, #tpu.memory_space<semaphore_mem>>) src(%dma_wait3A_276 : memref<10240x64xf32, #tpu.memory_space<vmem_shared>>) dst(%arg11 : memref<128x64xf32, #tpu.memory_space<vmem>>)
      %dma_start3A_277 = arith.constant 0 : i32
      %dma_start3A_278 = tpu.memref_slice %arg8[%add3A_270, %dma_start3A_277] : memref<40x128xi32, #tpu.memory_space<vmem>> -> memref<1x128xi32, #tpu.memory_space<vmem>>
      %dma_start3A_279 = tpu.memref_squeeze %dma_start3A_278 : memref<1x128xi32, #tpu.memory_space<vmem>> -> memref<128xi32, #tpu.memory_space<vmem>>
      %dma_start3A_280 = arith.constant 0 : i32
      %dma_start3A_281 = arith.constant 0 : i32
      %dma_start3A_282 = tpu.memref_slice %arg14[%dma_start3A_280, %dma_start3A_281] : memref<10240x64xf32, #tpu.memory_space<vmem_shared>> -> memref<10240x64xf32, #tpu.memory_space<vmem_shared>>
      tpu.enqueue_indirect_dma source(%arg11 : memref<128x64xf32, #tpu.memory_space<vmem>>) target(%dma_start3A_282 : memref<10240x64xf32, #tpu.memory_space<vmem_shared>>) offsets(%dma_start3A_279 : memref<128xi32, #tpu.memory_space<vmem>>) semaphore(%arg21 : memref<!tpu.dma_semaphore, #tpu.memory_space<semaphore_mem>>) {add = true}
      %add3A_283 = arith.constant 2 : i32
      %add3A_284 = arith.addi %add3A_270, %add3A_283 : i32
      %ge3A_285 = arith.constant 4 : i32
      %ge3A_286 = arith.cmpi sge, %add3A_284, %ge3A_285 : i32
      %lt3A_287 = arith.constant 40 : i32
      %lt3A_288 = arith.cmpi slt, %add3A_284, %lt3A_287 : i32
      %and3A_289 = arith.andi %ge3A_286, %lt3A_288 : i1
      %convert_element_type3A_290 = arith.extui %and3A_289 : i1 to i32
      %cond3A_291 = arith.constant 0 : i32
      %cond3A_292 = arith.cmpi ne, %convert_element_type3A_290, %cond3A_291 : i32
      scf.if %cond3A_292 {
        %dma_wait3A_329 = arith.constant 0 : i32
        %dma_wait3A_330 = tpu.memref_slice %arg8[%add3A_270, %dma_wait3A_329] : memref<40x128xi32, #tpu.memory_space<vmem>> -> memref<1x128xi32, #tpu.memory_space<vmem>>
        %dma_wait3A_331 = tpu.memref_squeeze %dma_wait3A_330 : memref<1x128xi32, #tpu.memory_space<vmem>> -> memref<128xi32, #tpu.memory_space<vmem>>
        %dma_wait3A_332 = arith.constant 0 : i32
        %dma_wait3A_333 = arith.constant 0 : i32
        %dma_wait3A_334 = tpu.memref_slice %arg14[%dma_wait3A_332, %dma_wait3A_333] : memref<10240x64xf32, #tpu.memory_space<vmem_shared>> -> memref<10240x64xf32, #tpu.memory_space<vmem_shared>>
        tpu.wait_indirect_dma semaphore(%arg19 : memref<!tpu.dma_semaphore, #tpu.memory_space<semaphore_mem>>) src(%arg9 : memref<128x64xf32, #tpu.memory_space<vmem>>) dst(%dma_wait3A_334 : memref<10240x64xf32, #tpu.memory_space<vmem_shared>>)
      } else {
      }
      %lt3A_293 = arith.constant 40 : i32
      %lt3A_294 = arith.cmpi slt, %add3A_284, %lt3A_293 : i32
      %convert_element_type3A_295 = arith.extui %lt3A_294 : i1 to i32
      %cond3A_296 = arith.constant 0 : i32
      %cond3A_297 = arith.cmpi ne, %convert_element_type3A_295, %cond3A_296 : i32
      scf.if %cond3A_297 {
        %dma_start3A_329 = arith.constant 0 : i32
        %dma_start3A_330 = tpu.memref_slice %arg7[%add3A_284, %dma_start3A_329] : memref<40x128xi32, #tpu.memory_space<vmem>> -> memref<1x128xi32, #tpu.memory_space<vmem>>
        %dma_start3A_331 = tpu.memref_squeeze %dma_start3A_330 : memref<1x128xi32, #tpu.memory_space<vmem>> -> memref<128xi32, #tpu.memory_space<vmem>>
        %dma_start3A_332 = arith.constant 0 : i32
        %dma_start3A_333 = arith.constant 0 : i32
        %dma_start3A_334 = tpu.memref_slice %arg13[%dma_start3A_332, %dma_start3A_333] : memref<10240x64xf32, #tpu.memory_space<vmem_shared>> -> memref<10240x64xf32, #tpu.memory_space<vmem_shared>>
        tpu.enqueue_indirect_dma source(%dma_start3A_334 : memref<10240x64xf32, #tpu.memory_space<vmem_shared>>) target(%arg9 : memref<128x64xf32, #tpu.memory_space<vmem>>) offsets(%dma_start3A_331 : memref<128xi32, #tpu.memory_space<vmem>>) semaphore(%arg15 : memref<!tpu.dma_semaphore, #tpu.memory_space<semaphore_mem>>)
      } else {
      }
      %mul3A_298 = arith.constant 4 : i32
      %mul3A_299 = arith.muli %scan3A_210, %mul3A_298 : i32
      %add3A_300 = arith.constant 3 : i32
      %add3A_301 = arith.addi %mul3A_299, %add3A_300 : i32
      %dma_wait3A_302 = arith.constant 0 : i32
      %dma_wait3A_303 = tpu.memref_slice %arg7[%add3A_301, %dma_wait3A_302] : memref<40x128xi32, #tpu.memory_space<vmem>> -> memref<1x128xi32, #tpu.memory_space<vmem>>
      %dma_wait3A_304 = tpu.memref_squeeze %dma_wait3A_303 : memref<1x128xi32, #tpu.memory_space<vmem>> -> memref<128xi32, #tpu.memory_space<vmem>>
      %dma_wait3A_305 = arith.constant 0 : i32
      %dma_wait3A_306 = arith.constant 0 : i32
      %dma_wait3A_307 = tpu.memref_slice %arg13[%dma_wait3A_305, %dma_wait3A_306] : memref<10240x64xf32, #tpu.memory_space<vmem_shared>> -> memref<10240x64xf32, #tpu.memory_space<vmem_shared>>
      tpu.wait_indirect_dma semaphore(%arg18 : memref<!tpu.dma_semaphore, #tpu.memory_space<semaphore_mem>>) src(%dma_wait3A_307 : memref<10240x64xf32, #tpu.memory_space<vmem_shared>>) dst(%arg12 : memref<128x64xf32, #tpu.memory_space<vmem>>)
      %dma_start3A_308 = arith.constant 0 : i32
      %dma_start3A_309 = tpu.memref_slice %arg8[%add3A_301, %dma_start3A_308] : memref<40x128xi32, #tpu.memory_space<vmem>> -> memref<1x128xi32, #tpu.memory_space<vmem>>
      %dma_start3A_310 = tpu.memref_squeeze %dma_start3A_309 : memref<1x128xi32, #tpu.memory_space<vmem>> -> memref<128xi32, #tpu.memory_space<vmem>>
      %dma_start3A_311 = arith.constant 0 : i32
      %dma_start3A_312 = arith.constant 0 : i32
      %dma_start3A_313 = tpu.memref_slice %arg14[%dma_start3A_311, %dma_start3A_312] : memref<10240x64xf32, #tpu.memory_space<vmem_shared>> -> memref<10240x64xf32, #tpu.memory_space<vmem_shared>>
      tpu.enqueue_indirect_dma source(%arg12 : memref<128x64xf32, #tpu.memory_space<vmem>>) target(%dma_start3A_313 : memref<10240x64xf32, #tpu.memory_space<vmem_shared>>) offsets(%dma_start3A_310 : memref<128xi32, #tpu.memory_space<vmem>>) semaphore(%arg22 : memref<!tpu.dma_semaphore, #tpu.memory_space<semaphore_mem>>) {add = true}
      %add3A_314 = arith.constant 2 : i32
      %add3A_315 = arith.addi %add3A_301, %add3A_314 : i32
      %ge3A_316 = arith.constant 4 : i32
      %ge3A_317 = arith.cmpi sge, %add3A_315, %ge3A_316 : i32
      %lt3A_318 = arith.constant 40 : i32
      %lt3A_319 = arith.cmpi slt, %add3A_315, %lt3A_318 : i32
      %and3A_320 = arith.andi %ge3A_317, %lt3A_319 : i1
      %convert_element_type3A_321 = arith.extui %and3A_320 : i1 to i32
      %cond3A_322 = arith.constant 0 : i32
      %cond3A_323 = arith.cmpi ne, %convert_element_type3A_321, %cond3A_322 : i32
      scf.if %cond3A_323 {
        %dma_wait3A_329 = arith.constant 0 : i32
        %dma_wait3A_330 = tpu.memref_slice %arg8[%add3A_301, %dma_wait3A_329] : memref<40x128xi32, #tpu.memory_space<vmem>> -> memref<1x128xi32, #tpu.memory_space<vmem>>
        %dma_wait3A_331 = tpu.memref_squeeze %dma_wait3A_330 : memref<1x128xi32, #tpu.memory_space<vmem>> -> memref<128xi32, #tpu.memory_space<vmem>>
        %dma_wait3A_332 = arith.constant 0 : i32
        %dma_wait3A_333 = arith.constant 0 : i32
        %dma_wait3A_334 = tpu.memref_slice %arg14[%dma_wait3A_332, %dma_wait3A_333] : memref<10240x64xf32, #tpu.memory_space<vmem_shared>> -> memref<10240x64xf32, #tpu.memory_space<vmem_shared>>
        tpu.wait_indirect_dma semaphore(%arg20 : memref<!tpu.dma_semaphore, #tpu.memory_space<semaphore_mem>>) src(%arg10 : memref<128x64xf32, #tpu.memory_space<vmem>>) dst(%dma_wait3A_334 : memref<10240x64xf32, #tpu.memory_space<vmem_shared>>)
      } else {
      }
      %lt3A_324 = arith.constant 40 : i32
      %lt3A_325 = arith.cmpi slt, %add3A_315, %lt3A_324 : i32
      %convert_element_type3A_326 = arith.extui %lt3A_325 : i1 to i32
      %cond3A_327 = arith.constant 0 : i32
      %cond3A_328 = arith.cmpi ne, %convert_element_type3A_326, %cond3A_327 : i32
      scf.if %cond3A_328 {
        %dma_start3A_329 = arith.constant 0 : i32
        %dma_start3A_330 = tpu.memref_slice %arg7[%add3A_315, %dma_start3A_329] : memref<40x128xi32, #tpu.memory_space<vmem>> -> memref<1x128xi32, #tpu.memory_space<vmem>>
        %dma_start3A_331 = tpu.memref_squeeze %dma_start3A_330 : memref<1x128xi32, #tpu.memory_space<vmem>> -> memref<128xi32, #tpu.memory_space<vmem>>
        %dma_start3A_332 = arith.constant 0 : i32
        %dma_start3A_333 = arith.constant 0 : i32
        %dma_start3A_334 = tpu.memref_slice %arg13[%dma_start3A_332, %dma_start3A_333] : memref<10240x64xf32, #tpu.memory_space<vmem_shared>> -> memref<10240x64xf32, #tpu.memory_space<vmem_shared>>
        tpu.enqueue_indirect_dma source(%dma_start3A_334 : memref<10240x64xf32, #tpu.memory_space<vmem_shared>>) target(%arg10 : memref<128x64xf32, #tpu.memory_space<vmem>>) offsets(%dma_start3A_331 : memref<128xi32, #tpu.memory_space<vmem>>) semaphore(%arg16 : memref<!tpu.dma_semaphore, #tpu.memory_space<semaphore_mem>>)
      } else {
      }
    }
    %scan3A_74 = arith.constant 10 : i32
    %dma_wait3A_75 = arith.constant 0 : i32
    %dma_wait3A_76 = arith.constant 0 : i32
    %dma_wait3A_77 = tpu.memref_slice %arg8[%dma_wait3A_75, %dma_wait3A_76] : memref<40x128xi32, #tpu.memory_space<vmem>> -> memref<1x128xi32, #tpu.memory_space<vmem>>
    %dma_wait3A_78 = tpu.memref_squeeze %dma_wait3A_77 : memref<1x128xi32, #tpu.memory_space<vmem>> -> memref<128xi32, #tpu.memory_space<vmem>>
    %dma_wait3A_79 = arith.constant 0 : i32
    %dma_wait3A_80 = arith.constant 0 : i32
    %dma_wait3A_81 = tpu.memref_slice %arg14[%dma_wait3A_79, %dma_wait3A_80] : memref<10240x64xf32, #tpu.memory_space<vmem_shared>> -> memref<10240x64xf32, #tpu.memory_space<vmem_shared>>
    tpu.wait_indirect_dma semaphore(%arg19 : memref<!tpu.dma_semaphore, #tpu.memory_space<semaphore_mem>>) src(%arg9 : memref<128x64xf32, #tpu.memory_space<vmem>>) dst(%dma_wait3A_81 : memref<10240x64xf32, #tpu.memory_space<vmem_shared>>)
    %dma_wait3A_82 = arith.constant 1 : i32
    %dma_wait3A_83 = arith.constant 0 : i32
    %dma_wait3A_84 = tpu.memref_slice %arg8[%dma_wait3A_82, %dma_wait3A_83] : memref<40x128xi32, #tpu.memory_space<vmem>> -> memref<1x128xi32, #tpu.memory_space<vmem>>
    %dma_wait3A_85 = tpu.memref_squeeze %dma_wait3A_84 : memref<1x128xi32, #tpu.memory_space<vmem>> -> memref<128xi32, #tpu.memory_space<vmem>>
    %dma_wait3A_86 = arith.constant 0 : i32
    %dma_wait3A_87 = arith.constant 0 : i32
    %dma_wait3A_88 = tpu.memref_slice %arg14[%dma_wait3A_86, %dma_wait3A_87] : memref<10240x64xf32, #tpu.memory_space<vmem_shared>> -> memref<10240x64xf32, #tpu.memory_space<vmem_shared>>
    tpu.wait_indirect_dma semaphore(%arg20 : memref<!tpu.dma_semaphore, #tpu.memory_space<semaphore_mem>>) src(%arg10 : memref<128x64xf32, #tpu.memory_space<vmem>>) dst(%dma_wait3A_88 : memref<10240x64xf32, #tpu.memory_space<vmem_shared>>)
    %dma_wait3A_89 = arith.constant 2 : i32
    %dma_wait3A_90 = arith.constant 0 : i32
    %dma_wait3A_91 = tpu.memref_slice %arg8[%dma_wait3A_89, %dma_wait3A_90] : memref<40x128xi32, #tpu.memory_space<vmem>> -> memref<1x128xi32, #tpu.memory_space<vmem>>
    %dma_wait3A_92 = tpu.memref_squeeze %dma_wait3A_91 : memref<1x128xi32, #tpu.memory_space<vmem>> -> memref<128xi32, #tpu.memory_space<vmem>>
    %dma_wait3A_93 = arith.constant 0 : i32
    %dma_wait3A_94 = arith.constant 0 : i32
    %dma_wait3A_95 = tpu.memref_slice %arg14[%dma_wait3A_93, %dma_wait3A_94] : memref<10240x64xf32, #tpu.memory_space<vmem_shared>> -> memref<10240x64xf32, #tpu.memory_space<vmem_shared>>
    tpu.wait_indirect_dma semaphore(%arg21 : memref<!tpu.dma_semaphore, #tpu.memory_space<semaphore_mem>>) src(%arg11 : memref<128x64xf32, #tpu.memory_space<vmem>>) dst(%dma_wait3A_95 : memref<10240x64xf32, #tpu.memory_space<vmem_shared>>)
    %dma_wait3A_96 = arith.constant 3 : i32
    %dma_wait3A_97 = arith.constant 0 : i32
    %dma_wait3A_98 = tpu.memref_slice %arg8[%dma_wait3A_96, %dma_wait3A_97] : memref<40x128xi32, #tpu.memory_space<vmem>> -> memref<1x128xi32, #tpu.memory_space<vmem>>
    %dma_wait3A_99 = tpu.memref_squeeze %dma_wait3A_98 : memref<1x128xi32, #tpu.memory_space<vmem>> -> memref<128xi32, #tpu.memory_space<vmem>>
    %dma_wait3A_100 = arith.constant 0 : i32
    %dma_wait3A_101 = arith.constant 0 : i32
    %dma_wait3A_102 = tpu.memref_slice %arg14[%dma_wait3A_100, %dma_wait3A_101] : memref<10240x64xf32, #tpu.memory_space<vmem_shared>> -> memref<10240x64xf32, #tpu.memory_space<vmem_shared>>
    tpu.wait_indirect_dma semaphore(%arg22 : memref<!tpu.dma_semaphore, #tpu.memory_space<semaphore_mem>>) src(%arg12 : memref<128x64xf32, #tpu.memory_space<vmem>>) dst(%dma_wait3A_102 : memref<10240x64xf32, #tpu.memory_space<vmem_shared>>)
    %run_scoped3A_103 = arith.constant 2 : i32
    "tpu.region"() ({
      %run_scoped3A_210 = tpu.sem_alloc : memref<!tpu.dma_semaphore, #tpu.memory_space<semaphore_mem>>
      %dma_start3A_211 = arith.constant 0 : i32
      %dma_start3A_212 = arith.constant 0 : i32
      %dma_start3A_213 = tpu.memref_slice %arg3[%arg1, %run_scoped3A_103, %dma_start3A_211, %dma_start3A_212] : memref<16x4x40x128xi32, #tpu.memory_space<hbm>> -> memref<1x1x40x128xi32, #tpu.memory_space<hbm>>
      %dma_start3A_214 = tpu.memref_squeeze %dma_start3A_213 : memref<1x1x40x128xi32, #tpu.memory_space<hbm>> -> memref<40x128xi32, #tpu.memory_space<hbm>>
      %dma_start3A_215 = arith.constant 0 : i32
      %dma_start3A_216 = arith.constant 0 : i32
      %dma_start3A_217 = tpu.memref_slice %arg3[%arg1, %run_scoped3A_103, %dma_start3A_215, %dma_start3A_216] : memref<16x4x40x128xi32, #tpu.memory_space<hbm>> -> memref<1x1x40x128xi32, #tpu.memory_space<hbm>>
      %dma_start3A_218 = tpu.memref_squeeze %dma_start3A_217 : memref<1x1x40x128xi32, #tpu.memory_space<hbm>> -> memref<40x128xi32, #tpu.memory_space<hbm>>
      tpu.enqueue_dma source(%dma_start3A_218 : memref<40x128xi32, #tpu.memory_space<hbm>>) target(%arg7 : memref<40x128xi32, #tpu.memory_space<vmem>>) target_semaphore(%run_scoped3A_210 : memref<!tpu.dma_semaphore, #tpu.memory_space<semaphore_mem>>)
      %dma_wait3A_219 = arith.constant 0 : i32
      %dma_wait3A_220 = arith.constant 0 : i32
      %dma_wait3A_221 = tpu.memref_slice %arg3[%arg1, %run_scoped3A_103, %dma_wait3A_219, %dma_wait3A_220] : memref<16x4x40x128xi32, #tpu.memory_space<hbm>> -> memref<1x1x40x128xi32, #tpu.memory_space<hbm>>
      %dma_wait3A_222 = tpu.memref_squeeze %dma_wait3A_221 : memref<1x1x40x128xi32, #tpu.memory_space<hbm>> -> memref<40x128xi32, #tpu.memory_space<hbm>>
      %dma_wait3A_223 = arith.constant 0 : i32
      %dma_wait3A_224 = arith.constant 0 : i32
      %dma_wait3A_225 = tpu.memref_slice %arg3[%arg1, %run_scoped3A_103, %dma_wait3A_223, %dma_wait3A_224] : memref<16x4x40x128xi32, #tpu.memory_space<hbm>> -> memref<1x1x40x128xi32, #tpu.memory_space<hbm>>
      %dma_wait3A_226 = tpu.memref_squeeze %dma_wait3A_225 : memref<1x1x40x128xi32, #tpu.memory_space<hbm>> -> memref<40x128xi32, #tpu.memory_space<hbm>>
      tpu.wait_dma2 semaphore(%run_scoped3A_210 : memref<!tpu.dma_semaphore, #tpu.memory_space<semaphore_mem>>) src(%dma_wait3A_226 : memref<40x128xi32, #tpu.memory_space<hbm>>) dst(%arg7 : memref<40x128xi32, #tpu.memory_space<vmem>>)
      tpu.yield
    }) : () -> ()
    %run_scoped3A_104 = arith.constant 2 : i32
    "tpu.region"() ({
      %run_scoped3A_210 = tpu.sem_alloc : memref<!tpu.dma_semaphore, #tpu.memory_space<semaphore_mem>>
      %dma_start3A_211 = arith.constant 0 : i32
      %dma_start3A_212 = arith.constant 0 : i32
      %dma_start3A_213 = tpu.memref_slice %arg4[%arg1, %run_scoped3A_104, %dma_start3A_211, %dma_start3A_212] : memref<16x4x40x128xi32, #tpu.memory_space<hbm>> -> memref<1x1x40x128xi32, #tpu.memory_space<hbm>>
      %dma_start3A_214 = tpu.memref_squeeze %dma_start3A_213 : memref<1x1x40x128xi32, #tpu.memory_space<hbm>> -> memref<40x128xi32, #tpu.memory_space<hbm>>
      %dma_start3A_215 = arith.constant 0 : i32
      %dma_start3A_216 = arith.constant 0 : i32
      %dma_start3A_217 = tpu.memref_slice %arg4[%arg1, %run_scoped3A_104, %dma_start3A_215, %dma_start3A_216] : memref<16x4x40x128xi32, #tpu.memory_space<hbm>> -> memref<1x1x40x128xi32, #tpu.memory_space<hbm>>
      %dma_start3A_218 = tpu.memref_squeeze %dma_start3A_217 : memref<1x1x40x128xi32, #tpu.memory_space<hbm>> -> memref<40x128xi32, #tpu.memory_space<hbm>>
      tpu.enqueue_dma source(%dma_start3A_218 : memref<40x128xi32, #tpu.memory_space<hbm>>) target(%arg8 : memref<40x128xi32, #tpu.memory_space<vmem>>) target_semaphore(%run_scoped3A_210 : memref<!tpu.dma_semaphore, #tpu.memory_space<semaphore_mem>>)
      %dma_wait3A_219 = arith.constant 0 : i32
      %dma_wait3A_220 = arith.constant 0 : i32
      %dma_wait3A_221 = tpu.memref_slice %arg4[%arg1, %run_scoped3A_104, %dma_wait3A_219, %dma_wait3A_220] : memref<16x4x40x128xi32, #tpu.memory_space<hbm>> -> memref<1x1x40x128xi32, #tpu.memory_space<hbm>>
      %dma_wait3A_222 = tpu.memref_squeeze %dma_wait3A_221 : memref<1x1x40x128xi32, #tpu.memory_space<hbm>> -> memref<40x128xi32, #tpu.memory_space<hbm>>
      %dma_wait3A_223 = arith.constant 0 : i32
      %dma_wait3A_224 = arith.constant 0 : i32
      %dma_wait3A_225 = tpu.memref_slice %arg4[%arg1, %run_scoped3A_104, %dma_wait3A_223, %dma_wait3A_224] : memref<16x4x40x128xi32, #tpu.memory_space<hbm>> -> memref<1x1x40x128xi32, #tpu.memory_space<hbm>>
      %dma_wait3A_226 = tpu.memref_squeeze %dma_wait3A_225 : memref<1x1x40x128xi32, #tpu.memory_space<hbm>> -> memref<40x128xi32, #tpu.memory_space<hbm>>
      tpu.wait_dma2 semaphore(%run_scoped3A_210 : memref<!tpu.dma_semaphore, #tpu.memory_space<semaphore_mem>>) src(%dma_wait3A_226 : memref<40x128xi32, #tpu.memory_space<hbm>>) dst(%arg8 : memref<40x128xi32, #tpu.memory_space<vmem>>)
      tpu.yield
    }) : () -> ()
    %dma_start3A_105 = arith.constant 0 : i32
    %dma_start3A_106 = arith.constant 0 : i32
    %dma_start3A_107 = tpu.memref_slice %arg7[%dma_start3A_105, %dma_start3A_106] : memref<40x128xi32, #tpu.memory_space<vmem>> -> memref<1x128xi32, #tpu.memory_space<vmem>>
    %dma_start3A_108 = tpu.memref_squeeze %dma_start3A_107 : memref<1x128xi32, #tpu.memory_space<vmem>> -> memref<128xi32, #tpu.memory_space<vmem>>
    %dma_start3A_109 = arith.constant 0 : i32
    %dma_start3A_110 = arith.constant 0 : i32
    %dma_start3A_111 = tpu.memref_slice %arg13[%dma_start3A_109, %dma_start3A_110] : memref<10240x64xf32, #tpu.memory_space<vmem_shared>> -> memref<10240x64xf32, #tpu.memory_space<vmem_shared>>
    tpu.enqueue_indirect_dma source(%dma_start3A_111 : memref<10240x64xf32, #tpu.memory_space<vmem_shared>>) target(%arg9 : memref<128x64xf32, #tpu.memory_space<vmem>>) offsets(%dma_start3A_108 : memref<128xi32, #tpu.memory_space<vmem>>) semaphore(%arg15 : memref<!tpu.dma_semaphore, #tpu.memory_space<semaphore_mem>>)
    %dma_start3A_112 = arith.constant 1 : i32
    %dma_start3A_113 = arith.constant 0 : i32
    %dma_start3A_114 = tpu.memref_slice %arg7[%dma_start3A_112, %dma_start3A_113] : memref<40x128xi32, #tpu.memory_space<vmem>> -> memref<1x128xi32, #tpu.memory_space<vmem>>
    %dma_start3A_115 = tpu.memref_squeeze %dma_start3A_114 : memref<1x128xi32, #tpu.memory_space<vmem>> -> memref<128xi32, #tpu.memory_space<vmem>>
    %dma_start3A_116 = arith.constant 0 : i32
    %dma_start3A_117 = arith.constant 0 : i32
    %dma_start3A_118 = tpu.memref_slice %arg13[%dma_start3A_116, %dma_start3A_117] : memref<10240x64xf32, #tpu.memory_space<vmem_shared>> -> memref<10240x64xf32, #tpu.memory_space<vmem_shared>>
    tpu.enqueue_indirect_dma source(%dma_start3A_118 : memref<10240x64xf32, #tpu.memory_space<vmem_shared>>) target(%arg10 : memref<128x64xf32, #tpu.memory_space<vmem>>) offsets(%dma_start3A_115 : memref<128xi32, #tpu.memory_space<vmem>>) semaphore(%arg16 : memref<!tpu.dma_semaphore, #tpu.memory_space<semaphore_mem>>)
    %scan3A_119 = arith.constant 0 : i32
    %scan3A_120 = arith.constant 0 : i32
    %scan3A_121 = arith.constant 10 : i32
    %scan3A_122 = arith.addi %scan3A_120, %scan3A_121 : i32
    %scan3A_123 = arith.constant 1 : i32
    scf.for %scan3A_210 = %scan3A_120 to %scan3A_122 step %scan3A_123  : i32 {
      %mul3A_211 = arith.constant 4 : i32
      %mul3A_212 = arith.muli %scan3A_210, %mul3A_211 : i32
      %add3A = arith.constant 0 : i32
      %add3A_213 = arith.addi %mul3A_212, %add3A : i32
      %dma_wait3A_214 = arith.constant 0 : i32
      %dma_wait3A_215 = tpu.memref_slice %arg7[%add3A_213, %dma_wait3A_214] : memref<40x128xi32, #tpu.memory_space<vmem>> -> memref<1x128xi32, #tpu.memory_space<vmem>>
      %dma_wait3A_216 = tpu.memref_squeeze %dma_wait3A_215 : memref<1x128xi32, #tpu.memory_space<vmem>> -> memref<128xi32, #tpu.memory_space<vmem>>
      %dma_wait3A_217 = arith.constant 0 : i32
      %dma_wait3A_218 = arith.constant 0 : i32
      %dma_wait3A_219 = tpu.memref_slice %arg13[%dma_wait3A_217, %dma_wait3A_218] : memref<10240x64xf32, #tpu.memory_space<vmem_shared>> -> memref<10240x64xf32, #tpu.memory_space<vmem_shared>>
      tpu.wait_indirect_dma semaphore(%arg15 : memref<!tpu.dma_semaphore, #tpu.memory_space<semaphore_mem>>) src(%dma_wait3A_219 : memref<10240x64xf32, #tpu.memory_space<vmem_shared>>) dst(%arg9 : memref<128x64xf32, #tpu.memory_space<vmem>>)
      %dma_start3A_220 = arith.constant 0 : i32
      %dma_start3A_221 = tpu.memref_slice %arg8[%add3A_213, %dma_start3A_220] : memref<40x128xi32, #tpu.memory_space<vmem>> -> memref<1x128xi32, #tpu.memory_space<vmem>>
      %dma_start3A_222 = tpu.memref_squeeze %dma_start3A_221 : memref<1x128xi32, #tpu.memory_space<vmem>> -> memref<128xi32, #tpu.memory_space<vmem>>
      %dma_start3A_223 = arith.constant 0 : i32
      %dma_start3A_224 = arith.constant 0 : i32
      %dma_start3A_225 = tpu.memref_slice %arg14[%dma_start3A_223, %dma_start3A_224] : memref<10240x64xf32, #tpu.memory_space<vmem_shared>> -> memref<10240x64xf32, #tpu.memory_space<vmem_shared>>
      tpu.enqueue_indirect_dma source(%arg9 : memref<128x64xf32, #tpu.memory_space<vmem>>) target(%dma_start3A_225 : memref<10240x64xf32, #tpu.memory_space<vmem_shared>>) offsets(%dma_start3A_222 : memref<128xi32, #tpu.memory_space<vmem>>) semaphore(%arg19 : memref<!tpu.dma_semaphore, #tpu.memory_space<semaphore_mem>>) {add = true}
      %add3A_226 = arith.constant 2 : i32
      %add3A_227 = arith.addi %add3A_213, %add3A_226 : i32
      %ge3A = arith.constant 4 : i32
      %ge3A_228 = arith.cmpi sge, %add3A_227, %ge3A : i32
      %lt3A = arith.constant 40 : i32
      %lt3A_229 = arith.cmpi slt, %add3A_227, %lt3A : i32
      %and3A = arith.andi %ge3A_228, %lt3A_229 : i1
      %convert_element_type3A = arith.extui %and3A : i1 to i32
      %cond3A = arith.constant 0 : i32
      %cond3A_230 = arith.cmpi ne, %convert_element_type3A, %cond3A : i32
      scf.if %cond3A_230 {
        %dma_wait3A_329 = arith.constant 0 : i32
        %dma_wait3A_330 = tpu.memref_slice %arg8[%add3A_213, %dma_wait3A_329] : memref<40x128xi32, #tpu.memory_space<vmem>> -> memref<1x128xi32, #tpu.memory_space<vmem>>
        %dma_wait3A_331 = tpu.memref_squeeze %dma_wait3A_330 : memref<1x128xi32, #tpu.memory_space<vmem>> -> memref<128xi32, #tpu.memory_space<vmem>>
        %dma_wait3A_332 = arith.constant 0 : i32
        %dma_wait3A_333 = arith.constant 0 : i32
        %dma_wait3A_334 = tpu.memref_slice %arg14[%dma_wait3A_332, %dma_wait3A_333] : memref<10240x64xf32, #tpu.memory_space<vmem_shared>> -> memref<10240x64xf32, #tpu.memory_space<vmem_shared>>
        tpu.wait_indirect_dma semaphore(%arg21 : memref<!tpu.dma_semaphore, #tpu.memory_space<semaphore_mem>>) src(%arg11 : memref<128x64xf32, #tpu.memory_space<vmem>>) dst(%dma_wait3A_334 : memref<10240x64xf32, #tpu.memory_space<vmem_shared>>)
      } else {
      }
      %lt3A_231 = arith.constant 40 : i32
      %lt3A_232 = arith.cmpi slt, %add3A_227, %lt3A_231 : i32
      %convert_element_type3A_233 = arith.extui %lt3A_232 : i1 to i32
      %cond3A_234 = arith.constant 0 : i32
      %cond3A_235 = arith.cmpi ne, %convert_element_type3A_233, %cond3A_234 : i32
      scf.if %cond3A_235 {
        %dma_start3A_329 = arith.constant 0 : i32
        %dma_start3A_330 = tpu.memref_slice %arg7[%add3A_227, %dma_start3A_329] : memref<40x128xi32, #tpu.memory_space<vmem>> -> memref<1x128xi32, #tpu.memory_space<vmem>>
        %dma_start3A_331 = tpu.memref_squeeze %dma_start3A_330 : memref<1x128xi32, #tpu.memory_space<vmem>> -> memref<128xi32, #tpu.memory_space<vmem>>
        %dma_start3A_332 = arith.constant 0 : i32
        %dma_start3A_333 = arith.constant 0 : i32
        %dma_start3A_334 = tpu.memref_slice %arg13[%dma_start3A_332, %dma_start3A_333] : memref<10240x64xf32, #tpu.memory_space<vmem_shared>> -> memref<10240x64xf32, #tpu.memory_space<vmem_shared>>
        tpu.enqueue_indirect_dma source(%dma_start3A_334 : memref<10240x64xf32, #tpu.memory_space<vmem_shared>>) target(%arg11 : memref<128x64xf32, #tpu.memory_space<vmem>>) offsets(%dma_start3A_331 : memref<128xi32, #tpu.memory_space<vmem>>) semaphore(%arg17 : memref<!tpu.dma_semaphore, #tpu.memory_space<semaphore_mem>>)
      } else {
      }
      %mul3A_236 = arith.constant 4 : i32
      %mul3A_237 = arith.muli %scan3A_210, %mul3A_236 : i32
      %add3A_238 = arith.constant 1 : i32
      %add3A_239 = arith.addi %mul3A_237, %add3A_238 : i32
      %dma_wait3A_240 = arith.constant 0 : i32
      %dma_wait3A_241 = tpu.memref_slice %arg7[%add3A_239, %dma_wait3A_240] : memref<40x128xi32, #tpu.memory_space<vmem>> -> memref<1x128xi32, #tpu.memory_space<vmem>>
      %dma_wait3A_242 = tpu.memref_squeeze %dma_wait3A_241 : memref<1x128xi32, #tpu.memory_space<vmem>> -> memref<128xi32, #tpu.memory_space<vmem>>
      %dma_wait3A_243 = arith.constant 0 : i32
      %dma_wait3A_244 = arith.constant 0 : i32
      %dma_wait3A_245 = tpu.memref_slice %arg13[%dma_wait3A_243, %dma_wait3A_244] : memref<10240x64xf32, #tpu.memory_space<vmem_shared>> -> memref<10240x64xf32, #tpu.memory_space<vmem_shared>>
      tpu.wait_indirect_dma semaphore(%arg16 : memref<!tpu.dma_semaphore, #tpu.memory_space<semaphore_mem>>) src(%dma_wait3A_245 : memref<10240x64xf32, #tpu.memory_space<vmem_shared>>) dst(%arg10 : memref<128x64xf32, #tpu.memory_space<vmem>>)
      %dma_start3A_246 = arith.constant 0 : i32
      %dma_start3A_247 = tpu.memref_slice %arg8[%add3A_239, %dma_start3A_246] : memref<40x128xi32, #tpu.memory_space<vmem>> -> memref<1x128xi32, #tpu.memory_space<vmem>>
      %dma_start3A_248 = tpu.memref_squeeze %dma_start3A_247 : memref<1x128xi32, #tpu.memory_space<vmem>> -> memref<128xi32, #tpu.memory_space<vmem>>
      %dma_start3A_249 = arith.constant 0 : i32
      %dma_start3A_250 = arith.constant 0 : i32
      %dma_start3A_251 = tpu.memref_slice %arg14[%dma_start3A_249, %dma_start3A_250] : memref<10240x64xf32, #tpu.memory_space<vmem_shared>> -> memref<10240x64xf32, #tpu.memory_space<vmem_shared>>
      tpu.enqueue_indirect_dma source(%arg10 : memref<128x64xf32, #tpu.memory_space<vmem>>) target(%dma_start3A_251 : memref<10240x64xf32, #tpu.memory_space<vmem_shared>>) offsets(%dma_start3A_248 : memref<128xi32, #tpu.memory_space<vmem>>) semaphore(%arg20 : memref<!tpu.dma_semaphore, #tpu.memory_space<semaphore_mem>>) {add = true}
      %add3A_252 = arith.constant 2 : i32
      %add3A_253 = arith.addi %add3A_239, %add3A_252 : i32
      %ge3A_254 = arith.constant 4 : i32
      %ge3A_255 = arith.cmpi sge, %add3A_253, %ge3A_254 : i32
      %lt3A_256 = arith.constant 40 : i32
      %lt3A_257 = arith.cmpi slt, %add3A_253, %lt3A_256 : i32
      %and3A_258 = arith.andi %ge3A_255, %lt3A_257 : i1
      %convert_element_type3A_259 = arith.extui %and3A_258 : i1 to i32
      %cond3A_260 = arith.constant 0 : i32
      %cond3A_261 = arith.cmpi ne, %convert_element_type3A_259, %cond3A_260 : i32
      scf.if %cond3A_261 {
        %dma_wait3A_329 = arith.constant 0 : i32
        %dma_wait3A_330 = tpu.memref_slice %arg8[%add3A_239, %dma_wait3A_329] : memref<40x128xi32, #tpu.memory_space<vmem>> -> memref<1x128xi32, #tpu.memory_space<vmem>>
        %dma_wait3A_331 = tpu.memref_squeeze %dma_wait3A_330 : memref<1x128xi32, #tpu.memory_space<vmem>> -> memref<128xi32, #tpu.memory_space<vmem>>
        %dma_wait3A_332 = arith.constant 0 : i32
        %dma_wait3A_333 = arith.constant 0 : i32
        %dma_wait3A_334 = tpu.memref_slice %arg14[%dma_wait3A_332, %dma_wait3A_333] : memref<10240x64xf32, #tpu.memory_space<vmem_shared>> -> memref<10240x64xf32, #tpu.memory_space<vmem_shared>>
        tpu.wait_indirect_dma semaphore(%arg22 : memref<!tpu.dma_semaphore, #tpu.memory_space<semaphore_mem>>) src(%arg12 : memref<128x64xf32, #tpu.memory_space<vmem>>) dst(%dma_wait3A_334 : memref<10240x64xf32, #tpu.memory_space<vmem_shared>>)
      } else {
      }
      %lt3A_262 = arith.constant 40 : i32
      %lt3A_263 = arith.cmpi slt, %add3A_253, %lt3A_262 : i32
      %convert_element_type3A_264 = arith.extui %lt3A_263 : i1 to i32
      %cond3A_265 = arith.constant 0 : i32
      %cond3A_266 = arith.cmpi ne, %convert_element_type3A_264, %cond3A_265 : i32
      scf.if %cond3A_266 {
        %dma_start3A_329 = arith.constant 0 : i32
        %dma_start3A_330 = tpu.memref_slice %arg7[%add3A_253, %dma_start3A_329] : memref<40x128xi32, #tpu.memory_space<vmem>> -> memref<1x128xi32, #tpu.memory_space<vmem>>
        %dma_start3A_331 = tpu.memref_squeeze %dma_start3A_330 : memref<1x128xi32, #tpu.memory_space<vmem>> -> memref<128xi32, #tpu.memory_space<vmem>>
        %dma_start3A_332 = arith.constant 0 : i32
        %dma_start3A_333 = arith.constant 0 : i32
        %dma_start3A_334 = tpu.memref_slice %arg13[%dma_start3A_332, %dma_start3A_333] : memref<10240x64xf32, #tpu.memory_space<vmem_shared>> -> memref<10240x64xf32, #tpu.memory_space<vmem_shared>>
        tpu.enqueue_indirect_dma source(%dma_start3A_334 : memref<10240x64xf32, #tpu.memory_space<vmem_shared>>) target(%arg12 : memref<128x64xf32, #tpu.memory_space<vmem>>) offsets(%dma_start3A_331 : memref<128xi32, #tpu.memory_space<vmem>>) semaphore(%arg18 : memref<!tpu.dma_semaphore, #tpu.memory_space<semaphore_mem>>)
      } else {
      }
      %mul3A_267 = arith.constant 4 : i32
      %mul3A_268 = arith.muli %scan3A_210, %mul3A_267 : i32
      %add3A_269 = arith.constant 2 : i32
      %add3A_270 = arith.addi %mul3A_268, %add3A_269 : i32
      %dma_wait3A_271 = arith.constant 0 : i32
      %dma_wait3A_272 = tpu.memref_slice %arg7[%add3A_270, %dma_wait3A_271] : memref<40x128xi32, #tpu.memory_space<vmem>> -> memref<1x128xi32, #tpu.memory_space<vmem>>
      %dma_wait3A_273 = tpu.memref_squeeze %dma_wait3A_272 : memref<1x128xi32, #tpu.memory_space<vmem>> -> memref<128xi32, #tpu.memory_space<vmem>>
      %dma_wait3A_274 = arith.constant 0 : i32
      %dma_wait3A_275 = arith.constant 0 : i32
      %dma_wait3A_276 = tpu.memref_slice %arg13[%dma_wait3A_274, %dma_wait3A_275] : memref<10240x64xf32, #tpu.memory_space<vmem_shared>> -> memref<10240x64xf32, #tpu.memory_space<vmem_shared>>
      tpu.wait_indirect_dma semaphore(%arg17 : memref<!tpu.dma_semaphore, #tpu.memory_space<semaphore_mem>>) src(%dma_wait3A_276 : memref<10240x64xf32, #tpu.memory_space<vmem_shared>>) dst(%arg11 : memref<128x64xf32, #tpu.memory_space<vmem>>)
      %dma_start3A_277 = arith.constant 0 : i32
      %dma_start3A_278 = tpu.memref_slice %arg8[%add3A_270, %dma_start3A_277] : memref<40x128xi32, #tpu.memory_space<vmem>> -> memref<1x128xi32, #tpu.memory_space<vmem>>
      %dma_start3A_279 = tpu.memref_squeeze %dma_start3A_278 : memref<1x128xi32, #tpu.memory_space<vmem>> -> memref<128xi32, #tpu.memory_space<vmem>>
      %dma_start3A_280 = arith.constant 0 : i32
      %dma_start3A_281 = arith.constant 0 : i32
      %dma_start3A_282 = tpu.memref_slice %arg14[%dma_start3A_280, %dma_start3A_281] : memref<10240x64xf32, #tpu.memory_space<vmem_shared>> -> memref<10240x64xf32, #tpu.memory_space<vmem_shared>>
      tpu.enqueue_indirect_dma source(%arg11 : memref<128x64xf32, #tpu.memory_space<vmem>>) target(%dma_start3A_282 : memref<10240x64xf32, #tpu.memory_space<vmem_shared>>) offsets(%dma_start3A_279 : memref<128xi32, #tpu.memory_space<vmem>>) semaphore(%arg21 : memref<!tpu.dma_semaphore, #tpu.memory_space<semaphore_mem>>) {add = true}
      %add3A_283 = arith.constant 2 : i32
      %add3A_284 = arith.addi %add3A_270, %add3A_283 : i32
      %ge3A_285 = arith.constant 4 : i32
      %ge3A_286 = arith.cmpi sge, %add3A_284, %ge3A_285 : i32
      %lt3A_287 = arith.constant 40 : i32
      %lt3A_288 = arith.cmpi slt, %add3A_284, %lt3A_287 : i32
      %and3A_289 = arith.andi %ge3A_286, %lt3A_288 : i1
      %convert_element_type3A_290 = arith.extui %and3A_289 : i1 to i32
      %cond3A_291 = arith.constant 0 : i32
      %cond3A_292 = arith.cmpi ne, %convert_element_type3A_290, %cond3A_291 : i32
      scf.if %cond3A_292 {
        %dma_wait3A_329 = arith.constant 0 : i32
        %dma_wait3A_330 = tpu.memref_slice %arg8[%add3A_270, %dma_wait3A_329] : memref<40x128xi32, #tpu.memory_space<vmem>> -> memref<1x128xi32, #tpu.memory_space<vmem>>
        %dma_wait3A_331 = tpu.memref_squeeze %dma_wait3A_330 : memref<1x128xi32, #tpu.memory_space<vmem>> -> memref<128xi32, #tpu.memory_space<vmem>>
        %dma_wait3A_332 = arith.constant 0 : i32
        %dma_wait3A_333 = arith.constant 0 : i32
        %dma_wait3A_334 = tpu.memref_slice %arg14[%dma_wait3A_332, %dma_wait3A_333] : memref<10240x64xf32, #tpu.memory_space<vmem_shared>> -> memref<10240x64xf32, #tpu.memory_space<vmem_shared>>
        tpu.wait_indirect_dma semaphore(%arg19 : memref<!tpu.dma_semaphore, #tpu.memory_space<semaphore_mem>>) src(%arg9 : memref<128x64xf32, #tpu.memory_space<vmem>>) dst(%dma_wait3A_334 : memref<10240x64xf32, #tpu.memory_space<vmem_shared>>)
      } else {
      }
      %lt3A_293 = arith.constant 40 : i32
      %lt3A_294 = arith.cmpi slt, %add3A_284, %lt3A_293 : i32
      %convert_element_type3A_295 = arith.extui %lt3A_294 : i1 to i32
      %cond3A_296 = arith.constant 0 : i32
      %cond3A_297 = arith.cmpi ne, %convert_element_type3A_295, %cond3A_296 : i32
      scf.if %cond3A_297 {
        %dma_start3A_329 = arith.constant 0 : i32
        %dma_start3A_330 = tpu.memref_slice %arg7[%add3A_284, %dma_start3A_329] : memref<40x128xi32, #tpu.memory_space<vmem>> -> memref<1x128xi32, #tpu.memory_space<vmem>>
        %dma_start3A_331 = tpu.memref_squeeze %dma_start3A_330 : memref<1x128xi32, #tpu.memory_space<vmem>> -> memref<128xi32, #tpu.memory_space<vmem>>
        %dma_start3A_332 = arith.constant 0 : i32
        %dma_start3A_333 = arith.constant 0 : i32
        %dma_start3A_334 = tpu.memref_slice %arg13[%dma_start3A_332, %dma_start3A_333] : memref<10240x64xf32, #tpu.memory_space<vmem_shared>> -> memref<10240x64xf32, #tpu.memory_space<vmem_shared>>
        tpu.enqueue_indirect_dma source(%dma_start3A_334 : memref<10240x64xf32, #tpu.memory_space<vmem_shared>>) target(%arg9 : memref<128x64xf32, #tpu.memory_space<vmem>>) offsets(%dma_start3A_331 : memref<128xi32, #tpu.memory_space<vmem>>) semaphore(%arg15 : memref<!tpu.dma_semaphore, #tpu.memory_space<semaphore_mem>>)
      } else {
      }
      %mul3A_298 = arith.constant 4 : i32
      %mul3A_299 = arith.muli %scan3A_210, %mul3A_298 : i32
      %add3A_300 = arith.constant 3 : i32
      %add3A_301 = arith.addi %mul3A_299, %add3A_300 : i32
      %dma_wait3A_302 = arith.constant 0 : i32
      %dma_wait3A_303 = tpu.memref_slice %arg7[%add3A_301, %dma_wait3A_302] : memref<40x128xi32, #tpu.memory_space<vmem>> -> memref<1x128xi32, #tpu.memory_space<vmem>>
      %dma_wait3A_304 = tpu.memref_squeeze %dma_wait3A_303 : memref<1x128xi32, #tpu.memory_space<vmem>> -> memref<128xi32, #tpu.memory_space<vmem>>
      %dma_wait3A_305 = arith.constant 0 : i32
      %dma_wait3A_306 = arith.constant 0 : i32
      %dma_wait3A_307 = tpu.memref_slice %arg13[%dma_wait3A_305, %dma_wait3A_306] : memref<10240x64xf32, #tpu.memory_space<vmem_shared>> -> memref<10240x64xf32, #tpu.memory_space<vmem_shared>>
      tpu.wait_indirect_dma semaphore(%arg18 : memref<!tpu.dma_semaphore, #tpu.memory_space<semaphore_mem>>) src(%dma_wait3A_307 : memref<10240x64xf32, #tpu.memory_space<vmem_shared>>) dst(%arg12 : memref<128x64xf32, #tpu.memory_space<vmem>>)
      %dma_start3A_308 = arith.constant 0 : i32
      %dma_start3A_309 = tpu.memref_slice %arg8[%add3A_301, %dma_start3A_308] : memref<40x128xi32, #tpu.memory_space<vmem>> -> memref<1x128xi32, #tpu.memory_space<vmem>>
      %dma_start3A_310 = tpu.memref_squeeze %dma_start3A_309 : memref<1x128xi32, #tpu.memory_space<vmem>> -> memref<128xi32, #tpu.memory_space<vmem>>
      %dma_start3A_311 = arith.constant 0 : i32
      %dma_start3A_312 = arith.constant 0 : i32
      %dma_start3A_313 = tpu.memref_slice %arg14[%dma_start3A_311, %dma_start3A_312] : memref<10240x64xf32, #tpu.memory_space<vmem_shared>> -> memref<10240x64xf32, #tpu.memory_space<vmem_shared>>
      tpu.enqueue_indirect_dma source(%arg12 : memref<128x64xf32, #tpu.memory_space<vmem>>) target(%dma_start3A_313 : memref<10240x64xf32, #tpu.memory_space<vmem_shared>>) offsets(%dma_start3A_310 : memref<128xi32, #tpu.memory_space<vmem>>) semaphore(%arg22 : memref<!tpu.dma_semaphore, #tpu.memory_space<semaphore_mem>>) {add = true}
      %add3A_314 = arith.constant 2 : i32
      %add3A_315 = arith.addi %add3A_301, %add3A_314 : i32
      %ge3A_316 = arith.constant 4 : i32
      %ge3A_317 = arith.cmpi sge, %add3A_315, %ge3A_316 : i32
      %lt3A_318 = arith.constant 40 : i32
      %lt3A_319 = arith.cmpi slt, %add3A_315, %lt3A_318 : i32
      %and3A_320 = arith.andi %ge3A_317, %lt3A_319 : i1
      %convert_element_type3A_321 = arith.extui %and3A_320 : i1 to i32
      %cond3A_322 = arith.constant 0 : i32
      %cond3A_323 = arith.cmpi ne, %convert_element_type3A_321, %cond3A_322 : i32
      scf.if %cond3A_323 {
        %dma_wait3A_329 = arith.constant 0 : i32
        %dma_wait3A_330 = tpu.memref_slice %arg8[%add3A_301, %dma_wait3A_329] : memref<40x128xi32, #tpu.memory_space<vmem>> -> memref<1x128xi32, #tpu.memory_space<vmem>>
        %dma_wait3A_331 = tpu.memref_squeeze %dma_wait3A_330 : memref<1x128xi32, #tpu.memory_space<vmem>> -> memref<128xi32, #tpu.memory_space<vmem>>
        %dma_wait3A_332 = arith.constant 0 : i32
        %dma_wait3A_333 = arith.constant 0 : i32
        %dma_wait3A_334 = tpu.memref_slice %arg14[%dma_wait3A_332, %dma_wait3A_333] : memref<10240x64xf32, #tpu.memory_space<vmem_shared>> -> memref<10240x64xf32, #tpu.memory_space<vmem_shared>>
        tpu.wait_indirect_dma semaphore(%arg20 : memref<!tpu.dma_semaphore, #tpu.memory_space<semaphore_mem>>) src(%arg10 : memref<128x64xf32, #tpu.memory_space<vmem>>) dst(%dma_wait3A_334 : memref<10240x64xf32, #tpu.memory_space<vmem_shared>>)
      } else {
      }
      %lt3A_324 = arith.constant 40 : i32
      %lt3A_325 = arith.cmpi slt, %add3A_315, %lt3A_324 : i32
      %convert_element_type3A_326 = arith.extui %lt3A_325 : i1 to i32
      %cond3A_327 = arith.constant 0 : i32
      %cond3A_328 = arith.cmpi ne, %convert_element_type3A_326, %cond3A_327 : i32
      scf.if %cond3A_328 {
        %dma_start3A_329 = arith.constant 0 : i32
        %dma_start3A_330 = tpu.memref_slice %arg7[%add3A_315, %dma_start3A_329] : memref<40x128xi32, #tpu.memory_space<vmem>> -> memref<1x128xi32, #tpu.memory_space<vmem>>
        %dma_start3A_331 = tpu.memref_squeeze %dma_start3A_330 : memref<1x128xi32, #tpu.memory_space<vmem>> -> memref<128xi32, #tpu.memory_space<vmem>>
        %dma_start3A_332 = arith.constant 0 : i32
        %dma_start3A_333 = arith.constant 0 : i32
        %dma_start3A_334 = tpu.memref_slice %arg13[%dma_start3A_332, %dma_start3A_333] : memref<10240x64xf32, #tpu.memory_space<vmem_shared>> -> memref<10240x64xf32, #tpu.memory_space<vmem_shared>>
        tpu.enqueue_indirect_dma source(%dma_start3A_334 : memref<10240x64xf32, #tpu.memory_space<vmem_shared>>) target(%arg10 : memref<128x64xf32, #tpu.memory_space<vmem>>) offsets(%dma_start3A_331 : memref<128xi32, #tpu.memory_space<vmem>>) semaphore(%arg16 : memref<!tpu.dma_semaphore, #tpu.memory_space<semaphore_mem>>)
      } else {
      }
    }
    %scan3A_124 = arith.constant 10 : i32
    %dma_wait3A_125 = arith.constant 0 : i32
    %dma_wait3A_126 = arith.constant 0 : i32
    %dma_wait3A_127 = tpu.memref_slice %arg8[%dma_wait3A_125, %dma_wait3A_126] : memref<40x128xi32, #tpu.memory_space<vmem>> -> memref<1x128xi32, #tpu.memory_space<vmem>>
    %dma_wait3A_128 = tpu.memref_squeeze %dma_wait3A_127 : memref<1x128xi32, #tpu.memory_space<vmem>> -> memref<128xi32, #tpu.memory_space<vmem>>
    %dma_wait3A_129 = arith.constant 0 : i32
    %dma_wait3A_130 = arith.constant 0 : i32
    %dma_wait3A_131 = tpu.memref_slice %arg14[%dma_wait3A_129, %dma_wait3A_130] : memref<10240x64xf32, #tpu.memory_space<vmem_shared>> -> memref<10240x64xf32, #tpu.memory_space<vmem_shared>>
    tpu.wait_indirect_dma semaphore(%arg19 : memref<!tpu.dma_semaphore, #tpu.memory_space<semaphore_mem>>) src(%arg9 : memref<128x64xf32, #tpu.memory_space<vmem>>) dst(%dma_wait3A_131 : memref<10240x64xf32, #tpu.memory_space<vmem_shared>>)
    %dma_wait3A_132 = arith.constant 1 : i32
    %dma_wait3A_133 = arith.constant 0 : i32
    %dma_wait3A_134 = tpu.memref_slice %arg8[%dma_wait3A_132, %dma_wait3A_133] : memref<40x128xi32, #tpu.memory_space<vmem>> -> memref<1x128xi32, #tpu.memory_space<vmem>>
    %dma_wait3A_135 = tpu.memref_squeeze %dma_wait3A_134 : memref<1x128xi32, #tpu.memory_space<vmem>> -> memref<128xi32, #tpu.memory_space<vmem>>
    %dma_wait3A_136 = arith.constant 0 : i32
    %dma_wait3A_137 = arith.constant 0 : i32
    %dma_wait3A_138 = tpu.memref_slice %arg14[%dma_wait3A_136, %dma_wait3A_137] : memref<10240x64xf32, #tpu.memory_space<vmem_shared>> -> memref<10240x64xf32, #tpu.memory_space<vmem_shared>>
    tpu.wait_indirect_dma semaphore(%arg20 : memref<!tpu.dma_semaphore, #tpu.memory_space<semaphore_mem>>) src(%arg10 : memref<128x64xf32, #tpu.memory_space<vmem>>) dst(%dma_wait3A_138 : memref<10240x64xf32, #tpu.memory_space<vmem_shared>>)
    %dma_wait3A_139 = arith.constant 2 : i32
    %dma_wait3A_140 = arith.constant 0 : i32
    %dma_wait3A_141 = tpu.memref_slice %arg8[%dma_wait3A_139, %dma_wait3A_140] : memref<40x128xi32, #tpu.memory_space<vmem>> -> memref<1x128xi32, #tpu.memory_space<vmem>>
    %dma_wait3A_142 = tpu.memref_squeeze %dma_wait3A_141 : memref<1x128xi32, #tpu.memory_space<vmem>> -> memref<128xi32, #tpu.memory_space<vmem>>
    %dma_wait3A_143 = arith.constant 0 : i32
    %dma_wait3A_144 = arith.constant 0 : i32
    %dma_wait3A_145 = tpu.memref_slice %arg14[%dma_wait3A_143, %dma_wait3A_144] : memref<10240x64xf32, #tpu.memory_space<vmem_shared>> -> memref<10240x64xf32, #tpu.memory_space<vmem_shared>>
    tpu.wait_indirect_dma semaphore(%arg21 : memref<!tpu.dma_semaphore, #tpu.memory_space<semaphore_mem>>) src(%arg11 : memref<128x64xf32, #tpu.memory_space<vmem>>) dst(%dma_wait3A_145 : memref<10240x64xf32, #tpu.memory_space<vmem_shared>>)
    %dma_wait3A_146 = arith.constant 3 : i32
    %dma_wait3A_147 = arith.constant 0 : i32
    %dma_wait3A_148 = tpu.memref_slice %arg8[%dma_wait3A_146, %dma_wait3A_147] : memref<40x128xi32, #tpu.memory_space<vmem>> -> memref<1x128xi32, #tpu.memory_space<vmem>>
    %dma_wait3A_149 = tpu.memref_squeeze %dma_wait3A_148 : memref<1x128xi32, #tpu.memory_space<vmem>> -> memref<128xi32, #tpu.memory_space<vmem>>
    %dma_wait3A_150 = arith.constant 0 : i32
    %dma_wait3A_151 = arith.constant 0 : i32
    %dma_wait3A_152 = tpu.memref_slice %arg14[%dma_wait3A_150, %dma_wait3A_151] : memref<10240x64xf32, #tpu.memory_space<vmem_shared>> -> memref<10240x64xf32, #tpu.memory_space<vmem_shared>>
    tpu.wait_indirect_dma semaphore(%arg22 : memref<!tpu.dma_semaphore, #tpu.memory_space<semaphore_mem>>) src(%arg12 : memref<128x64xf32, #tpu.memory_space<vmem>>) dst(%dma_wait3A_152 : memref<10240x64xf32, #tpu.memory_space<vmem_shared>>)
    %run_scoped3A_153 = arith.constant 3 : i32
    "tpu.region"() ({
      %run_scoped3A_210 = tpu.sem_alloc : memref<!tpu.dma_semaphore, #tpu.memory_space<semaphore_mem>>
      %dma_start3A_211 = arith.constant 0 : i32
      %dma_start3A_212 = arith.constant 0 : i32
      %dma_start3A_213 = tpu.memref_slice %arg3[%arg1, %run_scoped3A_153, %dma_start3A_211, %dma_start3A_212] : memref<16x4x40x128xi32, #tpu.memory_space<hbm>> -> memref<1x1x40x128xi32, #tpu.memory_space<hbm>>
      %dma_start3A_214 = tpu.memref_squeeze %dma_start3A_213 : memref<1x1x40x128xi32, #tpu.memory_space<hbm>> -> memref<40x128xi32, #tpu.memory_space<hbm>>
      %dma_start3A_215 = arith.constant 0 : i32
      %dma_start3A_216 = arith.constant 0 : i32
      %dma_start3A_217 = tpu.memref_slice %arg3[%arg1, %run_scoped3A_153, %dma_start3A_215, %dma_start3A_216] : memref<16x4x40x128xi32, #tpu.memory_space<hbm>> -> memref<1x1x40x128xi32, #tpu.memory_space<hbm>>
      %dma_start3A_218 = tpu.memref_squeeze %dma_start3A_217 : memref<1x1x40x128xi32, #tpu.memory_space<hbm>> -> memref<40x128xi32, #tpu.memory_space<hbm>>
      tpu.enqueue_dma source(%dma_start3A_218 : memref<40x128xi32, #tpu.memory_space<hbm>>) target(%arg7 : memref<40x128xi32, #tpu.memory_space<vmem>>) target_semaphore(%run_scoped3A_210 : memref<!tpu.dma_semaphore, #tpu.memory_space<semaphore_mem>>)
      %dma_wait3A_219 = arith.constant 0 : i32
      %dma_wait3A_220 = arith.constant 0 : i32
      %dma_wait3A_221 = tpu.memref_slice %arg3[%arg1, %run_scoped3A_153, %dma_wait3A_219, %dma_wait3A_220] : memref<16x4x40x128xi32, #tpu.memory_space<hbm>> -> memref<1x1x40x128xi32, #tpu.memory_space<hbm>>
      %dma_wait3A_222 = tpu.memref_squeeze %dma_wait3A_221 : memref<1x1x40x128xi32, #tpu.memory_space<hbm>> -> memref<40x128xi32, #tpu.memory_space<hbm>>
      %dma_wait3A_223 = arith.constant 0 : i32
      %dma_wait3A_224 = arith.constant 0 : i32
      %dma_wait3A_225 = tpu.memref_slice %arg3[%arg1, %run_scoped3A_153, %dma_wait3A_223, %dma_wait3A_224] : memref<16x4x40x128xi32, #tpu.memory_space<hbm>> -> memref<1x1x40x128xi32, #tpu.memory_space<hbm>>
      %dma_wait3A_226 = tpu.memref_squeeze %dma_wait3A_225 : memref<1x1x40x128xi32, #tpu.memory_space<hbm>> -> memref<40x128xi32, #tpu.memory_space<hbm>>
      tpu.wait_dma2 semaphore(%run_scoped3A_210 : memref<!tpu.dma_semaphore, #tpu.memory_space<semaphore_mem>>) src(%dma_wait3A_226 : memref<40x128xi32, #tpu.memory_space<hbm>>) dst(%arg7 : memref<40x128xi32, #tpu.memory_space<vmem>>)
      tpu.yield
    }) : () -> ()
    %run_scoped3A_154 = arith.constant 3 : i32
    "tpu.region"() ({
      %run_scoped3A_210 = tpu.sem_alloc : memref<!tpu.dma_semaphore, #tpu.memory_space<semaphore_mem>>
      %dma_start3A_211 = arith.constant 0 : i32
      %dma_start3A_212 = arith.constant 0 : i32
      %dma_start3A_213 = tpu.memref_slice %arg4[%arg1, %run_scoped3A_154, %dma_start3A_211, %dma_start3A_212] : memref<16x4x40x128xi32, #tpu.memory_space<hbm>> -> memref<1x1x40x128xi32, #tpu.memory_space<hbm>>
      %dma_start3A_214 = tpu.memref_squeeze %dma_start3A_213 : memref<1x1x40x128xi32, #tpu.memory_space<hbm>> -> memref<40x128xi32, #tpu.memory_space<hbm>>
      %dma_start3A_215 = arith.constant 0 : i32
      %dma_start3A_216 = arith.constant 0 : i32
      %dma_start3A_217 = tpu.memref_slice %arg4[%arg1, %run_scoped3A_154, %dma_start3A_215, %dma_start3A_216] : memref<16x4x40x128xi32, #tpu.memory_space<hbm>> -> memref<1x1x40x128xi32, #tpu.memory_space<hbm>>
      %dma_start3A_218 = tpu.memref_squeeze %dma_start3A_217 : memref<1x1x40x128xi32, #tpu.memory_space<hbm>> -> memref<40x128xi32, #tpu.memory_space<hbm>>
      tpu.enqueue_dma source(%dma_start3A_218 : memref<40x128xi32, #tpu.memory_space<hbm>>) target(%arg8 : memref<40x128xi32, #tpu.memory_space<vmem>>) target_semaphore(%run_scoped3A_210 : memref<!tpu.dma_semaphore, #tpu.memory_space<semaphore_mem>>)
      %dma_wait3A_219 = arith.constant 0 : i32
      %dma_wait3A_220 = arith.constant 0 : i32
      %dma_wait3A_221 = tpu.memref_slice %arg4[%arg1, %run_scoped3A_154, %dma_wait3A_219, %dma_wait3A_220] : memref<16x4x40x128xi32, #tpu.memory_space<hbm>> -> memref<1x1x40x128xi32, #tpu.memory_space<hbm>>
      %dma_wait3A_222 = tpu.memref_squeeze %dma_wait3A_221 : memref<1x1x40x128xi32, #tpu.memory_space<hbm>> -> memref<40x128xi32, #tpu.memory_space<hbm>>
      %dma_wait3A_223 = arith.constant 0 : i32
      %dma_wait3A_224 = arith.constant 0 : i32
      %dma_wait3A_225 = tpu.memref_slice %arg4[%arg1, %run_scoped3A_154, %dma_wait3A_223, %dma_wait3A_224] : memref<16x4x40x128xi32, #tpu.memory_space<hbm>> -> memref<1x1x40x128xi32, #tpu.memory_space<hbm>>
      %dma_wait3A_226 = tpu.memref_squeeze %dma_wait3A_225 : memref<1x1x40x128xi32, #tpu.memory_space<hbm>> -> memref<40x128xi32, #tpu.memory_space<hbm>>
      tpu.wait_dma2 semaphore(%run_scoped3A_210 : memref<!tpu.dma_semaphore, #tpu.memory_space<semaphore_mem>>) src(%dma_wait3A_226 : memref<40x128xi32, #tpu.memory_space<hbm>>) dst(%arg8 : memref<40x128xi32, #tpu.memory_space<vmem>>)
      tpu.yield
    }) : () -> ()
    %dma_start3A_155 = arith.constant 0 : i32
    %dma_start3A_156 = arith.constant 0 : i32
    %dma_start3A_157 = tpu.memref_slice %arg7[%dma_start3A_155, %dma_start3A_156] : memref<40x128xi32, #tpu.memory_space<vmem>> -> memref<1x128xi32, #tpu.memory_space<vmem>>
    %dma_start3A_158 = tpu.memref_squeeze %dma_start3A_157 : memref<1x128xi32, #tpu.memory_space<vmem>> -> memref<128xi32, #tpu.memory_space<vmem>>
    %dma_start3A_159 = arith.constant 0 : i32
    %dma_start3A_160 = arith.constant 0 : i32
    %dma_start3A_161 = tpu.memref_slice %arg13[%dma_start3A_159, %dma_start3A_160] : memref<10240x64xf32, #tpu.memory_space<vmem_shared>> -> memref<10240x64xf32, #tpu.memory_space<vmem_shared>>
    tpu.enqueue_indirect_dma source(%dma_start3A_161 : memref<10240x64xf32, #tpu.memory_space<vmem_shared>>) target(%arg9 : memref<128x64xf32, #tpu.memory_space<vmem>>) offsets(%dma_start3A_158 : memref<128xi32, #tpu.memory_space<vmem>>) semaphore(%arg15 : memref<!tpu.dma_semaphore, #tpu.memory_space<semaphore_mem>>)
    %dma_start3A_162 = arith.constant 1 : i32
    %dma_start3A_163 = arith.constant 0 : i32
    %dma_start3A_164 = tpu.memref_slice %arg7[%dma_start3A_162, %dma_start3A_163] : memref<40x128xi32, #tpu.memory_space<vmem>> -> memref<1x128xi32, #tpu.memory_space<vmem>>
    %dma_start3A_165 = tpu.memref_squeeze %dma_start3A_164 : memref<1x128xi32, #tpu.memory_space<vmem>> -> memref<128xi32, #tpu.memory_space<vmem>>
    %dma_start3A_166 = arith.constant 0 : i32
    %dma_start3A_167 = arith.constant 0 : i32
    %dma_start3A_168 = tpu.memref_slice %arg13[%dma_start3A_166, %dma_start3A_167] : memref<10240x64xf32, #tpu.memory_space<vmem_shared>> -> memref<10240x64xf32, #tpu.memory_space<vmem_shared>>
    tpu.enqueue_indirect_dma source(%dma_start3A_168 : memref<10240x64xf32, #tpu.memory_space<vmem_shared>>) target(%arg10 : memref<128x64xf32, #tpu.memory_space<vmem>>) offsets(%dma_start3A_165 : memref<128xi32, #tpu.memory_space<vmem>>) semaphore(%arg16 : memref<!tpu.dma_semaphore, #tpu.memory_space<semaphore_mem>>)
    %scan3A_169 = arith.constant 0 : i32
    %scan3A_170 = arith.constant 0 : i32
    %scan3A_171 = arith.constant 10 : i32
    %scan3A_172 = arith.addi %scan3A_170, %scan3A_171 : i32
    %scan3A_173 = arith.constant 1 : i32
    scf.for %scan3A_210 = %scan3A_170 to %scan3A_172 step %scan3A_173  : i32 {
      %mul3A_211 = arith.constant 4 : i32
      %mul3A_212 = arith.muli %scan3A_210, %mul3A_211 : i32
      %add3A = arith.constant 0 : i32
      %add3A_213 = arith.addi %mul3A_212, %add3A : i32
      %dma_wait3A_214 = arith.constant 0 : i32
      %dma_wait3A_215 = tpu.memref_slice %arg7[%add3A_213, %dma_wait3A_214] : memref<40x128xi32, #tpu.memory_space<vmem>> -> memref<1x128xi32, #tpu.memory_space<vmem>>
      %dma_wait3A_216 = tpu.memref_squeeze %dma_wait3A_215 : memref<1x128xi32, #tpu.memory_space<vmem>> -> memref<128xi32, #tpu.memory_space<vmem>>
      %dma_wait3A_217 = arith.constant 0 : i32
      %dma_wait3A_218 = arith.constant 0 : i32
      %dma_wait3A_219 = tpu.memref_slice %arg13[%dma_wait3A_217, %dma_wait3A_218] : memref<10240x64xf32, #tpu.memory_space<vmem_shared>> -> memref<10240x64xf32, #tpu.memory_space<vmem_shared>>
      tpu.wait_indirect_dma semaphore(%arg15 : memref<!tpu.dma_semaphore, #tpu.memory_space<semaphore_mem>>) src(%dma_wait3A_219 : memref<10240x64xf32, #tpu.memory_space<vmem_shared>>) dst(%arg9 : memref<128x64xf32, #tpu.memory_space<vmem>>)
      %dma_start3A_220 = arith.constant 0 : i32
      %dma_start3A_221 = tpu.memref_slice %arg8[%add3A_213, %dma_start3A_220] : memref<40x128xi32, #tpu.memory_space<vmem>> -> memref<1x128xi32, #tpu.memory_space<vmem>>
      %dma_start3A_222 = tpu.memref_squeeze %dma_start3A_221 : memref<1x128xi32, #tpu.memory_space<vmem>> -> memref<128xi32, #tpu.memory_space<vmem>>
      %dma_start3A_223 = arith.constant 0 : i32
      %dma_start3A_224 = arith.constant 0 : i32
      %dma_start3A_225 = tpu.memref_slice %arg14[%dma_start3A_223, %dma_start3A_224] : memref<10240x64xf32, #tpu.memory_space<vmem_shared>> -> memref<10240x64xf32, #tpu.memory_space<vmem_shared>>
      tpu.enqueue_indirect_dma source(%arg9 : memref<128x64xf32, #tpu.memory_space<vmem>>) target(%dma_start3A_225 : memref<10240x64xf32, #tpu.memory_space<vmem_shared>>) offsets(%dma_start3A_222 : memref<128xi32, #tpu.memory_space<vmem>>) semaphore(%arg19 : memref<!tpu.dma_semaphore, #tpu.memory_space<semaphore_mem>>) {add = true}
      %add3A_226 = arith.constant 2 : i32
      %add3A_227 = arith.addi %add3A_213, %add3A_226 : i32
      %ge3A = arith.constant 4 : i32
      %ge3A_228 = arith.cmpi sge, %add3A_227, %ge3A : i32
      %lt3A = arith.constant 40 : i32
      %lt3A_229 = arith.cmpi slt, %add3A_227, %lt3A : i32
      %and3A = arith.andi %ge3A_228, %lt3A_229 : i1
      %convert_element_type3A = arith.extui %and3A : i1 to i32
      %cond3A = arith.constant 0 : i32
      %cond3A_230 = arith.cmpi ne, %convert_element_type3A, %cond3A : i32
      scf.if %cond3A_230 {
        %dma_wait3A_329 = arith.constant 0 : i32
        %dma_wait3A_330 = tpu.memref_slice %arg8[%add3A_213, %dma_wait3A_329] : memref<40x128xi32, #tpu.memory_space<vmem>> -> memref<1x128xi32, #tpu.memory_space<vmem>>
        %dma_wait3A_331 = tpu.memref_squeeze %dma_wait3A_330 : memref<1x128xi32, #tpu.memory_space<vmem>> -> memref<128xi32, #tpu.memory_space<vmem>>
        %dma_wait3A_332 = arith.constant 0 : i32
        %dma_wait3A_333 = arith.constant 0 : i32
        %dma_wait3A_334 = tpu.memref_slice %arg14[%dma_wait3A_332, %dma_wait3A_333] : memref<10240x64xf32, #tpu.memory_space<vmem_shared>> -> memref<10240x64xf32, #tpu.memory_space<vmem_shared>>
        tpu.wait_indirect_dma semaphore(%arg21 : memref<!tpu.dma_semaphore, #tpu.memory_space<semaphore_mem>>) src(%arg11 : memref<128x64xf32, #tpu.memory_space<vmem>>) dst(%dma_wait3A_334 : memref<10240x64xf32, #tpu.memory_space<vmem_shared>>)
      } else {
      }
      %lt3A_231 = arith.constant 40 : i32
      %lt3A_232 = arith.cmpi slt, %add3A_227, %lt3A_231 : i32
      %convert_element_type3A_233 = arith.extui %lt3A_232 : i1 to i32
      %cond3A_234 = arith.constant 0 : i32
      %cond3A_235 = arith.cmpi ne, %convert_element_type3A_233, %cond3A_234 : i32
      scf.if %cond3A_235 {
        %dma_start3A_329 = arith.constant 0 : i32
        %dma_start3A_330 = tpu.memref_slice %arg7[%add3A_227, %dma_start3A_329] : memref<40x128xi32, #tpu.memory_space<vmem>> -> memref<1x128xi32, #tpu.memory_space<vmem>>
        %dma_start3A_331 = tpu.memref_squeeze %dma_start3A_330 : memref<1x128xi32, #tpu.memory_space<vmem>> -> memref<128xi32, #tpu.memory_space<vmem>>
        %dma_start3A_332 = arith.constant 0 : i32
        %dma_start3A_333 = arith.constant 0 : i32
        %dma_start3A_334 = tpu.memref_slice %arg13[%dma_start3A_332, %dma_start3A_333] : memref<10240x64xf32, #tpu.memory_space<vmem_shared>> -> memref<10240x64xf32, #tpu.memory_space<vmem_shared>>
        tpu.enqueue_indirect_dma source(%dma_start3A_334 : memref<10240x64xf32, #tpu.memory_space<vmem_shared>>) target(%arg11 : memref<128x64xf32, #tpu.memory_space<vmem>>) offsets(%dma_start3A_331 : memref<128xi32, #tpu.memory_space<vmem>>) semaphore(%arg17 : memref<!tpu.dma_semaphore, #tpu.memory_space<semaphore_mem>>)
      } else {
      }
      %mul3A_236 = arith.constant 4 : i32
      %mul3A_237 = arith.muli %scan3A_210, %mul3A_236 : i32
      %add3A_238 = arith.constant 1 : i32
      %add3A_239 = arith.addi %mul3A_237, %add3A_238 : i32
      %dma_wait3A_240 = arith.constant 0 : i32
      %dma_wait3A_241 = tpu.memref_slice %arg7[%add3A_239, %dma_wait3A_240] : memref<40x128xi32, #tpu.memory_space<vmem>> -> memref<1x128xi32, #tpu.memory_space<vmem>>
      %dma_wait3A_242 = tpu.memref_squeeze %dma_wait3A_241 : memref<1x128xi32, #tpu.memory_space<vmem>> -> memref<128xi32, #tpu.memory_space<vmem>>
      %dma_wait3A_243 = arith.constant 0 : i32
      %dma_wait3A_244 = arith.constant 0 : i32
      %dma_wait3A_245 = tpu.memref_slice %arg13[%dma_wait3A_243, %dma_wait3A_244] : memref<10240x64xf32, #tpu.memory_space<vmem_shared>> -> memref<10240x64xf32, #tpu.memory_space<vmem_shared>>
      tpu.wait_indirect_dma semaphore(%arg16 : memref<!tpu.dma_semaphore, #tpu.memory_space<semaphore_mem>>) src(%dma_wait3A_245 : memref<10240x64xf32, #tpu.memory_space<vmem_shared>>) dst(%arg10 : memref<128x64xf32, #tpu.memory_space<vmem>>)
      %dma_start3A_246 = arith.constant 0 : i32
      %dma_start3A_247 = tpu.memref_slice %arg8[%add3A_239, %dma_start3A_246] : memref<40x128xi32, #tpu.memory_space<vmem>> -> memref<1x128xi32, #tpu.memory_space<vmem>>
      %dma_start3A_248 = tpu.memref_squeeze %dma_start3A_247 : memref<1x128xi32, #tpu.memory_space<vmem>> -> memref<128xi32, #tpu.memory_space<vmem>>
      %dma_start3A_249 = arith.constant 0 : i32
      %dma_start3A_250 = arith.constant 0 : i32
      %dma_start3A_251 = tpu.memref_slice %arg14[%dma_start3A_249, %dma_start3A_250] : memref<10240x64xf32, #tpu.memory_space<vmem_shared>> -> memref<10240x64xf32, #tpu.memory_space<vmem_shared>>
      tpu.enqueue_indirect_dma source(%arg10 : memref<128x64xf32, #tpu.memory_space<vmem>>) target(%dma_start3A_251 : memref<10240x64xf32, #tpu.memory_space<vmem_shared>>) offsets(%dma_start3A_248 : memref<128xi32, #tpu.memory_space<vmem>>) semaphore(%arg20 : memref<!tpu.dma_semaphore, #tpu.memory_space<semaphore_mem>>) {add = true}
      %add3A_252 = arith.constant 2 : i32
      %add3A_253 = arith.addi %add3A_239, %add3A_252 : i32
      %ge3A_254 = arith.constant 4 : i32
      %ge3A_255 = arith.cmpi sge, %add3A_253, %ge3A_254 : i32
      %lt3A_256 = arith.constant 40 : i32
      %lt3A_257 = arith.cmpi slt, %add3A_253, %lt3A_256 : i32
      %and3A_258 = arith.andi %ge3A_255, %lt3A_257 : i1
      %convert_element_type3A_259 = arith.extui %and3A_258 : i1 to i32
      %cond3A_260 = arith.constant 0 : i32
      %cond3A_261 = arith.cmpi ne, %convert_element_type3A_259, %cond3A_260 : i32
      scf.if %cond3A_261 {
        %dma_wait3A_329 = arith.constant 0 : i32
        %dma_wait3A_330 = tpu.memref_slice %arg8[%add3A_239, %dma_wait3A_329] : memref<40x128xi32, #tpu.memory_space<vmem>> -> memref<1x128xi32, #tpu.memory_space<vmem>>
        %dma_wait3A_331 = tpu.memref_squeeze %dma_wait3A_330 : memref<1x128xi32, #tpu.memory_space<vmem>> -> memref<128xi32, #tpu.memory_space<vmem>>
        %dma_wait3A_332 = arith.constant 0 : i32
        %dma_wait3A_333 = arith.constant 0 : i32
        %dma_wait3A_334 = tpu.memref_slice %arg14[%dma_wait3A_332, %dma_wait3A_333] : memref<10240x64xf32, #tpu.memory_space<vmem_shared>> -> memref<10240x64xf32, #tpu.memory_space<vmem_shared>>
        tpu.wait_indirect_dma semaphore(%arg22 : memref<!tpu.dma_semaphore, #tpu.memory_space<semaphore_mem>>) src(%arg12 : memref<128x64xf32, #tpu.memory_space<vmem>>) dst(%dma_wait3A_334 : memref<10240x64xf32, #tpu.memory_space<vmem_shared>>)
      } else {
      }
      %lt3A_262 = arith.constant 40 : i32
      %lt3A_263 = arith.cmpi slt, %add3A_253, %lt3A_262 : i32
      %convert_element_type3A_264 = arith.extui %lt3A_263 : i1 to i32
      %cond3A_265 = arith.constant 0 : i32
      %cond3A_266 = arith.cmpi ne, %convert_element_type3A_264, %cond3A_265 : i32
      scf.if %cond3A_266 {
        %dma_start3A_329 = arith.constant 0 : i32
        %dma_start3A_330 = tpu.memref_slice %arg7[%add3A_253, %dma_start3A_329] : memref<40x128xi32, #tpu.memory_space<vmem>> -> memref<1x128xi32, #tpu.memory_space<vmem>>
        %dma_start3A_331 = tpu.memref_squeeze %dma_start3A_330 : memref<1x128xi32, #tpu.memory_space<vmem>> -> memref<128xi32, #tpu.memory_space<vmem>>
        %dma_start3A_332 = arith.constant 0 : i32
        %dma_start3A_333 = arith.constant 0 : i32
        %dma_start3A_334 = tpu.memref_slice %arg13[%dma_start3A_332, %dma_start3A_333] : memref<10240x64xf32, #tpu.memory_space<vmem_shared>> -> memref<10240x64xf32, #tpu.memory_space<vmem_shared>>
        tpu.enqueue_indirect_dma source(%dma_start3A_334 : memref<10240x64xf32, #tpu.memory_space<vmem_shared>>) target(%arg12 : memref<128x64xf32, #tpu.memory_space<vmem>>) offsets(%dma_start3A_331 : memref<128xi32, #tpu.memory_space<vmem>>) semaphore(%arg18 : memref<!tpu.dma_semaphore, #tpu.memory_space<semaphore_mem>>)
      } else {
      }
      %mul3A_267 = arith.constant 4 : i32
      %mul3A_268 = arith.muli %scan3A_210, %mul3A_267 : i32
      %add3A_269 = arith.constant 2 : i32
      %add3A_270 = arith.addi %mul3A_268, %add3A_269 : i32
      %dma_wait3A_271 = arith.constant 0 : i32
      %dma_wait3A_272 = tpu.memref_slice %arg7[%add3A_270, %dma_wait3A_271] : memref<40x128xi32, #tpu.memory_space<vmem>> -> memref<1x128xi32, #tpu.memory_space<vmem>>
      %dma_wait3A_273 = tpu.memref_squeeze %dma_wait3A_272 : memref<1x128xi32, #tpu.memory_space<vmem>> -> memref<128xi32, #tpu.memory_space<vmem>>
      %dma_wait3A_274 = arith.constant 0 : i32
      %dma_wait3A_275 = arith.constant 0 : i32
      %dma_wait3A_276 = tpu.memref_slice %arg13[%dma_wait3A_274, %dma_wait3A_275] : memref<10240x64xf32, #tpu.memory_space<vmem_shared>> -> memref<10240x64xf32, #tpu.memory_space<vmem_shared>>
      tpu.wait_indirect_dma semaphore(%arg17 : memref<!tpu.dma_semaphore, #tpu.memory_space<semaphore_mem>>) src(%dma_wait3A_276 : memref<10240x64xf32, #tpu.memory_space<vmem_shared>>) dst(%arg11 : memref<128x64xf32, #tpu.memory_space<vmem>>)
      %dma_start3A_277 = arith.constant 0 : i32
      %dma_start3A_278 = tpu.memref_slice %arg8[%add3A_270, %dma_start3A_277] : memref<40x128xi32, #tpu.memory_space<vmem>> -> memref<1x128xi32, #tpu.memory_space<vmem>>
      %dma_start3A_279 = tpu.memref_squeeze %dma_start3A_278 : memref<1x128xi32, #tpu.memory_space<vmem>> -> memref<128xi32, #tpu.memory_space<vmem>>
      %dma_start3A_280 = arith.constant 0 : i32
      %dma_start3A_281 = arith.constant 0 : i32
      %dma_start3A_282 = tpu.memref_slice %arg14[%dma_start3A_280, %dma_start3A_281] : memref<10240x64xf32, #tpu.memory_space<vmem_shared>> -> memref<10240x64xf32, #tpu.memory_space<vmem_shared>>
      tpu.enqueue_indirect_dma source(%arg11 : memref<128x64xf32, #tpu.memory_space<vmem>>) target(%dma_start3A_282 : memref<10240x64xf32, #tpu.memory_space<vmem_shared>>) offsets(%dma_start3A_279 : memref<128xi32, #tpu.memory_space<vmem>>) semaphore(%arg21 : memref<!tpu.dma_semaphore, #tpu.memory_space<semaphore_mem>>) {add = true}
      %add3A_283 = arith.constant 2 : i32
      %add3A_284 = arith.addi %add3A_270, %add3A_283 : i32
      %ge3A_285 = arith.constant 4 : i32
      %ge3A_286 = arith.cmpi sge, %add3A_284, %ge3A_285 : i32
      %lt3A_287 = arith.constant 40 : i32
      %lt3A_288 = arith.cmpi slt, %add3A_284, %lt3A_287 : i32
      %and3A_289 = arith.andi %ge3A_286, %lt3A_288 : i1
      %convert_element_type3A_290 = arith.extui %and3A_289 : i1 to i32
      %cond3A_291 = arith.constant 0 : i32
      %cond3A_292 = arith.cmpi ne, %convert_element_type3A_290, %cond3A_291 : i32
      scf.if %cond3A_292 {
        %dma_wait3A_329 = arith.constant 0 : i32
        %dma_wait3A_330 = tpu.memref_slice %arg8[%add3A_270, %dma_wait3A_329] : memref<40x128xi32, #tpu.memory_space<vmem>> -> memref<1x128xi32, #tpu.memory_space<vmem>>
        %dma_wait3A_331 = tpu.memref_squeeze %dma_wait3A_330 : memref<1x128xi32, #tpu.memory_space<vmem>> -> memref<128xi32, #tpu.memory_space<vmem>>
        %dma_wait3A_332 = arith.constant 0 : i32
        %dma_wait3A_333 = arith.constant 0 : i32
        %dma_wait3A_334 = tpu.memref_slice %arg14[%dma_wait3A_332, %dma_wait3A_333] : memref<10240x64xf32, #tpu.memory_space<vmem_shared>> -> memref<10240x64xf32, #tpu.memory_space<vmem_shared>>
        tpu.wait_indirect_dma semaphore(%arg19 : memref<!tpu.dma_semaphore, #tpu.memory_space<semaphore_mem>>) src(%arg9 : memref<128x64xf32, #tpu.memory_space<vmem>>) dst(%dma_wait3A_334 : memref<10240x64xf32, #tpu.memory_space<vmem_shared>>)
      } else {
      }
      %lt3A_293 = arith.constant 40 : i32
      %lt3A_294 = arith.cmpi slt, %add3A_284, %lt3A_293 : i32
      %convert_element_type3A_295 = arith.extui %lt3A_294 : i1 to i32
      %cond3A_296 = arith.constant 0 : i32
      %cond3A_297 = arith.cmpi ne, %convert_element_type3A_295, %cond3A_296 : i32
      scf.if %cond3A_297 {
        %dma_start3A_329 = arith.constant 0 : i32
        %dma_start3A_330 = tpu.memref_slice %arg7[%add3A_284, %dma_start3A_329] : memref<40x128xi32, #tpu.memory_space<vmem>> -> memref<1x128xi32, #tpu.memory_space<vmem>>
        %dma_start3A_331 = tpu.memref_squeeze %dma_start3A_330 : memref<1x128xi32, #tpu.memory_space<vmem>> -> memref<128xi32, #tpu.memory_space<vmem>>
        %dma_start3A_332 = arith.constant 0 : i32
        %dma_start3A_333 = arith.constant 0 : i32
        %dma_start3A_334 = tpu.memref_slice %arg13[%dma_start3A_332, %dma_start3A_333] : memref<10240x64xf32, #tpu.memory_space<vmem_shared>> -> memref<10240x64xf32, #tpu.memory_space<vmem_shared>>
        tpu.enqueue_indirect_dma source(%dma_start3A_334 : memref<10240x64xf32, #tpu.memory_space<vmem_shared>>) target(%arg9 : memref<128x64xf32, #tpu.memory_space<vmem>>) offsets(%dma_start3A_331 : memref<128xi32, #tpu.memory_space<vmem>>) semaphore(%arg15 : memref<!tpu.dma_semaphore, #tpu.memory_space<semaphore_mem>>)
      } else {
      }
      %mul3A_298 = arith.constant 4 : i32
      %mul3A_299 = arith.muli %scan3A_210, %mul3A_298 : i32
      %add3A_300 = arith.constant 3 : i32
      %add3A_301 = arith.addi %mul3A_299, %add3A_300 : i32
      %dma_wait3A_302 = arith.constant 0 : i32
      %dma_wait3A_303 = tpu.memref_slice %arg7[%add3A_301, %dma_wait3A_302] : memref<40x128xi32, #tpu.memory_space<vmem>> -> memref<1x128xi32, #tpu.memory_space<vmem>>
      %dma_wait3A_304 = tpu.memref_squeeze %dma_wait3A_303 : memref<1x128xi32, #tpu.memory_space<vmem>> -> memref<128xi32, #tpu.memory_space<vmem>>
      %dma_wait3A_305 = arith.constant 0 : i32
      %dma_wait3A_306 = arith.constant 0 : i32
      %dma_wait3A_307 = tpu.memref_slice %arg13[%dma_wait3A_305, %dma_wait3A_306] : memref<10240x64xf32, #tpu.memory_space<vmem_shared>> -> memref<10240x64xf32, #tpu.memory_space<vmem_shared>>
      tpu.wait_indirect_dma semaphore(%arg18 : memref<!tpu.dma_semaphore, #tpu.memory_space<semaphore_mem>>) src(%dma_wait3A_307 : memref<10240x64xf32, #tpu.memory_space<vmem_shared>>) dst(%arg12 : memref<128x64xf32, #tpu.memory_space<vmem>>)
      %dma_start3A_308 = arith.constant 0 : i32
      %dma_start3A_309 = tpu.memref_slice %arg8[%add3A_301, %dma_start3A_308] : memref<40x128xi32, #tpu.memory_space<vmem>> -> memref<1x128xi32, #tpu.memory_space<vmem>>
      %dma_start3A_310 = tpu.memref_squeeze %dma_start3A_309 : memref<1x128xi32, #tpu.memory_space<vmem>> -> memref<128xi32, #tpu.memory_space<vmem>>
      %dma_start3A_311 = arith.constant 0 : i32
      %dma_start3A_312 = arith.constant 0 : i32
      %dma_start3A_313 = tpu.memref_slice %arg14[%dma_start3A_311, %dma_start3A_312] : memref<10240x64xf32, #tpu.memory_space<vmem_shared>> -> memref<10240x64xf32, #tpu.memory_space<vmem_shared>>
      tpu.enqueue_indirect_dma source(%arg12 : memref<128x64xf32, #tpu.memory_space<vmem>>) target(%dma_start3A_313 : memref<10240x64xf32, #tpu.memory_space<vmem_shared>>) offsets(%dma_start3A_310 : memref<128xi32, #tpu.memory_space<vmem>>) semaphore(%arg22 : memref<!tpu.dma_semaphore, #tpu.memory_space<semaphore_mem>>) {add = true}
      %add3A_314 = arith.constant 2 : i32
      %add3A_315 = arith.addi %add3A_301, %add3A_314 : i32
      %ge3A_316 = arith.constant 4 : i32
      %ge3A_317 = arith.cmpi sge, %add3A_315, %ge3A_316 : i32
      %lt3A_318 = arith.constant 40 : i32
      %lt3A_319 = arith.cmpi slt, %add3A_315, %lt3A_318 : i32
      %and3A_320 = arith.andi %ge3A_317, %lt3A_319 : i1
      %convert_element_type3A_321 = arith.extui %and3A_320 : i1 to i32
      %cond3A_322 = arith.constant 0 : i32
      %cond3A_323 = arith.cmpi ne, %convert_element_type3A_321, %cond3A_322 : i32
      scf.if %cond3A_323 {
        %dma_wait3A_329 = arith.constant 0 : i32
        %dma_wait3A_330 = tpu.memref_slice %arg8[%add3A_301, %dma_wait3A_329] : memref<40x128xi32, #tpu.memory_space<vmem>> -> memref<1x128xi32, #tpu.memory_space<vmem>>
        %dma_wait3A_331 = tpu.memref_squeeze %dma_wait3A_330 : memref<1x128xi32, #tpu.memory_space<vmem>> -> memref<128xi32, #tpu.memory_space<vmem>>
        %dma_wait3A_332 = arith.constant 0 : i32
        %dma_wait3A_333 = arith.constant 0 : i32
        %dma_wait3A_334 = tpu.memref_slice %arg14[%dma_wait3A_332, %dma_wait3A_333] : memref<10240x64xf32, #tpu.memory_space<vmem_shared>> -> memref<10240x64xf32, #tpu.memory_space<vmem_shared>>
        tpu.wait_indirect_dma semaphore(%arg20 : memref<!tpu.dma_semaphore, #tpu.memory_space<semaphore_mem>>) src(%arg10 : memref<128x64xf32, #tpu.memory_space<vmem>>) dst(%dma_wait3A_334 : memref<10240x64xf32, #tpu.memory_space<vmem_shared>>)
      } else {
      }
      %lt3A_324 = arith.constant 40 : i32
      %lt3A_325 = arith.cmpi slt, %add3A_315, %lt3A_324 : i32
      %convert_element_type3A_326 = arith.extui %lt3A_325 : i1 to i32
      %cond3A_327 = arith.constant 0 : i32
      %cond3A_328 = arith.cmpi ne, %convert_element_type3A_326, %cond3A_327 : i32
      scf.if %cond3A_328 {
        %dma_start3A_329 = arith.constant 0 : i32
        %dma_start3A_330 = tpu.memref_slice %arg7[%add3A_315, %dma_start3A_329] : memref<40x128xi32, #tpu.memory_space<vmem>> -> memref<1x128xi32, #tpu.memory_space<vmem>>
        %dma_start3A_331 = tpu.memref_squeeze %dma_start3A_330 : memref<1x128xi32, #tpu.memory_space<vmem>> -> memref<128xi32, #tpu.memory_space<vmem>>
        %dma_start3A_332 = arith.constant 0 : i32
        %dma_start3A_333 = arith.constant 0 : i32
        %dma_start3A_334 = tpu.memref_slice %arg13[%dma_start3A_332, %dma_start3A_333] : memref<10240x64xf32, #tpu.memory_space<vmem_shared>> -> memref<10240x64xf32, #tpu.memory_space<vmem_shared>>
        tpu.enqueue_indirect_dma source(%dma_start3A_334 : memref<10240x64xf32, #tpu.memory_space<vmem_shared>>) target(%arg10 : memref<128x64xf32, #tpu.memory_space<vmem>>) offsets(%dma_start3A_331 : memref<128xi32, #tpu.memory_space<vmem>>) semaphore(%arg16 : memref<!tpu.dma_semaphore, #tpu.memory_space<semaphore_mem>>)
      } else {
      }
    }
    %scan3A_174 = arith.constant 10 : i32
    %dma_wait3A_175 = arith.constant 0 : i32
    %dma_wait3A_176 = arith.constant 0 : i32
    %dma_wait3A_177 = tpu.memref_slice %arg8[%dma_wait3A_175, %dma_wait3A_176] : memref<40x128xi32, #tpu.memory_space<vmem>> -> memref<1x128xi32, #tpu.memory_space<vmem>>
    %dma_wait3A_178 = tpu.memref_squeeze %dma_wait3A_177 : memref<1x128xi32, #tpu.memory_space<vmem>> -> memref<128xi32, #tpu.memory_space<vmem>>
    %dma_wait3A_179 = arith.constant 0 : i32
    %dma_wait3A_180 = arith.constant 0 : i32
    %dma_wait3A_181 = tpu.memref_slice %arg14[%dma_wait3A_179, %dma_wait3A_180] : memref<10240x64xf32, #tpu.memory_space<vmem_shared>> -> memref<10240x64xf32, #tpu.memory_space<vmem_shared>>
    tpu.wait_indirect_dma semaphore(%arg19 : memref<!tpu.dma_semaphore, #tpu.memory_space<semaphore_mem>>) src(%arg9 : memref<128x64xf32, #tpu.memory_space<vmem>>) dst(%dma_wait3A_181 : memref<10240x64xf32, #tpu.memory_space<vmem_shared>>)
    %dma_wait3A_182 = arith.constant 1 : i32
    %dma_wait3A_183 = arith.constant 0 : i32
    %dma_wait3A_184 = tpu.memref_slice %arg8[%dma_wait3A_182, %dma_wait3A_183] : memref<40x128xi32, #tpu.memory_space<vmem>> -> memref<1x128xi32, #tpu.memory_space<vmem>>
    %dma_wait3A_185 = tpu.memref_squeeze %dma_wait3A_184 : memref<1x128xi32, #tpu.memory_space<vmem>> -> memref<128xi32, #tpu.memory_space<vmem>>
    %dma_wait3A_186 = arith.constant 0 : i32
    %dma_wait3A_187 = arith.constant 0 : i32
    %dma_wait3A_188 = tpu.memref_slice %arg14[%dma_wait3A_186, %dma_wait3A_187] : memref<10240x64xf32, #tpu.memory_space<vmem_shared>> -> memref<10240x64xf32, #tpu.memory_space<vmem_shared>>
    tpu.wait_indirect_dma semaphore(%arg20 : memref<!tpu.dma_semaphore, #tpu.memory_space<semaphore_mem>>) src(%arg10 : memref<128x64xf32, #tpu.memory_space<vmem>>) dst(%dma_wait3A_188 : memref<10240x64xf32, #tpu.memory_space<vmem_shared>>)
    %dma_wait3A_189 = arith.constant 2 : i32
    %dma_wait3A_190 = arith.constant 0 : i32
    %dma_wait3A_191 = tpu.memref_slice %arg8[%dma_wait3A_189, %dma_wait3A_190] : memref<40x128xi32, #tpu.memory_space<vmem>> -> memref<1x128xi32, #tpu.memory_space<vmem>>
    %dma_wait3A_192 = tpu.memref_squeeze %dma_wait3A_191 : memref<1x128xi32, #tpu.memory_space<vmem>> -> memref<128xi32, #tpu.memory_space<vmem>>
    %dma_wait3A_193 = arith.constant 0 : i32
    %dma_wait3A_194 = arith.constant 0 : i32
    %dma_wait3A_195 = tpu.memref_slice %arg14[%dma_wait3A_193, %dma_wait3A_194] : memref<10240x64xf32, #tpu.memory_space<vmem_shared>> -> memref<10240x64xf32, #tpu.memory_space<vmem_shared>>
    tpu.wait_indirect_dma semaphore(%arg21 : memref<!tpu.dma_semaphore, #tpu.memory_space<semaphore_mem>>) src(%arg11 : memref<128x64xf32, #tpu.memory_space<vmem>>) dst(%dma_wait3A_195 : memref<10240x64xf32, #tpu.memory_space<vmem_shared>>)
    %dma_wait3A_196 = arith.constant 3 : i32
    %dma_wait3A_197 = arith.constant 0 : i32
    %dma_wait3A_198 = tpu.memref_slice %arg8[%dma_wait3A_196, %dma_wait3A_197] : memref<40x128xi32, #tpu.memory_space<vmem>> -> memref<1x128xi32, #tpu.memory_space<vmem>>
    %dma_wait3A_199 = tpu.memref_squeeze %dma_wait3A_198 : memref<1x128xi32, #tpu.memory_space<vmem>> -> memref<128xi32, #tpu.memory_space<vmem>>
    %dma_wait3A_200 = arith.constant 0 : i32
    %dma_wait3A_201 = arith.constant 0 : i32
    %dma_wait3A_202 = tpu.memref_slice %arg14[%dma_wait3A_200, %dma_wait3A_201] : memref<10240x64xf32, #tpu.memory_space<vmem_shared>> -> memref<10240x64xf32, #tpu.memory_space<vmem_shared>>
    tpu.wait_indirect_dma semaphore(%arg22 : memref<!tpu.dma_semaphore, #tpu.memory_space<semaphore_mem>>) src(%arg12 : memref<128x64xf32, #tpu.memory_space<vmem>>) dst(%dma_wait3A_202 : memref<10240x64xf32, #tpu.memory_space<vmem_shared>>)
    %barrier3A_203 = arith.constant 0 : index
    tpu.barrier barrier_id(%barrier3A_203)
    %mul3A_204 = arith.constant 640 : i32
    %mul3A_205 = arith.muli %arg1, %mul3A_204 : i32
    %mul3A_206 = arith.constant 640 : i32
    %mul3A_207 = arith.muli %arg1, %mul3A_206 : i32
    %mul3A_208 = arith.constant 64 : i32
    %mul3A_209 = arith.muli %arg0, %mul3A_208 : i32
    "tpu.region"() ({
      %run_scoped3A_210 = tpu.sem_alloc : memref<!tpu.dma_semaphore, #tpu.memory_space<semaphore_mem>>
      %dma_start3A_211 = tpu.memref_slice %arg6[%mul3A_207, %mul3A_209] : memref<10240x128xf32, #tpu.memory_space<hbm>> -> memref<640x64xf32, #tpu.memory_space<hbm>>
      %dma_start3A_212 = arith.constant 0 : i32
      %dma_start3A_213 = tpu.memref_slice %arg14[%mul3A_205, %dma_start3A_212] : memref<10240x64xf32, #tpu.memory_space<vmem_shared>> -> memref<640x64xf32, #tpu.memory_space<vmem_shared>>
      tpu.enqueue_dma source(%dma_start3A_213 : memref<640x64xf32, #tpu.memory_space<vmem_shared>>) target(%dma_start3A_211 : memref<640x64xf32, #tpu.memory_space<hbm>>) target_semaphore(%run_scoped3A_210 : memref<!tpu.dma_semaphore, #tpu.memory_space<semaphore_mem>>)
      %dma_wait3A_214 = tpu.memref_slice %arg6[%mul3A_207, %mul3A_209] : memref<10240x128xf32, #tpu.memory_space<hbm>> -> memref<640x64xf32, #tpu.memory_space<hbm>>
      %dma_wait3A_215 = arith.constant 0 : i32
      %dma_wait3A_216 = tpu.memref_slice %arg14[%mul3A_205, %dma_wait3A_215] : memref<10240x64xf32, #tpu.memory_space<vmem_shared>> -> memref<640x64xf32, #tpu.memory_space<vmem_shared>>
      tpu.wait_dma2 semaphore(%run_scoped3A_210 : memref<!tpu.dma_semaphore, #tpu.memory_space<semaphore_mem>>) src(%dma_wait3A_216 : memref<640x64xf32, #tpu.memory_space<vmem_shared>>) dst(%dma_wait3A_214 : memref<640x64xf32, #tpu.memory_space<hbm>>)
      tpu.yield
    }) : () -> ()
    return
  }
}

#map = affine_map<(d0, d1) -> (0, 0)>
#map1 = affine_map<(d0, d1) -> (0, 0, 0, 0)>
module attributes {stable_mosaic.version = 14 : i64} {
  func.func @agg(%arg0: i32, %arg1: i32, %arg2: memref<10240x64xf32, #tpu.memory_space<hbm>>, %arg3: memref<16x4x40x128xi32, #tpu.memory_space<hbm>>, %arg4: memref<16x4x40x128xi32, #tpu.memory_space<hbm>>, %arg5: memref<640x32xf32, #tpu.memory_space<hbm>>, %arg6: memref<10240x64xf32, #tpu.memory_space<hbm>>, %arg7: memref<40x128xi32, #tpu.memory_space<vmem>>, %arg8: memref<40x128xi32, #tpu.memory_space<vmem>>, %arg9: memref<128x32xf32, #tpu.memory_space<vmem>>, %arg10: memref<128x32xf32, #tpu.memory_space<vmem>>, %arg11: memref<128x32xf32, #tpu.memory_space<vmem>>, %arg12: memref<128x32xf32, #tpu.memory_space<vmem>>, %arg13: memref<10240x32xf32, #tpu.memory_space<vmem_shared>>, %arg14: memref<10240x32xf32, #tpu.memory_space<vmem_shared>>, %arg15: memref<!tpu.dma_semaphore, #tpu.memory_space<semaphore_mem>>, %arg16: memref<!tpu.dma_semaphore, #tpu.memory_space<semaphore_mem>>, %arg17: memref<!tpu.dma_semaphore, #tpu.memory_space<semaphore_mem>>, %arg18: memref<!tpu.dma_semaphore, #tpu.memory_space<semaphore_mem>>, %arg19: memref<!tpu.dma_semaphore, #tpu.memory_space<semaphore_mem>>, %arg20: memref<!tpu.dma_semaphore, #tpu.memory_space<semaphore_mem>>, %arg21: memref<!tpu.dma_semaphore, #tpu.memory_space<semaphore_mem>>, %arg22: memref<!tpu.dma_semaphore, #tpu.memory_space<semaphore_mem>>) attributes {dimension_semantics = [#tpu.dimension_semantics<core_parallel>, #tpu.dimension_semantics<subcore_parallel>], iteration_bounds = array<i64: 2, 16>, scalar_prefetch = 0 : i64, scratch_operands = 16 : i64, tpu.core_type = #tpu.core_type<sc_vector_subcore>, window_params = [{transform_indices = #map}, {transform_indices = #map1}, {transform_indices = #map1}, {transform_indices = #map}, {transform_indices = #map}]} {
    %mul3A = arith.constant 640 : i32
    %mul3A_0 = arith.muli %arg1, %mul3A : i32
    %mul3A_1 = arith.constant 32 : i32
    %mul3A_2 = arith.muli %arg0, %mul3A_1 : i32
    %mul3A_3 = arith.constant 640 : i32
    %mul3A_4 = arith.muli %arg1, %mul3A_3 : i32
    "tpu.region"() ({
      %run_scoped3A_210 = tpu.sem_alloc : memref<!tpu.dma_semaphore, #tpu.memory_space<semaphore_mem>>
      %dma_start3A_211 = arith.constant 0 : i32
      %dma_start3A_212 = tpu.memref_slice %arg13[%mul3A_4, %dma_start3A_211] : memref<10240x32xf32, #tpu.memory_space<vmem_shared>> -> memref<640x32xf32, #tpu.memory_space<vmem_shared>>
      %dma_start3A_213 = tpu.memref_slice %arg2[%mul3A_0, %mul3A_2] : memref<10240x64xf32, #tpu.memory_space<hbm>> -> memref<640x32xf32, #tpu.memory_space<hbm>>
      tpu.enqueue_dma source(%dma_start3A_213 : memref<640x32xf32, #tpu.memory_space<hbm>>) target(%dma_start3A_212 : memref<640x32xf32, #tpu.memory_space<vmem_shared>>) target_semaphore(%run_scoped3A_210 : memref<!tpu.dma_semaphore, #tpu.memory_space<semaphore_mem>>)
      %dma_wait3A_214 = arith.constant 0 : i32
      %dma_wait3A_215 = tpu.memref_slice %arg13[%mul3A_4, %dma_wait3A_214] : memref<10240x32xf32, #tpu.memory_space<vmem_shared>> -> memref<640x32xf32, #tpu.memory_space<vmem_shared>>
      %dma_wait3A_216 = tpu.memref_slice %arg2[%mul3A_0, %mul3A_2] : memref<10240x64xf32, #tpu.memory_space<hbm>> -> memref<640x32xf32, #tpu.memory_space<hbm>>
      tpu.wait_dma2 semaphore(%run_scoped3A_210 : memref<!tpu.dma_semaphore, #tpu.memory_space<semaphore_mem>>) src(%dma_wait3A_216 : memref<640x32xf32, #tpu.memory_space<hbm>>) dst(%dma_wait3A_215 : memref<640x32xf32, #tpu.memory_space<vmem_shared>>)
      tpu.yield
    }) : () -> ()
    %mul3A_5 = arith.constant 640 : i32
    %mul3A_6 = arith.muli %arg1, %mul3A_5 : i32
    "tpu.region"() ({
      %run_scoped3A_210 = tpu.sem_alloc : memref<!tpu.dma_semaphore, #tpu.memory_space<semaphore_mem>>
      %dma_start3A_211 = arith.constant 0 : i32
      %dma_start3A_212 = tpu.memref_slice %arg14[%mul3A_6, %dma_start3A_211] : memref<10240x32xf32, #tpu.memory_space<vmem_shared>> -> memref<640x32xf32, #tpu.memory_space<vmem_shared>>
      tpu.enqueue_dma source(%arg5 : memref<640x32xf32, #tpu.memory_space<hbm>>) target(%dma_start3A_212 : memref<640x32xf32, #tpu.memory_space<vmem_shared>>) target_semaphore(%run_scoped3A_210 : memref<!tpu.dma_semaphore, #tpu.memory_space<semaphore_mem>>)
      %dma_wait3A_213 = arith.constant 0 : i32
      %dma_wait3A_214 = tpu.memref_slice %arg14[%mul3A_6, %dma_wait3A_213] : memref<10240x32xf32, #tpu.memory_space<vmem_shared>> -> memref<640x32xf32, #tpu.memory_space<vmem_shared>>
      tpu.wait_dma2 semaphore(%run_scoped3A_210 : memref<!tpu.dma_semaphore, #tpu.memory_space<semaphore_mem>>) src(%arg5 : memref<640x32xf32, #tpu.memory_space<hbm>>) dst(%dma_wait3A_214 : memref<640x32xf32, #tpu.memory_space<vmem_shared>>)
      tpu.yield
    }) : () -> ()
    %barrier3A = arith.constant 0 : index
    tpu.barrier barrier_id(%barrier3A)
    %run_scoped3A = arith.constant 0 : i32
    "tpu.region"() ({
      %run_scoped3A_210 = tpu.sem_alloc : memref<!tpu.dma_semaphore, #tpu.memory_space<semaphore_mem>>
      %dma_start3A_211 = arith.constant 0 : i32
      %dma_start3A_212 = arith.constant 0 : i32
      %dma_start3A_213 = tpu.memref_slice %arg3[%arg1, %run_scoped3A, %dma_start3A_211, %dma_start3A_212] : memref<16x4x40x128xi32, #tpu.memory_space<hbm>> -> memref<1x1x40x128xi32, #tpu.memory_space<hbm>>
      %dma_start3A_214 = tpu.memref_squeeze %dma_start3A_213 : memref<1x1x40x128xi32, #tpu.memory_space<hbm>> -> memref<40x128xi32, #tpu.memory_space<hbm>>
      %dma_start3A_215 = arith.constant 0 : i32
      %dma_start3A_216 = arith.constant 0 : i32
      %dma_start3A_217 = tpu.memref_slice %arg3[%arg1, %run_scoped3A, %dma_start3A_215, %dma_start3A_216] : memref<16x4x40x128xi32, #tpu.memory_space<hbm>> -> memref<1x1x40x128xi32, #tpu.memory_space<hbm>>
      %dma_start3A_218 = tpu.memref_squeeze %dma_start3A_217 : memref<1x1x40x128xi32, #tpu.memory_space<hbm>> -> memref<40x128xi32, #tpu.memory_space<hbm>>
      tpu.enqueue_dma source(%dma_start3A_218 : memref<40x128xi32, #tpu.memory_space<hbm>>) target(%arg7 : memref<40x128xi32, #tpu.memory_space<vmem>>) target_semaphore(%run_scoped3A_210 : memref<!tpu.dma_semaphore, #tpu.memory_space<semaphore_mem>>)
      %dma_wait3A_219 = arith.constant 0 : i32
      %dma_wait3A_220 = arith.constant 0 : i32
      %dma_wait3A_221 = tpu.memref_slice %arg3[%arg1, %run_scoped3A, %dma_wait3A_219, %dma_wait3A_220] : memref<16x4x40x128xi32, #tpu.memory_space<hbm>> -> memref<1x1x40x128xi32, #tpu.memory_space<hbm>>
      %dma_wait3A_222 = tpu.memref_squeeze %dma_wait3A_221 : memref<1x1x40x128xi32, #tpu.memory_space<hbm>> -> memref<40x128xi32, #tpu.memory_space<hbm>>
      %dma_wait3A_223 = arith.constant 0 : i32
      %dma_wait3A_224 = arith.constant 0 : i32
      %dma_wait3A_225 = tpu.memref_slice %arg3[%arg1, %run_scoped3A, %dma_wait3A_223, %dma_wait3A_224] : memref<16x4x40x128xi32, #tpu.memory_space<hbm>> -> memref<1x1x40x128xi32, #tpu.memory_space<hbm>>
      %dma_wait3A_226 = tpu.memref_squeeze %dma_wait3A_225 : memref<1x1x40x128xi32, #tpu.memory_space<hbm>> -> memref<40x128xi32, #tpu.memory_space<hbm>>
      tpu.wait_dma2 semaphore(%run_scoped3A_210 : memref<!tpu.dma_semaphore, #tpu.memory_space<semaphore_mem>>) src(%dma_wait3A_226 : memref<40x128xi32, #tpu.memory_space<hbm>>) dst(%arg7 : memref<40x128xi32, #tpu.memory_space<vmem>>)
      tpu.yield
    }) : () -> ()
    %run_scoped3A_7 = arith.constant 0 : i32
    "tpu.region"() ({
      %run_scoped3A_210 = tpu.sem_alloc : memref<!tpu.dma_semaphore, #tpu.memory_space<semaphore_mem>>
      %dma_start3A_211 = arith.constant 0 : i32
      %dma_start3A_212 = arith.constant 0 : i32
      %dma_start3A_213 = tpu.memref_slice %arg4[%arg1, %run_scoped3A_7, %dma_start3A_211, %dma_start3A_212] : memref<16x4x40x128xi32, #tpu.memory_space<hbm>> -> memref<1x1x40x128xi32, #tpu.memory_space<hbm>>
      %dma_start3A_214 = tpu.memref_squeeze %dma_start3A_213 : memref<1x1x40x128xi32, #tpu.memory_space<hbm>> -> memref<40x128xi32, #tpu.memory_space<hbm>>
      %dma_start3A_215 = arith.constant 0 : i32
      %dma_start3A_216 = arith.constant 0 : i32
      %dma_start3A_217 = tpu.memref_slice %arg4[%arg1, %run_scoped3A_7, %dma_start3A_215, %dma_start3A_216] : memref<16x4x40x128xi32, #tpu.memory_space<hbm>> -> memref<1x1x40x128xi32, #tpu.memory_space<hbm>>
      %dma_start3A_218 = tpu.memref_squeeze %dma_start3A_217 : memref<1x1x40x128xi32, #tpu.memory_space<hbm>> -> memref<40x128xi32, #tpu.memory_space<hbm>>
      tpu.enqueue_dma source(%dma_start3A_218 : memref<40x128xi32, #tpu.memory_space<hbm>>) target(%arg8 : memref<40x128xi32, #tpu.memory_space<vmem>>) target_semaphore(%run_scoped3A_210 : memref<!tpu.dma_semaphore, #tpu.memory_space<semaphore_mem>>)
      %dma_wait3A_219 = arith.constant 0 : i32
      %dma_wait3A_220 = arith.constant 0 : i32
      %dma_wait3A_221 = tpu.memref_slice %arg4[%arg1, %run_scoped3A_7, %dma_wait3A_219, %dma_wait3A_220] : memref<16x4x40x128xi32, #tpu.memory_space<hbm>> -> memref<1x1x40x128xi32, #tpu.memory_space<hbm>>
      %dma_wait3A_222 = tpu.memref_squeeze %dma_wait3A_221 : memref<1x1x40x128xi32, #tpu.memory_space<hbm>> -> memref<40x128xi32, #tpu.memory_space<hbm>>
      %dma_wait3A_223 = arith.constant 0 : i32
      %dma_wait3A_224 = arith.constant 0 : i32
      %dma_wait3A_225 = tpu.memref_slice %arg4[%arg1, %run_scoped3A_7, %dma_wait3A_223, %dma_wait3A_224] : memref<16x4x40x128xi32, #tpu.memory_space<hbm>> -> memref<1x1x40x128xi32, #tpu.memory_space<hbm>>
      %dma_wait3A_226 = tpu.memref_squeeze %dma_wait3A_225 : memref<1x1x40x128xi32, #tpu.memory_space<hbm>> -> memref<40x128xi32, #tpu.memory_space<hbm>>
      tpu.wait_dma2 semaphore(%run_scoped3A_210 : memref<!tpu.dma_semaphore, #tpu.memory_space<semaphore_mem>>) src(%dma_wait3A_226 : memref<40x128xi32, #tpu.memory_space<hbm>>) dst(%arg8 : memref<40x128xi32, #tpu.memory_space<vmem>>)
      tpu.yield
    }) : () -> ()
    %dma_start3A = arith.constant 0 : i32
    %dma_start3A_8 = arith.constant 0 : i32
    %dma_start3A_9 = tpu.memref_slice %arg7[%dma_start3A, %dma_start3A_8] : memref<40x128xi32, #tpu.memory_space<vmem>> -> memref<1x128xi32, #tpu.memory_space<vmem>>
    %dma_start3A_10 = tpu.memref_squeeze %dma_start3A_9 : memref<1x128xi32, #tpu.memory_space<vmem>> -> memref<128xi32, #tpu.memory_space<vmem>>
    %dma_start3A_11 = arith.constant 0 : i32
    %dma_start3A_12 = arith.constant 0 : i32
    %dma_start3A_13 = tpu.memref_slice %arg13[%dma_start3A_11, %dma_start3A_12] : memref<10240x32xf32, #tpu.memory_space<vmem_shared>> -> memref<10240x32xf32, #tpu.memory_space<vmem_shared>>
    tpu.enqueue_indirect_dma source(%dma_start3A_13 : memref<10240x32xf32, #tpu.memory_space<vmem_shared>>) target(%arg9 : memref<128x32xf32, #tpu.memory_space<vmem>>) offsets(%dma_start3A_10 : memref<128xi32, #tpu.memory_space<vmem>>) semaphore(%arg15 : memref<!tpu.dma_semaphore, #tpu.memory_space<semaphore_mem>>)
    %dma_start3A_14 = arith.constant 1 : i32
    %dma_start3A_15 = arith.constant 0 : i32
    %dma_start3A_16 = tpu.memref_slice %arg7[%dma_start3A_14, %dma_start3A_15] : memref<40x128xi32, #tpu.memory_space<vmem>> -> memref<1x128xi32, #tpu.memory_space<vmem>>
    %dma_start3A_17 = tpu.memref_squeeze %dma_start3A_16 : memref<1x128xi32, #tpu.memory_space<vmem>> -> memref<128xi32, #tpu.memory_space<vmem>>
    %dma_start3A_18 = arith.constant 0 : i32
    %dma_start3A_19 = arith.constant 0 : i32
    %dma_start3A_20 = tpu.memref_slice %arg13[%dma_start3A_18, %dma_start3A_19] : memref<10240x32xf32, #tpu.memory_space<vmem_shared>> -> memref<10240x32xf32, #tpu.memory_space<vmem_shared>>
    tpu.enqueue_indirect_dma source(%dma_start3A_20 : memref<10240x32xf32, #tpu.memory_space<vmem_shared>>) target(%arg10 : memref<128x32xf32, #tpu.memory_space<vmem>>) offsets(%dma_start3A_17 : memref<128xi32, #tpu.memory_space<vmem>>) semaphore(%arg16 : memref<!tpu.dma_semaphore, #tpu.memory_space<semaphore_mem>>)
    %scan3A = arith.constant 0 : i32
    %scan3A_21 = arith.constant 0 : i32
    %scan3A_22 = arith.constant 10 : i32
    %scan3A_23 = arith.addi %scan3A_21, %scan3A_22 : i32
    %scan3A_24 = arith.constant 1 : i32
    scf.for %scan3A_210 = %scan3A_21 to %scan3A_23 step %scan3A_24  : i32 {
      %mul3A_211 = arith.constant 4 : i32
      %mul3A_212 = arith.muli %scan3A_210, %mul3A_211 : i32
      %add3A = arith.constant 0 : i32
      %add3A_213 = arith.addi %mul3A_212, %add3A : i32
      %dma_wait3A_214 = arith.constant 0 : i32
      %dma_wait3A_215 = tpu.memref_slice %arg7[%add3A_213, %dma_wait3A_214] : memref<40x128xi32, #tpu.memory_space<vmem>> -> memref<1x128xi32, #tpu.memory_space<vmem>>
      %dma_wait3A_216 = tpu.memref_squeeze %dma_wait3A_215 : memref<1x128xi32, #tpu.memory_space<vmem>> -> memref<128xi32, #tpu.memory_space<vmem>>
      %dma_wait3A_217 = arith.constant 0 : i32
      %dma_wait3A_218 = arith.constant 0 : i32
      %dma_wait3A_219 = tpu.memref_slice %arg13[%dma_wait3A_217, %dma_wait3A_218] : memref<10240x32xf32, #tpu.memory_space<vmem_shared>> -> memref<10240x32xf32, #tpu.memory_space<vmem_shared>>
      tpu.wait_indirect_dma semaphore(%arg15 : memref<!tpu.dma_semaphore, #tpu.memory_space<semaphore_mem>>) src(%dma_wait3A_219 : memref<10240x32xf32, #tpu.memory_space<vmem_shared>>) dst(%arg9 : memref<128x32xf32, #tpu.memory_space<vmem>>)
      %dma_start3A_220 = arith.constant 0 : i32
      %dma_start3A_221 = tpu.memref_slice %arg8[%add3A_213, %dma_start3A_220] : memref<40x128xi32, #tpu.memory_space<vmem>> -> memref<1x128xi32, #tpu.memory_space<vmem>>
      %dma_start3A_222 = tpu.memref_squeeze %dma_start3A_221 : memref<1x128xi32, #tpu.memory_space<vmem>> -> memref<128xi32, #tpu.memory_space<vmem>>
      %dma_start3A_223 = arith.constant 0 : i32
      %dma_start3A_224 = arith.constant 0 : i32
      %dma_start3A_225 = tpu.memref_slice %arg14[%dma_start3A_223, %dma_start3A_224] : memref<10240x32xf32, #tpu.memory_space<vmem_shared>> -> memref<10240x32xf32, #tpu.memory_space<vmem_shared>>
      tpu.enqueue_indirect_dma source(%arg9 : memref<128x32xf32, #tpu.memory_space<vmem>>) target(%dma_start3A_225 : memref<10240x32xf32, #tpu.memory_space<vmem_shared>>) offsets(%dma_start3A_222 : memref<128xi32, #tpu.memory_space<vmem>>) semaphore(%arg19 : memref<!tpu.dma_semaphore, #tpu.memory_space<semaphore_mem>>) {add = true}
      %add3A_226 = arith.constant 2 : i32
      %add3A_227 = arith.addi %add3A_213, %add3A_226 : i32
      %ge3A = arith.constant 4 : i32
      %ge3A_228 = arith.cmpi sge, %add3A_227, %ge3A : i32
      %lt3A = arith.constant 40 : i32
      %lt3A_229 = arith.cmpi slt, %add3A_227, %lt3A : i32
      %and3A = arith.andi %ge3A_228, %lt3A_229 : i1
      %convert_element_type3A = arith.extui %and3A : i1 to i32
      %cond3A = arith.constant 0 : i32
      %cond3A_230 = arith.cmpi ne, %convert_element_type3A, %cond3A : i32
      scf.if %cond3A_230 {
        %dma_wait3A_329 = arith.constant 0 : i32
        %dma_wait3A_330 = tpu.memref_slice %arg8[%add3A_213, %dma_wait3A_329] : memref<40x128xi32, #tpu.memory_space<vmem>> -> memref<1x128xi32, #tpu.memory_space<vmem>>
        %dma_wait3A_331 = tpu.memref_squeeze %dma_wait3A_330 : memref<1x128xi32, #tpu.memory_space<vmem>> -> memref<128xi32, #tpu.memory_space<vmem>>
        %dma_wait3A_332 = arith.constant 0 : i32
        %dma_wait3A_333 = arith.constant 0 : i32
        %dma_wait3A_334 = tpu.memref_slice %arg14[%dma_wait3A_332, %dma_wait3A_333] : memref<10240x32xf32, #tpu.memory_space<vmem_shared>> -> memref<10240x32xf32, #tpu.memory_space<vmem_shared>>
        tpu.wait_indirect_dma semaphore(%arg21 : memref<!tpu.dma_semaphore, #tpu.memory_space<semaphore_mem>>) src(%arg11 : memref<128x32xf32, #tpu.memory_space<vmem>>) dst(%dma_wait3A_334 : memref<10240x32xf32, #tpu.memory_space<vmem_shared>>)
      } else {
      }
      %lt3A_231 = arith.constant 40 : i32
      %lt3A_232 = arith.cmpi slt, %add3A_227, %lt3A_231 : i32
      %convert_element_type3A_233 = arith.extui %lt3A_232 : i1 to i32
      %cond3A_234 = arith.constant 0 : i32
      %cond3A_235 = arith.cmpi ne, %convert_element_type3A_233, %cond3A_234 : i32
      scf.if %cond3A_235 {
        %dma_start3A_329 = arith.constant 0 : i32
        %dma_start3A_330 = tpu.memref_slice %arg7[%add3A_227, %dma_start3A_329] : memref<40x128xi32, #tpu.memory_space<vmem>> -> memref<1x128xi32, #tpu.memory_space<vmem>>
        %dma_start3A_331 = tpu.memref_squeeze %dma_start3A_330 : memref<1x128xi32, #tpu.memory_space<vmem>> -> memref<128xi32, #tpu.memory_space<vmem>>
        %dma_start3A_332 = arith.constant 0 : i32
        %dma_start3A_333 = arith.constant 0 : i32
        %dma_start3A_334 = tpu.memref_slice %arg13[%dma_start3A_332, %dma_start3A_333] : memref<10240x32xf32, #tpu.memory_space<vmem_shared>> -> memref<10240x32xf32, #tpu.memory_space<vmem_shared>>
        tpu.enqueue_indirect_dma source(%dma_start3A_334 : memref<10240x32xf32, #tpu.memory_space<vmem_shared>>) target(%arg11 : memref<128x32xf32, #tpu.memory_space<vmem>>) offsets(%dma_start3A_331 : memref<128xi32, #tpu.memory_space<vmem>>) semaphore(%arg17 : memref<!tpu.dma_semaphore, #tpu.memory_space<semaphore_mem>>)
      } else {
      }
      %mul3A_236 = arith.constant 4 : i32
      %mul3A_237 = arith.muli %scan3A_210, %mul3A_236 : i32
      %add3A_238 = arith.constant 1 : i32
      %add3A_239 = arith.addi %mul3A_237, %add3A_238 : i32
      %dma_wait3A_240 = arith.constant 0 : i32
      %dma_wait3A_241 = tpu.memref_slice %arg7[%add3A_239, %dma_wait3A_240] : memref<40x128xi32, #tpu.memory_space<vmem>> -> memref<1x128xi32, #tpu.memory_space<vmem>>
      %dma_wait3A_242 = tpu.memref_squeeze %dma_wait3A_241 : memref<1x128xi32, #tpu.memory_space<vmem>> -> memref<128xi32, #tpu.memory_space<vmem>>
      %dma_wait3A_243 = arith.constant 0 : i32
      %dma_wait3A_244 = arith.constant 0 : i32
      %dma_wait3A_245 = tpu.memref_slice %arg13[%dma_wait3A_243, %dma_wait3A_244] : memref<10240x32xf32, #tpu.memory_space<vmem_shared>> -> memref<10240x32xf32, #tpu.memory_space<vmem_shared>>
      tpu.wait_indirect_dma semaphore(%arg16 : memref<!tpu.dma_semaphore, #tpu.memory_space<semaphore_mem>>) src(%dma_wait3A_245 : memref<10240x32xf32, #tpu.memory_space<vmem_shared>>) dst(%arg10 : memref<128x32xf32, #tpu.memory_space<vmem>>)
      %dma_start3A_246 = arith.constant 0 : i32
      %dma_start3A_247 = tpu.memref_slice %arg8[%add3A_239, %dma_start3A_246] : memref<40x128xi32, #tpu.memory_space<vmem>> -> memref<1x128xi32, #tpu.memory_space<vmem>>
      %dma_start3A_248 = tpu.memref_squeeze %dma_start3A_247 : memref<1x128xi32, #tpu.memory_space<vmem>> -> memref<128xi32, #tpu.memory_space<vmem>>
      %dma_start3A_249 = arith.constant 0 : i32
      %dma_start3A_250 = arith.constant 0 : i32
      %dma_start3A_251 = tpu.memref_slice %arg14[%dma_start3A_249, %dma_start3A_250] : memref<10240x32xf32, #tpu.memory_space<vmem_shared>> -> memref<10240x32xf32, #tpu.memory_space<vmem_shared>>
      tpu.enqueue_indirect_dma source(%arg10 : memref<128x32xf32, #tpu.memory_space<vmem>>) target(%dma_start3A_251 : memref<10240x32xf32, #tpu.memory_space<vmem_shared>>) offsets(%dma_start3A_248 : memref<128xi32, #tpu.memory_space<vmem>>) semaphore(%arg20 : memref<!tpu.dma_semaphore, #tpu.memory_space<semaphore_mem>>) {add = true}
      %add3A_252 = arith.constant 2 : i32
      %add3A_253 = arith.addi %add3A_239, %add3A_252 : i32
      %ge3A_254 = arith.constant 4 : i32
      %ge3A_255 = arith.cmpi sge, %add3A_253, %ge3A_254 : i32
      %lt3A_256 = arith.constant 40 : i32
      %lt3A_257 = arith.cmpi slt, %add3A_253, %lt3A_256 : i32
      %and3A_258 = arith.andi %ge3A_255, %lt3A_257 : i1
      %convert_element_type3A_259 = arith.extui %and3A_258 : i1 to i32
      %cond3A_260 = arith.constant 0 : i32
      %cond3A_261 = arith.cmpi ne, %convert_element_type3A_259, %cond3A_260 : i32
      scf.if %cond3A_261 {
        %dma_wait3A_329 = arith.constant 0 : i32
        %dma_wait3A_330 = tpu.memref_slice %arg8[%add3A_239, %dma_wait3A_329] : memref<40x128xi32, #tpu.memory_space<vmem>> -> memref<1x128xi32, #tpu.memory_space<vmem>>
        %dma_wait3A_331 = tpu.memref_squeeze %dma_wait3A_330 : memref<1x128xi32, #tpu.memory_space<vmem>> -> memref<128xi32, #tpu.memory_space<vmem>>
        %dma_wait3A_332 = arith.constant 0 : i32
        %dma_wait3A_333 = arith.constant 0 : i32
        %dma_wait3A_334 = tpu.memref_slice %arg14[%dma_wait3A_332, %dma_wait3A_333] : memref<10240x32xf32, #tpu.memory_space<vmem_shared>> -> memref<10240x32xf32, #tpu.memory_space<vmem_shared>>
        tpu.wait_indirect_dma semaphore(%arg22 : memref<!tpu.dma_semaphore, #tpu.memory_space<semaphore_mem>>) src(%arg12 : memref<128x32xf32, #tpu.memory_space<vmem>>) dst(%dma_wait3A_334 : memref<10240x32xf32, #tpu.memory_space<vmem_shared>>)
      } else {
      }
      %lt3A_262 = arith.constant 40 : i32
      %lt3A_263 = arith.cmpi slt, %add3A_253, %lt3A_262 : i32
      %convert_element_type3A_264 = arith.extui %lt3A_263 : i1 to i32
      %cond3A_265 = arith.constant 0 : i32
      %cond3A_266 = arith.cmpi ne, %convert_element_type3A_264, %cond3A_265 : i32
      scf.if %cond3A_266 {
        %dma_start3A_329 = arith.constant 0 : i32
        %dma_start3A_330 = tpu.memref_slice %arg7[%add3A_253, %dma_start3A_329] : memref<40x128xi32, #tpu.memory_space<vmem>> -> memref<1x128xi32, #tpu.memory_space<vmem>>
        %dma_start3A_331 = tpu.memref_squeeze %dma_start3A_330 : memref<1x128xi32, #tpu.memory_space<vmem>> -> memref<128xi32, #tpu.memory_space<vmem>>
        %dma_start3A_332 = arith.constant 0 : i32
        %dma_start3A_333 = arith.constant 0 : i32
        %dma_start3A_334 = tpu.memref_slice %arg13[%dma_start3A_332, %dma_start3A_333] : memref<10240x32xf32, #tpu.memory_space<vmem_shared>> -> memref<10240x32xf32, #tpu.memory_space<vmem_shared>>
        tpu.enqueue_indirect_dma source(%dma_start3A_334 : memref<10240x32xf32, #tpu.memory_space<vmem_shared>>) target(%arg12 : memref<128x32xf32, #tpu.memory_space<vmem>>) offsets(%dma_start3A_331 : memref<128xi32, #tpu.memory_space<vmem>>) semaphore(%arg18 : memref<!tpu.dma_semaphore, #tpu.memory_space<semaphore_mem>>)
      } else {
      }
      %mul3A_267 = arith.constant 4 : i32
      %mul3A_268 = arith.muli %scan3A_210, %mul3A_267 : i32
      %add3A_269 = arith.constant 2 : i32
      %add3A_270 = arith.addi %mul3A_268, %add3A_269 : i32
      %dma_wait3A_271 = arith.constant 0 : i32
      %dma_wait3A_272 = tpu.memref_slice %arg7[%add3A_270, %dma_wait3A_271] : memref<40x128xi32, #tpu.memory_space<vmem>> -> memref<1x128xi32, #tpu.memory_space<vmem>>
      %dma_wait3A_273 = tpu.memref_squeeze %dma_wait3A_272 : memref<1x128xi32, #tpu.memory_space<vmem>> -> memref<128xi32, #tpu.memory_space<vmem>>
      %dma_wait3A_274 = arith.constant 0 : i32
      %dma_wait3A_275 = arith.constant 0 : i32
      %dma_wait3A_276 = tpu.memref_slice %arg13[%dma_wait3A_274, %dma_wait3A_275] : memref<10240x32xf32, #tpu.memory_space<vmem_shared>> -> memref<10240x32xf32, #tpu.memory_space<vmem_shared>>
      tpu.wait_indirect_dma semaphore(%arg17 : memref<!tpu.dma_semaphore, #tpu.memory_space<semaphore_mem>>) src(%dma_wait3A_276 : memref<10240x32xf32, #tpu.memory_space<vmem_shared>>) dst(%arg11 : memref<128x32xf32, #tpu.memory_space<vmem>>)
      %dma_start3A_277 = arith.constant 0 : i32
      %dma_start3A_278 = tpu.memref_slice %arg8[%add3A_270, %dma_start3A_277] : memref<40x128xi32, #tpu.memory_space<vmem>> -> memref<1x128xi32, #tpu.memory_space<vmem>>
      %dma_start3A_279 = tpu.memref_squeeze %dma_start3A_278 : memref<1x128xi32, #tpu.memory_space<vmem>> -> memref<128xi32, #tpu.memory_space<vmem>>
      %dma_start3A_280 = arith.constant 0 : i32
      %dma_start3A_281 = arith.constant 0 : i32
      %dma_start3A_282 = tpu.memref_slice %arg14[%dma_start3A_280, %dma_start3A_281] : memref<10240x32xf32, #tpu.memory_space<vmem_shared>> -> memref<10240x32xf32, #tpu.memory_space<vmem_shared>>
      tpu.enqueue_indirect_dma source(%arg11 : memref<128x32xf32, #tpu.memory_space<vmem>>) target(%dma_start3A_282 : memref<10240x32xf32, #tpu.memory_space<vmem_shared>>) offsets(%dma_start3A_279 : memref<128xi32, #tpu.memory_space<vmem>>) semaphore(%arg21 : memref<!tpu.dma_semaphore, #tpu.memory_space<semaphore_mem>>) {add = true}
      %add3A_283 = arith.constant 2 : i32
      %add3A_284 = arith.addi %add3A_270, %add3A_283 : i32
      %ge3A_285 = arith.constant 4 : i32
      %ge3A_286 = arith.cmpi sge, %add3A_284, %ge3A_285 : i32
      %lt3A_287 = arith.constant 40 : i32
      %lt3A_288 = arith.cmpi slt, %add3A_284, %lt3A_287 : i32
      %and3A_289 = arith.andi %ge3A_286, %lt3A_288 : i1
      %convert_element_type3A_290 = arith.extui %and3A_289 : i1 to i32
      %cond3A_291 = arith.constant 0 : i32
      %cond3A_292 = arith.cmpi ne, %convert_element_type3A_290, %cond3A_291 : i32
      scf.if %cond3A_292 {
        %dma_wait3A_329 = arith.constant 0 : i32
        %dma_wait3A_330 = tpu.memref_slice %arg8[%add3A_270, %dma_wait3A_329] : memref<40x128xi32, #tpu.memory_space<vmem>> -> memref<1x128xi32, #tpu.memory_space<vmem>>
        %dma_wait3A_331 = tpu.memref_squeeze %dma_wait3A_330 : memref<1x128xi32, #tpu.memory_space<vmem>> -> memref<128xi32, #tpu.memory_space<vmem>>
        %dma_wait3A_332 = arith.constant 0 : i32
        %dma_wait3A_333 = arith.constant 0 : i32
        %dma_wait3A_334 = tpu.memref_slice %arg14[%dma_wait3A_332, %dma_wait3A_333] : memref<10240x32xf32, #tpu.memory_space<vmem_shared>> -> memref<10240x32xf32, #tpu.memory_space<vmem_shared>>
        tpu.wait_indirect_dma semaphore(%arg19 : memref<!tpu.dma_semaphore, #tpu.memory_space<semaphore_mem>>) src(%arg9 : memref<128x32xf32, #tpu.memory_space<vmem>>) dst(%dma_wait3A_334 : memref<10240x32xf32, #tpu.memory_space<vmem_shared>>)
      } else {
      }
      %lt3A_293 = arith.constant 40 : i32
      %lt3A_294 = arith.cmpi slt, %add3A_284, %lt3A_293 : i32
      %convert_element_type3A_295 = arith.extui %lt3A_294 : i1 to i32
      %cond3A_296 = arith.constant 0 : i32
      %cond3A_297 = arith.cmpi ne, %convert_element_type3A_295, %cond3A_296 : i32
      scf.if %cond3A_297 {
        %dma_start3A_329 = arith.constant 0 : i32
        %dma_start3A_330 = tpu.memref_slice %arg7[%add3A_284, %dma_start3A_329] : memref<40x128xi32, #tpu.memory_space<vmem>> -> memref<1x128xi32, #tpu.memory_space<vmem>>
        %dma_start3A_331 = tpu.memref_squeeze %dma_start3A_330 : memref<1x128xi32, #tpu.memory_space<vmem>> -> memref<128xi32, #tpu.memory_space<vmem>>
        %dma_start3A_332 = arith.constant 0 : i32
        %dma_start3A_333 = arith.constant 0 : i32
        %dma_start3A_334 = tpu.memref_slice %arg13[%dma_start3A_332, %dma_start3A_333] : memref<10240x32xf32, #tpu.memory_space<vmem_shared>> -> memref<10240x32xf32, #tpu.memory_space<vmem_shared>>
        tpu.enqueue_indirect_dma source(%dma_start3A_334 : memref<10240x32xf32, #tpu.memory_space<vmem_shared>>) target(%arg9 : memref<128x32xf32, #tpu.memory_space<vmem>>) offsets(%dma_start3A_331 : memref<128xi32, #tpu.memory_space<vmem>>) semaphore(%arg15 : memref<!tpu.dma_semaphore, #tpu.memory_space<semaphore_mem>>)
      } else {
      }
      %mul3A_298 = arith.constant 4 : i32
      %mul3A_299 = arith.muli %scan3A_210, %mul3A_298 : i32
      %add3A_300 = arith.constant 3 : i32
      %add3A_301 = arith.addi %mul3A_299, %add3A_300 : i32
      %dma_wait3A_302 = arith.constant 0 : i32
      %dma_wait3A_303 = tpu.memref_slice %arg7[%add3A_301, %dma_wait3A_302] : memref<40x128xi32, #tpu.memory_space<vmem>> -> memref<1x128xi32, #tpu.memory_space<vmem>>
      %dma_wait3A_304 = tpu.memref_squeeze %dma_wait3A_303 : memref<1x128xi32, #tpu.memory_space<vmem>> -> memref<128xi32, #tpu.memory_space<vmem>>
      %dma_wait3A_305 = arith.constant 0 : i32
      %dma_wait3A_306 = arith.constant 0 : i32
      %dma_wait3A_307 = tpu.memref_slice %arg13[%dma_wait3A_305, %dma_wait3A_306] : memref<10240x32xf32, #tpu.memory_space<vmem_shared>> -> memref<10240x32xf32, #tpu.memory_space<vmem_shared>>
      tpu.wait_indirect_dma semaphore(%arg18 : memref<!tpu.dma_semaphore, #tpu.memory_space<semaphore_mem>>) src(%dma_wait3A_307 : memref<10240x32xf32, #tpu.memory_space<vmem_shared>>) dst(%arg12 : memref<128x32xf32, #tpu.memory_space<vmem>>)
      %dma_start3A_308 = arith.constant 0 : i32
      %dma_start3A_309 = tpu.memref_slice %arg8[%add3A_301, %dma_start3A_308] : memref<40x128xi32, #tpu.memory_space<vmem>> -> memref<1x128xi32, #tpu.memory_space<vmem>>
      %dma_start3A_310 = tpu.memref_squeeze %dma_start3A_309 : memref<1x128xi32, #tpu.memory_space<vmem>> -> memref<128xi32, #tpu.memory_space<vmem>>
      %dma_start3A_311 = arith.constant 0 : i32
      %dma_start3A_312 = arith.constant 0 : i32
      %dma_start3A_313 = tpu.memref_slice %arg14[%dma_start3A_311, %dma_start3A_312] : memref<10240x32xf32, #tpu.memory_space<vmem_shared>> -> memref<10240x32xf32, #tpu.memory_space<vmem_shared>>
      tpu.enqueue_indirect_dma source(%arg12 : memref<128x32xf32, #tpu.memory_space<vmem>>) target(%dma_start3A_313 : memref<10240x32xf32, #tpu.memory_space<vmem_shared>>) offsets(%dma_start3A_310 : memref<128xi32, #tpu.memory_space<vmem>>) semaphore(%arg22 : memref<!tpu.dma_semaphore, #tpu.memory_space<semaphore_mem>>) {add = true}
      %add3A_314 = arith.constant 2 : i32
      %add3A_315 = arith.addi %add3A_301, %add3A_314 : i32
      %ge3A_316 = arith.constant 4 : i32
      %ge3A_317 = arith.cmpi sge, %add3A_315, %ge3A_316 : i32
      %lt3A_318 = arith.constant 40 : i32
      %lt3A_319 = arith.cmpi slt, %add3A_315, %lt3A_318 : i32
      %and3A_320 = arith.andi %ge3A_317, %lt3A_319 : i1
      %convert_element_type3A_321 = arith.extui %and3A_320 : i1 to i32
      %cond3A_322 = arith.constant 0 : i32
      %cond3A_323 = arith.cmpi ne, %convert_element_type3A_321, %cond3A_322 : i32
      scf.if %cond3A_323 {
        %dma_wait3A_329 = arith.constant 0 : i32
        %dma_wait3A_330 = tpu.memref_slice %arg8[%add3A_301, %dma_wait3A_329] : memref<40x128xi32, #tpu.memory_space<vmem>> -> memref<1x128xi32, #tpu.memory_space<vmem>>
        %dma_wait3A_331 = tpu.memref_squeeze %dma_wait3A_330 : memref<1x128xi32, #tpu.memory_space<vmem>> -> memref<128xi32, #tpu.memory_space<vmem>>
        %dma_wait3A_332 = arith.constant 0 : i32
        %dma_wait3A_333 = arith.constant 0 : i32
        %dma_wait3A_334 = tpu.memref_slice %arg14[%dma_wait3A_332, %dma_wait3A_333] : memref<10240x32xf32, #tpu.memory_space<vmem_shared>> -> memref<10240x32xf32, #tpu.memory_space<vmem_shared>>
        tpu.wait_indirect_dma semaphore(%arg20 : memref<!tpu.dma_semaphore, #tpu.memory_space<semaphore_mem>>) src(%arg10 : memref<128x32xf32, #tpu.memory_space<vmem>>) dst(%dma_wait3A_334 : memref<10240x32xf32, #tpu.memory_space<vmem_shared>>)
      } else {
      }
      %lt3A_324 = arith.constant 40 : i32
      %lt3A_325 = arith.cmpi slt, %add3A_315, %lt3A_324 : i32
      %convert_element_type3A_326 = arith.extui %lt3A_325 : i1 to i32
      %cond3A_327 = arith.constant 0 : i32
      %cond3A_328 = arith.cmpi ne, %convert_element_type3A_326, %cond3A_327 : i32
      scf.if %cond3A_328 {
        %dma_start3A_329 = arith.constant 0 : i32
        %dma_start3A_330 = tpu.memref_slice %arg7[%add3A_315, %dma_start3A_329] : memref<40x128xi32, #tpu.memory_space<vmem>> -> memref<1x128xi32, #tpu.memory_space<vmem>>
        %dma_start3A_331 = tpu.memref_squeeze %dma_start3A_330 : memref<1x128xi32, #tpu.memory_space<vmem>> -> memref<128xi32, #tpu.memory_space<vmem>>
        %dma_start3A_332 = arith.constant 0 : i32
        %dma_start3A_333 = arith.constant 0 : i32
        %dma_start3A_334 = tpu.memref_slice %arg13[%dma_start3A_332, %dma_start3A_333] : memref<10240x32xf32, #tpu.memory_space<vmem_shared>> -> memref<10240x32xf32, #tpu.memory_space<vmem_shared>>
        tpu.enqueue_indirect_dma source(%dma_start3A_334 : memref<10240x32xf32, #tpu.memory_space<vmem_shared>>) target(%arg10 : memref<128x32xf32, #tpu.memory_space<vmem>>) offsets(%dma_start3A_331 : memref<128xi32, #tpu.memory_space<vmem>>) semaphore(%arg16 : memref<!tpu.dma_semaphore, #tpu.memory_space<semaphore_mem>>)
      } else {
      }
    }
    %scan3A_25 = arith.constant 10 : i32
    %dma_wait3A = arith.constant 0 : i32
    %dma_wait3A_26 = arith.constant 0 : i32
    %dma_wait3A_27 = tpu.memref_slice %arg8[%dma_wait3A, %dma_wait3A_26] : memref<40x128xi32, #tpu.memory_space<vmem>> -> memref<1x128xi32, #tpu.memory_space<vmem>>
    %dma_wait3A_28 = tpu.memref_squeeze %dma_wait3A_27 : memref<1x128xi32, #tpu.memory_space<vmem>> -> memref<128xi32, #tpu.memory_space<vmem>>
    %dma_wait3A_29 = arith.constant 0 : i32
    %dma_wait3A_30 = arith.constant 0 : i32
    %dma_wait3A_31 = tpu.memref_slice %arg14[%dma_wait3A_29, %dma_wait3A_30] : memref<10240x32xf32, #tpu.memory_space<vmem_shared>> -> memref<10240x32xf32, #tpu.memory_space<vmem_shared>>
    tpu.wait_indirect_dma semaphore(%arg19 : memref<!tpu.dma_semaphore, #tpu.memory_space<semaphore_mem>>) src(%arg9 : memref<128x32xf32, #tpu.memory_space<vmem>>) dst(%dma_wait3A_31 : memref<10240x32xf32, #tpu.memory_space<vmem_shared>>)
    %dma_wait3A_32 = arith.constant 1 : i32
    %dma_wait3A_33 = arith.constant 0 : i32
    %dma_wait3A_34 = tpu.memref_slice %arg8[%dma_wait3A_32, %dma_wait3A_33] : memref<40x128xi32, #tpu.memory_space<vmem>> -> memref<1x128xi32, #tpu.memory_space<vmem>>
    %dma_wait3A_35 = tpu.memref_squeeze %dma_wait3A_34 : memref<1x128xi32, #tpu.memory_space<vmem>> -> memref<128xi32, #tpu.memory_space<vmem>>
    %dma_wait3A_36 = arith.constant 0 : i32
    %dma_wait3A_37 = arith.constant 0 : i32
    %dma_wait3A_38 = tpu.memref_slice %arg14[%dma_wait3A_36, %dma_wait3A_37] : memref<10240x32xf32, #tpu.memory_space<vmem_shared>> -> memref<10240x32xf32, #tpu.memory_space<vmem_shared>>
    tpu.wait_indirect_dma semaphore(%arg20 : memref<!tpu.dma_semaphore, #tpu.memory_space<semaphore_mem>>) src(%arg10 : memref<128x32xf32, #tpu.memory_space<vmem>>) dst(%dma_wait3A_38 : memref<10240x32xf32, #tpu.memory_space<vmem_shared>>)
    %dma_wait3A_39 = arith.constant 2 : i32
    %dma_wait3A_40 = arith.constant 0 : i32
    %dma_wait3A_41 = tpu.memref_slice %arg8[%dma_wait3A_39, %dma_wait3A_40] : memref<40x128xi32, #tpu.memory_space<vmem>> -> memref<1x128xi32, #tpu.memory_space<vmem>>
    %dma_wait3A_42 = tpu.memref_squeeze %dma_wait3A_41 : memref<1x128xi32, #tpu.memory_space<vmem>> -> memref<128xi32, #tpu.memory_space<vmem>>
    %dma_wait3A_43 = arith.constant 0 : i32
    %dma_wait3A_44 = arith.constant 0 : i32
    %dma_wait3A_45 = tpu.memref_slice %arg14[%dma_wait3A_43, %dma_wait3A_44] : memref<10240x32xf32, #tpu.memory_space<vmem_shared>> -> memref<10240x32xf32, #tpu.memory_space<vmem_shared>>
    tpu.wait_indirect_dma semaphore(%arg21 : memref<!tpu.dma_semaphore, #tpu.memory_space<semaphore_mem>>) src(%arg11 : memref<128x32xf32, #tpu.memory_space<vmem>>) dst(%dma_wait3A_45 : memref<10240x32xf32, #tpu.memory_space<vmem_shared>>)
    %dma_wait3A_46 = arith.constant 3 : i32
    %dma_wait3A_47 = arith.constant 0 : i32
    %dma_wait3A_48 = tpu.memref_slice %arg8[%dma_wait3A_46, %dma_wait3A_47] : memref<40x128xi32, #tpu.memory_space<vmem>> -> memref<1x128xi32, #tpu.memory_space<vmem>>
    %dma_wait3A_49 = tpu.memref_squeeze %dma_wait3A_48 : memref<1x128xi32, #tpu.memory_space<vmem>> -> memref<128xi32, #tpu.memory_space<vmem>>
    %dma_wait3A_50 = arith.constant 0 : i32
    %dma_wait3A_51 = arith.constant 0 : i32
    %dma_wait3A_52 = tpu.memref_slice %arg14[%dma_wait3A_50, %dma_wait3A_51] : memref<10240x32xf32, #tpu.memory_space<vmem_shared>> -> memref<10240x32xf32, #tpu.memory_space<vmem_shared>>
    tpu.wait_indirect_dma semaphore(%arg22 : memref<!tpu.dma_semaphore, #tpu.memory_space<semaphore_mem>>) src(%arg12 : memref<128x32xf32, #tpu.memory_space<vmem>>) dst(%dma_wait3A_52 : memref<10240x32xf32, #tpu.memory_space<vmem_shared>>)
    %run_scoped3A_53 = arith.constant 1 : i32
    "tpu.region"() ({
      %run_scoped3A_210 = tpu.sem_alloc : memref<!tpu.dma_semaphore, #tpu.memory_space<semaphore_mem>>
      %dma_start3A_211 = arith.constant 0 : i32
      %dma_start3A_212 = arith.constant 0 : i32
      %dma_start3A_213 = tpu.memref_slice %arg3[%arg1, %run_scoped3A_53, %dma_start3A_211, %dma_start3A_212] : memref<16x4x40x128xi32, #tpu.memory_space<hbm>> -> memref<1x1x40x128xi32, #tpu.memory_space<hbm>>
      %dma_start3A_214 = tpu.memref_squeeze %dma_start3A_213 : memref<1x1x40x128xi32, #tpu.memory_space<hbm>> -> memref<40x128xi32, #tpu.memory_space<hbm>>
      %dma_start3A_215 = arith.constant 0 : i32
      %dma_start3A_216 = arith.constant 0 : i32
      %dma_start3A_217 = tpu.memref_slice %arg3[%arg1, %run_scoped3A_53, %dma_start3A_215, %dma_start3A_216] : memref<16x4x40x128xi32, #tpu.memory_space<hbm>> -> memref<1x1x40x128xi32, #tpu.memory_space<hbm>>
      %dma_start3A_218 = tpu.memref_squeeze %dma_start3A_217 : memref<1x1x40x128xi32, #tpu.memory_space<hbm>> -> memref<40x128xi32, #tpu.memory_space<hbm>>
      tpu.enqueue_dma source(%dma_start3A_218 : memref<40x128xi32, #tpu.memory_space<hbm>>) target(%arg7 : memref<40x128xi32, #tpu.memory_space<vmem>>) target_semaphore(%run_scoped3A_210 : memref<!tpu.dma_semaphore, #tpu.memory_space<semaphore_mem>>)
      %dma_wait3A_219 = arith.constant 0 : i32
      %dma_wait3A_220 = arith.constant 0 : i32
      %dma_wait3A_221 = tpu.memref_slice %arg3[%arg1, %run_scoped3A_53, %dma_wait3A_219, %dma_wait3A_220] : memref<16x4x40x128xi32, #tpu.memory_space<hbm>> -> memref<1x1x40x128xi32, #tpu.memory_space<hbm>>
      %dma_wait3A_222 = tpu.memref_squeeze %dma_wait3A_221 : memref<1x1x40x128xi32, #tpu.memory_space<hbm>> -> memref<40x128xi32, #tpu.memory_space<hbm>>
      %dma_wait3A_223 = arith.constant 0 : i32
      %dma_wait3A_224 = arith.constant 0 : i32
      %dma_wait3A_225 = tpu.memref_slice %arg3[%arg1, %run_scoped3A_53, %dma_wait3A_223, %dma_wait3A_224] : memref<16x4x40x128xi32, #tpu.memory_space<hbm>> -> memref<1x1x40x128xi32, #tpu.memory_space<hbm>>
      %dma_wait3A_226 = tpu.memref_squeeze %dma_wait3A_225 : memref<1x1x40x128xi32, #tpu.memory_space<hbm>> -> memref<40x128xi32, #tpu.memory_space<hbm>>
      tpu.wait_dma2 semaphore(%run_scoped3A_210 : memref<!tpu.dma_semaphore, #tpu.memory_space<semaphore_mem>>) src(%dma_wait3A_226 : memref<40x128xi32, #tpu.memory_space<hbm>>) dst(%arg7 : memref<40x128xi32, #tpu.memory_space<vmem>>)
      tpu.yield
    }) : () -> ()
    %run_scoped3A_54 = arith.constant 1 : i32
    "tpu.region"() ({
      %run_scoped3A_210 = tpu.sem_alloc : memref<!tpu.dma_semaphore, #tpu.memory_space<semaphore_mem>>
      %dma_start3A_211 = arith.constant 0 : i32
      %dma_start3A_212 = arith.constant 0 : i32
      %dma_start3A_213 = tpu.memref_slice %arg4[%arg1, %run_scoped3A_54, %dma_start3A_211, %dma_start3A_212] : memref<16x4x40x128xi32, #tpu.memory_space<hbm>> -> memref<1x1x40x128xi32, #tpu.memory_space<hbm>>
      %dma_start3A_214 = tpu.memref_squeeze %dma_start3A_213 : memref<1x1x40x128xi32, #tpu.memory_space<hbm>> -> memref<40x128xi32, #tpu.memory_space<hbm>>
      %dma_start3A_215 = arith.constant 0 : i32
      %dma_start3A_216 = arith.constant 0 : i32
      %dma_start3A_217 = tpu.memref_slice %arg4[%arg1, %run_scoped3A_54, %dma_start3A_215, %dma_start3A_216] : memref<16x4x40x128xi32, #tpu.memory_space<hbm>> -> memref<1x1x40x128xi32, #tpu.memory_space<hbm>>
      %dma_start3A_218 = tpu.memref_squeeze %dma_start3A_217 : memref<1x1x40x128xi32, #tpu.memory_space<hbm>> -> memref<40x128xi32, #tpu.memory_space<hbm>>
      tpu.enqueue_dma source(%dma_start3A_218 : memref<40x128xi32, #tpu.memory_space<hbm>>) target(%arg8 : memref<40x128xi32, #tpu.memory_space<vmem>>) target_semaphore(%run_scoped3A_210 : memref<!tpu.dma_semaphore, #tpu.memory_space<semaphore_mem>>)
      %dma_wait3A_219 = arith.constant 0 : i32
      %dma_wait3A_220 = arith.constant 0 : i32
      %dma_wait3A_221 = tpu.memref_slice %arg4[%arg1, %run_scoped3A_54, %dma_wait3A_219, %dma_wait3A_220] : memref<16x4x40x128xi32, #tpu.memory_space<hbm>> -> memref<1x1x40x128xi32, #tpu.memory_space<hbm>>
      %dma_wait3A_222 = tpu.memref_squeeze %dma_wait3A_221 : memref<1x1x40x128xi32, #tpu.memory_space<hbm>> -> memref<40x128xi32, #tpu.memory_space<hbm>>
      %dma_wait3A_223 = arith.constant 0 : i32
      %dma_wait3A_224 = arith.constant 0 : i32
      %dma_wait3A_225 = tpu.memref_slice %arg4[%arg1, %run_scoped3A_54, %dma_wait3A_223, %dma_wait3A_224] : memref<16x4x40x128xi32, #tpu.memory_space<hbm>> -> memref<1x1x40x128xi32, #tpu.memory_space<hbm>>
      %dma_wait3A_226 = tpu.memref_squeeze %dma_wait3A_225 : memref<1x1x40x128xi32, #tpu.memory_space<hbm>> -> memref<40x128xi32, #tpu.memory_space<hbm>>
      tpu.wait_dma2 semaphore(%run_scoped3A_210 : memref<!tpu.dma_semaphore, #tpu.memory_space<semaphore_mem>>) src(%dma_wait3A_226 : memref<40x128xi32, #tpu.memory_space<hbm>>) dst(%arg8 : memref<40x128xi32, #tpu.memory_space<vmem>>)
      tpu.yield
    }) : () -> ()
    %dma_start3A_55 = arith.constant 0 : i32
    %dma_start3A_56 = arith.constant 0 : i32
    %dma_start3A_57 = tpu.memref_slice %arg7[%dma_start3A_55, %dma_start3A_56] : memref<40x128xi32, #tpu.memory_space<vmem>> -> memref<1x128xi32, #tpu.memory_space<vmem>>
    %dma_start3A_58 = tpu.memref_squeeze %dma_start3A_57 : memref<1x128xi32, #tpu.memory_space<vmem>> -> memref<128xi32, #tpu.memory_space<vmem>>
    %dma_start3A_59 = arith.constant 0 : i32
    %dma_start3A_60 = arith.constant 0 : i32
    %dma_start3A_61 = tpu.memref_slice %arg13[%dma_start3A_59, %dma_start3A_60] : memref<10240x32xf32, #tpu.memory_space<vmem_shared>> -> memref<10240x32xf32, #tpu.memory_space<vmem_shared>>
    tpu.enqueue_indirect_dma source(%dma_start3A_61 : memref<10240x32xf32, #tpu.memory_space<vmem_shared>>) target(%arg9 : memref<128x32xf32, #tpu.memory_space<vmem>>) offsets(%dma_start3A_58 : memref<128xi32, #tpu.memory_space<vmem>>) semaphore(%arg15 : memref<!tpu.dma_semaphore, #tpu.memory_space<semaphore_mem>>)
    %dma_start3A_62 = arith.constant 1 : i32
    %dma_start3A_63 = arith.constant 0 : i32
    %dma_start3A_64 = tpu.memref_slice %arg7[%dma_start3A_62, %dma_start3A_63] : memref<40x128xi32, #tpu.memory_space<vmem>> -> memref<1x128xi32, #tpu.memory_space<vmem>>
    %dma_start3A_65 = tpu.memref_squeeze %dma_start3A_64 : memref<1x128xi32, #tpu.memory_space<vmem>> -> memref<128xi32, #tpu.memory_space<vmem>>
    %dma_start3A_66 = arith.constant 0 : i32
    %dma_start3A_67 = arith.constant 0 : i32
    %dma_start3A_68 = tpu.memref_slice %arg13[%dma_start3A_66, %dma_start3A_67] : memref<10240x32xf32, #tpu.memory_space<vmem_shared>> -> memref<10240x32xf32, #tpu.memory_space<vmem_shared>>
    tpu.enqueue_indirect_dma source(%dma_start3A_68 : memref<10240x32xf32, #tpu.memory_space<vmem_shared>>) target(%arg10 : memref<128x32xf32, #tpu.memory_space<vmem>>) offsets(%dma_start3A_65 : memref<128xi32, #tpu.memory_space<vmem>>) semaphore(%arg16 : memref<!tpu.dma_semaphore, #tpu.memory_space<semaphore_mem>>)
    %scan3A_69 = arith.constant 0 : i32
    %scan3A_70 = arith.constant 0 : i32
    %scan3A_71 = arith.constant 10 : i32
    %scan3A_72 = arith.addi %scan3A_70, %scan3A_71 : i32
    %scan3A_73 = arith.constant 1 : i32
    scf.for %scan3A_210 = %scan3A_70 to %scan3A_72 step %scan3A_73  : i32 {
      %mul3A_211 = arith.constant 4 : i32
      %mul3A_212 = arith.muli %scan3A_210, %mul3A_211 : i32
      %add3A = arith.constant 0 : i32
      %add3A_213 = arith.addi %mul3A_212, %add3A : i32
      %dma_wait3A_214 = arith.constant 0 : i32
      %dma_wait3A_215 = tpu.memref_slice %arg7[%add3A_213, %dma_wait3A_214] : memref<40x128xi32, #tpu.memory_space<vmem>> -> memref<1x128xi32, #tpu.memory_space<vmem>>
      %dma_wait3A_216 = tpu.memref_squeeze %dma_wait3A_215 : memref<1x128xi32, #tpu.memory_space<vmem>> -> memref<128xi32, #tpu.memory_space<vmem>>
      %dma_wait3A_217 = arith.constant 0 : i32
      %dma_wait3A_218 = arith.constant 0 : i32
      %dma_wait3A_219 = tpu.memref_slice %arg13[%dma_wait3A_217, %dma_wait3A_218] : memref<10240x32xf32, #tpu.memory_space<vmem_shared>> -> memref<10240x32xf32, #tpu.memory_space<vmem_shared>>
      tpu.wait_indirect_dma semaphore(%arg15 : memref<!tpu.dma_semaphore, #tpu.memory_space<semaphore_mem>>) src(%dma_wait3A_219 : memref<10240x32xf32, #tpu.memory_space<vmem_shared>>) dst(%arg9 : memref<128x32xf32, #tpu.memory_space<vmem>>)
      %dma_start3A_220 = arith.constant 0 : i32
      %dma_start3A_221 = tpu.memref_slice %arg8[%add3A_213, %dma_start3A_220] : memref<40x128xi32, #tpu.memory_space<vmem>> -> memref<1x128xi32, #tpu.memory_space<vmem>>
      %dma_start3A_222 = tpu.memref_squeeze %dma_start3A_221 : memref<1x128xi32, #tpu.memory_space<vmem>> -> memref<128xi32, #tpu.memory_space<vmem>>
      %dma_start3A_223 = arith.constant 0 : i32
      %dma_start3A_224 = arith.constant 0 : i32
      %dma_start3A_225 = tpu.memref_slice %arg14[%dma_start3A_223, %dma_start3A_224] : memref<10240x32xf32, #tpu.memory_space<vmem_shared>> -> memref<10240x32xf32, #tpu.memory_space<vmem_shared>>
      tpu.enqueue_indirect_dma source(%arg9 : memref<128x32xf32, #tpu.memory_space<vmem>>) target(%dma_start3A_225 : memref<10240x32xf32, #tpu.memory_space<vmem_shared>>) offsets(%dma_start3A_222 : memref<128xi32, #tpu.memory_space<vmem>>) semaphore(%arg19 : memref<!tpu.dma_semaphore, #tpu.memory_space<semaphore_mem>>) {add = true}
      %add3A_226 = arith.constant 2 : i32
      %add3A_227 = arith.addi %add3A_213, %add3A_226 : i32
      %ge3A = arith.constant 4 : i32
      %ge3A_228 = arith.cmpi sge, %add3A_227, %ge3A : i32
      %lt3A = arith.constant 40 : i32
      %lt3A_229 = arith.cmpi slt, %add3A_227, %lt3A : i32
      %and3A = arith.andi %ge3A_228, %lt3A_229 : i1
      %convert_element_type3A = arith.extui %and3A : i1 to i32
      %cond3A = arith.constant 0 : i32
      %cond3A_230 = arith.cmpi ne, %convert_element_type3A, %cond3A : i32
      scf.if %cond3A_230 {
        %dma_wait3A_329 = arith.constant 0 : i32
        %dma_wait3A_330 = tpu.memref_slice %arg8[%add3A_213, %dma_wait3A_329] : memref<40x128xi32, #tpu.memory_space<vmem>> -> memref<1x128xi32, #tpu.memory_space<vmem>>
        %dma_wait3A_331 = tpu.memref_squeeze %dma_wait3A_330 : memref<1x128xi32, #tpu.memory_space<vmem>> -> memref<128xi32, #tpu.memory_space<vmem>>
        %dma_wait3A_332 = arith.constant 0 : i32
        %dma_wait3A_333 = arith.constant 0 : i32
        %dma_wait3A_334 = tpu.memref_slice %arg14[%dma_wait3A_332, %dma_wait3A_333] : memref<10240x32xf32, #tpu.memory_space<vmem_shared>> -> memref<10240x32xf32, #tpu.memory_space<vmem_shared>>
        tpu.wait_indirect_dma semaphore(%arg21 : memref<!tpu.dma_semaphore, #tpu.memory_space<semaphore_mem>>) src(%arg11 : memref<128x32xf32, #tpu.memory_space<vmem>>) dst(%dma_wait3A_334 : memref<10240x32xf32, #tpu.memory_space<vmem_shared>>)
      } else {
      }
      %lt3A_231 = arith.constant 40 : i32
      %lt3A_232 = arith.cmpi slt, %add3A_227, %lt3A_231 : i32
      %convert_element_type3A_233 = arith.extui %lt3A_232 : i1 to i32
      %cond3A_234 = arith.constant 0 : i32
      %cond3A_235 = arith.cmpi ne, %convert_element_type3A_233, %cond3A_234 : i32
      scf.if %cond3A_235 {
        %dma_start3A_329 = arith.constant 0 : i32
        %dma_start3A_330 = tpu.memref_slice %arg7[%add3A_227, %dma_start3A_329] : memref<40x128xi32, #tpu.memory_space<vmem>> -> memref<1x128xi32, #tpu.memory_space<vmem>>
        %dma_start3A_331 = tpu.memref_squeeze %dma_start3A_330 : memref<1x128xi32, #tpu.memory_space<vmem>> -> memref<128xi32, #tpu.memory_space<vmem>>
        %dma_start3A_332 = arith.constant 0 : i32
        %dma_start3A_333 = arith.constant 0 : i32
        %dma_start3A_334 = tpu.memref_slice %arg13[%dma_start3A_332, %dma_start3A_333] : memref<10240x32xf32, #tpu.memory_space<vmem_shared>> -> memref<10240x32xf32, #tpu.memory_space<vmem_shared>>
        tpu.enqueue_indirect_dma source(%dma_start3A_334 : memref<10240x32xf32, #tpu.memory_space<vmem_shared>>) target(%arg11 : memref<128x32xf32, #tpu.memory_space<vmem>>) offsets(%dma_start3A_331 : memref<128xi32, #tpu.memory_space<vmem>>) semaphore(%arg17 : memref<!tpu.dma_semaphore, #tpu.memory_space<semaphore_mem>>)
      } else {
      }
      %mul3A_236 = arith.constant 4 : i32
      %mul3A_237 = arith.muli %scan3A_210, %mul3A_236 : i32
      %add3A_238 = arith.constant 1 : i32
      %add3A_239 = arith.addi %mul3A_237, %add3A_238 : i32
      %dma_wait3A_240 = arith.constant 0 : i32
      %dma_wait3A_241 = tpu.memref_slice %arg7[%add3A_239, %dma_wait3A_240] : memref<40x128xi32, #tpu.memory_space<vmem>> -> memref<1x128xi32, #tpu.memory_space<vmem>>
      %dma_wait3A_242 = tpu.memref_squeeze %dma_wait3A_241 : memref<1x128xi32, #tpu.memory_space<vmem>> -> memref<128xi32, #tpu.memory_space<vmem>>
      %dma_wait3A_243 = arith.constant 0 : i32
      %dma_wait3A_244 = arith.constant 0 : i32
      %dma_wait3A_245 = tpu.memref_slice %arg13[%dma_wait3A_243, %dma_wait3A_244] : memref<10240x32xf32, #tpu.memory_space<vmem_shared>> -> memref<10240x32xf32, #tpu.memory_space<vmem_shared>>
      tpu.wait_indirect_dma semaphore(%arg16 : memref<!tpu.dma_semaphore, #tpu.memory_space<semaphore_mem>>) src(%dma_wait3A_245 : memref<10240x32xf32, #tpu.memory_space<vmem_shared>>) dst(%arg10 : memref<128x32xf32, #tpu.memory_space<vmem>>)
      %dma_start3A_246 = arith.constant 0 : i32
      %dma_start3A_247 = tpu.memref_slice %arg8[%add3A_239, %dma_start3A_246] : memref<40x128xi32, #tpu.memory_space<vmem>> -> memref<1x128xi32, #tpu.memory_space<vmem>>
      %dma_start3A_248 = tpu.memref_squeeze %dma_start3A_247 : memref<1x128xi32, #tpu.memory_space<vmem>> -> memref<128xi32, #tpu.memory_space<vmem>>
      %dma_start3A_249 = arith.constant 0 : i32
      %dma_start3A_250 = arith.constant 0 : i32
      %dma_start3A_251 = tpu.memref_slice %arg14[%dma_start3A_249, %dma_start3A_250] : memref<10240x32xf32, #tpu.memory_space<vmem_shared>> -> memref<10240x32xf32, #tpu.memory_space<vmem_shared>>
      tpu.enqueue_indirect_dma source(%arg10 : memref<128x32xf32, #tpu.memory_space<vmem>>) target(%dma_start3A_251 : memref<10240x32xf32, #tpu.memory_space<vmem_shared>>) offsets(%dma_start3A_248 : memref<128xi32, #tpu.memory_space<vmem>>) semaphore(%arg20 : memref<!tpu.dma_semaphore, #tpu.memory_space<semaphore_mem>>) {add = true}
      %add3A_252 = arith.constant 2 : i32
      %add3A_253 = arith.addi %add3A_239, %add3A_252 : i32
      %ge3A_254 = arith.constant 4 : i32
      %ge3A_255 = arith.cmpi sge, %add3A_253, %ge3A_254 : i32
      %lt3A_256 = arith.constant 40 : i32
      %lt3A_257 = arith.cmpi slt, %add3A_253, %lt3A_256 : i32
      %and3A_258 = arith.andi %ge3A_255, %lt3A_257 : i1
      %convert_element_type3A_259 = arith.extui %and3A_258 : i1 to i32
      %cond3A_260 = arith.constant 0 : i32
      %cond3A_261 = arith.cmpi ne, %convert_element_type3A_259, %cond3A_260 : i32
      scf.if %cond3A_261 {
        %dma_wait3A_329 = arith.constant 0 : i32
        %dma_wait3A_330 = tpu.memref_slice %arg8[%add3A_239, %dma_wait3A_329] : memref<40x128xi32, #tpu.memory_space<vmem>> -> memref<1x128xi32, #tpu.memory_space<vmem>>
        %dma_wait3A_331 = tpu.memref_squeeze %dma_wait3A_330 : memref<1x128xi32, #tpu.memory_space<vmem>> -> memref<128xi32, #tpu.memory_space<vmem>>
        %dma_wait3A_332 = arith.constant 0 : i32
        %dma_wait3A_333 = arith.constant 0 : i32
        %dma_wait3A_334 = tpu.memref_slice %arg14[%dma_wait3A_332, %dma_wait3A_333] : memref<10240x32xf32, #tpu.memory_space<vmem_shared>> -> memref<10240x32xf32, #tpu.memory_space<vmem_shared>>
        tpu.wait_indirect_dma semaphore(%arg22 : memref<!tpu.dma_semaphore, #tpu.memory_space<semaphore_mem>>) src(%arg12 : memref<128x32xf32, #tpu.memory_space<vmem>>) dst(%dma_wait3A_334 : memref<10240x32xf32, #tpu.memory_space<vmem_shared>>)
      } else {
      }
      %lt3A_262 = arith.constant 40 : i32
      %lt3A_263 = arith.cmpi slt, %add3A_253, %lt3A_262 : i32
      %convert_element_type3A_264 = arith.extui %lt3A_263 : i1 to i32
      %cond3A_265 = arith.constant 0 : i32
      %cond3A_266 = arith.cmpi ne, %convert_element_type3A_264, %cond3A_265 : i32
      scf.if %cond3A_266 {
        %dma_start3A_329 = arith.constant 0 : i32
        %dma_start3A_330 = tpu.memref_slice %arg7[%add3A_253, %dma_start3A_329] : memref<40x128xi32, #tpu.memory_space<vmem>> -> memref<1x128xi32, #tpu.memory_space<vmem>>
        %dma_start3A_331 = tpu.memref_squeeze %dma_start3A_330 : memref<1x128xi32, #tpu.memory_space<vmem>> -> memref<128xi32, #tpu.memory_space<vmem>>
        %dma_start3A_332 = arith.constant 0 : i32
        %dma_start3A_333 = arith.constant 0 : i32
        %dma_start3A_334 = tpu.memref_slice %arg13[%dma_start3A_332, %dma_start3A_333] : memref<10240x32xf32, #tpu.memory_space<vmem_shared>> -> memref<10240x32xf32, #tpu.memory_space<vmem_shared>>
        tpu.enqueue_indirect_dma source(%dma_start3A_334 : memref<10240x32xf32, #tpu.memory_space<vmem_shared>>) target(%arg12 : memref<128x32xf32, #tpu.memory_space<vmem>>) offsets(%dma_start3A_331 : memref<128xi32, #tpu.memory_space<vmem>>) semaphore(%arg18 : memref<!tpu.dma_semaphore, #tpu.memory_space<semaphore_mem>>)
      } else {
      }
      %mul3A_267 = arith.constant 4 : i32
      %mul3A_268 = arith.muli %scan3A_210, %mul3A_267 : i32
      %add3A_269 = arith.constant 2 : i32
      %add3A_270 = arith.addi %mul3A_268, %add3A_269 : i32
      %dma_wait3A_271 = arith.constant 0 : i32
      %dma_wait3A_272 = tpu.memref_slice %arg7[%add3A_270, %dma_wait3A_271] : memref<40x128xi32, #tpu.memory_space<vmem>> -> memref<1x128xi32, #tpu.memory_space<vmem>>
      %dma_wait3A_273 = tpu.memref_squeeze %dma_wait3A_272 : memref<1x128xi32, #tpu.memory_space<vmem>> -> memref<128xi32, #tpu.memory_space<vmem>>
      %dma_wait3A_274 = arith.constant 0 : i32
      %dma_wait3A_275 = arith.constant 0 : i32
      %dma_wait3A_276 = tpu.memref_slice %arg13[%dma_wait3A_274, %dma_wait3A_275] : memref<10240x32xf32, #tpu.memory_space<vmem_shared>> -> memref<10240x32xf32, #tpu.memory_space<vmem_shared>>
      tpu.wait_indirect_dma semaphore(%arg17 : memref<!tpu.dma_semaphore, #tpu.memory_space<semaphore_mem>>) src(%dma_wait3A_276 : memref<10240x32xf32, #tpu.memory_space<vmem_shared>>) dst(%arg11 : memref<128x32xf32, #tpu.memory_space<vmem>>)
      %dma_start3A_277 = arith.constant 0 : i32
      %dma_start3A_278 = tpu.memref_slice %arg8[%add3A_270, %dma_start3A_277] : memref<40x128xi32, #tpu.memory_space<vmem>> -> memref<1x128xi32, #tpu.memory_space<vmem>>
      %dma_start3A_279 = tpu.memref_squeeze %dma_start3A_278 : memref<1x128xi32, #tpu.memory_space<vmem>> -> memref<128xi32, #tpu.memory_space<vmem>>
      %dma_start3A_280 = arith.constant 0 : i32
      %dma_start3A_281 = arith.constant 0 : i32
      %dma_start3A_282 = tpu.memref_slice %arg14[%dma_start3A_280, %dma_start3A_281] : memref<10240x32xf32, #tpu.memory_space<vmem_shared>> -> memref<10240x32xf32, #tpu.memory_space<vmem_shared>>
      tpu.enqueue_indirect_dma source(%arg11 : memref<128x32xf32, #tpu.memory_space<vmem>>) target(%dma_start3A_282 : memref<10240x32xf32, #tpu.memory_space<vmem_shared>>) offsets(%dma_start3A_279 : memref<128xi32, #tpu.memory_space<vmem>>) semaphore(%arg21 : memref<!tpu.dma_semaphore, #tpu.memory_space<semaphore_mem>>) {add = true}
      %add3A_283 = arith.constant 2 : i32
      %add3A_284 = arith.addi %add3A_270, %add3A_283 : i32
      %ge3A_285 = arith.constant 4 : i32
      %ge3A_286 = arith.cmpi sge, %add3A_284, %ge3A_285 : i32
      %lt3A_287 = arith.constant 40 : i32
      %lt3A_288 = arith.cmpi slt, %add3A_284, %lt3A_287 : i32
      %and3A_289 = arith.andi %ge3A_286, %lt3A_288 : i1
      %convert_element_type3A_290 = arith.extui %and3A_289 : i1 to i32
      %cond3A_291 = arith.constant 0 : i32
      %cond3A_292 = arith.cmpi ne, %convert_element_type3A_290, %cond3A_291 : i32
      scf.if %cond3A_292 {
        %dma_wait3A_329 = arith.constant 0 : i32
        %dma_wait3A_330 = tpu.memref_slice %arg8[%add3A_270, %dma_wait3A_329] : memref<40x128xi32, #tpu.memory_space<vmem>> -> memref<1x128xi32, #tpu.memory_space<vmem>>
        %dma_wait3A_331 = tpu.memref_squeeze %dma_wait3A_330 : memref<1x128xi32, #tpu.memory_space<vmem>> -> memref<128xi32, #tpu.memory_space<vmem>>
        %dma_wait3A_332 = arith.constant 0 : i32
        %dma_wait3A_333 = arith.constant 0 : i32
        %dma_wait3A_334 = tpu.memref_slice %arg14[%dma_wait3A_332, %dma_wait3A_333] : memref<10240x32xf32, #tpu.memory_space<vmem_shared>> -> memref<10240x32xf32, #tpu.memory_space<vmem_shared>>
        tpu.wait_indirect_dma semaphore(%arg19 : memref<!tpu.dma_semaphore, #tpu.memory_space<semaphore_mem>>) src(%arg9 : memref<128x32xf32, #tpu.memory_space<vmem>>) dst(%dma_wait3A_334 : memref<10240x32xf32, #tpu.memory_space<vmem_shared>>)
      } else {
      }
      %lt3A_293 = arith.constant 40 : i32
      %lt3A_294 = arith.cmpi slt, %add3A_284, %lt3A_293 : i32
      %convert_element_type3A_295 = arith.extui %lt3A_294 : i1 to i32
      %cond3A_296 = arith.constant 0 : i32
      %cond3A_297 = arith.cmpi ne, %convert_element_type3A_295, %cond3A_296 : i32
      scf.if %cond3A_297 {
        %dma_start3A_329 = arith.constant 0 : i32
        %dma_start3A_330 = tpu.memref_slice %arg7[%add3A_284, %dma_start3A_329] : memref<40x128xi32, #tpu.memory_space<vmem>> -> memref<1x128xi32, #tpu.memory_space<vmem>>
        %dma_start3A_331 = tpu.memref_squeeze %dma_start3A_330 : memref<1x128xi32, #tpu.memory_space<vmem>> -> memref<128xi32, #tpu.memory_space<vmem>>
        %dma_start3A_332 = arith.constant 0 : i32
        %dma_start3A_333 = arith.constant 0 : i32
        %dma_start3A_334 = tpu.memref_slice %arg13[%dma_start3A_332, %dma_start3A_333] : memref<10240x32xf32, #tpu.memory_space<vmem_shared>> -> memref<10240x32xf32, #tpu.memory_space<vmem_shared>>
        tpu.enqueue_indirect_dma source(%dma_start3A_334 : memref<10240x32xf32, #tpu.memory_space<vmem_shared>>) target(%arg9 : memref<128x32xf32, #tpu.memory_space<vmem>>) offsets(%dma_start3A_331 : memref<128xi32, #tpu.memory_space<vmem>>) semaphore(%arg15 : memref<!tpu.dma_semaphore, #tpu.memory_space<semaphore_mem>>)
      } else {
      }
      %mul3A_298 = arith.constant 4 : i32
      %mul3A_299 = arith.muli %scan3A_210, %mul3A_298 : i32
      %add3A_300 = arith.constant 3 : i32
      %add3A_301 = arith.addi %mul3A_299, %add3A_300 : i32
      %dma_wait3A_302 = arith.constant 0 : i32
      %dma_wait3A_303 = tpu.memref_slice %arg7[%add3A_301, %dma_wait3A_302] : memref<40x128xi32, #tpu.memory_space<vmem>> -> memref<1x128xi32, #tpu.memory_space<vmem>>
      %dma_wait3A_304 = tpu.memref_squeeze %dma_wait3A_303 : memref<1x128xi32, #tpu.memory_space<vmem>> -> memref<128xi32, #tpu.memory_space<vmem>>
      %dma_wait3A_305 = arith.constant 0 : i32
      %dma_wait3A_306 = arith.constant 0 : i32
      %dma_wait3A_307 = tpu.memref_slice %arg13[%dma_wait3A_305, %dma_wait3A_306] : memref<10240x32xf32, #tpu.memory_space<vmem_shared>> -> memref<10240x32xf32, #tpu.memory_space<vmem_shared>>
      tpu.wait_indirect_dma semaphore(%arg18 : memref<!tpu.dma_semaphore, #tpu.memory_space<semaphore_mem>>) src(%dma_wait3A_307 : memref<10240x32xf32, #tpu.memory_space<vmem_shared>>) dst(%arg12 : memref<128x32xf32, #tpu.memory_space<vmem>>)
      %dma_start3A_308 = arith.constant 0 : i32
      %dma_start3A_309 = tpu.memref_slice %arg8[%add3A_301, %dma_start3A_308] : memref<40x128xi32, #tpu.memory_space<vmem>> -> memref<1x128xi32, #tpu.memory_space<vmem>>
      %dma_start3A_310 = tpu.memref_squeeze %dma_start3A_309 : memref<1x128xi32, #tpu.memory_space<vmem>> -> memref<128xi32, #tpu.memory_space<vmem>>
      %dma_start3A_311 = arith.constant 0 : i32
      %dma_start3A_312 = arith.constant 0 : i32
      %dma_start3A_313 = tpu.memref_slice %arg14[%dma_start3A_311, %dma_start3A_312] : memref<10240x32xf32, #tpu.memory_space<vmem_shared>> -> memref<10240x32xf32, #tpu.memory_space<vmem_shared>>
      tpu.enqueue_indirect_dma source(%arg12 : memref<128x32xf32, #tpu.memory_space<vmem>>) target(%dma_start3A_313 : memref<10240x32xf32, #tpu.memory_space<vmem_shared>>) offsets(%dma_start3A_310 : memref<128xi32, #tpu.memory_space<vmem>>) semaphore(%arg22 : memref<!tpu.dma_semaphore, #tpu.memory_space<semaphore_mem>>) {add = true}
      %add3A_314 = arith.constant 2 : i32
      %add3A_315 = arith.addi %add3A_301, %add3A_314 : i32
      %ge3A_316 = arith.constant 4 : i32
      %ge3A_317 = arith.cmpi sge, %add3A_315, %ge3A_316 : i32
      %lt3A_318 = arith.constant 40 : i32
      %lt3A_319 = arith.cmpi slt, %add3A_315, %lt3A_318 : i32
      %and3A_320 = arith.andi %ge3A_317, %lt3A_319 : i1
      %convert_element_type3A_321 = arith.extui %and3A_320 : i1 to i32
      %cond3A_322 = arith.constant 0 : i32
      %cond3A_323 = arith.cmpi ne, %convert_element_type3A_321, %cond3A_322 : i32
      scf.if %cond3A_323 {
        %dma_wait3A_329 = arith.constant 0 : i32
        %dma_wait3A_330 = tpu.memref_slice %arg8[%add3A_301, %dma_wait3A_329] : memref<40x128xi32, #tpu.memory_space<vmem>> -> memref<1x128xi32, #tpu.memory_space<vmem>>
        %dma_wait3A_331 = tpu.memref_squeeze %dma_wait3A_330 : memref<1x128xi32, #tpu.memory_space<vmem>> -> memref<128xi32, #tpu.memory_space<vmem>>
        %dma_wait3A_332 = arith.constant 0 : i32
        %dma_wait3A_333 = arith.constant 0 : i32
        %dma_wait3A_334 = tpu.memref_slice %arg14[%dma_wait3A_332, %dma_wait3A_333] : memref<10240x32xf32, #tpu.memory_space<vmem_shared>> -> memref<10240x32xf32, #tpu.memory_space<vmem_shared>>
        tpu.wait_indirect_dma semaphore(%arg20 : memref<!tpu.dma_semaphore, #tpu.memory_space<semaphore_mem>>) src(%arg10 : memref<128x32xf32, #tpu.memory_space<vmem>>) dst(%dma_wait3A_334 : memref<10240x32xf32, #tpu.memory_space<vmem_shared>>)
      } else {
      }
      %lt3A_324 = arith.constant 40 : i32
      %lt3A_325 = arith.cmpi slt, %add3A_315, %lt3A_324 : i32
      %convert_element_type3A_326 = arith.extui %lt3A_325 : i1 to i32
      %cond3A_327 = arith.constant 0 : i32
      %cond3A_328 = arith.cmpi ne, %convert_element_type3A_326, %cond3A_327 : i32
      scf.if %cond3A_328 {
        %dma_start3A_329 = arith.constant 0 : i32
        %dma_start3A_330 = tpu.memref_slice %arg7[%add3A_315, %dma_start3A_329] : memref<40x128xi32, #tpu.memory_space<vmem>> -> memref<1x128xi32, #tpu.memory_space<vmem>>
        %dma_start3A_331 = tpu.memref_squeeze %dma_start3A_330 : memref<1x128xi32, #tpu.memory_space<vmem>> -> memref<128xi32, #tpu.memory_space<vmem>>
        %dma_start3A_332 = arith.constant 0 : i32
        %dma_start3A_333 = arith.constant 0 : i32
        %dma_start3A_334 = tpu.memref_slice %arg13[%dma_start3A_332, %dma_start3A_333] : memref<10240x32xf32, #tpu.memory_space<vmem_shared>> -> memref<10240x32xf32, #tpu.memory_space<vmem_shared>>
        tpu.enqueue_indirect_dma source(%dma_start3A_334 : memref<10240x32xf32, #tpu.memory_space<vmem_shared>>) target(%arg10 : memref<128x32xf32, #tpu.memory_space<vmem>>) offsets(%dma_start3A_331 : memref<128xi32, #tpu.memory_space<vmem>>) semaphore(%arg16 : memref<!tpu.dma_semaphore, #tpu.memory_space<semaphore_mem>>)
      } else {
      }
    }
    %scan3A_74 = arith.constant 10 : i32
    %dma_wait3A_75 = arith.constant 0 : i32
    %dma_wait3A_76 = arith.constant 0 : i32
    %dma_wait3A_77 = tpu.memref_slice %arg8[%dma_wait3A_75, %dma_wait3A_76] : memref<40x128xi32, #tpu.memory_space<vmem>> -> memref<1x128xi32, #tpu.memory_space<vmem>>
    %dma_wait3A_78 = tpu.memref_squeeze %dma_wait3A_77 : memref<1x128xi32, #tpu.memory_space<vmem>> -> memref<128xi32, #tpu.memory_space<vmem>>
    %dma_wait3A_79 = arith.constant 0 : i32
    %dma_wait3A_80 = arith.constant 0 : i32
    %dma_wait3A_81 = tpu.memref_slice %arg14[%dma_wait3A_79, %dma_wait3A_80] : memref<10240x32xf32, #tpu.memory_space<vmem_shared>> -> memref<10240x32xf32, #tpu.memory_space<vmem_shared>>
    tpu.wait_indirect_dma semaphore(%arg19 : memref<!tpu.dma_semaphore, #tpu.memory_space<semaphore_mem>>) src(%arg9 : memref<128x32xf32, #tpu.memory_space<vmem>>) dst(%dma_wait3A_81 : memref<10240x32xf32, #tpu.memory_space<vmem_shared>>)
    %dma_wait3A_82 = arith.constant 1 : i32
    %dma_wait3A_83 = arith.constant 0 : i32
    %dma_wait3A_84 = tpu.memref_slice %arg8[%dma_wait3A_82, %dma_wait3A_83] : memref<40x128xi32, #tpu.memory_space<vmem>> -> memref<1x128xi32, #tpu.memory_space<vmem>>
    %dma_wait3A_85 = tpu.memref_squeeze %dma_wait3A_84 : memref<1x128xi32, #tpu.memory_space<vmem>> -> memref<128xi32, #tpu.memory_space<vmem>>
    %dma_wait3A_86 = arith.constant 0 : i32
    %dma_wait3A_87 = arith.constant 0 : i32
    %dma_wait3A_88 = tpu.memref_slice %arg14[%dma_wait3A_86, %dma_wait3A_87] : memref<10240x32xf32, #tpu.memory_space<vmem_shared>> -> memref<10240x32xf32, #tpu.memory_space<vmem_shared>>
    tpu.wait_indirect_dma semaphore(%arg20 : memref<!tpu.dma_semaphore, #tpu.memory_space<semaphore_mem>>) src(%arg10 : memref<128x32xf32, #tpu.memory_space<vmem>>) dst(%dma_wait3A_88 : memref<10240x32xf32, #tpu.memory_space<vmem_shared>>)
    %dma_wait3A_89 = arith.constant 2 : i32
    %dma_wait3A_90 = arith.constant 0 : i32
    %dma_wait3A_91 = tpu.memref_slice %arg8[%dma_wait3A_89, %dma_wait3A_90] : memref<40x128xi32, #tpu.memory_space<vmem>> -> memref<1x128xi32, #tpu.memory_space<vmem>>
    %dma_wait3A_92 = tpu.memref_squeeze %dma_wait3A_91 : memref<1x128xi32, #tpu.memory_space<vmem>> -> memref<128xi32, #tpu.memory_space<vmem>>
    %dma_wait3A_93 = arith.constant 0 : i32
    %dma_wait3A_94 = arith.constant 0 : i32
    %dma_wait3A_95 = tpu.memref_slice %arg14[%dma_wait3A_93, %dma_wait3A_94] : memref<10240x32xf32, #tpu.memory_space<vmem_shared>> -> memref<10240x32xf32, #tpu.memory_space<vmem_shared>>
    tpu.wait_indirect_dma semaphore(%arg21 : memref<!tpu.dma_semaphore, #tpu.memory_space<semaphore_mem>>) src(%arg11 : memref<128x32xf32, #tpu.memory_space<vmem>>) dst(%dma_wait3A_95 : memref<10240x32xf32, #tpu.memory_space<vmem_shared>>)
    %dma_wait3A_96 = arith.constant 3 : i32
    %dma_wait3A_97 = arith.constant 0 : i32
    %dma_wait3A_98 = tpu.memref_slice %arg8[%dma_wait3A_96, %dma_wait3A_97] : memref<40x128xi32, #tpu.memory_space<vmem>> -> memref<1x128xi32, #tpu.memory_space<vmem>>
    %dma_wait3A_99 = tpu.memref_squeeze %dma_wait3A_98 : memref<1x128xi32, #tpu.memory_space<vmem>> -> memref<128xi32, #tpu.memory_space<vmem>>
    %dma_wait3A_100 = arith.constant 0 : i32
    %dma_wait3A_101 = arith.constant 0 : i32
    %dma_wait3A_102 = tpu.memref_slice %arg14[%dma_wait3A_100, %dma_wait3A_101] : memref<10240x32xf32, #tpu.memory_space<vmem_shared>> -> memref<10240x32xf32, #tpu.memory_space<vmem_shared>>
    tpu.wait_indirect_dma semaphore(%arg22 : memref<!tpu.dma_semaphore, #tpu.memory_space<semaphore_mem>>) src(%arg12 : memref<128x32xf32, #tpu.memory_space<vmem>>) dst(%dma_wait3A_102 : memref<10240x32xf32, #tpu.memory_space<vmem_shared>>)
    %run_scoped3A_103 = arith.constant 2 : i32
    "tpu.region"() ({
      %run_scoped3A_210 = tpu.sem_alloc : memref<!tpu.dma_semaphore, #tpu.memory_space<semaphore_mem>>
      %dma_start3A_211 = arith.constant 0 : i32
      %dma_start3A_212 = arith.constant 0 : i32
      %dma_start3A_213 = tpu.memref_slice %arg3[%arg1, %run_scoped3A_103, %dma_start3A_211, %dma_start3A_212] : memref<16x4x40x128xi32, #tpu.memory_space<hbm>> -> memref<1x1x40x128xi32, #tpu.memory_space<hbm>>
      %dma_start3A_214 = tpu.memref_squeeze %dma_start3A_213 : memref<1x1x40x128xi32, #tpu.memory_space<hbm>> -> memref<40x128xi32, #tpu.memory_space<hbm>>
      %dma_start3A_215 = arith.constant 0 : i32
      %dma_start3A_216 = arith.constant 0 : i32
      %dma_start3A_217 = tpu.memref_slice %arg3[%arg1, %run_scoped3A_103, %dma_start3A_215, %dma_start3A_216] : memref<16x4x40x128xi32, #tpu.memory_space<hbm>> -> memref<1x1x40x128xi32, #tpu.memory_space<hbm>>
      %dma_start3A_218 = tpu.memref_squeeze %dma_start3A_217 : memref<1x1x40x128xi32, #tpu.memory_space<hbm>> -> memref<40x128xi32, #tpu.memory_space<hbm>>
      tpu.enqueue_dma source(%dma_start3A_218 : memref<40x128xi32, #tpu.memory_space<hbm>>) target(%arg7 : memref<40x128xi32, #tpu.memory_space<vmem>>) target_semaphore(%run_scoped3A_210 : memref<!tpu.dma_semaphore, #tpu.memory_space<semaphore_mem>>)
      %dma_wait3A_219 = arith.constant 0 : i32
      %dma_wait3A_220 = arith.constant 0 : i32
      %dma_wait3A_221 = tpu.memref_slice %arg3[%arg1, %run_scoped3A_103, %dma_wait3A_219, %dma_wait3A_220] : memref<16x4x40x128xi32, #tpu.memory_space<hbm>> -> memref<1x1x40x128xi32, #tpu.memory_space<hbm>>
      %dma_wait3A_222 = tpu.memref_squeeze %dma_wait3A_221 : memref<1x1x40x128xi32, #tpu.memory_space<hbm>> -> memref<40x128xi32, #tpu.memory_space<hbm>>
      %dma_wait3A_223 = arith.constant 0 : i32
      %dma_wait3A_224 = arith.constant 0 : i32
      %dma_wait3A_225 = tpu.memref_slice %arg3[%arg1, %run_scoped3A_103, %dma_wait3A_223, %dma_wait3A_224] : memref<16x4x40x128xi32, #tpu.memory_space<hbm>> -> memref<1x1x40x128xi32, #tpu.memory_space<hbm>>
      %dma_wait3A_226 = tpu.memref_squeeze %dma_wait3A_225 : memref<1x1x40x128xi32, #tpu.memory_space<hbm>> -> memref<40x128xi32, #tpu.memory_space<hbm>>
      tpu.wait_dma2 semaphore(%run_scoped3A_210 : memref<!tpu.dma_semaphore, #tpu.memory_space<semaphore_mem>>) src(%dma_wait3A_226 : memref<40x128xi32, #tpu.memory_space<hbm>>) dst(%arg7 : memref<40x128xi32, #tpu.memory_space<vmem>>)
      tpu.yield
    }) : () -> ()
    %run_scoped3A_104 = arith.constant 2 : i32
    "tpu.region"() ({
      %run_scoped3A_210 = tpu.sem_alloc : memref<!tpu.dma_semaphore, #tpu.memory_space<semaphore_mem>>
      %dma_start3A_211 = arith.constant 0 : i32
      %dma_start3A_212 = arith.constant 0 : i32
      %dma_start3A_213 = tpu.memref_slice %arg4[%arg1, %run_scoped3A_104, %dma_start3A_211, %dma_start3A_212] : memref<16x4x40x128xi32, #tpu.memory_space<hbm>> -> memref<1x1x40x128xi32, #tpu.memory_space<hbm>>
      %dma_start3A_214 = tpu.memref_squeeze %dma_start3A_213 : memref<1x1x40x128xi32, #tpu.memory_space<hbm>> -> memref<40x128xi32, #tpu.memory_space<hbm>>
      %dma_start3A_215 = arith.constant 0 : i32
      %dma_start3A_216 = arith.constant 0 : i32
      %dma_start3A_217 = tpu.memref_slice %arg4[%arg1, %run_scoped3A_104, %dma_start3A_215, %dma_start3A_216] : memref<16x4x40x128xi32, #tpu.memory_space<hbm>> -> memref<1x1x40x128xi32, #tpu.memory_space<hbm>>
      %dma_start3A_218 = tpu.memref_squeeze %dma_start3A_217 : memref<1x1x40x128xi32, #tpu.memory_space<hbm>> -> memref<40x128xi32, #tpu.memory_space<hbm>>
      tpu.enqueue_dma source(%dma_start3A_218 : memref<40x128xi32, #tpu.memory_space<hbm>>) target(%arg8 : memref<40x128xi32, #tpu.memory_space<vmem>>) target_semaphore(%run_scoped3A_210 : memref<!tpu.dma_semaphore, #tpu.memory_space<semaphore_mem>>)
      %dma_wait3A_219 = arith.constant 0 : i32
      %dma_wait3A_220 = arith.constant 0 : i32
      %dma_wait3A_221 = tpu.memref_slice %arg4[%arg1, %run_scoped3A_104, %dma_wait3A_219, %dma_wait3A_220] : memref<16x4x40x128xi32, #tpu.memory_space<hbm>> -> memref<1x1x40x128xi32, #tpu.memory_space<hbm>>
      %dma_wait3A_222 = tpu.memref_squeeze %dma_wait3A_221 : memref<1x1x40x128xi32, #tpu.memory_space<hbm>> -> memref<40x128xi32, #tpu.memory_space<hbm>>
      %dma_wait3A_223 = arith.constant 0 : i32
      %dma_wait3A_224 = arith.constant 0 : i32
      %dma_wait3A_225 = tpu.memref_slice %arg4[%arg1, %run_scoped3A_104, %dma_wait3A_223, %dma_wait3A_224] : memref<16x4x40x128xi32, #tpu.memory_space<hbm>> -> memref<1x1x40x128xi32, #tpu.memory_space<hbm>>
      %dma_wait3A_226 = tpu.memref_squeeze %dma_wait3A_225 : memref<1x1x40x128xi32, #tpu.memory_space<hbm>> -> memref<40x128xi32, #tpu.memory_space<hbm>>
      tpu.wait_dma2 semaphore(%run_scoped3A_210 : memref<!tpu.dma_semaphore, #tpu.memory_space<semaphore_mem>>) src(%dma_wait3A_226 : memref<40x128xi32, #tpu.memory_space<hbm>>) dst(%arg8 : memref<40x128xi32, #tpu.memory_space<vmem>>)
      tpu.yield
    }) : () -> ()
    %dma_start3A_105 = arith.constant 0 : i32
    %dma_start3A_106 = arith.constant 0 : i32
    %dma_start3A_107 = tpu.memref_slice %arg7[%dma_start3A_105, %dma_start3A_106] : memref<40x128xi32, #tpu.memory_space<vmem>> -> memref<1x128xi32, #tpu.memory_space<vmem>>
    %dma_start3A_108 = tpu.memref_squeeze %dma_start3A_107 : memref<1x128xi32, #tpu.memory_space<vmem>> -> memref<128xi32, #tpu.memory_space<vmem>>
    %dma_start3A_109 = arith.constant 0 : i32
    %dma_start3A_110 = arith.constant 0 : i32
    %dma_start3A_111 = tpu.memref_slice %arg13[%dma_start3A_109, %dma_start3A_110] : memref<10240x32xf32, #tpu.memory_space<vmem_shared>> -> memref<10240x32xf32, #tpu.memory_space<vmem_shared>>
    tpu.enqueue_indirect_dma source(%dma_start3A_111 : memref<10240x32xf32, #tpu.memory_space<vmem_shared>>) target(%arg9 : memref<128x32xf32, #tpu.memory_space<vmem>>) offsets(%dma_start3A_108 : memref<128xi32, #tpu.memory_space<vmem>>) semaphore(%arg15 : memref<!tpu.dma_semaphore, #tpu.memory_space<semaphore_mem>>)
    %dma_start3A_112 = arith.constant 1 : i32
    %dma_start3A_113 = arith.constant 0 : i32
    %dma_start3A_114 = tpu.memref_slice %arg7[%dma_start3A_112, %dma_start3A_113] : memref<40x128xi32, #tpu.memory_space<vmem>> -> memref<1x128xi32, #tpu.memory_space<vmem>>
    %dma_start3A_115 = tpu.memref_squeeze %dma_start3A_114 : memref<1x128xi32, #tpu.memory_space<vmem>> -> memref<128xi32, #tpu.memory_space<vmem>>
    %dma_start3A_116 = arith.constant 0 : i32
    %dma_start3A_117 = arith.constant 0 : i32
    %dma_start3A_118 = tpu.memref_slice %arg13[%dma_start3A_116, %dma_start3A_117] : memref<10240x32xf32, #tpu.memory_space<vmem_shared>> -> memref<10240x32xf32, #tpu.memory_space<vmem_shared>>
    tpu.enqueue_indirect_dma source(%dma_start3A_118 : memref<10240x32xf32, #tpu.memory_space<vmem_shared>>) target(%arg10 : memref<128x32xf32, #tpu.memory_space<vmem>>) offsets(%dma_start3A_115 : memref<128xi32, #tpu.memory_space<vmem>>) semaphore(%arg16 : memref<!tpu.dma_semaphore, #tpu.memory_space<semaphore_mem>>)
    %scan3A_119 = arith.constant 0 : i32
    %scan3A_120 = arith.constant 0 : i32
    %scan3A_121 = arith.constant 10 : i32
    %scan3A_122 = arith.addi %scan3A_120, %scan3A_121 : i32
    %scan3A_123 = arith.constant 1 : i32
    scf.for %scan3A_210 = %scan3A_120 to %scan3A_122 step %scan3A_123  : i32 {
      %mul3A_211 = arith.constant 4 : i32
      %mul3A_212 = arith.muli %scan3A_210, %mul3A_211 : i32
      %add3A = arith.constant 0 : i32
      %add3A_213 = arith.addi %mul3A_212, %add3A : i32
      %dma_wait3A_214 = arith.constant 0 : i32
      %dma_wait3A_215 = tpu.memref_slice %arg7[%add3A_213, %dma_wait3A_214] : memref<40x128xi32, #tpu.memory_space<vmem>> -> memref<1x128xi32, #tpu.memory_space<vmem>>
      %dma_wait3A_216 = tpu.memref_squeeze %dma_wait3A_215 : memref<1x128xi32, #tpu.memory_space<vmem>> -> memref<128xi32, #tpu.memory_space<vmem>>
      %dma_wait3A_217 = arith.constant 0 : i32
      %dma_wait3A_218 = arith.constant 0 : i32
      %dma_wait3A_219 = tpu.memref_slice %arg13[%dma_wait3A_217, %dma_wait3A_218] : memref<10240x32xf32, #tpu.memory_space<vmem_shared>> -> memref<10240x32xf32, #tpu.memory_space<vmem_shared>>
      tpu.wait_indirect_dma semaphore(%arg15 : memref<!tpu.dma_semaphore, #tpu.memory_space<semaphore_mem>>) src(%dma_wait3A_219 : memref<10240x32xf32, #tpu.memory_space<vmem_shared>>) dst(%arg9 : memref<128x32xf32, #tpu.memory_space<vmem>>)
      %dma_start3A_220 = arith.constant 0 : i32
      %dma_start3A_221 = tpu.memref_slice %arg8[%add3A_213, %dma_start3A_220] : memref<40x128xi32, #tpu.memory_space<vmem>> -> memref<1x128xi32, #tpu.memory_space<vmem>>
      %dma_start3A_222 = tpu.memref_squeeze %dma_start3A_221 : memref<1x128xi32, #tpu.memory_space<vmem>> -> memref<128xi32, #tpu.memory_space<vmem>>
      %dma_start3A_223 = arith.constant 0 : i32
      %dma_start3A_224 = arith.constant 0 : i32
      %dma_start3A_225 = tpu.memref_slice %arg14[%dma_start3A_223, %dma_start3A_224] : memref<10240x32xf32, #tpu.memory_space<vmem_shared>> -> memref<10240x32xf32, #tpu.memory_space<vmem_shared>>
      tpu.enqueue_indirect_dma source(%arg9 : memref<128x32xf32, #tpu.memory_space<vmem>>) target(%dma_start3A_225 : memref<10240x32xf32, #tpu.memory_space<vmem_shared>>) offsets(%dma_start3A_222 : memref<128xi32, #tpu.memory_space<vmem>>) semaphore(%arg19 : memref<!tpu.dma_semaphore, #tpu.memory_space<semaphore_mem>>) {add = true}
      %add3A_226 = arith.constant 2 : i32
      %add3A_227 = arith.addi %add3A_213, %add3A_226 : i32
      %ge3A = arith.constant 4 : i32
      %ge3A_228 = arith.cmpi sge, %add3A_227, %ge3A : i32
      %lt3A = arith.constant 40 : i32
      %lt3A_229 = arith.cmpi slt, %add3A_227, %lt3A : i32
      %and3A = arith.andi %ge3A_228, %lt3A_229 : i1
      %convert_element_type3A = arith.extui %and3A : i1 to i32
      %cond3A = arith.constant 0 : i32
      %cond3A_230 = arith.cmpi ne, %convert_element_type3A, %cond3A : i32
      scf.if %cond3A_230 {
        %dma_wait3A_329 = arith.constant 0 : i32
        %dma_wait3A_330 = tpu.memref_slice %arg8[%add3A_213, %dma_wait3A_329] : memref<40x128xi32, #tpu.memory_space<vmem>> -> memref<1x128xi32, #tpu.memory_space<vmem>>
        %dma_wait3A_331 = tpu.memref_squeeze %dma_wait3A_330 : memref<1x128xi32, #tpu.memory_space<vmem>> -> memref<128xi32, #tpu.memory_space<vmem>>
        %dma_wait3A_332 = arith.constant 0 : i32
        %dma_wait3A_333 = arith.constant 0 : i32
        %dma_wait3A_334 = tpu.memref_slice %arg14[%dma_wait3A_332, %dma_wait3A_333] : memref<10240x32xf32, #tpu.memory_space<vmem_shared>> -> memref<10240x32xf32, #tpu.memory_space<vmem_shared>>
        tpu.wait_indirect_dma semaphore(%arg21 : memref<!tpu.dma_semaphore, #tpu.memory_space<semaphore_mem>>) src(%arg11 : memref<128x32xf32, #tpu.memory_space<vmem>>) dst(%dma_wait3A_334 : memref<10240x32xf32, #tpu.memory_space<vmem_shared>>)
      } else {
      }
      %lt3A_231 = arith.constant 40 : i32
      %lt3A_232 = arith.cmpi slt, %add3A_227, %lt3A_231 : i32
      %convert_element_type3A_233 = arith.extui %lt3A_232 : i1 to i32
      %cond3A_234 = arith.constant 0 : i32
      %cond3A_235 = arith.cmpi ne, %convert_element_type3A_233, %cond3A_234 : i32
      scf.if %cond3A_235 {
        %dma_start3A_329 = arith.constant 0 : i32
        %dma_start3A_330 = tpu.memref_slice %arg7[%add3A_227, %dma_start3A_329] : memref<40x128xi32, #tpu.memory_space<vmem>> -> memref<1x128xi32, #tpu.memory_space<vmem>>
        %dma_start3A_331 = tpu.memref_squeeze %dma_start3A_330 : memref<1x128xi32, #tpu.memory_space<vmem>> -> memref<128xi32, #tpu.memory_space<vmem>>
        %dma_start3A_332 = arith.constant 0 : i32
        %dma_start3A_333 = arith.constant 0 : i32
        %dma_start3A_334 = tpu.memref_slice %arg13[%dma_start3A_332, %dma_start3A_333] : memref<10240x32xf32, #tpu.memory_space<vmem_shared>> -> memref<10240x32xf32, #tpu.memory_space<vmem_shared>>
        tpu.enqueue_indirect_dma source(%dma_start3A_334 : memref<10240x32xf32, #tpu.memory_space<vmem_shared>>) target(%arg11 : memref<128x32xf32, #tpu.memory_space<vmem>>) offsets(%dma_start3A_331 : memref<128xi32, #tpu.memory_space<vmem>>) semaphore(%arg17 : memref<!tpu.dma_semaphore, #tpu.memory_space<semaphore_mem>>)
      } else {
      }
      %mul3A_236 = arith.constant 4 : i32
      %mul3A_237 = arith.muli %scan3A_210, %mul3A_236 : i32
      %add3A_238 = arith.constant 1 : i32
      %add3A_239 = arith.addi %mul3A_237, %add3A_238 : i32
      %dma_wait3A_240 = arith.constant 0 : i32
      %dma_wait3A_241 = tpu.memref_slice %arg7[%add3A_239, %dma_wait3A_240] : memref<40x128xi32, #tpu.memory_space<vmem>> -> memref<1x128xi32, #tpu.memory_space<vmem>>
      %dma_wait3A_242 = tpu.memref_squeeze %dma_wait3A_241 : memref<1x128xi32, #tpu.memory_space<vmem>> -> memref<128xi32, #tpu.memory_space<vmem>>
      %dma_wait3A_243 = arith.constant 0 : i32
      %dma_wait3A_244 = arith.constant 0 : i32
      %dma_wait3A_245 = tpu.memref_slice %arg13[%dma_wait3A_243, %dma_wait3A_244] : memref<10240x32xf32, #tpu.memory_space<vmem_shared>> -> memref<10240x32xf32, #tpu.memory_space<vmem_shared>>
      tpu.wait_indirect_dma semaphore(%arg16 : memref<!tpu.dma_semaphore, #tpu.memory_space<semaphore_mem>>) src(%dma_wait3A_245 : memref<10240x32xf32, #tpu.memory_space<vmem_shared>>) dst(%arg10 : memref<128x32xf32, #tpu.memory_space<vmem>>)
      %dma_start3A_246 = arith.constant 0 : i32
      %dma_start3A_247 = tpu.memref_slice %arg8[%add3A_239, %dma_start3A_246] : memref<40x128xi32, #tpu.memory_space<vmem>> -> memref<1x128xi32, #tpu.memory_space<vmem>>
      %dma_start3A_248 = tpu.memref_squeeze %dma_start3A_247 : memref<1x128xi32, #tpu.memory_space<vmem>> -> memref<128xi32, #tpu.memory_space<vmem>>
      %dma_start3A_249 = arith.constant 0 : i32
      %dma_start3A_250 = arith.constant 0 : i32
      %dma_start3A_251 = tpu.memref_slice %arg14[%dma_start3A_249, %dma_start3A_250] : memref<10240x32xf32, #tpu.memory_space<vmem_shared>> -> memref<10240x32xf32, #tpu.memory_space<vmem_shared>>
      tpu.enqueue_indirect_dma source(%arg10 : memref<128x32xf32, #tpu.memory_space<vmem>>) target(%dma_start3A_251 : memref<10240x32xf32, #tpu.memory_space<vmem_shared>>) offsets(%dma_start3A_248 : memref<128xi32, #tpu.memory_space<vmem>>) semaphore(%arg20 : memref<!tpu.dma_semaphore, #tpu.memory_space<semaphore_mem>>) {add = true}
      %add3A_252 = arith.constant 2 : i32
      %add3A_253 = arith.addi %add3A_239, %add3A_252 : i32
      %ge3A_254 = arith.constant 4 : i32
      %ge3A_255 = arith.cmpi sge, %add3A_253, %ge3A_254 : i32
      %lt3A_256 = arith.constant 40 : i32
      %lt3A_257 = arith.cmpi slt, %add3A_253, %lt3A_256 : i32
      %and3A_258 = arith.andi %ge3A_255, %lt3A_257 : i1
      %convert_element_type3A_259 = arith.extui %and3A_258 : i1 to i32
      %cond3A_260 = arith.constant 0 : i32
      %cond3A_261 = arith.cmpi ne, %convert_element_type3A_259, %cond3A_260 : i32
      scf.if %cond3A_261 {
        %dma_wait3A_329 = arith.constant 0 : i32
        %dma_wait3A_330 = tpu.memref_slice %arg8[%add3A_239, %dma_wait3A_329] : memref<40x128xi32, #tpu.memory_space<vmem>> -> memref<1x128xi32, #tpu.memory_space<vmem>>
        %dma_wait3A_331 = tpu.memref_squeeze %dma_wait3A_330 : memref<1x128xi32, #tpu.memory_space<vmem>> -> memref<128xi32, #tpu.memory_space<vmem>>
        %dma_wait3A_332 = arith.constant 0 : i32
        %dma_wait3A_333 = arith.constant 0 : i32
        %dma_wait3A_334 = tpu.memref_slice %arg14[%dma_wait3A_332, %dma_wait3A_333] : memref<10240x32xf32, #tpu.memory_space<vmem_shared>> -> memref<10240x32xf32, #tpu.memory_space<vmem_shared>>
        tpu.wait_indirect_dma semaphore(%arg22 : memref<!tpu.dma_semaphore, #tpu.memory_space<semaphore_mem>>) src(%arg12 : memref<128x32xf32, #tpu.memory_space<vmem>>) dst(%dma_wait3A_334 : memref<10240x32xf32, #tpu.memory_space<vmem_shared>>)
      } else {
      }
      %lt3A_262 = arith.constant 40 : i32
      %lt3A_263 = arith.cmpi slt, %add3A_253, %lt3A_262 : i32
      %convert_element_type3A_264 = arith.extui %lt3A_263 : i1 to i32
      %cond3A_265 = arith.constant 0 : i32
      %cond3A_266 = arith.cmpi ne, %convert_element_type3A_264, %cond3A_265 : i32
      scf.if %cond3A_266 {
        %dma_start3A_329 = arith.constant 0 : i32
        %dma_start3A_330 = tpu.memref_slice %arg7[%add3A_253, %dma_start3A_329] : memref<40x128xi32, #tpu.memory_space<vmem>> -> memref<1x128xi32, #tpu.memory_space<vmem>>
        %dma_start3A_331 = tpu.memref_squeeze %dma_start3A_330 : memref<1x128xi32, #tpu.memory_space<vmem>> -> memref<128xi32, #tpu.memory_space<vmem>>
        %dma_start3A_332 = arith.constant 0 : i32
        %dma_start3A_333 = arith.constant 0 : i32
        %dma_start3A_334 = tpu.memref_slice %arg13[%dma_start3A_332, %dma_start3A_333] : memref<10240x32xf32, #tpu.memory_space<vmem_shared>> -> memref<10240x32xf32, #tpu.memory_space<vmem_shared>>
        tpu.enqueue_indirect_dma source(%dma_start3A_334 : memref<10240x32xf32, #tpu.memory_space<vmem_shared>>) target(%arg12 : memref<128x32xf32, #tpu.memory_space<vmem>>) offsets(%dma_start3A_331 : memref<128xi32, #tpu.memory_space<vmem>>) semaphore(%arg18 : memref<!tpu.dma_semaphore, #tpu.memory_space<semaphore_mem>>)
      } else {
      }
      %mul3A_267 = arith.constant 4 : i32
      %mul3A_268 = arith.muli %scan3A_210, %mul3A_267 : i32
      %add3A_269 = arith.constant 2 : i32
      %add3A_270 = arith.addi %mul3A_268, %add3A_269 : i32
      %dma_wait3A_271 = arith.constant 0 : i32
      %dma_wait3A_272 = tpu.memref_slice %arg7[%add3A_270, %dma_wait3A_271] : memref<40x128xi32, #tpu.memory_space<vmem>> -> memref<1x128xi32, #tpu.memory_space<vmem>>
      %dma_wait3A_273 = tpu.memref_squeeze %dma_wait3A_272 : memref<1x128xi32, #tpu.memory_space<vmem>> -> memref<128xi32, #tpu.memory_space<vmem>>
      %dma_wait3A_274 = arith.constant 0 : i32
      %dma_wait3A_275 = arith.constant 0 : i32
      %dma_wait3A_276 = tpu.memref_slice %arg13[%dma_wait3A_274, %dma_wait3A_275] : memref<10240x32xf32, #tpu.memory_space<vmem_shared>> -> memref<10240x32xf32, #tpu.memory_space<vmem_shared>>
      tpu.wait_indirect_dma semaphore(%arg17 : memref<!tpu.dma_semaphore, #tpu.memory_space<semaphore_mem>>) src(%dma_wait3A_276 : memref<10240x32xf32, #tpu.memory_space<vmem_shared>>) dst(%arg11 : memref<128x32xf32, #tpu.memory_space<vmem>>)
      %dma_start3A_277 = arith.constant 0 : i32
      %dma_start3A_278 = tpu.memref_slice %arg8[%add3A_270, %dma_start3A_277] : memref<40x128xi32, #tpu.memory_space<vmem>> -> memref<1x128xi32, #tpu.memory_space<vmem>>
      %dma_start3A_279 = tpu.memref_squeeze %dma_start3A_278 : memref<1x128xi32, #tpu.memory_space<vmem>> -> memref<128xi32, #tpu.memory_space<vmem>>
      %dma_start3A_280 = arith.constant 0 : i32
      %dma_start3A_281 = arith.constant 0 : i32
      %dma_start3A_282 = tpu.memref_slice %arg14[%dma_start3A_280, %dma_start3A_281] : memref<10240x32xf32, #tpu.memory_space<vmem_shared>> -> memref<10240x32xf32, #tpu.memory_space<vmem_shared>>
      tpu.enqueue_indirect_dma source(%arg11 : memref<128x32xf32, #tpu.memory_space<vmem>>) target(%dma_start3A_282 : memref<10240x32xf32, #tpu.memory_space<vmem_shared>>) offsets(%dma_start3A_279 : memref<128xi32, #tpu.memory_space<vmem>>) semaphore(%arg21 : memref<!tpu.dma_semaphore, #tpu.memory_space<semaphore_mem>>) {add = true}
      %add3A_283 = arith.constant 2 : i32
      %add3A_284 = arith.addi %add3A_270, %add3A_283 : i32
      %ge3A_285 = arith.constant 4 : i32
      %ge3A_286 = arith.cmpi sge, %add3A_284, %ge3A_285 : i32
      %lt3A_287 = arith.constant 40 : i32
      %lt3A_288 = arith.cmpi slt, %add3A_284, %lt3A_287 : i32
      %and3A_289 = arith.andi %ge3A_286, %lt3A_288 : i1
      %convert_element_type3A_290 = arith.extui %and3A_289 : i1 to i32
      %cond3A_291 = arith.constant 0 : i32
      %cond3A_292 = arith.cmpi ne, %convert_element_type3A_290, %cond3A_291 : i32
      scf.if %cond3A_292 {
        %dma_wait3A_329 = arith.constant 0 : i32
        %dma_wait3A_330 = tpu.memref_slice %arg8[%add3A_270, %dma_wait3A_329] : memref<40x128xi32, #tpu.memory_space<vmem>> -> memref<1x128xi32, #tpu.memory_space<vmem>>
        %dma_wait3A_331 = tpu.memref_squeeze %dma_wait3A_330 : memref<1x128xi32, #tpu.memory_space<vmem>> -> memref<128xi32, #tpu.memory_space<vmem>>
        %dma_wait3A_332 = arith.constant 0 : i32
        %dma_wait3A_333 = arith.constant 0 : i32
        %dma_wait3A_334 = tpu.memref_slice %arg14[%dma_wait3A_332, %dma_wait3A_333] : memref<10240x32xf32, #tpu.memory_space<vmem_shared>> -> memref<10240x32xf32, #tpu.memory_space<vmem_shared>>
        tpu.wait_indirect_dma semaphore(%arg19 : memref<!tpu.dma_semaphore, #tpu.memory_space<semaphore_mem>>) src(%arg9 : memref<128x32xf32, #tpu.memory_space<vmem>>) dst(%dma_wait3A_334 : memref<10240x32xf32, #tpu.memory_space<vmem_shared>>)
      } else {
      }
      %lt3A_293 = arith.constant 40 : i32
      %lt3A_294 = arith.cmpi slt, %add3A_284, %lt3A_293 : i32
      %convert_element_type3A_295 = arith.extui %lt3A_294 : i1 to i32
      %cond3A_296 = arith.constant 0 : i32
      %cond3A_297 = arith.cmpi ne, %convert_element_type3A_295, %cond3A_296 : i32
      scf.if %cond3A_297 {
        %dma_start3A_329 = arith.constant 0 : i32
        %dma_start3A_330 = tpu.memref_slice %arg7[%add3A_284, %dma_start3A_329] : memref<40x128xi32, #tpu.memory_space<vmem>> -> memref<1x128xi32, #tpu.memory_space<vmem>>
        %dma_start3A_331 = tpu.memref_squeeze %dma_start3A_330 : memref<1x128xi32, #tpu.memory_space<vmem>> -> memref<128xi32, #tpu.memory_space<vmem>>
        %dma_start3A_332 = arith.constant 0 : i32
        %dma_start3A_333 = arith.constant 0 : i32
        %dma_start3A_334 = tpu.memref_slice %arg13[%dma_start3A_332, %dma_start3A_333] : memref<10240x32xf32, #tpu.memory_space<vmem_shared>> -> memref<10240x32xf32, #tpu.memory_space<vmem_shared>>
        tpu.enqueue_indirect_dma source(%dma_start3A_334 : memref<10240x32xf32, #tpu.memory_space<vmem_shared>>) target(%arg9 : memref<128x32xf32, #tpu.memory_space<vmem>>) offsets(%dma_start3A_331 : memref<128xi32, #tpu.memory_space<vmem>>) semaphore(%arg15 : memref<!tpu.dma_semaphore, #tpu.memory_space<semaphore_mem>>)
      } else {
      }
      %mul3A_298 = arith.constant 4 : i32
      %mul3A_299 = arith.muli %scan3A_210, %mul3A_298 : i32
      %add3A_300 = arith.constant 3 : i32
      %add3A_301 = arith.addi %mul3A_299, %add3A_300 : i32
      %dma_wait3A_302 = arith.constant 0 : i32
      %dma_wait3A_303 = tpu.memref_slice %arg7[%add3A_301, %dma_wait3A_302] : memref<40x128xi32, #tpu.memory_space<vmem>> -> memref<1x128xi32, #tpu.memory_space<vmem>>
      %dma_wait3A_304 = tpu.memref_squeeze %dma_wait3A_303 : memref<1x128xi32, #tpu.memory_space<vmem>> -> memref<128xi32, #tpu.memory_space<vmem>>
      %dma_wait3A_305 = arith.constant 0 : i32
      %dma_wait3A_306 = arith.constant 0 : i32
      %dma_wait3A_307 = tpu.memref_slice %arg13[%dma_wait3A_305, %dma_wait3A_306] : memref<10240x32xf32, #tpu.memory_space<vmem_shared>> -> memref<10240x32xf32, #tpu.memory_space<vmem_shared>>
      tpu.wait_indirect_dma semaphore(%arg18 : memref<!tpu.dma_semaphore, #tpu.memory_space<semaphore_mem>>) src(%dma_wait3A_307 : memref<10240x32xf32, #tpu.memory_space<vmem_shared>>) dst(%arg12 : memref<128x32xf32, #tpu.memory_space<vmem>>)
      %dma_start3A_308 = arith.constant 0 : i32
      %dma_start3A_309 = tpu.memref_slice %arg8[%add3A_301, %dma_start3A_308] : memref<40x128xi32, #tpu.memory_space<vmem>> -> memref<1x128xi32, #tpu.memory_space<vmem>>
      %dma_start3A_310 = tpu.memref_squeeze %dma_start3A_309 : memref<1x128xi32, #tpu.memory_space<vmem>> -> memref<128xi32, #tpu.memory_space<vmem>>
      %dma_start3A_311 = arith.constant 0 : i32
      %dma_start3A_312 = arith.constant 0 : i32
      %dma_start3A_313 = tpu.memref_slice %arg14[%dma_start3A_311, %dma_start3A_312] : memref<10240x32xf32, #tpu.memory_space<vmem_shared>> -> memref<10240x32xf32, #tpu.memory_space<vmem_shared>>
      tpu.enqueue_indirect_dma source(%arg12 : memref<128x32xf32, #tpu.memory_space<vmem>>) target(%dma_start3A_313 : memref<10240x32xf32, #tpu.memory_space<vmem_shared>>) offsets(%dma_start3A_310 : memref<128xi32, #tpu.memory_space<vmem>>) semaphore(%arg22 : memref<!tpu.dma_semaphore, #tpu.memory_space<semaphore_mem>>) {add = true}
      %add3A_314 = arith.constant 2 : i32
      %add3A_315 = arith.addi %add3A_301, %add3A_314 : i32
      %ge3A_316 = arith.constant 4 : i32
      %ge3A_317 = arith.cmpi sge, %add3A_315, %ge3A_316 : i32
      %lt3A_318 = arith.constant 40 : i32
      %lt3A_319 = arith.cmpi slt, %add3A_315, %lt3A_318 : i32
      %and3A_320 = arith.andi %ge3A_317, %lt3A_319 : i1
      %convert_element_type3A_321 = arith.extui %and3A_320 : i1 to i32
      %cond3A_322 = arith.constant 0 : i32
      %cond3A_323 = arith.cmpi ne, %convert_element_type3A_321, %cond3A_322 : i32
      scf.if %cond3A_323 {
        %dma_wait3A_329 = arith.constant 0 : i32
        %dma_wait3A_330 = tpu.memref_slice %arg8[%add3A_301, %dma_wait3A_329] : memref<40x128xi32, #tpu.memory_space<vmem>> -> memref<1x128xi32, #tpu.memory_space<vmem>>
        %dma_wait3A_331 = tpu.memref_squeeze %dma_wait3A_330 : memref<1x128xi32, #tpu.memory_space<vmem>> -> memref<128xi32, #tpu.memory_space<vmem>>
        %dma_wait3A_332 = arith.constant 0 : i32
        %dma_wait3A_333 = arith.constant 0 : i32
        %dma_wait3A_334 = tpu.memref_slice %arg14[%dma_wait3A_332, %dma_wait3A_333] : memref<10240x32xf32, #tpu.memory_space<vmem_shared>> -> memref<10240x32xf32, #tpu.memory_space<vmem_shared>>
        tpu.wait_indirect_dma semaphore(%arg20 : memref<!tpu.dma_semaphore, #tpu.memory_space<semaphore_mem>>) src(%arg10 : memref<128x32xf32, #tpu.memory_space<vmem>>) dst(%dma_wait3A_334 : memref<10240x32xf32, #tpu.memory_space<vmem_shared>>)
      } else {
      }
      %lt3A_324 = arith.constant 40 : i32
      %lt3A_325 = arith.cmpi slt, %add3A_315, %lt3A_324 : i32
      %convert_element_type3A_326 = arith.extui %lt3A_325 : i1 to i32
      %cond3A_327 = arith.constant 0 : i32
      %cond3A_328 = arith.cmpi ne, %convert_element_type3A_326, %cond3A_327 : i32
      scf.if %cond3A_328 {
        %dma_start3A_329 = arith.constant 0 : i32
        %dma_start3A_330 = tpu.memref_slice %arg7[%add3A_315, %dma_start3A_329] : memref<40x128xi32, #tpu.memory_space<vmem>> -> memref<1x128xi32, #tpu.memory_space<vmem>>
        %dma_start3A_331 = tpu.memref_squeeze %dma_start3A_330 : memref<1x128xi32, #tpu.memory_space<vmem>> -> memref<128xi32, #tpu.memory_space<vmem>>
        %dma_start3A_332 = arith.constant 0 : i32
        %dma_start3A_333 = arith.constant 0 : i32
        %dma_start3A_334 = tpu.memref_slice %arg13[%dma_start3A_332, %dma_start3A_333] : memref<10240x32xf32, #tpu.memory_space<vmem_shared>> -> memref<10240x32xf32, #tpu.memory_space<vmem_shared>>
        tpu.enqueue_indirect_dma source(%dma_start3A_334 : memref<10240x32xf32, #tpu.memory_space<vmem_shared>>) target(%arg10 : memref<128x32xf32, #tpu.memory_space<vmem>>) offsets(%dma_start3A_331 : memref<128xi32, #tpu.memory_space<vmem>>) semaphore(%arg16 : memref<!tpu.dma_semaphore, #tpu.memory_space<semaphore_mem>>)
      } else {
      }
    }
    %scan3A_124 = arith.constant 10 : i32
    %dma_wait3A_125 = arith.constant 0 : i32
    %dma_wait3A_126 = arith.constant 0 : i32
    %dma_wait3A_127 = tpu.memref_slice %arg8[%dma_wait3A_125, %dma_wait3A_126] : memref<40x128xi32, #tpu.memory_space<vmem>> -> memref<1x128xi32, #tpu.memory_space<vmem>>
    %dma_wait3A_128 = tpu.memref_squeeze %dma_wait3A_127 : memref<1x128xi32, #tpu.memory_space<vmem>> -> memref<128xi32, #tpu.memory_space<vmem>>
    %dma_wait3A_129 = arith.constant 0 : i32
    %dma_wait3A_130 = arith.constant 0 : i32
    %dma_wait3A_131 = tpu.memref_slice %arg14[%dma_wait3A_129, %dma_wait3A_130] : memref<10240x32xf32, #tpu.memory_space<vmem_shared>> -> memref<10240x32xf32, #tpu.memory_space<vmem_shared>>
    tpu.wait_indirect_dma semaphore(%arg19 : memref<!tpu.dma_semaphore, #tpu.memory_space<semaphore_mem>>) src(%arg9 : memref<128x32xf32, #tpu.memory_space<vmem>>) dst(%dma_wait3A_131 : memref<10240x32xf32, #tpu.memory_space<vmem_shared>>)
    %dma_wait3A_132 = arith.constant 1 : i32
    %dma_wait3A_133 = arith.constant 0 : i32
    %dma_wait3A_134 = tpu.memref_slice %arg8[%dma_wait3A_132, %dma_wait3A_133] : memref<40x128xi32, #tpu.memory_space<vmem>> -> memref<1x128xi32, #tpu.memory_space<vmem>>
    %dma_wait3A_135 = tpu.memref_squeeze %dma_wait3A_134 : memref<1x128xi32, #tpu.memory_space<vmem>> -> memref<128xi32, #tpu.memory_space<vmem>>
    %dma_wait3A_136 = arith.constant 0 : i32
    %dma_wait3A_137 = arith.constant 0 : i32
    %dma_wait3A_138 = tpu.memref_slice %arg14[%dma_wait3A_136, %dma_wait3A_137] : memref<10240x32xf32, #tpu.memory_space<vmem_shared>> -> memref<10240x32xf32, #tpu.memory_space<vmem_shared>>
    tpu.wait_indirect_dma semaphore(%arg20 : memref<!tpu.dma_semaphore, #tpu.memory_space<semaphore_mem>>) src(%arg10 : memref<128x32xf32, #tpu.memory_space<vmem>>) dst(%dma_wait3A_138 : memref<10240x32xf32, #tpu.memory_space<vmem_shared>>)
    %dma_wait3A_139 = arith.constant 2 : i32
    %dma_wait3A_140 = arith.constant 0 : i32
    %dma_wait3A_141 = tpu.memref_slice %arg8[%dma_wait3A_139, %dma_wait3A_140] : memref<40x128xi32, #tpu.memory_space<vmem>> -> memref<1x128xi32, #tpu.memory_space<vmem>>
    %dma_wait3A_142 = tpu.memref_squeeze %dma_wait3A_141 : memref<1x128xi32, #tpu.memory_space<vmem>> -> memref<128xi32, #tpu.memory_space<vmem>>
    %dma_wait3A_143 = arith.constant 0 : i32
    %dma_wait3A_144 = arith.constant 0 : i32
    %dma_wait3A_145 = tpu.memref_slice %arg14[%dma_wait3A_143, %dma_wait3A_144] : memref<10240x32xf32, #tpu.memory_space<vmem_shared>> -> memref<10240x32xf32, #tpu.memory_space<vmem_shared>>
    tpu.wait_indirect_dma semaphore(%arg21 : memref<!tpu.dma_semaphore, #tpu.memory_space<semaphore_mem>>) src(%arg11 : memref<128x32xf32, #tpu.memory_space<vmem>>) dst(%dma_wait3A_145 : memref<10240x32xf32, #tpu.memory_space<vmem_shared>>)
    %dma_wait3A_146 = arith.constant 3 : i32
    %dma_wait3A_147 = arith.constant 0 : i32
    %dma_wait3A_148 = tpu.memref_slice %arg8[%dma_wait3A_146, %dma_wait3A_147] : memref<40x128xi32, #tpu.memory_space<vmem>> -> memref<1x128xi32, #tpu.memory_space<vmem>>
    %dma_wait3A_149 = tpu.memref_squeeze %dma_wait3A_148 : memref<1x128xi32, #tpu.memory_space<vmem>> -> memref<128xi32, #tpu.memory_space<vmem>>
    %dma_wait3A_150 = arith.constant 0 : i32
    %dma_wait3A_151 = arith.constant 0 : i32
    %dma_wait3A_152 = tpu.memref_slice %arg14[%dma_wait3A_150, %dma_wait3A_151] : memref<10240x32xf32, #tpu.memory_space<vmem_shared>> -> memref<10240x32xf32, #tpu.memory_space<vmem_shared>>
    tpu.wait_indirect_dma semaphore(%arg22 : memref<!tpu.dma_semaphore, #tpu.memory_space<semaphore_mem>>) src(%arg12 : memref<128x32xf32, #tpu.memory_space<vmem>>) dst(%dma_wait3A_152 : memref<10240x32xf32, #tpu.memory_space<vmem_shared>>)
    %run_scoped3A_153 = arith.constant 3 : i32
    "tpu.region"() ({
      %run_scoped3A_210 = tpu.sem_alloc : memref<!tpu.dma_semaphore, #tpu.memory_space<semaphore_mem>>
      %dma_start3A_211 = arith.constant 0 : i32
      %dma_start3A_212 = arith.constant 0 : i32
      %dma_start3A_213 = tpu.memref_slice %arg3[%arg1, %run_scoped3A_153, %dma_start3A_211, %dma_start3A_212] : memref<16x4x40x128xi32, #tpu.memory_space<hbm>> -> memref<1x1x40x128xi32, #tpu.memory_space<hbm>>
      %dma_start3A_214 = tpu.memref_squeeze %dma_start3A_213 : memref<1x1x40x128xi32, #tpu.memory_space<hbm>> -> memref<40x128xi32, #tpu.memory_space<hbm>>
      %dma_start3A_215 = arith.constant 0 : i32
      %dma_start3A_216 = arith.constant 0 : i32
      %dma_start3A_217 = tpu.memref_slice %arg3[%arg1, %run_scoped3A_153, %dma_start3A_215, %dma_start3A_216] : memref<16x4x40x128xi32, #tpu.memory_space<hbm>> -> memref<1x1x40x128xi32, #tpu.memory_space<hbm>>
      %dma_start3A_218 = tpu.memref_squeeze %dma_start3A_217 : memref<1x1x40x128xi32, #tpu.memory_space<hbm>> -> memref<40x128xi32, #tpu.memory_space<hbm>>
      tpu.enqueue_dma source(%dma_start3A_218 : memref<40x128xi32, #tpu.memory_space<hbm>>) target(%arg7 : memref<40x128xi32, #tpu.memory_space<vmem>>) target_semaphore(%run_scoped3A_210 : memref<!tpu.dma_semaphore, #tpu.memory_space<semaphore_mem>>)
      %dma_wait3A_219 = arith.constant 0 : i32
      %dma_wait3A_220 = arith.constant 0 : i32
      %dma_wait3A_221 = tpu.memref_slice %arg3[%arg1, %run_scoped3A_153, %dma_wait3A_219, %dma_wait3A_220] : memref<16x4x40x128xi32, #tpu.memory_space<hbm>> -> memref<1x1x40x128xi32, #tpu.memory_space<hbm>>
      %dma_wait3A_222 = tpu.memref_squeeze %dma_wait3A_221 : memref<1x1x40x128xi32, #tpu.memory_space<hbm>> -> memref<40x128xi32, #tpu.memory_space<hbm>>
      %dma_wait3A_223 = arith.constant 0 : i32
      %dma_wait3A_224 = arith.constant 0 : i32
      %dma_wait3A_225 = tpu.memref_slice %arg3[%arg1, %run_scoped3A_153, %dma_wait3A_223, %dma_wait3A_224] : memref<16x4x40x128xi32, #tpu.memory_space<hbm>> -> memref<1x1x40x128xi32, #tpu.memory_space<hbm>>
      %dma_wait3A_226 = tpu.memref_squeeze %dma_wait3A_225 : memref<1x1x40x128xi32, #tpu.memory_space<hbm>> -> memref<40x128xi32, #tpu.memory_space<hbm>>
      tpu.wait_dma2 semaphore(%run_scoped3A_210 : memref<!tpu.dma_semaphore, #tpu.memory_space<semaphore_mem>>) src(%dma_wait3A_226 : memref<40x128xi32, #tpu.memory_space<hbm>>) dst(%arg7 : memref<40x128xi32, #tpu.memory_space<vmem>>)
      tpu.yield
    }) : () -> ()
    %run_scoped3A_154 = arith.constant 3 : i32
    "tpu.region"() ({
      %run_scoped3A_210 = tpu.sem_alloc : memref<!tpu.dma_semaphore, #tpu.memory_space<semaphore_mem>>
      %dma_start3A_211 = arith.constant 0 : i32
      %dma_start3A_212 = arith.constant 0 : i32
      %dma_start3A_213 = tpu.memref_slice %arg4[%arg1, %run_scoped3A_154, %dma_start3A_211, %dma_start3A_212] : memref<16x4x40x128xi32, #tpu.memory_space<hbm>> -> memref<1x1x40x128xi32, #tpu.memory_space<hbm>>
      %dma_start3A_214 = tpu.memref_squeeze %dma_start3A_213 : memref<1x1x40x128xi32, #tpu.memory_space<hbm>> -> memref<40x128xi32, #tpu.memory_space<hbm>>
      %dma_start3A_215 = arith.constant 0 : i32
      %dma_start3A_216 = arith.constant 0 : i32
      %dma_start3A_217 = tpu.memref_slice %arg4[%arg1, %run_scoped3A_154, %dma_start3A_215, %dma_start3A_216] : memref<16x4x40x128xi32, #tpu.memory_space<hbm>> -> memref<1x1x40x128xi32, #tpu.memory_space<hbm>>
      %dma_start3A_218 = tpu.memref_squeeze %dma_start3A_217 : memref<1x1x40x128xi32, #tpu.memory_space<hbm>> -> memref<40x128xi32, #tpu.memory_space<hbm>>
      tpu.enqueue_dma source(%dma_start3A_218 : memref<40x128xi32, #tpu.memory_space<hbm>>) target(%arg8 : memref<40x128xi32, #tpu.memory_space<vmem>>) target_semaphore(%run_scoped3A_210 : memref<!tpu.dma_semaphore, #tpu.memory_space<semaphore_mem>>)
      %dma_wait3A_219 = arith.constant 0 : i32
      %dma_wait3A_220 = arith.constant 0 : i32
      %dma_wait3A_221 = tpu.memref_slice %arg4[%arg1, %run_scoped3A_154, %dma_wait3A_219, %dma_wait3A_220] : memref<16x4x40x128xi32, #tpu.memory_space<hbm>> -> memref<1x1x40x128xi32, #tpu.memory_space<hbm>>
      %dma_wait3A_222 = tpu.memref_squeeze %dma_wait3A_221 : memref<1x1x40x128xi32, #tpu.memory_space<hbm>> -> memref<40x128xi32, #tpu.memory_space<hbm>>
      %dma_wait3A_223 = arith.constant 0 : i32
      %dma_wait3A_224 = arith.constant 0 : i32
      %dma_wait3A_225 = tpu.memref_slice %arg4[%arg1, %run_scoped3A_154, %dma_wait3A_223, %dma_wait3A_224] : memref<16x4x40x128xi32, #tpu.memory_space<hbm>> -> memref<1x1x40x128xi32, #tpu.memory_space<hbm>>
      %dma_wait3A_226 = tpu.memref_squeeze %dma_wait3A_225 : memref<1x1x40x128xi32, #tpu.memory_space<hbm>> -> memref<40x128xi32, #tpu.memory_space<hbm>>
      tpu.wait_dma2 semaphore(%run_scoped3A_210 : memref<!tpu.dma_semaphore, #tpu.memory_space<semaphore_mem>>) src(%dma_wait3A_226 : memref<40x128xi32, #tpu.memory_space<hbm>>) dst(%arg8 : memref<40x128xi32, #tpu.memory_space<vmem>>)
      tpu.yield
    }) : () -> ()
    %dma_start3A_155 = arith.constant 0 : i32
    %dma_start3A_156 = arith.constant 0 : i32
    %dma_start3A_157 = tpu.memref_slice %arg7[%dma_start3A_155, %dma_start3A_156] : memref<40x128xi32, #tpu.memory_space<vmem>> -> memref<1x128xi32, #tpu.memory_space<vmem>>
    %dma_start3A_158 = tpu.memref_squeeze %dma_start3A_157 : memref<1x128xi32, #tpu.memory_space<vmem>> -> memref<128xi32, #tpu.memory_space<vmem>>
    %dma_start3A_159 = arith.constant 0 : i32
    %dma_start3A_160 = arith.constant 0 : i32
    %dma_start3A_161 = tpu.memref_slice %arg13[%dma_start3A_159, %dma_start3A_160] : memref<10240x32xf32, #tpu.memory_space<vmem_shared>> -> memref<10240x32xf32, #tpu.memory_space<vmem_shared>>
    tpu.enqueue_indirect_dma source(%dma_start3A_161 : memref<10240x32xf32, #tpu.memory_space<vmem_shared>>) target(%arg9 : memref<128x32xf32, #tpu.memory_space<vmem>>) offsets(%dma_start3A_158 : memref<128xi32, #tpu.memory_space<vmem>>) semaphore(%arg15 : memref<!tpu.dma_semaphore, #tpu.memory_space<semaphore_mem>>)
    %dma_start3A_162 = arith.constant 1 : i32
    %dma_start3A_163 = arith.constant 0 : i32
    %dma_start3A_164 = tpu.memref_slice %arg7[%dma_start3A_162, %dma_start3A_163] : memref<40x128xi32, #tpu.memory_space<vmem>> -> memref<1x128xi32, #tpu.memory_space<vmem>>
    %dma_start3A_165 = tpu.memref_squeeze %dma_start3A_164 : memref<1x128xi32, #tpu.memory_space<vmem>> -> memref<128xi32, #tpu.memory_space<vmem>>
    %dma_start3A_166 = arith.constant 0 : i32
    %dma_start3A_167 = arith.constant 0 : i32
    %dma_start3A_168 = tpu.memref_slice %arg13[%dma_start3A_166, %dma_start3A_167] : memref<10240x32xf32, #tpu.memory_space<vmem_shared>> -> memref<10240x32xf32, #tpu.memory_space<vmem_shared>>
    tpu.enqueue_indirect_dma source(%dma_start3A_168 : memref<10240x32xf32, #tpu.memory_space<vmem_shared>>) target(%arg10 : memref<128x32xf32, #tpu.memory_space<vmem>>) offsets(%dma_start3A_165 : memref<128xi32, #tpu.memory_space<vmem>>) semaphore(%arg16 : memref<!tpu.dma_semaphore, #tpu.memory_space<semaphore_mem>>)
    %scan3A_169 = arith.constant 0 : i32
    %scan3A_170 = arith.constant 0 : i32
    %scan3A_171 = arith.constant 10 : i32
    %scan3A_172 = arith.addi %scan3A_170, %scan3A_171 : i32
    %scan3A_173 = arith.constant 1 : i32
    scf.for %scan3A_210 = %scan3A_170 to %scan3A_172 step %scan3A_173  : i32 {
      %mul3A_211 = arith.constant 4 : i32
      %mul3A_212 = arith.muli %scan3A_210, %mul3A_211 : i32
      %add3A = arith.constant 0 : i32
      %add3A_213 = arith.addi %mul3A_212, %add3A : i32
      %dma_wait3A_214 = arith.constant 0 : i32
      %dma_wait3A_215 = tpu.memref_slice %arg7[%add3A_213, %dma_wait3A_214] : memref<40x128xi32, #tpu.memory_space<vmem>> -> memref<1x128xi32, #tpu.memory_space<vmem>>
      %dma_wait3A_216 = tpu.memref_squeeze %dma_wait3A_215 : memref<1x128xi32, #tpu.memory_space<vmem>> -> memref<128xi32, #tpu.memory_space<vmem>>
      %dma_wait3A_217 = arith.constant 0 : i32
      %dma_wait3A_218 = arith.constant 0 : i32
      %dma_wait3A_219 = tpu.memref_slice %arg13[%dma_wait3A_217, %dma_wait3A_218] : memref<10240x32xf32, #tpu.memory_space<vmem_shared>> -> memref<10240x32xf32, #tpu.memory_space<vmem_shared>>
      tpu.wait_indirect_dma semaphore(%arg15 : memref<!tpu.dma_semaphore, #tpu.memory_space<semaphore_mem>>) src(%dma_wait3A_219 : memref<10240x32xf32, #tpu.memory_space<vmem_shared>>) dst(%arg9 : memref<128x32xf32, #tpu.memory_space<vmem>>)
      %dma_start3A_220 = arith.constant 0 : i32
      %dma_start3A_221 = tpu.memref_slice %arg8[%add3A_213, %dma_start3A_220] : memref<40x128xi32, #tpu.memory_space<vmem>> -> memref<1x128xi32, #tpu.memory_space<vmem>>
      %dma_start3A_222 = tpu.memref_squeeze %dma_start3A_221 : memref<1x128xi32, #tpu.memory_space<vmem>> -> memref<128xi32, #tpu.memory_space<vmem>>
      %dma_start3A_223 = arith.constant 0 : i32
      %dma_start3A_224 = arith.constant 0 : i32
      %dma_start3A_225 = tpu.memref_slice %arg14[%dma_start3A_223, %dma_start3A_224] : memref<10240x32xf32, #tpu.memory_space<vmem_shared>> -> memref<10240x32xf32, #tpu.memory_space<vmem_shared>>
      tpu.enqueue_indirect_dma source(%arg9 : memref<128x32xf32, #tpu.memory_space<vmem>>) target(%dma_start3A_225 : memref<10240x32xf32, #tpu.memory_space<vmem_shared>>) offsets(%dma_start3A_222 : memref<128xi32, #tpu.memory_space<vmem>>) semaphore(%arg19 : memref<!tpu.dma_semaphore, #tpu.memory_space<semaphore_mem>>) {add = true}
      %add3A_226 = arith.constant 2 : i32
      %add3A_227 = arith.addi %add3A_213, %add3A_226 : i32
      %ge3A = arith.constant 4 : i32
      %ge3A_228 = arith.cmpi sge, %add3A_227, %ge3A : i32
      %lt3A = arith.constant 40 : i32
      %lt3A_229 = arith.cmpi slt, %add3A_227, %lt3A : i32
      %and3A = arith.andi %ge3A_228, %lt3A_229 : i1
      %convert_element_type3A = arith.extui %and3A : i1 to i32
      %cond3A = arith.constant 0 : i32
      %cond3A_230 = arith.cmpi ne, %convert_element_type3A, %cond3A : i32
      scf.if %cond3A_230 {
        %dma_wait3A_329 = arith.constant 0 : i32
        %dma_wait3A_330 = tpu.memref_slice %arg8[%add3A_213, %dma_wait3A_329] : memref<40x128xi32, #tpu.memory_space<vmem>> -> memref<1x128xi32, #tpu.memory_space<vmem>>
        %dma_wait3A_331 = tpu.memref_squeeze %dma_wait3A_330 : memref<1x128xi32, #tpu.memory_space<vmem>> -> memref<128xi32, #tpu.memory_space<vmem>>
        %dma_wait3A_332 = arith.constant 0 : i32
        %dma_wait3A_333 = arith.constant 0 : i32
        %dma_wait3A_334 = tpu.memref_slice %arg14[%dma_wait3A_332, %dma_wait3A_333] : memref<10240x32xf32, #tpu.memory_space<vmem_shared>> -> memref<10240x32xf32, #tpu.memory_space<vmem_shared>>
        tpu.wait_indirect_dma semaphore(%arg21 : memref<!tpu.dma_semaphore, #tpu.memory_space<semaphore_mem>>) src(%arg11 : memref<128x32xf32, #tpu.memory_space<vmem>>) dst(%dma_wait3A_334 : memref<10240x32xf32, #tpu.memory_space<vmem_shared>>)
      } else {
      }
      %lt3A_231 = arith.constant 40 : i32
      %lt3A_232 = arith.cmpi slt, %add3A_227, %lt3A_231 : i32
      %convert_element_type3A_233 = arith.extui %lt3A_232 : i1 to i32
      %cond3A_234 = arith.constant 0 : i32
      %cond3A_235 = arith.cmpi ne, %convert_element_type3A_233, %cond3A_234 : i32
      scf.if %cond3A_235 {
        %dma_start3A_329 = arith.constant 0 : i32
        %dma_start3A_330 = tpu.memref_slice %arg7[%add3A_227, %dma_start3A_329] : memref<40x128xi32, #tpu.memory_space<vmem>> -> memref<1x128xi32, #tpu.memory_space<vmem>>
        %dma_start3A_331 = tpu.memref_squeeze %dma_start3A_330 : memref<1x128xi32, #tpu.memory_space<vmem>> -> memref<128xi32, #tpu.memory_space<vmem>>
        %dma_start3A_332 = arith.constant 0 : i32
        %dma_start3A_333 = arith.constant 0 : i32
        %dma_start3A_334 = tpu.memref_slice %arg13[%dma_start3A_332, %dma_start3A_333] : memref<10240x32xf32, #tpu.memory_space<vmem_shared>> -> memref<10240x32xf32, #tpu.memory_space<vmem_shared>>
        tpu.enqueue_indirect_dma source(%dma_start3A_334 : memref<10240x32xf32, #tpu.memory_space<vmem_shared>>) target(%arg11 : memref<128x32xf32, #tpu.memory_space<vmem>>) offsets(%dma_start3A_331 : memref<128xi32, #tpu.memory_space<vmem>>) semaphore(%arg17 : memref<!tpu.dma_semaphore, #tpu.memory_space<semaphore_mem>>)
      } else {
      }
      %mul3A_236 = arith.constant 4 : i32
      %mul3A_237 = arith.muli %scan3A_210, %mul3A_236 : i32
      %add3A_238 = arith.constant 1 : i32
      %add3A_239 = arith.addi %mul3A_237, %add3A_238 : i32
      %dma_wait3A_240 = arith.constant 0 : i32
      %dma_wait3A_241 = tpu.memref_slice %arg7[%add3A_239, %dma_wait3A_240] : memref<40x128xi32, #tpu.memory_space<vmem>> -> memref<1x128xi32, #tpu.memory_space<vmem>>
      %dma_wait3A_242 = tpu.memref_squeeze %dma_wait3A_241 : memref<1x128xi32, #tpu.memory_space<vmem>> -> memref<128xi32, #tpu.memory_space<vmem>>
      %dma_wait3A_243 = arith.constant 0 : i32
      %dma_wait3A_244 = arith.constant 0 : i32
      %dma_wait3A_245 = tpu.memref_slice %arg13[%dma_wait3A_243, %dma_wait3A_244] : memref<10240x32xf32, #tpu.memory_space<vmem_shared>> -> memref<10240x32xf32, #tpu.memory_space<vmem_shared>>
      tpu.wait_indirect_dma semaphore(%arg16 : memref<!tpu.dma_semaphore, #tpu.memory_space<semaphore_mem>>) src(%dma_wait3A_245 : memref<10240x32xf32, #tpu.memory_space<vmem_shared>>) dst(%arg10 : memref<128x32xf32, #tpu.memory_space<vmem>>)
      %dma_start3A_246 = arith.constant 0 : i32
      %dma_start3A_247 = tpu.memref_slice %arg8[%add3A_239, %dma_start3A_246] : memref<40x128xi32, #tpu.memory_space<vmem>> -> memref<1x128xi32, #tpu.memory_space<vmem>>
      %dma_start3A_248 = tpu.memref_squeeze %dma_start3A_247 : memref<1x128xi32, #tpu.memory_space<vmem>> -> memref<128xi32, #tpu.memory_space<vmem>>
      %dma_start3A_249 = arith.constant 0 : i32
      %dma_start3A_250 = arith.constant 0 : i32
      %dma_start3A_251 = tpu.memref_slice %arg14[%dma_start3A_249, %dma_start3A_250] : memref<10240x32xf32, #tpu.memory_space<vmem_shared>> -> memref<10240x32xf32, #tpu.memory_space<vmem_shared>>
      tpu.enqueue_indirect_dma source(%arg10 : memref<128x32xf32, #tpu.memory_space<vmem>>) target(%dma_start3A_251 : memref<10240x32xf32, #tpu.memory_space<vmem_shared>>) offsets(%dma_start3A_248 : memref<128xi32, #tpu.memory_space<vmem>>) semaphore(%arg20 : memref<!tpu.dma_semaphore, #tpu.memory_space<semaphore_mem>>) {add = true}
      %add3A_252 = arith.constant 2 : i32
      %add3A_253 = arith.addi %add3A_239, %add3A_252 : i32
      %ge3A_254 = arith.constant 4 : i32
      %ge3A_255 = arith.cmpi sge, %add3A_253, %ge3A_254 : i32
      %lt3A_256 = arith.constant 40 : i32
      %lt3A_257 = arith.cmpi slt, %add3A_253, %lt3A_256 : i32
      %and3A_258 = arith.andi %ge3A_255, %lt3A_257 : i1
      %convert_element_type3A_259 = arith.extui %and3A_258 : i1 to i32
      %cond3A_260 = arith.constant 0 : i32
      %cond3A_261 = arith.cmpi ne, %convert_element_type3A_259, %cond3A_260 : i32
      scf.if %cond3A_261 {
        %dma_wait3A_329 = arith.constant 0 : i32
        %dma_wait3A_330 = tpu.memref_slice %arg8[%add3A_239, %dma_wait3A_329] : memref<40x128xi32, #tpu.memory_space<vmem>> -> memref<1x128xi32, #tpu.memory_space<vmem>>
        %dma_wait3A_331 = tpu.memref_squeeze %dma_wait3A_330 : memref<1x128xi32, #tpu.memory_space<vmem>> -> memref<128xi32, #tpu.memory_space<vmem>>
        %dma_wait3A_332 = arith.constant 0 : i32
        %dma_wait3A_333 = arith.constant 0 : i32
        %dma_wait3A_334 = tpu.memref_slice %arg14[%dma_wait3A_332, %dma_wait3A_333] : memref<10240x32xf32, #tpu.memory_space<vmem_shared>> -> memref<10240x32xf32, #tpu.memory_space<vmem_shared>>
        tpu.wait_indirect_dma semaphore(%arg22 : memref<!tpu.dma_semaphore, #tpu.memory_space<semaphore_mem>>) src(%arg12 : memref<128x32xf32, #tpu.memory_space<vmem>>) dst(%dma_wait3A_334 : memref<10240x32xf32, #tpu.memory_space<vmem_shared>>)
      } else {
      }
      %lt3A_262 = arith.constant 40 : i32
      %lt3A_263 = arith.cmpi slt, %add3A_253, %lt3A_262 : i32
      %convert_element_type3A_264 = arith.extui %lt3A_263 : i1 to i32
      %cond3A_265 = arith.constant 0 : i32
      %cond3A_266 = arith.cmpi ne, %convert_element_type3A_264, %cond3A_265 : i32
      scf.if %cond3A_266 {
        %dma_start3A_329 = arith.constant 0 : i32
        %dma_start3A_330 = tpu.memref_slice %arg7[%add3A_253, %dma_start3A_329] : memref<40x128xi32, #tpu.memory_space<vmem>> -> memref<1x128xi32, #tpu.memory_space<vmem>>
        %dma_start3A_331 = tpu.memref_squeeze %dma_start3A_330 : memref<1x128xi32, #tpu.memory_space<vmem>> -> memref<128xi32, #tpu.memory_space<vmem>>
        %dma_start3A_332 = arith.constant 0 : i32
        %dma_start3A_333 = arith.constant 0 : i32
        %dma_start3A_334 = tpu.memref_slice %arg13[%dma_start3A_332, %dma_start3A_333] : memref<10240x32xf32, #tpu.memory_space<vmem_shared>> -> memref<10240x32xf32, #tpu.memory_space<vmem_shared>>
        tpu.enqueue_indirect_dma source(%dma_start3A_334 : memref<10240x32xf32, #tpu.memory_space<vmem_shared>>) target(%arg12 : memref<128x32xf32, #tpu.memory_space<vmem>>) offsets(%dma_start3A_331 : memref<128xi32, #tpu.memory_space<vmem>>) semaphore(%arg18 : memref<!tpu.dma_semaphore, #tpu.memory_space<semaphore_mem>>)
      } else {
      }
      %mul3A_267 = arith.constant 4 : i32
      %mul3A_268 = arith.muli %scan3A_210, %mul3A_267 : i32
      %add3A_269 = arith.constant 2 : i32
      %add3A_270 = arith.addi %mul3A_268, %add3A_269 : i32
      %dma_wait3A_271 = arith.constant 0 : i32
      %dma_wait3A_272 = tpu.memref_slice %arg7[%add3A_270, %dma_wait3A_271] : memref<40x128xi32, #tpu.memory_space<vmem>> -> memref<1x128xi32, #tpu.memory_space<vmem>>
      %dma_wait3A_273 = tpu.memref_squeeze %dma_wait3A_272 : memref<1x128xi32, #tpu.memory_space<vmem>> -> memref<128xi32, #tpu.memory_space<vmem>>
      %dma_wait3A_274 = arith.constant 0 : i32
      %dma_wait3A_275 = arith.constant 0 : i32
      %dma_wait3A_276 = tpu.memref_slice %arg13[%dma_wait3A_274, %dma_wait3A_275] : memref<10240x32xf32, #tpu.memory_space<vmem_shared>> -> memref<10240x32xf32, #tpu.memory_space<vmem_shared>>
      tpu.wait_indirect_dma semaphore(%arg17 : memref<!tpu.dma_semaphore, #tpu.memory_space<semaphore_mem>>) src(%dma_wait3A_276 : memref<10240x32xf32, #tpu.memory_space<vmem_shared>>) dst(%arg11 : memref<128x32xf32, #tpu.memory_space<vmem>>)
      %dma_start3A_277 = arith.constant 0 : i32
      %dma_start3A_278 = tpu.memref_slice %arg8[%add3A_270, %dma_start3A_277] : memref<40x128xi32, #tpu.memory_space<vmem>> -> memref<1x128xi32, #tpu.memory_space<vmem>>
      %dma_start3A_279 = tpu.memref_squeeze %dma_start3A_278 : memref<1x128xi32, #tpu.memory_space<vmem>> -> memref<128xi32, #tpu.memory_space<vmem>>
      %dma_start3A_280 = arith.constant 0 : i32
      %dma_start3A_281 = arith.constant 0 : i32
      %dma_start3A_282 = tpu.memref_slice %arg14[%dma_start3A_280, %dma_start3A_281] : memref<10240x32xf32, #tpu.memory_space<vmem_shared>> -> memref<10240x32xf32, #tpu.memory_space<vmem_shared>>
      tpu.enqueue_indirect_dma source(%arg11 : memref<128x32xf32, #tpu.memory_space<vmem>>) target(%dma_start3A_282 : memref<10240x32xf32, #tpu.memory_space<vmem_shared>>) offsets(%dma_start3A_279 : memref<128xi32, #tpu.memory_space<vmem>>) semaphore(%arg21 : memref<!tpu.dma_semaphore, #tpu.memory_space<semaphore_mem>>) {add = true}
      %add3A_283 = arith.constant 2 : i32
      %add3A_284 = arith.addi %add3A_270, %add3A_283 : i32
      %ge3A_285 = arith.constant 4 : i32
      %ge3A_286 = arith.cmpi sge, %add3A_284, %ge3A_285 : i32
      %lt3A_287 = arith.constant 40 : i32
      %lt3A_288 = arith.cmpi slt, %add3A_284, %lt3A_287 : i32
      %and3A_289 = arith.andi %ge3A_286, %lt3A_288 : i1
      %convert_element_type3A_290 = arith.extui %and3A_289 : i1 to i32
      %cond3A_291 = arith.constant 0 : i32
      %cond3A_292 = arith.cmpi ne, %convert_element_type3A_290, %cond3A_291 : i32
      scf.if %cond3A_292 {
        %dma_wait3A_329 = arith.constant 0 : i32
        %dma_wait3A_330 = tpu.memref_slice %arg8[%add3A_270, %dma_wait3A_329] : memref<40x128xi32, #tpu.memory_space<vmem>> -> memref<1x128xi32, #tpu.memory_space<vmem>>
        %dma_wait3A_331 = tpu.memref_squeeze %dma_wait3A_330 : memref<1x128xi32, #tpu.memory_space<vmem>> -> memref<128xi32, #tpu.memory_space<vmem>>
        %dma_wait3A_332 = arith.constant 0 : i32
        %dma_wait3A_333 = arith.constant 0 : i32
        %dma_wait3A_334 = tpu.memref_slice %arg14[%dma_wait3A_332, %dma_wait3A_333] : memref<10240x32xf32, #tpu.memory_space<vmem_shared>> -> memref<10240x32xf32, #tpu.memory_space<vmem_shared>>
        tpu.wait_indirect_dma semaphore(%arg19 : memref<!tpu.dma_semaphore, #tpu.memory_space<semaphore_mem>>) src(%arg9 : memref<128x32xf32, #tpu.memory_space<vmem>>) dst(%dma_wait3A_334 : memref<10240x32xf32, #tpu.memory_space<vmem_shared>>)
      } else {
      }
      %lt3A_293 = arith.constant 40 : i32
      %lt3A_294 = arith.cmpi slt, %add3A_284, %lt3A_293 : i32
      %convert_element_type3A_295 = arith.extui %lt3A_294 : i1 to i32
      %cond3A_296 = arith.constant 0 : i32
      %cond3A_297 = arith.cmpi ne, %convert_element_type3A_295, %cond3A_296 : i32
      scf.if %cond3A_297 {
        %dma_start3A_329 = arith.constant 0 : i32
        %dma_start3A_330 = tpu.memref_slice %arg7[%add3A_284, %dma_start3A_329] : memref<40x128xi32, #tpu.memory_space<vmem>> -> memref<1x128xi32, #tpu.memory_space<vmem>>
        %dma_start3A_331 = tpu.memref_squeeze %dma_start3A_330 : memref<1x128xi32, #tpu.memory_space<vmem>> -> memref<128xi32, #tpu.memory_space<vmem>>
        %dma_start3A_332 = arith.constant 0 : i32
        %dma_start3A_333 = arith.constant 0 : i32
        %dma_start3A_334 = tpu.memref_slice %arg13[%dma_start3A_332, %dma_start3A_333] : memref<10240x32xf32, #tpu.memory_space<vmem_shared>> -> memref<10240x32xf32, #tpu.memory_space<vmem_shared>>
        tpu.enqueue_indirect_dma source(%dma_start3A_334 : memref<10240x32xf32, #tpu.memory_space<vmem_shared>>) target(%arg9 : memref<128x32xf32, #tpu.memory_space<vmem>>) offsets(%dma_start3A_331 : memref<128xi32, #tpu.memory_space<vmem>>) semaphore(%arg15 : memref<!tpu.dma_semaphore, #tpu.memory_space<semaphore_mem>>)
      } else {
      }
      %mul3A_298 = arith.constant 4 : i32
      %mul3A_299 = arith.muli %scan3A_210, %mul3A_298 : i32
      %add3A_300 = arith.constant 3 : i32
      %add3A_301 = arith.addi %mul3A_299, %add3A_300 : i32
      %dma_wait3A_302 = arith.constant 0 : i32
      %dma_wait3A_303 = tpu.memref_slice %arg7[%add3A_301, %dma_wait3A_302] : memref<40x128xi32, #tpu.memory_space<vmem>> -> memref<1x128xi32, #tpu.memory_space<vmem>>
      %dma_wait3A_304 = tpu.memref_squeeze %dma_wait3A_303 : memref<1x128xi32, #tpu.memory_space<vmem>> -> memref<128xi32, #tpu.memory_space<vmem>>
      %dma_wait3A_305 = arith.constant 0 : i32
      %dma_wait3A_306 = arith.constant 0 : i32
      %dma_wait3A_307 = tpu.memref_slice %arg13[%dma_wait3A_305, %dma_wait3A_306] : memref<10240x32xf32, #tpu.memory_space<vmem_shared>> -> memref<10240x32xf32, #tpu.memory_space<vmem_shared>>
      tpu.wait_indirect_dma semaphore(%arg18 : memref<!tpu.dma_semaphore, #tpu.memory_space<semaphore_mem>>) src(%dma_wait3A_307 : memref<10240x32xf32, #tpu.memory_space<vmem_shared>>) dst(%arg12 : memref<128x32xf32, #tpu.memory_space<vmem>>)
      %dma_start3A_308 = arith.constant 0 : i32
      %dma_start3A_309 = tpu.memref_slice %arg8[%add3A_301, %dma_start3A_308] : memref<40x128xi32, #tpu.memory_space<vmem>> -> memref<1x128xi32, #tpu.memory_space<vmem>>
      %dma_start3A_310 = tpu.memref_squeeze %dma_start3A_309 : memref<1x128xi32, #tpu.memory_space<vmem>> -> memref<128xi32, #tpu.memory_space<vmem>>
      %dma_start3A_311 = arith.constant 0 : i32
      %dma_start3A_312 = arith.constant 0 : i32
      %dma_start3A_313 = tpu.memref_slice %arg14[%dma_start3A_311, %dma_start3A_312] : memref<10240x32xf32, #tpu.memory_space<vmem_shared>> -> memref<10240x32xf32, #tpu.memory_space<vmem_shared>>
      tpu.enqueue_indirect_dma source(%arg12 : memref<128x32xf32, #tpu.memory_space<vmem>>) target(%dma_start3A_313 : memref<10240x32xf32, #tpu.memory_space<vmem_shared>>) offsets(%dma_start3A_310 : memref<128xi32, #tpu.memory_space<vmem>>) semaphore(%arg22 : memref<!tpu.dma_semaphore, #tpu.memory_space<semaphore_mem>>) {add = true}
      %add3A_314 = arith.constant 2 : i32
      %add3A_315 = arith.addi %add3A_301, %add3A_314 : i32
      %ge3A_316 = arith.constant 4 : i32
      %ge3A_317 = arith.cmpi sge, %add3A_315, %ge3A_316 : i32
      %lt3A_318 = arith.constant 40 : i32
      %lt3A_319 = arith.cmpi slt, %add3A_315, %lt3A_318 : i32
      %and3A_320 = arith.andi %ge3A_317, %lt3A_319 : i1
      %convert_element_type3A_321 = arith.extui %and3A_320 : i1 to i32
      %cond3A_322 = arith.constant 0 : i32
      %cond3A_323 = arith.cmpi ne, %convert_element_type3A_321, %cond3A_322 : i32
      scf.if %cond3A_323 {
        %dma_wait3A_329 = arith.constant 0 : i32
        %dma_wait3A_330 = tpu.memref_slice %arg8[%add3A_301, %dma_wait3A_329] : memref<40x128xi32, #tpu.memory_space<vmem>> -> memref<1x128xi32, #tpu.memory_space<vmem>>
        %dma_wait3A_331 = tpu.memref_squeeze %dma_wait3A_330 : memref<1x128xi32, #tpu.memory_space<vmem>> -> memref<128xi32, #tpu.memory_space<vmem>>
        %dma_wait3A_332 = arith.constant 0 : i32
        %dma_wait3A_333 = arith.constant 0 : i32
        %dma_wait3A_334 = tpu.memref_slice %arg14[%dma_wait3A_332, %dma_wait3A_333] : memref<10240x32xf32, #tpu.memory_space<vmem_shared>> -> memref<10240x32xf32, #tpu.memory_space<vmem_shared>>
        tpu.wait_indirect_dma semaphore(%arg20 : memref<!tpu.dma_semaphore, #tpu.memory_space<semaphore_mem>>) src(%arg10 : memref<128x32xf32, #tpu.memory_space<vmem>>) dst(%dma_wait3A_334 : memref<10240x32xf32, #tpu.memory_space<vmem_shared>>)
      } else {
      }
      %lt3A_324 = arith.constant 40 : i32
      %lt3A_325 = arith.cmpi slt, %add3A_315, %lt3A_324 : i32
      %convert_element_type3A_326 = arith.extui %lt3A_325 : i1 to i32
      %cond3A_327 = arith.constant 0 : i32
      %cond3A_328 = arith.cmpi ne, %convert_element_type3A_326, %cond3A_327 : i32
      scf.if %cond3A_328 {
        %dma_start3A_329 = arith.constant 0 : i32
        %dma_start3A_330 = tpu.memref_slice %arg7[%add3A_315, %dma_start3A_329] : memref<40x128xi32, #tpu.memory_space<vmem>> -> memref<1x128xi32, #tpu.memory_space<vmem>>
        %dma_start3A_331 = tpu.memref_squeeze %dma_start3A_330 : memref<1x128xi32, #tpu.memory_space<vmem>> -> memref<128xi32, #tpu.memory_space<vmem>>
        %dma_start3A_332 = arith.constant 0 : i32
        %dma_start3A_333 = arith.constant 0 : i32
        %dma_start3A_334 = tpu.memref_slice %arg13[%dma_start3A_332, %dma_start3A_333] : memref<10240x32xf32, #tpu.memory_space<vmem_shared>> -> memref<10240x32xf32, #tpu.memory_space<vmem_shared>>
        tpu.enqueue_indirect_dma source(%dma_start3A_334 : memref<10240x32xf32, #tpu.memory_space<vmem_shared>>) target(%arg10 : memref<128x32xf32, #tpu.memory_space<vmem>>) offsets(%dma_start3A_331 : memref<128xi32, #tpu.memory_space<vmem>>) semaphore(%arg16 : memref<!tpu.dma_semaphore, #tpu.memory_space<semaphore_mem>>)
      } else {
      }
    }
    %scan3A_174 = arith.constant 10 : i32
    %dma_wait3A_175 = arith.constant 0 : i32
    %dma_wait3A_176 = arith.constant 0 : i32
    %dma_wait3A_177 = tpu.memref_slice %arg8[%dma_wait3A_175, %dma_wait3A_176] : memref<40x128xi32, #tpu.memory_space<vmem>> -> memref<1x128xi32, #tpu.memory_space<vmem>>
    %dma_wait3A_178 = tpu.memref_squeeze %dma_wait3A_177 : memref<1x128xi32, #tpu.memory_space<vmem>> -> memref<128xi32, #tpu.memory_space<vmem>>
    %dma_wait3A_179 = arith.constant 0 : i32
    %dma_wait3A_180 = arith.constant 0 : i32
    %dma_wait3A_181 = tpu.memref_slice %arg14[%dma_wait3A_179, %dma_wait3A_180] : memref<10240x32xf32, #tpu.memory_space<vmem_shared>> -> memref<10240x32xf32, #tpu.memory_space<vmem_shared>>
    tpu.wait_indirect_dma semaphore(%arg19 : memref<!tpu.dma_semaphore, #tpu.memory_space<semaphore_mem>>) src(%arg9 : memref<128x32xf32, #tpu.memory_space<vmem>>) dst(%dma_wait3A_181 : memref<10240x32xf32, #tpu.memory_space<vmem_shared>>)
    %dma_wait3A_182 = arith.constant 1 : i32
    %dma_wait3A_183 = arith.constant 0 : i32
    %dma_wait3A_184 = tpu.memref_slice %arg8[%dma_wait3A_182, %dma_wait3A_183] : memref<40x128xi32, #tpu.memory_space<vmem>> -> memref<1x128xi32, #tpu.memory_space<vmem>>
    %dma_wait3A_185 = tpu.memref_squeeze %dma_wait3A_184 : memref<1x128xi32, #tpu.memory_space<vmem>> -> memref<128xi32, #tpu.memory_space<vmem>>
    %dma_wait3A_186 = arith.constant 0 : i32
    %dma_wait3A_187 = arith.constant 0 : i32
    %dma_wait3A_188 = tpu.memref_slice %arg14[%dma_wait3A_186, %dma_wait3A_187] : memref<10240x32xf32, #tpu.memory_space<vmem_shared>> -> memref<10240x32xf32, #tpu.memory_space<vmem_shared>>
    tpu.wait_indirect_dma semaphore(%arg20 : memref<!tpu.dma_semaphore, #tpu.memory_space<semaphore_mem>>) src(%arg10 : memref<128x32xf32, #tpu.memory_space<vmem>>) dst(%dma_wait3A_188 : memref<10240x32xf32, #tpu.memory_space<vmem_shared>>)
    %dma_wait3A_189 = arith.constant 2 : i32
    %dma_wait3A_190 = arith.constant 0 : i32
    %dma_wait3A_191 = tpu.memref_slice %arg8[%dma_wait3A_189, %dma_wait3A_190] : memref<40x128xi32, #tpu.memory_space<vmem>> -> memref<1x128xi32, #tpu.memory_space<vmem>>
    %dma_wait3A_192 = tpu.memref_squeeze %dma_wait3A_191 : memref<1x128xi32, #tpu.memory_space<vmem>> -> memref<128xi32, #tpu.memory_space<vmem>>
    %dma_wait3A_193 = arith.constant 0 : i32
    %dma_wait3A_194 = arith.constant 0 : i32
    %dma_wait3A_195 = tpu.memref_slice %arg14[%dma_wait3A_193, %dma_wait3A_194] : memref<10240x32xf32, #tpu.memory_space<vmem_shared>> -> memref<10240x32xf32, #tpu.memory_space<vmem_shared>>
    tpu.wait_indirect_dma semaphore(%arg21 : memref<!tpu.dma_semaphore, #tpu.memory_space<semaphore_mem>>) src(%arg11 : memref<128x32xf32, #tpu.memory_space<vmem>>) dst(%dma_wait3A_195 : memref<10240x32xf32, #tpu.memory_space<vmem_shared>>)
    %dma_wait3A_196 = arith.constant 3 : i32
    %dma_wait3A_197 = arith.constant 0 : i32
    %dma_wait3A_198 = tpu.memref_slice %arg8[%dma_wait3A_196, %dma_wait3A_197] : memref<40x128xi32, #tpu.memory_space<vmem>> -> memref<1x128xi32, #tpu.memory_space<vmem>>
    %dma_wait3A_199 = tpu.memref_squeeze %dma_wait3A_198 : memref<1x128xi32, #tpu.memory_space<vmem>> -> memref<128xi32, #tpu.memory_space<vmem>>
    %dma_wait3A_200 = arith.constant 0 : i32
    %dma_wait3A_201 = arith.constant 0 : i32
    %dma_wait3A_202 = tpu.memref_slice %arg14[%dma_wait3A_200, %dma_wait3A_201] : memref<10240x32xf32, #tpu.memory_space<vmem_shared>> -> memref<10240x32xf32, #tpu.memory_space<vmem_shared>>
    tpu.wait_indirect_dma semaphore(%arg22 : memref<!tpu.dma_semaphore, #tpu.memory_space<semaphore_mem>>) src(%arg12 : memref<128x32xf32, #tpu.memory_space<vmem>>) dst(%dma_wait3A_202 : memref<10240x32xf32, #tpu.memory_space<vmem_shared>>)
    %barrier3A_203 = arith.constant 0 : index
    tpu.barrier barrier_id(%barrier3A_203)
    %mul3A_204 = arith.constant 640 : i32
    %mul3A_205 = arith.muli %arg1, %mul3A_204 : i32
    %mul3A_206 = arith.constant 640 : i32
    %mul3A_207 = arith.muli %arg1, %mul3A_206 : i32
    %mul3A_208 = arith.constant 32 : i32
    %mul3A_209 = arith.muli %arg0, %mul3A_208 : i32
    "tpu.region"() ({
      %run_scoped3A_210 = tpu.sem_alloc : memref<!tpu.dma_semaphore, #tpu.memory_space<semaphore_mem>>
      %dma_start3A_211 = tpu.memref_slice %arg6[%mul3A_207, %mul3A_209] : memref<10240x64xf32, #tpu.memory_space<hbm>> -> memref<640x32xf32, #tpu.memory_space<hbm>>
      %dma_start3A_212 = arith.constant 0 : i32
      %dma_start3A_213 = tpu.memref_slice %arg14[%mul3A_205, %dma_start3A_212] : memref<10240x32xf32, #tpu.memory_space<vmem_shared>> -> memref<640x32xf32, #tpu.memory_space<vmem_shared>>
      tpu.enqueue_dma source(%dma_start3A_213 : memref<640x32xf32, #tpu.memory_space<vmem_shared>>) target(%dma_start3A_211 : memref<640x32xf32, #tpu.memory_space<hbm>>) target_semaphore(%run_scoped3A_210 : memref<!tpu.dma_semaphore, #tpu.memory_space<semaphore_mem>>)
      %dma_wait3A_214 = tpu.memref_slice %arg6[%mul3A_207, %mul3A_209] : memref<10240x64xf32, #tpu.memory_space<hbm>> -> memref<640x32xf32, #tpu.memory_space<hbm>>
      %dma_wait3A_215 = arith.constant 0 : i32
      %dma_wait3A_216 = tpu.memref_slice %arg14[%mul3A_205, %dma_wait3A_215] : memref<10240x32xf32, #tpu.memory_space<vmem_shared>> -> memref<640x32xf32, #tpu.memory_space<vmem_shared>>
      tpu.wait_dma2 semaphore(%run_scoped3A_210 : memref<!tpu.dma_semaphore, #tpu.memory_space<semaphore_mem>>) src(%dma_wait3A_216 : memref<640x32xf32, #tpu.memory_space<vmem_shared>>) dst(%dma_wait3A_214 : memref<640x32xf32, #tpu.memory_space<hbm>>)
      tpu.yield
    }) : () -> ()
    return
  }
}

module attributes {stable_mosaic.version = 14 : i64} {
  func.func @_mm1_body(%arg0: i32, %arg1: memref<512x128xf32, #tpu.memory_space<vmem>>, %arg2: memref<128x128xf32, #tpu.memory_space<vmem>>, %arg3: memref<512x128xf32, #tpu.memory_space<vmem>>) attributes {dimension_semantics = [#tpu.dimension_semantics<arbitrary>], iteration_bounds = array<i64: 20>, scalar_prefetch = 0 : i64, scratch_operands = 0 : i64, tpu.core_type = #tpu.core_type<tc>, window_params = [{transform_indices = @transform_0, window_bounds = array<i64: 512, 128>}, {pipeline_mode = #tpu.pipeline_mode<synchronous>, transform_indices = @transform_1, window_bounds = array<i64: 128, 128>}, {transform_indices = @transform_2, window_bounds = array<i64: 512, 128>}]} {
    %get3A = arith.constant 0 : index
    %get3A_0 = arith.constant 0 : index
    %get3A_1 = vector.load %arg1[%get3A, %get3A_0] : memref<512x128xf32, #tpu.memory_space<vmem>>, vector<512x128xf32>
    %get3A_2 = arith.constant 0 : index
    %get3A_3 = arith.constant 0 : index
    %get3A_4 = vector.load %arg2[%get3A_2, %get3A_3] : memref<128x128xf32, #tpu.memory_space<vmem>>, vector<128x128xf32>
    %dot_general3A = arith.constant dense<0.000000e+00> : vector<512x128xf32>
    %dot_general3A_5 = tpu.matmul %get3A_1, %get3A_4, %dot_general3A {dimension_numbers = #tpu.dot_dimension_numbers<[1], [0], [0], [1], [0, 0, 1, 1], [], []>, transpose_lhs_hint = false} : vector<512x128xf32>, vector<128x128xf32>, vector<512x128xf32> -> vector<512x128xf32>
    %swap3A = arith.constant 0 : index
    %swap3A_6 = arith.constant 0 : index
    %swap3A_7 = vector.load %arg3[%swap3A, %swap3A_6] : memref<512x128xf32, #tpu.memory_space<vmem>>, vector<512x128xf32>
    tpu.vector_store %arg3[%swap3A, %swap3A_6], %dot_general3A_5 {strides = array<i32>} : memref<512x128xf32, #tpu.memory_space<vmem>>, vector<512x128xf32>,
    return
  }
  func.func @transform_0(%arg0: i32) -> (i32, i32) {
    %c0_i32 = arith.constant 0 : i32
    %c0_i32_0 = arith.constant 0 : i32
    return %arg0, %c0_i32 : i32, i32
  }
  func.func @transform_1(%arg0: i32) -> (i32, i32) {
    %c0_i32 = arith.constant 0 : i32
    %c0_i32_0 = arith.constant 0 : i32
    %c0_i32_1 = arith.constant 0 : i32
    return %c0_i32, %c0_i32_0 : i32, i32
  }
  func.func @transform_2(%arg0: i32) -> (i32, i32) {
    %c0_i32 = arith.constant 0 : i32
    %c0_i32_0 = arith.constant 0 : i32
    return %arg0, %c0_i32 : i32, i32
  }
}

module attributes {stable_mosaic.version = 14 : i64} {
  func.func @_mm2_body(%arg0: i32, %arg1: memref<512x128xf32, #tpu.memory_space<vmem>>, %arg2: memref<128x64xf32, #tpu.memory_space<vmem>>, %arg3: memref<512x64xf32, #tpu.memory_space<vmem>>) attributes {dimension_semantics = [#tpu.dimension_semantics<arbitrary>], iteration_bounds = array<i64: 20>, scalar_prefetch = 0 : i64, scratch_operands = 0 : i64, tpu.core_type = #tpu.core_type<tc>, window_params = [{transform_indices = @transform_0, window_bounds = array<i64: 512, 128>}, {pipeline_mode = #tpu.pipeline_mode<synchronous>, transform_indices = @transform_1, window_bounds = array<i64: 128, 64>}, {transform_indices = @transform_2, window_bounds = array<i64: 512, 64>}]} {
    %get3A = arith.constant 0 : index
    %get3A_0 = arith.constant 0 : index
    %get3A_1 = vector.load %arg1[%get3A, %get3A_0] : memref<512x128xf32, #tpu.memory_space<vmem>>, vector<512x128xf32>
    %get3A_2 = arith.constant 0 : index
    %get3A_3 = arith.constant 0 : index
    %get3A_4 = vector.load %arg2[%get3A_2, %get3A_3] : memref<128x64xf32, #tpu.memory_space<vmem>>, vector<128x64xf32>
    %dot_general3A = arith.constant dense<0.000000e+00> : vector<512x64xf32>
    %dot_general3A_5 = tpu.matmul %get3A_1, %get3A_4, %dot_general3A {dimension_numbers = #tpu.dot_dimension_numbers<[1], [0], [0], [1], [0, 0, 1, 1], [], []>, transpose_lhs_hint = false} : vector<512x128xf32>, vector<128x64xf32>, vector<512x64xf32> -> vector<512x64xf32>
    %swap3A = arith.constant 0 : index
    %swap3A_6 = arith.constant 0 : index
    %swap3A_7 = vector.load %arg3[%swap3A, %swap3A_6] : memref<512x64xf32, #tpu.memory_space<vmem>>, vector<512x64xf32>
    tpu.vector_store %arg3[%swap3A, %swap3A_6], %dot_general3A_5 {strides = array<i32>} : memref<512x64xf32, #tpu.memory_space<vmem>>, vector<512x64xf32>,
    return
  }
  func.func @transform_0(%arg0: i32) -> (i32, i32) {
    %c0_i32 = arith.constant 0 : i32
    %c0_i32_0 = arith.constant 0 : i32
    return %arg0, %c0_i32 : i32, i32
  }
  func.func @transform_1(%arg0: i32) -> (i32, i32) {
    %c0_i32 = arith.constant 0 : i32
    %c0_i32_0 = arith.constant 0 : i32
    %c0_i32_1 = arith.constant 0 : i32
    return %c0_i32, %c0_i32_0 : i32, i32
  }
  func.func @transform_2(%arg0: i32) -> (i32, i32) {
    %c0_i32 = arith.constant 0 : i32
    %c0_i32_0 = arith.constant 0 : i32
    return %arg0, %c0_i32 : i32, i32
  }
}

</mosaic_0001>

<sc_bundles>
// kernel: kernel.10.cloned.1.call-start
scs
__scs_entry_jumppad:
0x0: {  	(pc) =	sbr.rel $0x88, $3  }
0x1: {  	(tag) =	ssettag $0x0;
	lr =	simm.s32 $0x1  }
0x2: {  	[smem:$0x3F9B] =	sst lr;
	_ =	strace $0xD0000000  }
0x3: {  	_ = 	snop  }
0x4: {  	_ = 	snop  }
0x5: {  	_ = 	snop  }
0x6: {  	_ = 	snop  }
0x7: {  	_ = 	snop  }
__scs_overlays_trampoline_lowered:
0x8: {  	[smem:$0x3FAA] =	sst s0  }
0x9: {  	[smem:$0x3FAB] =	sst s1  }
0xa: {  	[smem:$0x3FAC] =	sst s2  }
0xb: {  	[smem:$0x3FAD] =	sst s3  }
0xc: {  	[smem:$0x3FAE] =	sst s4  }
0xd: {  	[smem:$0x3FAF] =	sst s5  }
0xe: {  	[smem:$0x3FB0] =	sst s6  }
0xf: {  	[smem:$0x3FB1] =	sst s7  }
0x10: {  	[smem:$0x3FB2] =	sst s8  }
0x11: {  	[smem:$0x3FB3] =	sst s9;
	s0 =	simm.s32 @!p0 $0x0  }
0x12: {  	s1 =	sld [smem:$0x3F99];
	s0 =	simm.s32 @p0 $0x1  }
0x13: {  	[smem:$0x3FB4] =	sst s0;
	s0 =	simm.s32 @!p1 $0x0  }
0x14: {  	s2 =	sld [smem:$0x3F98];
	s0 =	simm.s32 @p1 $0x1  }
0x15: {  	[smem:$0x3FB5] =	sst s0;
	s0 =	simm.s32 @!p2 $0x0  }
0x16: {  	s3 =	sld [smem:$0x3FDB];
	s0 =	simm.s32 @p2 $0x1  }
0x17: {  	s4 =	simm.s32 $0x1BF5;
	[smem:$0x3FB7] =	sst s0  }
0x18: {  	s0 =	sld [smem:$0x3F9A];
	_ =	swait.ge [sflag:s4], $0x0  }
0x19: {  	s7 =	sld [smem:$0x3F9B]  }
0x1a: {  	s8 =	sadd.s32 $0xFFFFE003, lr  }
0x1b: {  	s9 =	sadd.s32 $0xFFFFFEF7, lr;
	s5 =	simm.s32 $0xFFFFFFFF;
	p2 =	slt.u32 s8, $0xFFFFF086  }
0x1c: {  	p1 =	slt.u32 s9, $0xF7A;
	s5 =	simm.s32 @!p2 $0x0  }
0x1d: {  	s5 =	simm.s32 @p1 $0x1;
	p0 =	seq.s32 s7, s2  }
0x1e: {  	s7 =	smul.u32 @!p0 $0xF7A, s2;
	p2 =	seq.s32 @!p0 s5, $0x0  }
0x1f: {  	s9 =	smul.u32 $0xF7A, s1;
	s8 =	simm.s32 @!p0 $0x1BF5;
	p2 =	por !p2, p0  }
0x20: {  	[sflag:s8] =	ssyncset.s32 @!p0 $0xFFFFF086;
	s6 =	sadd.s32 @!p0 s3, s7;
	s7 =	simm.s32 @!p0 $0x108  }
0x21: {  	s3 =	sadd.s32 s3, s9;
	s6 =	sadd.s32 @!p0 $0x88, s6;
	s7 =	simm.s32 @p2 $0x1082  }
0x22: {  	[simem:s7], [sflag:s8] =	dma.local @!p0 [hbm:s6], $0xF7A  }
0x23: {  	s9 =	sor.u32 $0xD0000000, s2;
	s6 =	simm.s32 $0x108;
	_ =	swait.ge @!p0 [sflag:s8], $0x0  }
0x24: {  	s3 =	sadd.s32 $0x88, s3;
	s6 =	simm.s32 @!p1 $0x1082;
	[sflag:s4] =	ssyncset.s32 $0xFFFFF086  }
0x25: {  	[simem:s6], [sflag:s4] =	dma.local [hbm:s3], $0xF7A  }
0x26: {  	[smem:$0x3F9B] =	sst s1;
	(tag) =	ssettag s2;
	_ =	strace s9  }
0x27: {  	s1 =	sld [smem:$0x3FAB]  }
0x28: {  	s2 =	sld [smem:$0x3FAC]  }
0x29: {  	s4 =	sld [smem:$0x3FAE]  }
0x2a: {  	p0 =	seq.s32 s5, $0x0;
	s5 =	sld [smem:$0x3FAF]  }
0x2b: {  	s6 =	sld [smem:$0x3FB0]  }
0x2c: {  	s7 =	sld [smem:$0x3FB1]  }
0x2d: {  	s3 =	simm.s32 $0x108;
	s8 =	sld [smem:$0x3FB2]  }
0x2e: {  	s3 =	simm.s32 @!p0 $0x1082;
	s9 =	sld [smem:$0x3FB3]  }
0x2f: {  	lr =	sadd.s32 s0, s3;
	s0 =	sld [smem:$0x3FAA]  }
0x30: {  	s3 =	sld [smem:$0x3FAD]  }
0x31: {  	[smem:$0x3FB6] =	sst s10  }
0x32: {  	s10 =	sld [smem:$0x3FB4];
	_ =	sdelay $0x3  }
0x33: {  	p0 =	seq.s32 s10, $0x1;
	s10 =	sld [smem:$0x3FB6];
	_ =	sdelay $0x3  }
0x34: {  	[smem:$0x3FB6] =	sst s10  }
0x35: {  	s10 =	sld [smem:$0x3FB5];
	_ =	sdelay $0x3  }
0x36: {  	p1 =	seq.s32 s10, $0x1;
	s10 =	sld [smem:$0x3FB6];
	_ =	sdelay $0x3  }
0x37: {  	[smem:$0x3FB6] =	sst s10  }
0x38: {  	s10 =	sld [smem:$0x3FB7]  }
0x39: {  	_ = 	snop;
	(pc) =	sbr.ind lr, $3  }
0x3a: {  	_ = 	snop  }
0x3b: {  	_ = 	snop  }
0x3c: {  	p2 =	seq.s32 s10, $0x1;
	s10 =	sld [smem:$0x3FB6]  }
0x3d: {  	_ =	shalt  }
0x3e: {  	_ =	shalt  }
0x3f: {  	_ =	shalt  }
0x40: {  	_ =	shalt  }
0x41: {  	_ =	shalt  }
0x42: {  	_ =	shalt  }
0x43: {  	_ =	shalt  }
0x44: {  	_ =	shalt  }
0x45: {  	_ =	shalt  }
0x46: {  	_ =	shalt  }
0x47: {  	_ =	shalt  }
0x48: {  	_ =	shalt  }
0x49: {  	_ =	shalt  }
0x4a: {  	_ =	shalt  }
0x4b: {  	_ =	shalt  }
0x4c: {  	_ =	shalt  }
0x4d: {  	_ =	shalt  }
0x4e: {  	_ =	shalt  }
0x4f: {  	_ =	shalt  }
0x50: {  	_ =	shalt  }
0x51: {  	_ =	shalt  }
0x52: {  	_ =	shalt  }
0x53: {  	_ =	shalt  }
0x54: {  	_ =	shalt  }
0x55: {  	_ =	shalt  }
0x56: {  	_ =	shalt  }
0x57: {  	_ =	shalt  }
0x58: {  	_ =	shalt  }
0x59: {  	_ =	shalt  }
0x5a: {  	_ =	shalt  }
0x5b: {  	_ =	shalt  }
0x5c: {  	_ =	shalt  }
0x5d: {  	_ =	shalt  }
0x5e: {  	_ =	shalt  }
0x5f: {  	_ =	shalt  }
0x60: {  	_ =	shalt  }
0x61: {  	_ =	shalt  }
0x62: {  	_ =	shalt  }
0x63: {  	_ =	shalt  }
0x64: {  	_ =	shalt  }
0x65: {  	_ =	shalt  }
0x66: {  	_ =	shalt  }
0x67: {  	_ =	shalt  }
0x68: {  	_ =	shalt  }
0x69: {  	_ =	shalt  }
0x6a: {  	_ =	shalt  }
0x6b: {  	_ =	shalt  }
0x6c: {  	_ =	shalt  }
0x6d: {  	_ =	shalt  }
0x6e: {  	_ =	shalt  }
0x6f: {  	_ =	shalt  }
0x70: {  	_ =	shalt  }
0x71: {  	_ =	shalt  }
0x72: {  	_ =	shalt  }
0x73: {  	_ =	shalt  }
0x74: {  	_ =	shalt  }
0x75: {  	_ =	shalt  }
0x76: {  	_ =	shalt  }
0x77: {  	_ =	shalt  }
0x78: {  	_ =	shalt  }
0x79: {  	_ =	shalt  }
0x7a: {  	_ =	shalt  }
0x7b: {  	_ =	shalt  }
0x7c: {  	_ =	shalt  }
0x7d: {  	_ =	shalt  }
0x7e: {  	_ =	shalt  }
0x7f: {  	_ =	shalt  }
0x80: {  	_ =	shalt  }
0x81: {  	_ =	shalt  }
0x82: {  	_ =	shalt  }
0x83: {  	_ =	shalt  }
0x84: {  	_ =	shalt  }
0x85: {  	_ =	shalt  }
0x86: {  	_ =	shalt  }
0x87: {  	_ =	shalt  }
.Lfunc_end0:
.L_simem_size_0:
called_computation.1_lowered:
.L_overlay_start_0:
0x88: {  	s2 =	sld [smem:$0x3FD9]  }
0x89: {  	s3 =	sld [smem:$0x3FFE];
	_ =	sdelay $0x1  }
0x8a: {  	s1 =	srdreg.scid  }
0x8b: {  	s0 =	sand.u32 $0x1, s1  }
0x8c: {  	s17 =	sshll.u32 s0, $0xA;
	s2 =	sadd.s32 s3, s2  }
0x8d: {  	s2 =	sadd.s32 s2, s17  }
0x8e: {  	[smem:$0x3FC2] =	sst s2  }
0x8f: {  	_ = 	snop  }
0x90: {  	s2 =	sld [smem:$0x3FD0];
	(tm) =	ssettm $0x1  }
0x91: {  	s18 =	sld [smem:$0x3FFB];
	_ =	sdelay $0x3  }
0x92: {  	_ =	strace s18  }
0x93: {  	s3 =	sld [smem:$0x3FFC];
	_ =	sdelay $0x3  }
0x94: {  	_ =	strace s3  }
0x95: {  	s3 =	sld [smem:$0x3FFD];
	_ =	sdelay $0x3  }
0x96: {  	_ =	strace s3  }
0x97: {  	_ =	strace $0x8FFFFFFF  }
0x98: {  	s19 =	sld [smem:$0x3FDB];
	_ =	sdelay $0x1  }
0x99: {  	s4 =	simm.s32 $_scs_section_size  }
0x9a: {  	s5 =	simm.s32 $_size__tile_overlayer_lowered;
	s6 =	simm.s32 $_tile_overlayer_lowered  }
0x9b: {  	s22 =	simm.s32 $0x1BFF;
	s21 =	sshll.u32 s6, $0x1;
	s3 =	sadd.s32 s4, s19  }
0x9c: {  	s7 =	simm.s32 $0x0;
	s20 =	sshll.u32 s5, $0x1;
	s5 =	sadd.s32 s21, s3  }
0x9d: {  	[timem:s7], [sflag:s22] =	dma.local [hbm:s5], s20  }
0x9e: {  	_ =	swait.ge [sflag:s22], s20  }
0x9f: {  	s4 =	ssub.s32 $0x0, s20;
	[sflag:s22] =	ssyncset.done $0x0  }
0xa0: {  	[sflag:s22] =	ssyncadd.s32 s4;
	_ =	sdelay $0x1  }
0xa1: {  	s23 =	simm.s32 $0x1B8B  }
0xa2: {  	_ =	swait.ge [sflag:s23], $0x1  }
0xa3: {  	[sflag:s23] =	ssyncset.done $0x0  }
0xa4: {  	s25 =	simm.s32 $0x1B8E;
	s24 =	sld [smem:$0x3FFE];
	[sflag:s23] =	ssyncadd.s32 $0xFFFFFFFF  }
0xa5: {  	s26 =	simm.s32 $execute0_lowered;
	[smem:$0x3FD2] =	sst s25  }
0xa6: {  	s5 =	sshll.u32 s26, $0x1;
	_ =	strace $0x80000049;
	[dreg:$0x1] =	wrdreg $0xFFFFFFFF  }
0xa7: {  	s28 =	simm.s32 $_size_execute0_lowered;
	s3 =	sadd.s32 s3, s5;
	[dreg:$0x0] =	wrdreg $0x0  }
0xa8: {  	s5 =	sshll.u32 s28, $0x1;
	[dreg:$0x2] =	wrdreg s3  }
0xa9: {  	[dreg:$0x3] =	wrdreg s5  }
0xaa: {  	[dreg:$0x4] =	wrdreg $0xC0  }
0xab: {  	_ =	task [dreg:s7], $0x5FFFF  }
0xac: {  	[dreg:$0x1] =	wrdreg $0xFFFFFFFF  }
0xad: {  	[dreg:$0x0] =	wrdreg $0x60  }
0xae: {  	[dreg:$0x2] =	wrdreg s24  }
0xaf: {  	[dreg:$0x3] =	wrdreg s2  }
0xb0: {  	[dreg:$0x4] =	wrdreg $0xA8000  }
0xb1: {  	[dreg:$0x5] =	wrdreg $0x148000  }
0xb2: {  	[dreg:$0x6] =	wrdreg $0x9  }
0xb3: {  	_ =	task.clear_ibuf [dreg:s7], $0x7FFFF;
	_ =	strace $0x90000049  }
0xb4: {  	s29 =	simm.s32 $0x9;
	_ =	strace $0x8000004B  }
0xb5: {  	_ =	swait.ge [sflag:s29], $0x1  }
0xb6: {  	[sflag:s29] =	ssyncadd.s32 $0xFFFFFFFF  }
0xb7: {  	_ =	strace $0x9000004B  }
0xb8: {  	_ =	sfence  }
0xb9: {  	s30 =	sld [smem:$0x0];
	_ =	sdelay $0x2  }
0xba: {  	s31 =	sshll.u32 s1, $0xD;
	s1 =	sshrl.u32 s1, $0x2  }
0xbb: {  	s3 =	sand.u32 $0x4000, s31;
	s1 =	sadd.s32 s1, s30  }
0xbc: {  	s0 =	sor.u32 s3, s0;
	s1 =	sshll.u32 s1, $0x11  }
0xbd: {  	s0 =	sor.u32 s1, s0  }
0xbe: {  	s0 =	sadd.s32 $0x8F2B, s0  }
0xbf: {  	[sflag:s0] =	ssyncadd.remote.s32 $0x1  }
0xc0: {  	_ =	sfence.sel $0xFFFF  }
0xc1: {  	[dreg:$0x0] =	wrdreg $0xFFFFFFFF;
	(pc) =	sbr.abs _section_cstart, $3  }
0xc2: {  	[dreg:$0x1] =	wrdreg $0xFFFFFFFF  }
0xc3: {  	_ =	task.clear_ibuf [dreg:s7], $0x2FFFF;
	_ =	strace $0x9FFFFFFF  }
0xc4: {  	(tm) =	ssettm $0x7FFFFFFF  }
0xc5: {  	_ =	shalt  }
tec
execute0_lowered:
.L_overlay_start_1:
0x0: {  	(tag) =	ssettag $0x1  }
0x1: {  	s0 =	rddreg [dreg:$0x0]  }
0x2: {  	s2 =	rddreg [dreg:$0x1]  }
0x3: {  	s1 =	rddreg [dreg:$0x2]  }
0x4: {  	s3 =	rddreg [dreg:$0x3];
	s6 =	simm.s32 $0x0;
	s5 =	srdreg.scid  }
0x5: {  	s4 =	stileid.u32;
	s28 =	simm.s32 $0x4800;
	s29 =	simm.s32 $0x100  }
0x6: {  	s30 =	simm.s32 $0x6800;
	s31 =	simm.s32 $0x2;
	s25 =	smul.u32 $0x14000, s4  }
0x7: {  	[smem:$0x7FF] =	sst s6;
	s5 =	sand.u32 $0x1, s5;
	s26 =	smul.u32 $0xA000, s4  }
0x8: {  	s8 =	sadd.s32 $0xB000, s0;
	s9 =	sadd.s32 $0x800, s0;
	s10 =	smul.u32 $0x5000, s4  }
0x9: {  	s13 =	sshll.u32 s4, $0x6;
	_ =	strace $0x8000004A;
	s7 =	sshll.u32 s5, $0x6  }
0xa: {  	[dreg:$0x5] =	wrdreg s9;
	s5 =	ssub.s32 $0x2, s5;
	s9 =	simm.s32 $0x5  }
0xb: {  	s6 =	sor.u32 s7, s25;
	s11 =	sshrl.u32 s5, $0x1;
	s12 =	sadd.s32 s26, s1  }
0xc: {  	s7 =	sor.u32 $0x1C09, s13;
	s10 =	sshrl.u32 s10, $0x3;
	s15 =	sadd.s32 s26, s3  }
0xd: {  	s13 =	simm.s32 $0x6;
	s6 =	sshrl.u32 s6, $0x3;
	s5 =	ssub.s32 s5, s11  }
0xe: {  	[dreg:$0x7] =	wrdreg s15;
	s16 =	sadd.s32 s8, s10;
	s17 =	sadd.s32 $0x280, s10  }
0xf: {  	s18 =	sadd.s32 s2, s10;
	s11 =	sadd.s32 $0x500, s10;
	s22 =	sadd.s32 $0x780, s10  }
0x10: {  	s26 =	sshrl.u32 s12, $0x3;
	s10 =	simm.s32 $0x200;
	s12 =	simm.s32 $0x1580  }
0x11: {  	s15 =	simm.s32 $0x0;
	s0 =	sadd.s32 s6, s0;
	[dreg:$0x8] =	wrdreg s16  }
0x12: {  	[dreg:$0x9] =	wrdreg s18;
	s19 =	sadd.s32 s8, s17;
	s20 =	sadd.s32 s2, s17  }
0x13: {  	s21 =	sadd.s32 s8, s11;
	s23 =	sadd.s32 s2, s11;
	[dreg:$0x12] =	wrdreg s26  }
0x14: {  	s24 =	sadd.s32 s8, s22;
	s2 =	sadd.s32 s2, s22;
	[dreg:$0xa] =	wrdreg s19  }
0x15: {  	s25 =	smax.u32 s5, $0x1;
	s17 =	simm.s32 $0x10;
	[dreg:$0xb] =	wrdreg s20  }
0x16: {  	s26 =	simm.s32 $0x2800;
	s5 =	simm.s32 $0x8800;
	[dreg:$0xc] =	wrdreg s21  }
0x17: {  	s6 =	simm.s32 $0x3;
	s8 =	simm.s32 $0x1500;
	[dreg:$0xd] =	wrdreg s23  }
0x18: {  	s11 =	simm.s32 $0x4;
	s22 =	simm.s32 $0x7;
	[dreg:$0xe] =	wrdreg s24  }
.Ltmp0:
0x19: {  	s14 =	sadd.s32 $0x15000, s0;
	[dreg:$0xf] =	wrdreg s2;
	(pc) =	sbr.rel .LBB2_1-.Ltmp0, $4  }
0x1a: {  	s0 =	sadd.s32 $0x3D000, s0;
	[dreg:$0x11] =	wrdreg s25;
	s20 =	simm.s32 $0x1  }
0x1b: {  	s21 =	simm.s32 $0x8;
	s23 =	simm.s32 $0x9;
	s24 =	simm.s32 $0x1400  }
0x1c: {  	s25 =	simm.s32 $0x80;
	s2 =	simm.s32 $0x180;
	[dreg:$0x6] =	wrdreg s14  }
0x1d: {  	[dreg:$0x10] =	wrdreg s0;
	s0 =	simm.s32 $0x1480;
	s14 =	simm.s32 $0x280  }
.LBB2_13:
0x1e: {  	_ =	swait.ge [sflag:s11], $0x2000  }
0x1f: {  	[sflag:s11] =	ssyncset.done $0x0  }
0x20: {  	[sflag:s11] =	ssyncadd.s32 $0xFFFFE000  }
0x21: {  	[spmem:s3] =	stream.indirect.scatter.add.f32 [tilespmem:s5], [sflag:$0x8], $0x40, s19, s25, $0xb8;
	[tilespmem:$0x1E800] =	vst v63  }
0x22: {  	_ =	swait.ge [sflag:s9], $0x2000  }
0x23: {  	[sflag:s9] =	ssyncset.done $0x0  }
0x24: {  	[sflag:s9] =	ssyncadd.s32 $0xFFFFE000  }
0x25: {  	_ =	swait.ge [sflag:s13], $0x2000  }
0x26: {  	[sflag:s13] =	ssyncset.done $0x0  }
0x27: {  	[sflag:s13] =	ssyncadd.s32 $0xFFFFE000  }
0x28: {  	_ =	swait.ge [sflag:s22], $0x2000  }
0x29: {  	[sflag:s22] =	ssyncset.done $0x0  }
0x2a: {  	[sflag:s22] =	ssyncadd.s32 $0xFFFFE000  }
0x2b: {  	_ =	swait.ge [sflag:s21], $0x2000  }
0x2c: {  	[sflag:s21] =	ssyncset.done $0x0  }
0x2d: {  	[sflag:s21] =	ssyncadd.s32 $0xFFFFE000  }
0x2e: {  	[bflag:$0x0] =	sbarrier.arrive $0xFFFF  }
0x2f: {  	s17 =	simm.s32 $0x10;
	s4 =	rddreg [dreg:$0x10]  }
0x30: {  	[hbm:s4@s17], [sflag:s7] =	dma.strided [spmem:s16@s21], $0x1400, s20, $0x8   }
0x31: {  	_ =	swait.ge [sflag:s23], $0x1400  }
0x32: {  	s15 =	sadd.s32 $0x1, s15;
	s19 =	rddreg [dreg:$0x11]  }
0x33: {  	p0 =	sne.s32 s15, s19  }
.Ltmp1:
0x34: {  	_ = 	snop;
	(pc) =	sbr.rel @!p0 .LBB2_14-.Ltmp1, $3  }
0x35: {  	_ =	sdelay $0x1  }
0x36: {  	[sflag:s23] =	ssyncset.done $0x0  }
0x37: {  	[sflag:s23] =	ssyncadd.s32 $0xFFFFEC00  }
.LBB2_1:
0x38: {  	s4 =	rddreg [dreg:$0x6]  }
0x39: {  	s16 =	rddreg [dreg:$0x12]  }
0x3a: {  	[spmem:s16@s21], [sflag:s7] =	dma.strided [hbm:s4@s17], $0x1400, s20, $0x8   }
0x3b: {  	_ =	swait.ge [sflag:s23], $0x1400  }
0x3c: {  	[sflag:s23] =	ssyncset.done $0x0;
	s16 =	rddreg [dreg:$0x7]  }
0x3d: {  	s17 =	rddreg [dreg:$0x5];
	[sflag:s23] =	ssyncadd.s32 $0xFFFFEC00;
	s16 =	sshrl.u32 s16, $0x3  }
0x3e: {  	[spmem:s16], [sflag:s7] =	dma.local [hbm:s17], $0x1400  }
0x3f: {  	_ =	swait.ge [sflag:s23], $0x1400  }
0x40: {  	[sflag:s23] =	ssyncset.done $0x0  }
0x41: {  	[sflag:s23] =	ssyncadd.s32 $0xFFFFEC00  }
0x42: {  	[bflag:$0x0] =	sbarrier.arrive $0xFFFF  }
0x43: {  	s4 =	simm.s32 $0x0;
	s18 =	rddreg [dreg:$0x8]  }
0x44: {  	[tilespmem:s4], [sflag:$0x9] =	stream.linear.gather [hbm4b:s18+s4], $0x1400, $0x38;
	[tilespmem:$0x1E800] =	vst v63  }
0x45: {  	_ =	swait.ge [sflag:s23], $0x1400  }
0x46: {  	[sflag:s23] =	ssyncset.done $0x0  }
0x47: {  	s19 =	rddreg [dreg:$0x9];
	[sflag:s23] =	ssyncadd.s32 $0xFFFFEC00  }
0x48: {  	[tilespmem:s24], [sflag:$0x9] =	stream.linear.gather [hbm4b:s19+s4], $0x1400, $0x38;
	[tilespmem:$0x1E800] =	vst v63  }
0x49: {  	_ =	swait.ge [sflag:s23], $0x1400  }
0x4a: {  	[sflag:s23] =	ssyncset.done $0x0  }
0x4b: {  	[sflag:s23] =	ssyncadd.s32 $0xFFFFEC00  }
0x4c: {  	[tilespmem:s26], [sflag:$0x1] =	stream.indirect.gather [spmem:s1], $0x40, s4, s25, $0xb8;
	[tilespmem:$0x1E800] =	vst v63  }
0x4d: {  	_ = 	snop  }
0x4e: {  	[tilespmem:s28], [sflag:$0x2] =	stream.indirect.gather [spmem:s1], $0x40, s25, s25, $0xb8;
	[tilespmem:$0x1E800] =	vst v63  }
0x4f: {  	_ =	swait.ge [sflag:s20], $0x2000  }
0x50: {  	[sflag:s20] =	ssyncset.done $0x0  }
0x51: {  	[sflag:s20] =	ssyncadd.s32 $0xFFFFE000  }
0x52: {  	[spmem:s3] =	stream.indirect.scatter.add.f32 [tilespmem:s26], [sflag:$0x5], $0x40, s24, s25, $0xb8;
	[tilespmem:$0x1E800] =	vst v63  }
0x53: {  	_ = 	snop  }
0x54: {  	[tilespmem:s30], [sflag:$0x3] =	stream.indirect.gather [spmem:s1], $0x40, s29, s25, $0xb8;
	[tilespmem:$0x1E800] =	vst v63  }
0x55: {  	_ =	swait.ge [sflag:s31], $0x2000  }
0x56: {  	[sflag:s31] =	ssyncset.done $0x0  }
0x57: {  	[sflag:s31] =	ssyncadd.s32 $0xFFFFE000  }
0x58: {  	[spmem:s3] =	stream.indirect.scatter.add.f32 [tilespmem:s28], [sflag:$0x6], $0x40, s0, s25, $0xb8;
	[tilespmem:$0x1E800] =	vst v63  }
0x59: {  	_ = 	snop  }
0x5a: {  	[tilespmem:s5], [sflag:$0x4] =	stream.indirect.gather [spmem:s1], $0x40, s2, s25, $0xb8;
	[tilespmem:$0x1E800] =	vst v63  }
0x5b: {  	_ =	swait.ge [sflag:s6], $0x2000  }
0x5c: {  	[sflag:s6] =	ssyncset.done $0x0  }
0x5d: {  	[sflag:s6] =	ssyncadd.s32 $0xFFFFE000  }
0x5e: {  	[spmem:s3] =	stream.indirect.scatter.add.f32 [tilespmem:s30], [sflag:$0x7], $0x40, s8, s25, $0xb8;
	[tilespmem:$0x1E800] =	vst v63  }
0x5f: {  	_ =	swait.ge [sflag:s9], $0x2000  }
0x60: {  	[sflag:s9] =	ssyncset.done $0x0  }
0x61: {  	[sflag:s9] =	ssyncadd.s32 $0xFFFFE000  }
0x62: {  	[tilespmem:s26], [sflag:$0x1] =	stream.indirect.gather [spmem:s1], $0x40, s10, s25, $0xb8;
	[tilespmem:$0x1E800] =	vst v63  }
0x63: {  	_ =	swait.ge [sflag:s11], $0x2000  }
0x64: {  	[sflag:s11] =	ssyncset.done $0x0  }
0x65: {  	[sflag:s11] =	ssyncadd.s32 $0xFFFFE000  }
0x66: {  	[spmem:s3] =	stream.indirect.scatter.add.f32 [tilespmem:s5], [sflag:$0x8], $0x40, s12, s25, $0xb8;
	[tilespmem:$0x1E800] =	vst v63  }
0x67: {  	_ =	swait.ge [sflag:s13], $0x2000  }
0x68: {  	[sflag:s13] =	ssyncset.done $0x0  }
0x69: {  	s17 =	simm.s32 $0x0;
	[sflag:s13] =	ssyncadd.s32 $0xFFFFE000  }
0x6a: {  	[tilespmem:s28], [sflag:$0x2] =	stream.indirect.gather [spmem:s1], $0x40, s14, s25, $0xb8;
	[tilespmem:$0x1E800] =	vst v63  }
.LBB2_2:
0x6b: {  	_ =	swait.ge [sflag:s20], $0x2000  }
0x6c: {  	s18 =	sshra.s32 s17, $0x2;
	[sflag:s20] =	ssyncset.done $0x0  }
0x6d: {  	s19 =	sadd.s32 $0x1600, s18;
	[sflag:s20] =	ssyncadd.s32 $0xFFFFE000  }
0x6e: {  	[spmem:s3] =	stream.indirect.scatter.add.f32 [tilespmem:s26], [sflag:$0x5], $0x40, s19, s25, $0xb8;
	[tilespmem:$0x1E800] =	vst v63  }
0x6f: {  	_ =	swait.ge [sflag:s22], $0x2000  }
0x70: {  	[sflag:s22] =	ssyncset.done $0x0  }
0x71: {  	s4 =	sadd.s32 $0x300, s18;
	[sflag:s22] =	ssyncadd.s32 $0xFFFFE000  }
0x72: {  	[tilespmem:s30], [sflag:$0x3] =	stream.indirect.gather [spmem:s1], $0x40, s4, s25, $0xb8;
	[tilespmem:$0x1E800] =	vst v63  }
0x73: {  	_ =	swait.ge [sflag:s31], $0x2000  }
0x74: {  	[sflag:s31] =	ssyncset.done $0x0  }
0x75: {  	s4 =	sadd.s32 $0x1680, s18;
	[sflag:s31] =	ssyncadd.s32 $0xFFFFE000  }
0x76: {  	[spmem:s3] =	stream.indirect.scatter.add.f32 [tilespmem:s28], [sflag:$0x6], $0x40, s4, s25, $0xb8;
	[tilespmem:$0x1E800] =	vst v63  }
0x77: {  	_ =	swait.ge [sflag:s21], $0x2000  }
0x78: {  	[sflag:s21] =	ssyncset.done $0x0  }
0x79: {  	p0 =	seq.s32 s17, $0x4000;
	s4 =	sadd.s32 $0x380, s18;
	[sflag:s21] =	ssyncadd.s32 $0xFFFFE000  }
0x7a: {  	[tilespmem:s5], [sflag:$0x4] =	stream.indirect.gather [spmem:s1], $0x40, s4, s25, $0xb8;
	[tilespmem:$0x1E800] =	vst v63  }
.Ltmp2:
0x7b: {  	_ = 	snop;
	(pc) =	sbr.rel @p0 .LBB2_4-.Ltmp2, $4  }
0x7c: {  	_ =	swait.ge [sflag:s6], $0x2000  }
0x7d: {  	[sflag:s6] =	ssyncset.done $0x0  }
0x7e: {  	s19 =	sadd.s32 $0x1780, s18;
	s4 =	sadd.s32 $0x1700, s18;
	[sflag:s6] =	ssyncadd.s32 $0xFFFFE000  }
0x7f: {  	[spmem:s3] =	stream.indirect.scatter.add.f32 [tilespmem:s30], [sflag:$0x7], $0x40, s4, s25, $0xb8;
	[tilespmem:$0x1E800] =	vst v63  }
0x80: {  	_ =	swait.ge [sflag:s9], $0x2000  }
0x81: {  	[sflag:s9] =	ssyncset.done $0x0  }
0x82: {  	s4 =	sadd.s32 $0x400, s18;
	[sflag:s9] =	ssyncadd.s32 $0xFFFFE000  }
0x83: {  	[tilespmem:s26], [sflag:$0x1] =	stream.indirect.gather [spmem:s1], $0x40, s4, s25, $0xb8;
	[tilespmem:$0x1E800] =	vst v63  }
0x84: {  	_ =	swait.ge [sflag:s11], $0x2000  }
0x85: {  	[sflag:s11] =	ssyncset.done $0x0  }
0x86: {  	[sflag:s11] =	ssyncadd.s32 $0xFFFFE000  }
0x87: {  	[spmem:s3] =	stream.indirect.scatter.add.f32 [tilespmem:s5], [sflag:$0x8], $0x40, s19, s25, $0xb8;
	[tilespmem:$0x1E800] =	vst v63  }
.Ltmp3:
0x88: {  	_ = 	snop;
	(pc) =	sbr.rel .LBB2_2-.Ltmp3, $4  }
0x89: {  	_ =	swait.ge [sflag:s13], $0x2000  }
0x8a: {  	[sflag:s13] =	ssyncset.done $0x0  }
0x8b: {  	s17 =	sadd.s32 $0x800, s17;
	s19 =	sadd.s32 $0x480, s18;
	[sflag:s13] =	ssyncadd.s32 $0xFFFFE000  }
0x8c: {  	[tilespmem:s28], [sflag:$0x2] =	stream.indirect.gather [spmem:s1], $0x40, s19, s25, $0xb8;
	[tilespmem:$0x1E800] =	vst v63  }
.LBB2_4:
0x8d: {  	_ =	swait.ge [sflag:s11], $0x2000  }
0x8e: {  	[sflag:s11] =	ssyncset.done $0x0  }
0x8f: {  	[sflag:s11] =	ssyncadd.s32 $0xFFFFE000  }
0x90: {  	[spmem:s3] =	stream.indirect.scatter.add.f32 [tilespmem:s5], [sflag:$0x8], $0x40, s19, s25, $0xb8;
	[tilespmem:$0x1E800] =	vst v63  }
0x91: {  	_ =	swait.ge [sflag:s9], $0x2000  }
0x92: {  	[sflag:s9] =	ssyncset.done $0x0  }
0x93: {  	[sflag:s9] =	ssyncadd.s32 $0xFFFFE000  }
0x94: {  	_ =	swait.ge [sflag:s13], $0x2000  }
0x95: {  	[sflag:s13] =	ssyncset.done $0x0  }
0x96: {  	[sflag:s13] =	ssyncadd.s32 $0xFFFFE000  }
0x97: {  	_ =	swait.ge [sflag:s22], $0x2000  }
0x98: {  	[sflag:s22] =	ssyncset.done $0x0  }
0x99: {  	[sflag:s22] =	ssyncadd.s32 $0xFFFFE000  }
0x9a: {  	_ =	swait.ge [sflag:s21], $0x2000  }
0x9b: {  	[sflag:s21] =	ssyncset.done $0x0  }
0x9c: {  	s17 =	simm.s32 $0x0;
	s4 =	rddreg [dreg:$0xa];
	[sflag:s21] =	ssyncadd.s32 $0xFFFFE000  }
0x9d: {  	[tilespmem:s17], [sflag:$0x9] =	stream.linear.gather [hbm4b:s4+s17], $0x1400, $0x38;
	[tilespmem:$0x1E800] =	vst v63  }
0x9e: {  	_ =	swait.ge [sflag:s23], $0x1400  }
0x9f: {  	[sflag:s23] =	ssyncset.done $0x0  }
0xa0: {  	s19 =	rddreg [dreg:$0xb];
	[sflag:s23] =	ssyncadd.s32 $0xFFFFEC00  }
0xa1: {  	[tilespmem:s24], [sflag:$0x9] =	stream.linear.gather [hbm4b:s19+s17], $0x1400, $0x38;
	[tilespmem:$0x1E800] =	vst v63  }
0xa2: {  	_ =	swait.ge [sflag:s23], $0x1400  }
0xa3: {  	[sflag:s23] =	ssyncset.done $0x0  }
0xa4: {  	[sflag:s23] =	ssyncadd.s32 $0xFFFFEC00  }
0xa5: {  	[tilespmem:s26], [sflag:$0x1] =	stream.indirect.gather [spmem:s1], $0x40, s17, s25, $0xb8;
	[tilespmem:$0x1E800] =	vst v63  }
0xa6: {  	_ = 	snop  }
0xa7: {  	[tilespmem:s28], [sflag:$0x2] =	stream.indirect.gather [spmem:s1], $0x40, s25, s25, $0xb8;
	[tilespmem:$0x1E800] =	vst v63  }
0xa8: {  	_ =	swait.ge [sflag:s20], $0x2000  }
0xa9: {  	[sflag:s20] =	ssyncset.done $0x0  }
0xaa: {  	[sflag:s20] =	ssyncadd.s32 $0xFFFFE000  }
0xab: {  	[spmem:s3] =	stream.indirect.scatter.add.f32 [tilespmem:s26], [sflag:$0x5], $0x40, s24, s25, $0xb8;
	[tilespmem:$0x1E800] =	vst v63  }
0xac: {  	_ = 	snop  }
0xad: {  	[tilespmem:s30], [sflag:$0x3] =	stream.indirect.gather [spmem:s1], $0x40, s29, s25, $0xb8;
	[tilespmem:$0x1E800] =	vst v63  }
0xae: {  	_ =	swait.ge [sflag:s31], $0x2000  }
0xaf: {  	[sflag:s31] =	ssyncset.done $0x0  }
0xb0: {  	[sflag:s31] =	ssyncadd.s32 $0xFFFFE000  }
0xb1: {  	[spmem:s3] =	stream.indirect.scatter.add.f32 [tilespmem:s28], [sflag:$0x6], $0x40, s0, s25, $0xb8;
	[tilespmem:$0x1E800] =	vst v63  }
0xb2: {  	_ = 	snop  }
0xb3: {  	[tilespmem:s5], [sflag:$0x4] =	stream.indirect.gather [spmem:s1], $0x40, s2, s25, $0xb8;
	[tilespmem:$0x1E800] =	vst v63  }
0xb4: {  	_ =	swait.ge [sflag:s6], $0x2000  }
0xb5: {  	[sflag:s6] =	ssyncset.done $0x0  }
0xb6: {  	[sflag:s6] =	ssyncadd.s32 $0xFFFFE000  }
0xb7: {  	[spmem:s3] =	stream.indirect.scatter.add.f32 [tilespmem:s30], [sflag:$0x7], $0x40, s8, s25, $0xb8;
	[tilespmem:$0x1E800] =	vst v63  }
0xb8: {  	_ =	swait.ge [sflag:s9], $0x2000  }
0xb9: {  	[sflag:s9] =	ssyncset.done $0x0  }
0xba: {  	[sflag:s9] =	ssyncadd.s32 $0xFFFFE000  }
0xbb: {  	[tilespmem:s26], [sflag:$0x1] =	stream.indirect.gather [spmem:s1], $0x40, s10, s25, $0xb8;
	[tilespmem:$0x1E800] =	vst v63  }
0xbc: {  	_ =	swait.ge [sflag:s11], $0x2000  }
0xbd: {  	[sflag:s11] =	ssyncset.done $0x0  }
0xbe: {  	[sflag:s11] =	ssyncadd.s32 $0xFFFFE000  }
0xbf: {  	[spmem:s3] =	stream.indirect.scatter.add.f32 [tilespmem:s5], [sflag:$0x8], $0x40, s12, s25, $0xb8;
	[tilespmem:$0x1E800] =	vst v63  }
0xc0: {  	_ =	swait.ge [sflag:s13], $0x2000  }
0xc1: {  	[sflag:s13] =	ssyncset.done $0x0  }
0xc2: {  	[sflag:s13] =	ssyncadd.s32 $0xFFFFE000  }
0xc3: {  	[tilespmem:s28], [sflag:$0x2] =	stream.indirect.gather [spmem:s1], $0x40, s14, s25, $0xb8;
	[tilespmem:$0x1E800] =	vst v63  }
.LBB2_5:
0xc4: {  	_ =	swait.ge [sflag:s20], $0x2000  }
0xc5: {  	s18 =	sshra.s32 s17, $0x2;
	[sflag:s20] =	ssyncset.done $0x0  }
0xc6: {  	s4 =	sadd.s32 $0x1600, s18;
	[sflag:s20] =	ssyncadd.s32 $0xFFFFE000  }
0xc7: {  	[spmem:s3] =	stream.indirect.scatter.add.f32 [tilespmem:s26], [sflag:$0x5], $0x40, s4, s25, $0xb8;
	[tilespmem:$0x1E800] =	vst v63  }
0xc8: {  	_ =	swait.ge [sflag:s22], $0x2000  }
0xc9: {  	[sflag:s22] =	ssyncset.done $0x0  }
0xca: {  	s19 =	sadd.s32 $0x300, s18;
	[sflag:s22] =	ssyncadd.s32 $0xFFFFE000  }
0xcb: {  	[tilespmem:s30], [sflag:$0x3] =	stream.indirect.gather [spmem:s1], $0x40, s19, s25, $0xb8;
	[tilespmem:$0x1E800] =	vst v63  }
0xcc: {  	_ =	swait.ge [sflag:s31], $0x2000  }
0xcd: {  	[sflag:s31] =	ssyncset.done $0x0  }
0xce: {  	s19 =	sadd.s32 $0x1680, s18;
	[sflag:s31] =	ssyncadd.s32 $0xFFFFE000  }
0xcf: {  	[spmem:s3] =	stream.indirect.scatter.add.f32 [tilespmem:s28], [sflag:$0x6], $0x40, s19, s25, $0xb8;
	[tilespmem:$0x1E800] =	vst v63  }
0xd0: {  	_ =	swait.ge [sflag:s21], $0x2000  }
0xd1: {  	[sflag:s21] =	ssyncset.done $0x0  }
0xd2: {  	p0 =	seq.s32 s17, $0x4000;
	s19 =	sadd.s32 $0x380, s18;
	[sflag:s21] =	ssyncadd.s32 $0xFFFFE000  }
0xd3: {  	[tilespmem:s5], [sflag:$0x4] =	stream.indirect.gather [spmem:s1], $0x40, s19, s25, $0xb8;
	[tilespmem:$0x1E800] =	vst v63  }
.Ltmp4:
0xd4: {  	_ =	swait.ge [sflag:s6], $0x2000;
	(pc) =	sbr.rel @p0 .LBB2_7-.Ltmp4, $4  }
0xd5: {  	[sflag:s6] =	ssyncset.done $0x0  }
0xd6: {  	s19 =	sadd.s32 $0x1700, s18;
	[sflag:s6] =	ssyncadd.s32 $0xFFFFE000  }
0xd7: {  	[spmem:s3] =	stream.indirect.scatter.add.f32 [tilespmem:s30], [sflag:$0x7], $0x40, s19, s25, $0xb8;
	[tilespmem:$0x1E800] =	vst v63  }
0xd8: {  	s19 =	sadd.s32 $0x1780, s18  }
0xd9: {  	_ =	swait.ge [sflag:s9], $0x2000  }
0xda: {  	[sflag:s9] =	ssyncset.done $0x0  }
0xdb: {  	s4 =	sadd.s32 $0x400, s18;
	[sflag:s9] =	ssyncadd.s32 $0xFFFFE000  }
0xdc: {  	[tilespmem:s26], [sflag:$0x1] =	stream.indirect.gather [spmem:s1], $0x40, s4, s25, $0xb8;
	[tilespmem:$0x1E800] =	vst v63  }
0xdd: {  	_ =	swait.ge [sflag:s11], $0x2000  }
0xde: {  	[sflag:s11] =	ssyncset.done $0x0  }
0xdf: {  	[sflag:s11] =	ssyncadd.s32 $0xFFFFE000  }
0xe0: {  	[spmem:s3] =	stream.indirect.scatter.add.f32 [tilespmem:s5], [sflag:$0x8], $0x40, s19, s25, $0xb8;
	[tilespmem:$0x1E800] =	vst v63  }
.Ltmp5:
0xe1: {  	_ = 	snop;
	(pc) =	sbr.rel .LBB2_5-.Ltmp5, $4  }
0xe2: {  	_ =	swait.ge [sflag:s13], $0x2000  }
0xe3: {  	[sflag:s13] =	ssyncset.done $0x0  }
0xe4: {  	s17 =	sadd.s32 $0x800, s17;
	s19 =	sadd.s32 $0x480, s18;
	[sflag:s13] =	ssyncadd.s32 $0xFFFFE000  }
0xe5: {  	[tilespmem:s28], [sflag:$0x2] =	stream.indirect.gather [spmem:s1], $0x40, s19, s25, $0xb8;
	[tilespmem:$0x1E800] =	vst v63  }
.LBB2_7:
0xe6: {  	_ =	swait.ge [sflag:s11], $0x2000  }
0xe7: {  	[sflag:s11] =	ssyncset.done $0x0  }
0xe8: {  	[sflag:s11] =	ssyncadd.s32 $0xFFFFE000  }
0xe9: {  	[spmem:s3] =	stream.indirect.scatter.add.f32 [tilespmem:s5], [sflag:$0x8], $0x40, s19, s25, $0xb8;
	[tilespmem:$0x1E800] =	vst v63  }
0xea: {  	_ =	swait.ge [sflag:s9], $0x2000  }
0xeb: {  	[sflag:s9] =	ssyncset.done $0x0  }
0xec: {  	[sflag:s9] =	ssyncadd.s32 $0xFFFFE000  }
0xed: {  	_ =	swait.ge [sflag:s13], $0x2000  }
0xee: {  	[sflag:s13] =	ssyncset.done $0x0  }
0xef: {  	[sflag:s13] =	ssyncadd.s32 $0xFFFFE000  }
0xf0: {  	_ =	swait.ge [sflag:s22], $0x2000  }
0xf1: {  	[sflag:s22] =	ssyncset.done $0x0  }
0xf2: {  	[sflag:s22] =	ssyncadd.s32 $0xFFFFE000  }
0xf3: {  	_ =	swait.ge [sflag:s21], $0x2000  }
0xf4: {  	[sflag:s21] =	ssyncset.done $0x0  }
0xf5: {  	s17 =	simm.s32 $0x0;
	s4 =	rddreg [dreg:$0xc];
	[sflag:s21] =	ssyncadd.s32 $0xFFFFE000  }
0xf6: {  	[tilespmem:s17], [sflag:$0x9] =	stream.linear.gather [hbm4b:s4+s17], $0x1400, $0x38;
	[tilespmem:$0x1E800] =	vst v63  }
0xf7: {  	_ =	swait.ge [sflag:s23], $0x1400  }
0xf8: {  	[sflag:s23] =	ssyncset.done $0x0  }
0xf9: {  	s19 =	rddreg [dreg:$0xd];
	[sflag:s23] =	ssyncadd.s32 $0xFFFFEC00  }
0xfa: {  	[tilespmem:s24], [sflag:$0x9] =	stream.linear.gather [hbm4b:s19+s17], $0x1400, $0x38;
	[tilespmem:$0x1E800] =	vst v63  }
0xfb: {  	_ =	swait.ge [sflag:s23], $0x1400  }
0xfc: {  	[sflag:s23] =	ssyncset.done $0x0  }
0xfd: {  	[sflag:s23] =	ssyncadd.s32 $0xFFFFEC00  }
0xfe: {  	[tilespmem:s26], [sflag:$0x1] =	stream.indirect.gather [spmem:s1], $0x40, s17, s25, $0xb8;
	[tilespmem:$0x1E800] =	vst v63  }
0xff: {  	_ = 	snop  }
0x100: {  	[tilespmem:s28], [sflag:$0x2] =	stream.indirect.gather [spmem:s1], $0x40, s25, s25, $0xb8;
	[tilespmem:$0x1E800] =	vst v63  }
0x101: {  	_ =	swait.ge [sflag:s20], $0x2000  }
0x102: {  	[sflag:s20] =	ssyncset.done $0x0  }
0x103: {  	[sflag:s20] =	ssyncadd.s32 $0xFFFFE000  }
0x104: {  	[spmem:s3] =	stream.indirect.scatter.add.f32 [tilespmem:s26], [sflag:$0x5], $0x40, s24, s25, $0xb8;
	[tilespmem:$0x1E800] =	vst v63  }
0x105: {  	_ = 	snop  }
0x106: {  	[tilespmem:s30], [sflag:$0x3] =	stream.indirect.gather [spmem:s1], $0x40, s29, s25, $0xb8;
	[tilespmem:$0x1E800] =	vst v63  }
0x107: {  	_ =	swait.ge [sflag:s31], $0x2000  }
0x108: {  	[sflag:s31] =	ssyncset.done $0x0  }
0x109: {  	[sflag:s31] =	ssyncadd.s32 $0xFFFFE000  }
0x10a: {  	[spmem:s3] =	stream.indirect.scatter.add.f32 [tilespmem:s28], [sflag:$0x6], $0x40, s0, s25, $0xb8;
	[tilespmem:$0x1E800] =	vst v63  }
0x10b: {  	_ = 	snop  }
0x10c: {  	[tilespmem:s5], [sflag:$0x4] =	stream.indirect.gather [spmem:s1], $0x40, s2, s25, $0xb8;
	[tilespmem:$0x1E800] =	vst v63  }
0x10d: {  	_ =	swait.ge [sflag:s6], $0x2000  }
0x10e: {  	[sflag:s6] =	ssyncset.done $0x0  }
0x10f: {  	[sflag:s6] =	ssyncadd.s32 $0xFFFFE000  }
0x110: {  	[spmem:s3] =	stream.indirect.scatter.add.f32 [tilespmem:s30], [sflag:$0x7], $0x40, s8, s25, $0xb8;
	[tilespmem:$0x1E800] =	vst v63  }
0x111: {  	_ =	swait.ge [sflag:s9], $0x2000  }
0x112: {  	[sflag:s9] =	ssyncset.done $0x0  }
0x113: {  	[sflag:s9] =	ssyncadd.s32 $0xFFFFE000  }
0x114: {  	[tilespmem:s26], [sflag:$0x1] =	stream.indirect.gather [spmem:s1], $0x40, s10, s25, $0xb8;
	[tilespmem:$0x1E800] =	vst v63  }
0x115: {  	_ =	swait.ge [sflag:s11], $0x2000  }
0x116: {  	[sflag:s11] =	ssyncset.done $0x0  }
0x117: {  	[sflag:s11] =	ssyncadd.s32 $0xFFFFE000  }
0x118: {  	[spmem:s3] =	stream.indirect.scatter.add.f32 [tilespmem:s5], [sflag:$0x8], $0x40, s12, s25, $0xb8;
	[tilespmem:$0x1E800] =	vst v63  }
0x119: {  	_ =	swait.ge [sflag:s13], $0x2000  }
0x11a: {  	[sflag:s13] =	ssyncset.done $0x0  }
0x11b: {  	[sflag:s13] =	ssyncadd.s32 $0xFFFFE000  }
0x11c: {  	[tilespmem:s28], [sflag:$0x2] =	stream.indirect.gather [spmem:s1], $0x40, s14, s25, $0xb8;
	[tilespmem:$0x1E800] =	vst v63  }
.LBB2_8:
0x11d: {  	_ =	swait.ge [sflag:s20], $0x2000  }
0x11e: {  	s18 =	sshra.s32 s17, $0x2;
	[sflag:s20] =	ssyncset.done $0x0  }
0x11f: {  	s4 =	sadd.s32 $0x1600, s18;
	[sflag:s20] =	ssyncadd.s32 $0xFFFFE000  }
0x120: {  	[spmem:s3] =	stream.indirect.scatter.add.f32 [tilespmem:s26], [sflag:$0x5], $0x40, s4, s25, $0xb8;
	[tilespmem:$0x1E800] =	vst v63  }
0x121: {  	_ =	swait.ge [sflag:s22], $0x2000  }
0x122: {  	[sflag:s22] =	ssyncset.done $0x0  }
0x123: {  	s19 =	sadd.s32 $0x300, s18;
	[sflag:s22] =	ssyncadd.s32 $0xFFFFE000  }
0x124: {  	[tilespmem:s30], [sflag:$0x3] =	stream.indirect.gather [spmem:s1], $0x40, s19, s25, $0xb8;
	[tilespmem:$0x1E800] =	vst v63  }
0x125: {  	_ =	swait.ge [sflag:s31], $0x2000  }
0x126: {  	[sflag:s31] =	ssyncset.done $0x0  }
0x127: {  	s19 =	sadd.s32 $0x1680, s18;
	[sflag:s31] =	ssyncadd.s32 $0xFFFFE000  }
0x128: {  	[spmem:s3] =	stream.indirect.scatter.add.f32 [tilespmem:s28], [sflag:$0x6], $0x40, s19, s25, $0xb8;
	[tilespmem:$0x1E800] =	vst v63  }
0x129: {  	_ =	swait.ge [sflag:s21], $0x2000  }
0x12a: {  	[sflag:s21] =	ssyncset.done $0x0  }
0x12b: {  	p0 =	seq.s32 s17, $0x4000;
	s19 =	sadd.s32 $0x380, s18;
	[sflag:s21] =	ssyncadd.s32 $0xFFFFE000  }
0x12c: {  	[tilespmem:s5], [sflag:$0x4] =	stream.indirect.gather [spmem:s1], $0x40, s19, s25, $0xb8;
	[tilespmem:$0x1E800] =	vst v63  }
.Ltmp6:
0x12d: {  	_ =	swait.ge [sflag:s6], $0x2000;
	(pc) =	sbr.rel @p0 .LBB2_10-.Ltmp6, $4  }
0x12e: {  	[sflag:s6] =	ssyncset.done $0x0  }
0x12f: {  	s19 =	sadd.s32 $0x1700, s18;
	[sflag:s6] =	ssyncadd.s32 $0xFFFFE000  }
0x130: {  	[spmem:s3] =	stream.indirect.scatter.add.f32 [tilespmem:s30], [sflag:$0x7], $0x40, s19, s25, $0xb8;
	[tilespmem:$0x1E800] =	vst v63  }
0x131: {  	s19 =	sadd.s32 $0x1780, s18  }
0x132: {  	_ =	swait.ge [sflag:s9], $0x2000  }
0x133: {  	[sflag:s9] =	ssyncset.done $0x0  }
0x134: {  	s4 =	sadd.s32 $0x400, s18;
	[sflag:s9] =	ssyncadd.s32 $0xFFFFE000  }
0x135: {  	[tilespmem:s26], [sflag:$0x1] =	stream.indirect.gather [spmem:s1], $0x40, s4, s25, $0xb8;
	[tilespmem:$0x1E800] =	vst v63  }
0x136: {  	_ =	swait.ge [sflag:s11], $0x2000  }
0x137: {  	[sflag:s11] =	ssyncset.done $0x0  }
0x138: {  	[sflag:s11] =	ssyncadd.s32 $0xFFFFE000  }
0x139: {  	[spmem:s3] =	stream.indirect.scatter.add.f32 [tilespmem:s5], [sflag:$0x8], $0x40, s19, s25, $0xb8;
	[tilespmem:$0x1E800] =	vst v63  }
.Ltmp7:
0x13a: {  	_ = 	snop;
	(pc) =	sbr.rel .LBB2_8-.Ltmp7, $4  }
0x13b: {  	_ =	swait.ge [sflag:s13], $0x2000  }
0x13c: {  	[sflag:s13] =	ssyncset.done $0x0  }
0x13d: {  	s17 =	sadd.s32 $0x800, s17;
	s19 =	sadd.s32 $0x480, s18;
	[sflag:s13] =	ssyncadd.s32 $0xFFFFE000  }
0x13e: {  	[tilespmem:s28], [sflag:$0x2] =	stream.indirect.gather [spmem:s1], $0x40, s19, s25, $0xb8;
	[tilespmem:$0x1E800] =	vst v63  }
.LBB2_10:
0x13f: {  	_ =	swait.ge [sflag:s11], $0x2000  }
0x140: {  	[sflag:s11] =	ssyncset.done $0x0  }
0x141: {  	[sflag:s11] =	ssyncadd.s32 $0xFFFFE000  }
0x142: {  	[spmem:s3] =	stream.indirect.scatter.add.f32 [tilespmem:s5], [sflag:$0x8], $0x40, s19, s25, $0xb8;
	[tilespmem:$0x1E800] =	vst v63  }
0x143: {  	_ =	swait.ge [sflag:s9], $0x2000  }
0x144: {  	[sflag:s9] =	ssyncset.done $0x0  }
0x145: {  	[sflag:s9] =	ssyncadd.s32 $0xFFFFE000  }
0x146: {  	_ =	swait.ge [sflag:s13], $0x2000  }
0x147: {  	[sflag:s13] =	ssyncset.done $0x0  }
0x148: {  	[sflag:s13] =	ssyncadd.s32 $0xFFFFE000  }
0x149: {  	_ =	swait.ge [sflag:s22], $0x2000  }
0x14a: {  	[sflag:s22] =	ssyncset.done $0x0  }
0x14b: {  	[sflag:s22] =	ssyncadd.s32 $0xFFFFE000  }
0x14c: {  	_ =	swait.ge [sflag:s21], $0x2000  }
0x14d: {  	[sflag:s21] =	ssyncset.done $0x0  }
0x14e: {  	s17 =	simm.s32 $0x0;
	s4 =	rddreg [dreg:$0xe];
	[sflag:s21] =	ssyncadd.s32 $0xFFFFE000  }
0x14f: {  	[tilespmem:s17], [sflag:$0x9] =	stream.linear.gather [hbm4b:s4+s17], $0x1400, $0x38;
	[tilespmem:$0x1E800] =	vst v63  }
0x150: {  	_ =	swait.ge [sflag:s23], $0x1400  }
0x151: {  	[sflag:s23] =	ssyncset.done $0x0  }
0x152: {  	s19 =	rddreg [dreg:$0xf];
	[sflag:s23] =	ssyncadd.s32 $0xFFFFEC00  }
0x153: {  	[tilespmem:s24], [sflag:$0x9] =	stream.linear.gather [hbm4b:s19+s17], $0x1400, $0x38;
	[tilespmem:$0x1E800] =	vst v63  }
0x154: {  	_ =	swait.ge [sflag:s23], $0x1400  }
0x155: {  	[sflag:s23] =	ssyncset.done $0x0  }
0x156: {  	[sflag:s23] =	ssyncadd.s32 $0xFFFFEC00  }
0x157: {  	[tilespmem:s26], [sflag:$0x1] =	stream.indirect.gather [spmem:s1], $0x40, s17, s25, $0xb8;
	[tilespmem:$0x1E800] =	vst v63  }
0x158: {  	_ = 	snop  }
0x159: {  	[tilespmem:s28], [sflag:$0x2] =	stream.indirect.gather [spmem:s1], $0x40, s25, s25, $0xb8;
	[tilespmem:$0x1E800] =	vst v63  }
0x15a: {  	_ =	swait.ge [sflag:s20], $0x2000  }
0x15b: {  	[sflag:s20] =	ssyncset.done $0x0  }
0x15c: {  	[sflag:s20] =	ssyncadd.s32 $0xFFFFE000  }
0x15d: {  	[spmem:s3] =	stream.indirect.scatter.add.f32 [tilespmem:s26], [sflag:$0x5], $0x40, s24, s25, $0xb8;
	[tilespmem:$0x1E800] =	vst v63  }
0x15e: {  	_ = 	snop  }
0x15f: {  	[tilespmem:s30], [sflag:$0x3] =	stream.indirect.gather [spmem:s1], $0x40, s29, s25, $0xb8;
	[tilespmem:$0x1E800] =	vst v63  }
0x160: {  	_ =	swait.ge [sflag:s31], $0x2000  }
0x161: {  	[sflag:s31] =	ssyncset.done $0x0  }
0x162: {  	[sflag:s31] =	ssyncadd.s32 $0xFFFFE000  }
0x163: {  	[spmem:s3] =	stream.indirect.scatter.add.f32 [tilespmem:s28], [sflag:$0x6], $0x40, s0, s25, $0xb8;
	[tilespmem:$0x1E800] =	vst v63  }
0x164: {  	_ = 	snop  }
0x165: {  	[tilespmem:s5], [sflag:$0x4] =	stream.indirect.gather [spmem:s1], $0x40, s2, s25, $0xb8;
	[tilespmem:$0x1E800] =	vst v63  }
0x166: {  	_ =	swait.ge [sflag:s6], $0x2000  }
0x167: {  	[sflag:s6] =	ssyncset.done $0x0  }
0x168: {  	[sflag:s6] =	ssyncadd.s32 $0xFFFFE000  }
0x169: {  	[spmem:s3] =	stream.indirect.scatter.add.f32 [tilespmem:s30], [sflag:$0x7], $0x40, s8, s25, $0xb8;
	[tilespmem:$0x1E800] =	vst v63  }
0x16a: {  	_ =	swait.ge [sflag:s9], $0x2000  }
0x16b: {  	[sflag:s9] =	ssyncset.done $0x0  }
0x16c: {  	[sflag:s9] =	ssyncadd.s32 $0xFFFFE000  }
0x16d: {  	[tilespmem:s26], [sflag:$0x1] =	stream.indirect.gather [spmem:s1], $0x40, s10, s25, $0xb8;
	[tilespmem:$0x1E800] =	vst v63  }
0x16e: {  	_ =	swait.ge [sflag:s11], $0x2000  }
0x16f: {  	[sflag:s11] =	ssyncset.done $0x0  }
0x170: {  	[sflag:s11] =	ssyncadd.s32 $0xFFFFE000  }
0x171: {  	[spmem:s3] =	stream.indirect.scatter.add.f32 [tilespmem:s5], [sflag:$0x8], $0x40, s12, s25, $0xb8;
	[tilespmem:$0x1E800] =	vst v63  }
0x172: {  	_ =	swait.ge [sflag:s13], $0x2000  }
0x173: {  	[sflag:s13] =	ssyncset.done $0x0  }
0x174: {  	[sflag:s13] =	ssyncadd.s32 $0xFFFFE000  }
0x175: {  	[tilespmem:s28], [sflag:$0x2] =	stream.indirect.gather [spmem:s1], $0x40, s14, s25, $0xb8;
	[tilespmem:$0x1E800] =	vst v63  }
.LBB2_11:
0x176: {  	_ =	swait.ge [sflag:s20], $0x2000  }
0x177: {  	s18 =	sshra.s32 s17, $0x2;
	[sflag:s20] =	ssyncset.done $0x0  }
0x178: {  	s4 =	sadd.s32 $0x1600, s18;
	[sflag:s20] =	ssyncadd.s32 $0xFFFFE000  }
0x179: {  	[spmem:s3] =	stream.indirect.scatter.add.f32 [tilespmem:s26], [sflag:$0x5], $0x40, s4, s25, $0xb8;
	[tilespmem:$0x1E800] =	vst v63  }
0x17a: {  	_ =	swait.ge [sflag:s22], $0x2000  }
0x17b: {  	[sflag:s22] =	ssyncset.done $0x0  }
0x17c: {  	s19 =	sadd.s32 $0x300, s18;
	[sflag:s22] =	ssyncadd.s32 $0xFFFFE000  }
0x17d: {  	[tilespmem:s30], [sflag:$0x3] =	stream.indirect.gather [spmem:s1], $0x40, s19, s25, $0xb8;
	[tilespmem:$0x1E800] =	vst v63  }
0x17e: {  	_ =	swait.ge [sflag:s31], $0x2000  }
0x17f: {  	[sflag:s31] =	ssyncset.done $0x0  }
0x180: {  	s19 =	sadd.s32 $0x1680, s18;
	[sflag:s31] =	ssyncadd.s32 $0xFFFFE000  }
0x181: {  	[spmem:s3] =	stream.indirect.scatter.add.f32 [tilespmem:s28], [sflag:$0x6], $0x40, s19, s25, $0xb8;
	[tilespmem:$0x1E800] =	vst v63  }
0x182: {  	_ =	swait.ge [sflag:s21], $0x2000  }
0x183: {  	[sflag:s21] =	ssyncset.done $0x0  }
0x184: {  	p0 =	seq.s32 s17, $0x4000;
	s19 =	sadd.s32 $0x380, s18;
	[sflag:s21] =	ssyncadd.s32 $0xFFFFE000  }
0x185: {  	[tilespmem:s5], [sflag:$0x4] =	stream.indirect.gather [spmem:s1], $0x40, s19, s25, $0xb8;
	[tilespmem:$0x1E800] =	vst v63  }
.Ltmp8:
0x186: {  	_ =	swait.ge [sflag:s6], $0x2000;
	(pc) =	sbr.rel @p0 .LBB2_13-.Ltmp8, $4  }
0x187: {  	[sflag:s6] =	ssyncset.done $0x0  }
0x188: {  	s19 =	sadd.s32 $0x1700, s18;
	[sflag:s6] =	ssyncadd.s32 $0xFFFFE000  }
0x189: {  	[spmem:s3] =	stream.indirect.scatter.add.f32 [tilespmem:s30], [sflag:$0x7], $0x40, s19, s25, $0xb8;
	[tilespmem:$0x1E800] =	vst v63  }
0x18a: {  	s19 =	sadd.s32 $0x1780, s18  }
0x18b: {  	_ =	swait.ge [sflag:s9], $0x2000  }
0x18c: {  	[sflag:s9] =	ssyncset.done $0x0  }
0x18d: {  	s4 =	sadd.s32 $0x400, s18;
	[sflag:s9] =	ssyncadd.s32 $0xFFFFE000  }
0x18e: {  	[tilespmem:s26], [sflag:$0x1] =	stream.indirect.gather [spmem:s1], $0x40, s4, s25, $0xb8;
	[tilespmem:$0x1E800] =	vst v63  }
0x18f: {  	_ =	swait.ge [sflag:s11], $0x2000  }
0x190: {  	[sflag:s11] =	ssyncset.done $0x0  }
0x191: {  	[sflag:s11] =	ssyncadd.s32 $0xFFFFE000  }
0x192: {  	[spmem:s3] =	stream.indirect.scatter.add.f32 [tilespmem:s5], [sflag:$0x8], $0x40, s19, s25, $0xb8;
	[tilespmem:$0x1E800] =	vst v63  }
.Ltmp9:
0x193: {  	_ = 	snop;
	(pc) =	sbr.rel .LBB2_11-.Ltmp9, $4  }
0x194: {  	_ =	swait.ge [sflag:s13], $0x2000  }
0x195: {  	[sflag:s13] =	ssyncset.done $0x0  }
0x196: {  	s17 =	sadd.s32 $0x800, s17;
	s19 =	sadd.s32 $0x480, s18;
	[sflag:s13] =	ssyncadd.s32 $0xFFFFE000  }
0x197: {  	[tilespmem:s28], [sflag:$0x2] =	stream.indirect.gather [spmem:s1], $0x40, s19, s25, $0xb8;
	[tilespmem:$0x1E800] =	vst v63  }
.LBB2_14:
0x198: {  	_ =	sfence.sel $0x180000  }
0x199: {  	[bflag:$0x0] =	sbarrier.arrive $0xFFFF  }
0x19a: {  	_ =	strace $0x9000004A  }
0x19b: {  	s0 =	stileid.u32;
	[bflag:$0x2] =	sbarrier.arrive $0xFFFF  }
0x19c: {  	p0 =	sne.s32 s0, $0x0;
	s0 =	rddreg [dreg:$0x4]  }
0x19d: {  	s0 =	sadd.s32 @!p0 $0x100000, s0  }
0x19e: {  	[sflag:s0] =	ssyncadd.tile.s32 @!p0 $0x1;
	_ =	shalt  }
.Lfunc_end2:
_tile_overlayer_lowered:
.L_overlay_start_2:
0x19f: {  	(tag) =	ssettag $0x2  }
0x1a0: {  	s0 =	rddreg [dreg:$0x0];
	s2 =	stileid.u32  }
0x1a1: {  	s1 =	rddreg [dreg:$0x1];
	p0 =	sne.s32 s2, $0x0  }
0x1a2: {  	s3 =	rddreg [dreg:$0x2];
	[bflag:$0x3] =	sbarrier.arrive $0xFFFF;
	s2 =	simm.s32 @!p0 $0x1C09  }
0x1a3: {  	[timem:s3], [sflag:s2] =	dma.local @!p0 [hbm:s0], s1  }
0x1a4: {  	s0 =	simm.s32 @!p0 $0x9  }
0x1a5: {  	_ =	swait.ge @!p0 [sflag:s0], s1  }
0x1a6: {  	s1 =	ssub.s32 @!p0 $0x0, s1;
	[sflag:s0] =	ssyncset.done @!p0 $0x0  }
0x1a7: {  	[sflag:s0] =	ssyncadd.s32 @!p0 s1  }
0x1a8: {  	[bflag:$0x3] =	sbarrier.arrive $0xFFFF  }
0x1a9: {  	_ =	shalt  }

// kernel: kernel.13.cloned.1.call-start
scs
__scs_entry_jumppad:
0x0: {  	(pc) =	sbr.rel $0x88, $3  }
0x1: {  	(tag) =	ssettag $0x0;
	lr =	simm.s32 $0x1  }
0x2: {  	[smem:$0x3F9B] =	sst lr;
	_ =	strace $0xD0000000  }
0x3: {  	_ = 	snop  }
0x4: {  	_ = 	snop  }
0x5: {  	_ = 	snop  }
0x6: {  	_ = 	snop  }
0x7: {  	_ = 	snop  }
__scs_overlays_trampoline_lowered:
0x8: {  	[smem:$0x3FAA] =	sst s0  }
0x9: {  	[smem:$0x3FAB] =	sst s1  }
0xa: {  	[smem:$0x3FAC] =	sst s2  }
0xb: {  	[smem:$0x3FAD] =	sst s3  }
0xc: {  	[smem:$0x3FAE] =	sst s4  }
0xd: {  	[smem:$0x3FAF] =	sst s5  }
0xe: {  	[smem:$0x3FB0] =	sst s6  }
0xf: {  	[smem:$0x3FB1] =	sst s7  }
0x10: {  	[smem:$0x3FB2] =	sst s8  }
0x11: {  	[smem:$0x3FB3] =	sst s9;
	s0 =	simm.s32 @!p0 $0x0  }
0x12: {  	s1 =	sld [smem:$0x3F99];
	s0 =	simm.s32 @p0 $0x1  }
0x13: {  	[smem:$0x3FB4] =	sst s0;
	s0 =	simm.s32 @!p1 $0x0  }
0x14: {  	s2 =	sld [smem:$0x3F98];
	s0 =	simm.s32 @p1 $0x1  }
0x15: {  	[smem:$0x3FB5] =	sst s0;
	s0 =	simm.s32 @!p2 $0x0  }
0x16: {  	s3 =	sld [smem:$0x3FDB];
	s0 =	simm.s32 @p2 $0x1  }
0x17: {  	s4 =	simm.s32 $0x1BF5;
	[smem:$0x3FB7] =	sst s0  }
0x18: {  	s0 =	sld [smem:$0x3F9A];
	_ =	swait.ge [sflag:s4], $0x0  }
0x19: {  	s7 =	sld [smem:$0x3F9B]  }
0x1a: {  	s8 =	sadd.s32 $0xFFFFE003, lr  }
0x1b: {  	s9 =	sadd.s32 $0xFFFFFEF7, lr;
	s5 =	simm.s32 $0xFFFFFFFF;
	p2 =	slt.u32 s8, $0xFFFFF086  }
0x1c: {  	p1 =	slt.u32 s9, $0xF7A;
	s5 =	simm.s32 @!p2 $0x0  }
0x1d: {  	s5 =	simm.s32 @p1 $0x1;
	p0 =	seq.s32 s7, s2  }
0x1e: {  	s7 =	smul.u32 @!p0 $0xF7A, s2;
	p2 =	seq.s32 @!p0 s5, $0x0  }
0x1f: {  	s9 =	smul.u32 $0xF7A, s1;
	s8 =	simm.s32 @!p0 $0x1BF5;
	p2 =	por !p2, p0  }
0x20: {  	[sflag:s8] =	ssyncset.s32 @!p0 $0xFFFFF086;
	s6 =	sadd.s32 @!p0 s3, s7;
	s7 =	simm.s32 @!p0 $0x108  }
0x21: {  	s3 =	sadd.s32 s3, s9;
	s6 =	sadd.s32 @!p0 $0x88, s6;
	s7 =	simm.s32 @p2 $0x1082  }
0x22: {  	[simem:s7], [sflag:s8] =	dma.local @!p0 [hbm:s6], $0xF7A  }
0x23: {  	s9 =	sor.u32 $0xD0000000, s2;
	s6 =	simm.s32 $0x108;
	_ =	swait.ge @!p0 [sflag:s8], $0x0  }
0x24: {  	s3 =	sadd.s32 $0x88, s3;
	s6 =	simm.s32 @!p1 $0x1082;
	[sflag:s4] =	ssyncset.s32 $0xFFFFF086  }
0x25: {  	[simem:s6], [sflag:s4] =	dma.local [hbm:s3], $0xF7A  }
0x26: {  	[smem:$0x3F9B] =	sst s1;
	(tag) =	ssettag s2;
	_ =	strace s9  }
0x27: {  	s1 =	sld [smem:$0x3FAB]  }
0x28: {  	s2 =	sld [smem:$0x3FAC]  }
0x29: {  	s4 =	sld [smem:$0x3FAE]  }
0x2a: {  	p0 =	seq.s32 s5, $0x0;
	s5 =	sld [smem:$0x3FAF]  }
0x2b: {  	s6 =	sld [smem:$0x3FB0]  }
0x2c: {  	s7 =	sld [smem:$0x3FB1]  }
0x2d: {  	s3 =	simm.s32 $0x108;
	s8 =	sld [smem:$0x3FB2]  }
0x2e: {  	s3 =	simm.s32 @!p0 $0x1082;
	s9 =	sld [smem:$0x3FB3]  }
0x2f: {  	lr =	sadd.s32 s0, s3;
	s0 =	sld [smem:$0x3FAA]  }
0x30: {  	s3 =	sld [smem:$0x3FAD]  }
0x31: {  	[smem:$0x3FB6] =	sst s10  }
0x32: {  	s10 =	sld [smem:$0x3FB4];
	_ =	sdelay $0x3  }
0x33: {  	p0 =	seq.s32 s10, $0x1;
	s10 =	sld [smem:$0x3FB6];
	_ =	sdelay $0x3  }
0x34: {  	[smem:$0x3FB6] =	sst s10  }
0x35: {  	s10 =	sld [smem:$0x3FB5];
	_ =	sdelay $0x3  }
0x36: {  	p1 =	seq.s32 s10, $0x1;
	s10 =	sld [smem:$0x3FB6];
	_ =	sdelay $0x3  }
0x37: {  	[smem:$0x3FB6] =	sst s10  }
0x38: {  	s10 =	sld [smem:$0x3FB7]  }
0x39: {  	_ = 	snop;
	(pc) =	sbr.ind lr, $3  }
0x3a: {  	_ = 	snop  }
0x3b: {  	_ = 	snop  }
0x3c: {  	p2 =	seq.s32 s10, $0x1;
	s10 =	sld [smem:$0x3FB6]  }
0x3d: {  	_ =	shalt  }
0x3e: {  	_ =	shalt  }
0x3f: {  	_ =	shalt  }
0x40: {  	_ =	shalt  }
0x41: {  	_ =	shalt  }
0x42: {  	_ =	shalt  }
0x43: {  	_ =	shalt  }
0x44: {  	_ =	shalt  }
0x45: {  	_ =	shalt  }
0x46: {  	_ =	shalt  }
0x47: {  	_ =	shalt  }
0x48: {  	_ =	shalt  }
0x49: {  	_ =	shalt  }
0x4a: {  	_ =	shalt  }
0x4b: {  	_ =	shalt  }
0x4c: {  	_ =	shalt  }
0x4d: {  	_ =	shalt  }
0x4e: {  	_ =	shalt  }
0x4f: {  	_ =	shalt  }
0x50: {  	_ =	shalt  }
0x51: {  	_ =	shalt  }
0x52: {  	_ =	shalt  }
0x53: {  	_ =	shalt  }
0x54: {  	_ =	shalt  }
0x55: {  	_ =	shalt  }
0x56: {  	_ =	shalt  }
0x57: {  	_ =	shalt  }
0x58: {  	_ =	shalt  }
0x59: {  	_ =	shalt  }
0x5a: {  	_ =	shalt  }
0x5b: {  	_ =	shalt  }
0x5c: {  	_ =	shalt  }
0x5d: {  	_ =	shalt  }
0x5e: {  	_ =	shalt  }
0x5f: {  	_ =	shalt  }
0x60: {  	_ =	shalt  }
0x61: {  	_ =	shalt  }
0x62: {  	_ =	shalt  }
0x63: {  	_ =	shalt  }
0x64: {  	_ =	shalt  }
0x65: {  	_ =	shalt  }
0x66: {  	_ =	shalt  }
0x67: {  	_ =	shalt  }
0x68: {  	_ =	shalt  }
0x69: {  	_ =	shalt  }
0x6a: {  	_ =	shalt  }
0x6b: {  	_ =	shalt  }
0x6c: {  	_ =	shalt  }
0x6d: {  	_ =	shalt  }
0x6e: {  	_ =	shalt  }
0x6f: {  	_ =	shalt  }
0x70: {  	_ =	shalt  }
0x71: {  	_ =	shalt  }
0x72: {  	_ =	shalt  }
0x73: {  	_ =	shalt  }
0x74: {  	_ =	shalt  }
0x75: {  	_ =	shalt  }
0x76: {  	_ =	shalt  }
0x77: {  	_ =	shalt  }
0x78: {  	_ =	shalt  }
0x79: {  	_ =	shalt  }
0x7a: {  	_ =	shalt  }
0x7b: {  	_ =	shalt  }
0x7c: {  	_ =	shalt  }
0x7d: {  	_ =	shalt  }
0x7e: {  	_ =	shalt  }
0x7f: {  	_ =	shalt  }
0x80: {  	_ =	shalt  }
0x81: {  	_ =	shalt  }
0x82: {  	_ =	shalt  }
0x83: {  	_ =	shalt  }
0x84: {  	_ =	shalt  }
0x85: {  	_ =	shalt  }
0x86: {  	_ =	shalt  }
0x87: {  	_ =	shalt  }
.Lfunc_end0:
.L_simem_size_0:
called_computation.2_lowered:
.L_overlay_start_0:
0x88: {  	s2 =	sld [smem:$0x3FD9]  }
0x89: {  	s3 =	sld [smem:$0x3FFE];
	_ =	sdelay $0x1  }
0x8a: {  	s1 =	srdreg.scid  }
0x8b: {  	s0 =	sand.u32 $0x1, s1  }
0x8c: {  	s17 =	sshll.u32 s0, $0xA;
	s2 =	sadd.s32 s3, s2  }
0x8d: {  	s2 =	sadd.s32 s2, s17  }
0x8e: {  	[smem:$0x3FC2] =	sst s2  }
0x8f: {  	_ = 	snop  }
0x90: {  	s2 =	sld [smem:$0x3FD0];
	(tm) =	ssettm $0x1  }
0x91: {  	s18 =	sld [smem:$0x3FFB];
	_ =	sdelay $0x3  }
0x92: {  	_ =	strace s18  }
0x93: {  	s3 =	sld [smem:$0x3FFC];
	_ =	sdelay $0x3  }
0x94: {  	_ =	strace s3  }
0x95: {  	s3 =	sld [smem:$0x3FFD];
	_ =	sdelay $0x3  }
0x96: {  	_ =	strace s3  }
0x97: {  	_ =	strace $0x8FFFFFFF  }
0x98: {  	s19 =	sld [smem:$0x3FDB];
	_ =	sdelay $0x1  }
0x99: {  	s4 =	simm.s32 $_scs_section_size  }
0x9a: {  	s5 =	simm.s32 $_size__tile_overlayer_lowered;
	s6 =	simm.s32 $_tile_overlayer_lowered  }
0x9b: {  	s22 =	simm.s32 $0x1BFF;
	s21 =	sshll.u32 s6, $0x1;
	s3 =	sadd.s32 s4, s19  }
0x9c: {  	s7 =	simm.s32 $0x0;
	s20 =	sshll.u32 s5, $0x1;
	s5 =	sadd.s32 s21, s3  }
0x9d: {  	[timem:s7], [sflag:s22] =	dma.local [hbm:s5], s20  }
0x9e: {  	_ =	swait.ge [sflag:s22], s20  }
0x9f: {  	s4 =	ssub.s32 $0x0, s20;
	[sflag:s22] =	ssyncset.done $0x0  }
0xa0: {  	[sflag:s22] =	ssyncadd.s32 s4;
	_ =	sdelay $0x1  }
0xa1: {  	s23 =	simm.s32 $0x1B8B  }
0xa2: {  	_ =	swait.ge [sflag:s23], $0x1  }
0xa3: {  	[sflag:s23] =	ssyncset.done $0x0  }
0xa4: {  	s25 =	simm.s32 $0x1B8E;
	s24 =	sld [smem:$0x3FFE];
	[sflag:s23] =	ssyncadd.s32 $0xFFFFFFFF  }
0xa5: {  	s26 =	simm.s32 $execute0_lowered;
	[smem:$0x3FD2] =	sst s25  }
0xa6: {  	s5 =	sshll.u32 s26, $0x1;
	_ =	strace $0x8000004C;
	[dreg:$0x1] =	wrdreg $0xFFFFFFFF  }
0xa7: {  	s28 =	simm.s32 $_size_execute0_lowered;
	s3 =	sadd.s32 s3, s5;
	[dreg:$0x0] =	wrdreg $0x0  }
0xa8: {  	s5 =	sshll.u32 s28, $0x1;
	[dreg:$0x2] =	wrdreg s3  }
0xa9: {  	[dreg:$0x3] =	wrdreg s5  }
0xaa: {  	[dreg:$0x4] =	wrdreg $0xC0  }
0xab: {  	_ =	task [dreg:s7], $0x5FFFF  }
0xac: {  	[dreg:$0x1] =	wrdreg $0xFFFFFFFF  }
0xad: {  	[dreg:$0x0] =	wrdreg $0x60  }
0xae: {  	[dreg:$0x2] =	wrdreg s24  }
0xaf: {  	[dreg:$0x3] =	wrdreg s2  }
0xb0: {  	[dreg:$0x4] =	wrdreg $0x68000  }
0xb1: {  	[dreg:$0x5] =	wrdreg $0xB8000  }
0xb2: {  	[dreg:$0x6] =	wrdreg $0x9  }
0xb3: {  	_ =	task.clear_ibuf [dreg:s7], $0x7FFFF;
	_ =	strace $0x9000004C  }
0xb4: {  	s29 =	simm.s32 $0x9;
	_ =	strace $0x8000004E  }
0xb5: {  	_ =	swait.ge [sflag:s29], $0x1  }
0xb6: {  	[sflag:s29] =	ssyncadd.s32 $0xFFFFFFFF  }
0xb7: {  	_ =	strace $0x9000004E  }
0xb8: {  	_ =	sfence  }
0xb9: {  	s30 =	sld [smem:$0x0];
	_ =	sdelay $0x2  }
0xba: {  	s31 =	sshll.u32 s1, $0xD;
	s1 =	sshrl.u32 s1, $0x2  }
0xbb: {  	s3 =	sand.u32 $0x4000, s31;
	s1 =	sadd.s32 s1, s30  }
0xbc: {  	s0 =	sor.u32 s3, s0;
	s1 =	sshll.u32 s1, $0x11  }
0xbd: {  	s0 =	sor.u32 s1, s0  }
0xbe: {  	s0 =	sadd.s32 $0x8F2B, s0  }
0xbf: {  	[sflag:s0] =	ssyncadd.remote.s32 $0x1  }
0xc0: {  	_ =	sfence.sel $0xFFFF  }
0xc1: {  	[dreg:$0x0] =	wrdreg $0xFFFFFFFF;
	(pc) =	sbr.abs _section_cstart, $3  }
0xc2: {  	[dreg:$0x1] =	wrdreg $0xFFFFFFFF  }
0xc3: {  	_ =	task.clear_ibuf [dreg:s7], $0x2FFFF;
	_ =	strace $0x9FFFFFFF  }
0xc4: {  	(tm) =	ssettm $0x7FFFFFFF  }
0xc5: {  	_ =	shalt  }
tec
execute0_lowered:
.L_overlay_start_1:
0x0: {  	(tag) =	ssettag $0x1  }
0x1: {  	s0 =	rddreg [dreg:$0x0]  }
0x2: {  	s2 =	rddreg [dreg:$0x1]  }
0x3: {  	s1 =	rddreg [dreg:$0x2]  }
0x4: {  	s3 =	rddreg [dreg:$0x3]  }
0x5: {  	s6 =	simm.s32 $0x0;
	s5 =	srdreg.scid;
	s4 =	stileid.u32  }
0x6: {  	s28 =	simm.s32 $0x3800;
	s29 =	simm.s32 $0x100;
	s30 =	simm.s32 $0x4800  }
0x7: {  	s31 =	simm.s32 $0x2;
	[smem:$0x7FF] =	sst s6;
	s5 =	sand.u32 $0x1, s5  }
0x8: {  	s9 =	smul.u32 $0xA000, s4;
	s8 =	sadd.s32 $0xB000, s0;
	s10 =	sadd.s32 $0x800, s0  }
0x9: {  	s14 =	sshll.u32 s4, $0x6;
	_ =	strace $0x8000004D;
	s7 =	sshll.u32 s5, $0x5  }
0xa: {  	s5 =	ssub.s32 $0x2, s5;
	[dreg:$0x5] =	wrdreg s10;
	s6 =	sor.u32 s7, s9  }
0xb: {  	s9 =	smul.u32 $0x5000, s4;
	s11 =	sshrl.u32 s5, $0x1;
	s7 =	sor.u32 $0x1C09, s14  }
0xc: {  	s14 =	simm.s32 $0x7;
	s6 =	sshrl.u32 s6, $0x3;
	s5 =	ssub.s32 s5, s11  }
0xd: {  	s11 =	simm.s32 $0x1580;
	s0 =	sadd.s32 s6, s0;
	s12 =	sadd.s32 s9, s1  }
0xe: {  	s10 =	sshrl.u32 s9, $0x3;
	s15 =	sadd.s32 s9, s3;
	s25 =	smax.u32 s5, $0x1  }
0xf: {  	s5 =	simm.s32 $0x5800;
	s6 =	simm.s32 $0x3;
	s9 =	simm.s32 $0x5  }
0x10: {  	s13 =	sadd.s32 $0x15000, s0;
	[dreg:$0x7] =	wrdreg s15;
	s16 =	sadd.s32 $0x280, s10  }
0x11: {  	s17 =	sadd.s32 s8, s10;
	s18 =	sadd.s32 s2, s10;
	[dreg:$0x11] =	wrdreg s25  }
0x12: {  	s21 =	sadd.s32 $0x500, s10;
	s10 =	sadd.s32 $0x780, s10;
	[dreg:$0x6] =	wrdreg s13  }
0x13: {  	s0 =	sadd.s32 $0x29000, s0;
	s26 =	sshrl.u32 s12, $0x3;
	[dreg:$0x8] =	wrdreg s17  }
0x14: {  	s25 =	simm.s32 $0x80;
	s12 =	simm.s32 $0x6;
	[dreg:$0x9] =	wrdreg s18  }
0x15: {  	s15 =	simm.s32 $0x0;
	s19 =	sadd.s32 s8, s16;
	[dreg:$0x10] =	wrdreg s0  }
0x16: {  	s20 =	sadd.s32 s2, s16;
	s22 =	sadd.s32 s8, s21;
	[dreg:$0x12] =	wrdreg s26  }
0x17: {  	s23 =	sadd.s32 s2, s21;
	s24 =	sadd.s32 s8, s10;
	[dreg:$0xa] =	wrdreg s19  }
0x18: {  	s2 =	sadd.s32 s2, s10;
	s21 =	simm.s32 $0x4;
	[dreg:$0xb] =	wrdreg s20  }
.Ltmp0:
0x19: {  	s26 =	simm.s32 $0x2800;
	[dreg:$0xc] =	wrdreg s22;
	(pc) =	sbr.rel .LBB2_1-.Ltmp0, $4  }
0x1a: {  	s0 =	simm.s32 $0x1480;
	s8 =	simm.s32 $0x1500;
	[dreg:$0xd] =	wrdreg s23  }
0x1b: {  	s10 =	simm.s32 $0x200;
	s13 =	simm.s32 $0x280;
	[dreg:$0xe] =	wrdreg s24  }
0x1c: {  	[dreg:$0xf] =	wrdreg s2;
	s20 =	simm.s32 $0x1;
	s22 =	simm.s32 $0x8  }
0x1d: {  	s23 =	simm.s32 $0x9;
	s24 =	simm.s32 $0x1400;
	s2 =	simm.s32 $0x180  }
.LBB2_13:
0x1e: {  	_ =	swait.ge [sflag:s21], $0x1000  }
0x1f: {  	[sflag:s21] =	ssyncset.done $0x0  }
0x20: {  	[sflag:s21] =	ssyncadd.s32 $0xFFFFF000  }
0x21: {  	[spmem:s3] =	stream.indirect.scatter.add.f32 [tilespmem:s5], [sflag:$0x8], $0x20, s19, s25, $0xb8;
	[tilespmem:$0x10800] =	vst v63  }
0x22: {  	_ =	swait.ge [sflag:s9], $0x1000  }
0x23: {  	[sflag:s9] =	ssyncset.done $0x0  }
0x24: {  	[sflag:s9] =	ssyncadd.s32 $0xFFFFF000  }
0x25: {  	_ =	swait.ge [sflag:s12], $0x1000  }
0x26: {  	[sflag:s12] =	ssyncset.done $0x0  }
0x27: {  	[sflag:s12] =	ssyncadd.s32 $0xFFFFF000  }
0x28: {  	_ =	swait.ge [sflag:s14], $0x1000  }
0x29: {  	[sflag:s14] =	ssyncset.done $0x0  }
0x2a: {  	[sflag:s14] =	ssyncadd.s32 $0xFFFFF000  }
0x2b: {  	_ =	swait.ge [sflag:s22], $0x1000  }
0x2c: {  	[sflag:s22] =	ssyncset.done $0x0  }
0x2d: {  	[sflag:s22] =	ssyncadd.s32 $0xFFFFF000  }
0x2e: {  	[bflag:$0x0] =	sbarrier.arrive $0xFFFF  }
0x2f: {  	s4 =	rddreg [dreg:$0x10]  }
0x30: {  	[hbm:s4@s22], [sflag:s7] =	dma.strided [spmem:s16@s21], $0xA00, s20, $0x4   }
0x31: {  	_ =	swait.ge [sflag:s23], $0xA00  }
0x32: {  	s15 =	sadd.s32 $0x1, s15;
	s19 =	rddreg [dreg:$0x11]  }
0x33: {  	p0 =	sne.s32 s15, s19  }
.Ltmp1:
0x34: {  	_ = 	snop;
	(pc) =	sbr.rel @!p0 .LBB2_14-.Ltmp1, $3  }
0x35: {  	_ =	sdelay $0x1  }
0x36: {  	[sflag:s23] =	ssyncset.done $0x0  }
0x37: {  	[sflag:s23] =	ssyncadd.s32 $0xFFFFF600  }
.LBB2_1:
0x38: {  	s4 =	rddreg [dreg:$0x6]  }
0x39: {  	s16 =	rddreg [dreg:$0x12]  }
0x3a: {  	[spmem:s16@s21], [sflag:s7] =	dma.strided [hbm:s4@s22], $0xA00, s20, $0x4   }
0x3b: {  	_ =	swait.ge [sflag:s23], $0xA00  }
0x3c: {  	[sflag:s23] =	ssyncset.done $0x0;
	s16 =	rddreg [dreg:$0x7]  }
0x3d: {  	s17 =	rddreg [dreg:$0x5];
	[sflag:s23] =	ssyncadd.s32 $0xFFFFF600;
	s16 =	sshrl.u32 s16, $0x3  }
0x3e: {  	[spmem:s16], [sflag:s7] =	dma.local [hbm:s17], $0xA00  }
0x3f: {  	_ =	swait.ge [sflag:s23], $0xA00  }
0x40: {  	[sflag:s23] =	ssyncset.done $0x0  }
0x41: {  	[sflag:s23] =	ssyncadd.s32 $0xFFFFF600  }
0x42: {  	[bflag:$0x0] =	sbarrier.arrive $0xFFFF  }
0x43: {  	s18 =	simm.s32 $0x0;
	s17 =	rddreg [dreg:$0x8]  }
0x44: {  	[tilespmem:s18], [sflag:$0x9] =	stream.linear.gather [hbm4b:s17+s18], $0x1400, $0x38;
	[tilespmem:$0x10800] =	vst v63  }
0x45: {  	_ =	swait.ge [sflag:s23], $0x1400  }
0x46: {  	[sflag:s23] =	ssyncset.done $0x0  }
0x47: {  	s19 =	rddreg [dreg:$0x9];
	[sflag:s23] =	ssyncadd.s32 $0xFFFFEC00  }
0x48: {  	[tilespmem:s24], [sflag:$0x9] =	stream.linear.gather [hbm4b:s19+s18], $0x1400, $0x38;
	[tilespmem:$0x10800] =	vst v63  }
0x49: {  	_ =	swait.ge [sflag:s23], $0x1400  }
0x4a: {  	[sflag:s23] =	ssyncset.done $0x0  }
0x4b: {  	[sflag:s23] =	ssyncadd.s32 $0xFFFFEC00  }
0x4c: {  	[tilespmem:s26], [sflag:$0x1] =	stream.indirect.gather [spmem:s1], $0x20, s18, s25, $0xb8;
	[tilespmem:$0x10800] =	vst v63  }
0x4d: {  	_ = 	snop  }
0x4e: {  	[tilespmem:s28], [sflag:$0x2] =	stream.indirect.gather [spmem:s1], $0x20, s25, s25, $0xb8;
	[tilespmem:$0x10800] =	vst v63  }
0x4f: {  	_ =	swait.ge [sflag:s20], $0x1000  }
0x50: {  	[sflag:s20] =	ssyncset.done $0x0  }
0x51: {  	[sflag:s20] =	ssyncadd.s32 $0xFFFFF000  }
0x52: {  	[spmem:s3] =	stream.indirect.scatter.add.f32 [tilespmem:s26], [sflag:$0x5], $0x20, s24, s25, $0xb8;
	[tilespmem:$0x10800] =	vst v63  }
0x53: {  	_ = 	snop  }
0x54: {  	[tilespmem:s30], [sflag:$0x3] =	stream.indirect.gather [spmem:s1], $0x20, s29, s25, $0xb8;
	[tilespmem:$0x10800] =	vst v63  }
0x55: {  	_ =	swait.ge [sflag:s31], $0x1000  }
0x56: {  	[sflag:s31] =	ssyncset.done $0x0  }
0x57: {  	[sflag:s31] =	ssyncadd.s32 $0xFFFFF000  }
0x58: {  	[spmem:s3] =	stream.indirect.scatter.add.f32 [tilespmem:s28], [sflag:$0x6], $0x20, s0, s25, $0xb8;
	[tilespmem:$0x10800] =	vst v63  }
0x59: {  	_ = 	snop  }
0x5a: {  	[tilespmem:s5], [sflag:$0x4] =	stream.indirect.gather [spmem:s1], $0x20, s2, s25, $0xb8;
	[tilespmem:$0x10800] =	vst v63  }
0x5b: {  	_ =	swait.ge [sflag:s6], $0x1000  }
0x5c: {  	[sflag:s6] =	ssyncset.done $0x0  }
0x5d: {  	[sflag:s6] =	ssyncadd.s32 $0xFFFFF000  }
0x5e: {  	[spmem:s3] =	stream.indirect.scatter.add.f32 [tilespmem:s30], [sflag:$0x7], $0x20, s8, s25, $0xb8;
	[tilespmem:$0x10800] =	vst v63  }
0x5f: {  	_ =	swait.ge [sflag:s9], $0x1000  }
0x60: {  	[sflag:s9] =	ssyncset.done $0x0  }
0x61: {  	[sflag:s9] =	ssyncadd.s32 $0xFFFFF000  }
0x62: {  	[tilespmem:s26], [sflag:$0x1] =	stream.indirect.gather [spmem:s1], $0x20, s10, s25, $0xb8;
	[tilespmem:$0x10800] =	vst v63  }
0x63: {  	_ =	swait.ge [sflag:s21], $0x1000  }
0x64: {  	[sflag:s21] =	ssyncset.done $0x0  }
0x65: {  	[sflag:s21] =	ssyncadd.s32 $0xFFFFF000  }
0x66: {  	[spmem:s3] =	stream.indirect.scatter.add.f32 [tilespmem:s5], [sflag:$0x8], $0x20, s11, s25, $0xb8;
	[tilespmem:$0x10800] =	vst v63  }
0x67: {  	_ =	swait.ge [sflag:s12], $0x1000  }
0x68: {  	[sflag:s12] =	ssyncset.done $0x0  }
0x69: {  	s17 =	simm.s32 $0x0;
	[sflag:s12] =	ssyncadd.s32 $0xFFFFF000  }
0x6a: {  	[tilespmem:s28], [sflag:$0x2] =	stream.indirect.gather [spmem:s1], $0x20, s13, s25, $0xb8;
	[tilespmem:$0x10800] =	vst v63  }
.LBB2_2:
0x6b: {  	_ =	swait.ge [sflag:s20], $0x1000  }
0x6c: {  	s18 =	sshra.s32 s17, $0x2;
	[sflag:s20] =	ssyncset.done $0x0  }
0x6d: {  	s19 =	sadd.s32 $0x1600, s18;
	[sflag:s20] =	ssyncadd.s32 $0xFFFFF000  }
0x6e: {  	[spmem:s3] =	stream.indirect.scatter.add.f32 [tilespmem:s26], [sflag:$0x5], $0x20, s19, s25, $0xb8;
	[tilespmem:$0x10800] =	vst v63  }
0x6f: {  	_ =	swait.ge [sflag:s14], $0x1000  }
0x70: {  	[sflag:s14] =	ssyncset.done $0x0  }
0x71: {  	s4 =	sadd.s32 $0x300, s18;
	[sflag:s14] =	ssyncadd.s32 $0xFFFFF000  }
0x72: {  	[tilespmem:s30], [sflag:$0x3] =	stream.indirect.gather [spmem:s1], $0x20, s4, s25, $0xb8;
	[tilespmem:$0x10800] =	vst v63  }
0x73: {  	_ =	swait.ge [sflag:s31], $0x1000  }
0x74: {  	[sflag:s31] =	ssyncset.done $0x0  }
0x75: {  	s4 =	sadd.s32 $0x1680, s18;
	[sflag:s31] =	ssyncadd.s32 $0xFFFFF000  }
0x76: {  	[spmem:s3] =	stream.indirect.scatter.add.f32 [tilespmem:s28], [sflag:$0x6], $0x20, s4, s25, $0xb8;
	[tilespmem:$0x10800] =	vst v63  }
0x77: {  	_ =	swait.ge [sflag:s22], $0x1000  }
0x78: {  	[sflag:s22] =	ssyncset.done $0x0  }
0x79: {  	p0 =	seq.s32 s17, $0x4000;
	s4 =	sadd.s32 $0x380, s18;
	[sflag:s22] =	ssyncadd.s32 $0xFFFFF000  }
0x7a: {  	[tilespmem:s5], [sflag:$0x4] =	stream.indirect.gather [spmem:s1], $0x20, s4, s25, $0xb8;
	[tilespmem:$0x10800] =	vst v63  }
.Ltmp2:
0x7b: {  	_ = 	snop;
	(pc) =	sbr.rel @p0 .LBB2_4-.Ltmp2, $4  }
0x7c: {  	_ =	swait.ge [sflag:s6], $0x1000  }
0x7d: {  	[sflag:s6] =	ssyncset.done $0x0  }
0x7e: {  	s19 =	sadd.s32 $0x1780, s18;
	s4 =	sadd.s32 $0x1700, s18;
	[sflag:s6] =	ssyncadd.s32 $0xFFFFF000  }
0x7f: {  	[spmem:s3] =	stream.indirect.scatter.add.f32 [tilespmem:s30], [sflag:$0x7], $0x20, s4, s25, $0xb8;
	[tilespmem:$0x10800] =	vst v63  }
0x80: {  	_ =	swait.ge [sflag:s9], $0x1000  }
0x81: {  	[sflag:s9] =	ssyncset.done $0x0  }
0x82: {  	s4 =	sadd.s32 $0x400, s18;
	[sflag:s9] =	ssyncadd.s32 $0xFFFFF000  }
0x83: {  	[tilespmem:s26], [sflag:$0x1] =	stream.indirect.gather [spmem:s1], $0x20, s4, s25, $0xb8;
	[tilespmem:$0x10800] =	vst v63  }
0x84: {  	_ =	swait.ge [sflag:s21], $0x1000  }
0x85: {  	[sflag:s21] =	ssyncset.done $0x0  }
0x86: {  	[sflag:s21] =	ssyncadd.s32 $0xFFFFF000  }
0x87: {  	[spmem:s3] =	stream.indirect.scatter.add.f32 [tilespmem:s5], [sflag:$0x8], $0x20, s19, s25, $0xb8;
	[tilespmem:$0x10800] =	vst v63  }
.Ltmp3:
0x88: {  	_ = 	snop;
	(pc) =	sbr.rel .LBB2_2-.Ltmp3, $4  }
0x89: {  	_ =	swait.ge [sflag:s12], $0x1000  }
0x8a: {  	[sflag:s12] =	ssyncset.done $0x0  }
0x8b: {  	s17 =	sadd.s32 $0x800, s17;
	s19 =	sadd.s32 $0x480, s18;
	[sflag:s12] =	ssyncadd.s32 $0xFFFFF000  }
0x8c: {  	[tilespmem:s28], [sflag:$0x2] =	stream.indirect.gather [spmem:s1], $0x20, s19, s25, $0xb8;
	[tilespmem:$0x10800] =	vst v63  }
.LBB2_4:
0x8d: {  	_ =	swait.ge [sflag:s21], $0x1000  }
0x8e: {  	[sflag:s21] =	ssyncset.done $0x0  }
0x8f: {  	[sflag:s21] =	ssyncadd.s32 $0xFFFFF000  }
0x90: {  	[spmem:s3] =	stream.indirect.scatter.add.f32 [tilespmem:s5], [sflag:$0x8], $0x20, s19, s25, $0xb8;
	[tilespmem:$0x10800] =	vst v63  }
0x91: {  	_ =	swait.ge [sflag:s9], $0x1000  }
0x92: {  	[sflag:s9] =	ssyncset.done $0x0  }
0x93: {  	[sflag:s9] =	ssyncadd.s32 $0xFFFFF000  }
0x94: {  	_ =	swait.ge [sflag:s12], $0x1000  }
0x95: {  	[sflag:s12] =	ssyncset.done $0x0  }
0x96: {  	[sflag:s12] =	ssyncadd.s32 $0xFFFFF000  }
0x97: {  	_ =	swait.ge [sflag:s14], $0x1000  }
0x98: {  	[sflag:s14] =	ssyncset.done $0x0  }
0x99: {  	[sflag:s14] =	ssyncadd.s32 $0xFFFFF000  }
0x9a: {  	_ =	swait.ge [sflag:s22], $0x1000  }
0x9b: {  	[sflag:s22] =	ssyncset.done $0x0  }
0x9c: {  	s17 =	simm.s32 $0x0;
	s4 =	rddreg [dreg:$0xa];
	[sflag:s22] =	ssyncadd.s32 $0xFFFFF000  }
0x9d: {  	[tilespmem:s17], [sflag:$0x9] =	stream.linear.gather [hbm4b:s4+s17], $0x1400, $0x38;
	[tilespmem:$0x10800] =	vst v63  }
0x9e: {  	_ =	swait.ge [sflag:s23], $0x1400  }
0x9f: {  	[sflag:s23] =	ssyncset.done $0x0  }
0xa0: {  	s19 =	rddreg [dreg:$0xb];
	[sflag:s23] =	ssyncadd.s32 $0xFFFFEC00  }
0xa1: {  	[tilespmem:s24], [sflag:$0x9] =	stream.linear.gather [hbm4b:s19+s17], $0x1400, $0x38;
	[tilespmem:$0x10800] =	vst v63  }
0xa2: {  	_ =	swait.ge [sflag:s23], $0x1400  }
0xa3: {  	[sflag:s23] =	ssyncset.done $0x0  }
0xa4: {  	[sflag:s23] =	ssyncadd.s32 $0xFFFFEC00  }
0xa5: {  	[tilespmem:s26], [sflag:$0x1] =	stream.indirect.gather [spmem:s1], $0x20, s17, s25, $0xb8;
	[tilespmem:$0x10800] =	vst v63  }
0xa6: {  	_ = 	snop  }
0xa7: {  	[tilespmem:s28], [sflag:$0x2] =	stream.indirect.gather [spmem:s1], $0x20, s25, s25, $0xb8;
	[tilespmem:$0x10800] =	vst v63  }
0xa8: {  	_ =	swait.ge [sflag:s20], $0x1000  }
0xa9: {  	[sflag:s20] =	ssyncset.done $0x0  }
0xaa: {  	[sflag:s20] =	ssyncadd.s32 $0xFFFFF000  }
0xab: {  	[spmem:s3] =	stream.indirect.scatter.add.f32 [tilespmem:s26], [sflag:$0x5], $0x20, s24, s25, $0xb8;
	[tilespmem:$0x10800] =	vst v63  }
0xac: {  	_ = 	snop  }
0xad: {  	[tilespmem:s30], [sflag:$0x3] =	stream.indirect.gather [spmem:s1], $0x20, s29, s25, $0xb8;
	[tilespmem:$0x10800] =	vst v63  }
0xae: {  	_ =	swait.ge [sflag:s31], $0x1000  }
0xaf: {  	[sflag:s31] =	ssyncset.done $0x0  }
0xb0: {  	[sflag:s31] =	ssyncadd.s32 $0xFFFFF000  }
0xb1: {  	[spmem:s3] =	stream.indirect.scatter.add.f32 [tilespmem:s28], [sflag:$0x6], $0x20, s0, s25, $0xb8;
	[tilespmem:$0x10800] =	vst v63  }
0xb2: {  	_ = 	snop  }
0xb3: {  	[tilespmem:s5], [sflag:$0x4] =	stream.indirect.gather [spmem:s1], $0x20, s2, s25, $0xb8;
	[tilespmem:$0x10800] =	vst v63  }
0xb4: {  	_ =	swait.ge [sflag:s6], $0x1000  }
0xb5: {  	[sflag:s6] =	ssyncset.done $0x0  }
0xb6: {  	[sflag:s6] =	ssyncadd.s32 $0xFFFFF000  }
0xb7: {  	[spmem:s3] =	stream.indirect.scatter.add.f32 [tilespmem:s30], [sflag:$0x7], $0x20, s8, s25, $0xb8;
	[tilespmem:$0x10800] =	vst v63  }
0xb8: {  	_ =	swait.ge [sflag:s9], $0x1000  }
0xb9: {  	[sflag:s9] =	ssyncset.done $0x0  }
0xba: {  	[sflag:s9] =	ssyncadd.s32 $0xFFFFF000  }
0xbb: {  	[tilespmem:s26], [sflag:$0x1] =	stream.indirect.gather [spmem:s1], $0x20, s10, s25, $0xb8;
	[tilespmem:$0x10800] =	vst v63  }
0xbc: {  	_ =	swait.ge [sflag:s21], $0x1000  }
0xbd: {  	[sflag:s21] =	ssyncset.done $0x0  }
0xbe: {  	[sflag:s21] =	ssyncadd.s32 $0xFFFFF000  }
0xbf: {  	[spmem:s3] =	stream.indirect.scatter.add.f32 [tilespmem:s5], [sflag:$0x8], $0x20, s11, s25, $0xb8;
	[tilespmem:$0x10800] =	vst v63  }
0xc0: {  	_ =	swait.ge [sflag:s12], $0x1000  }
0xc1: {  	[sflag:s12] =	ssyncset.done $0x0  }
0xc2: {  	[sflag:s12] =	ssyncadd.s32 $0xFFFFF000  }
0xc3: {  	[tilespmem:s28], [sflag:$0x2] =	stream.indirect.gather [spmem:s1], $0x20, s13, s25, $0xb8;
	[tilespmem:$0x10800] =	vst v63  }
.LBB2_5:
0xc4: {  	_ =	swait.ge [sflag:s20], $0x1000  }
0xc5: {  	s18 =	sshra.s32 s17, $0x2;
	[sflag:s20] =	ssyncset.done $0x0  }
0xc6: {  	s4 =	sadd.s32 $0x1600, s18;
	[sflag:s20] =	ssyncadd.s32 $0xFFFFF000  }
0xc7: {  	[spmem:s3] =	stream.indirect.scatter.add.f32 [tilespmem:s26], [sflag:$0x5], $0x20, s4, s25, $0xb8;
	[tilespmem:$0x10800] =	vst v63  }
0xc8: {  	_ =	swait.ge [sflag:s14], $0x1000  }
0xc9: {  	[sflag:s14] =	ssyncset.done $0x0  }
0xca: {  	s19 =	sadd.s32 $0x300, s18;
	[sflag:s14] =	ssyncadd.s32 $0xFFFFF000  }
0xcb: {  	[tilespmem:s30], [sflag:$0x3] =	stream.indirect.gather [spmem:s1], $0x20, s19, s25, $0xb8;
	[tilespmem:$0x10800] =	vst v63  }
0xcc: {  	_ =	swait.ge [sflag:s31], $0x1000  }
0xcd: {  	[sflag:s31] =	ssyncset.done $0x0  }
0xce: {  	s19 =	sadd.s32 $0x1680, s18;
	[sflag:s31] =	ssyncadd.s32 $0xFFFFF000  }
0xcf: {  	[spmem:s3] =	stream.indirect.scatter.add.f32 [tilespmem:s28], [sflag:$0x6], $0x20, s19, s25, $0xb8;
	[tilespmem:$0x10800] =	vst v63  }
0xd0: {  	_ =	swait.ge [sflag:s22], $0x1000  }
0xd1: {  	[sflag:s22] =	ssyncset.done $0x0  }
0xd2: {  	p0 =	seq.s32 s17, $0x4000;
	s19 =	sadd.s32 $0x380, s18;
	[sflag:s22] =	ssyncadd.s32 $0xFFFFF000  }
0xd3: {  	[tilespmem:s5], [sflag:$0x4] =	stream.indirect.gather [spmem:s1], $0x20, s19, s25, $0xb8;
	[tilespmem:$0x10800] =	vst v63  }
.Ltmp4:
0xd4: {  	_ =	swait.ge [sflag:s6], $0x1000;
	(pc) =	sbr.rel @p0 .LBB2_7-.Ltmp4, $4  }
0xd5: {  	[sflag:s6] =	ssyncset.done $0x0  }
0xd6: {  	s19 =	sadd.s32 $0x1700, s18;
	[sflag:s6] =	ssyncadd.s32 $0xFFFFF000  }
0xd7: {  	[spmem:s3] =	stream.indirect.scatter.add.f32 [tilespmem:s30], [sflag:$0x7], $0x20, s19, s25, $0xb8;
	[tilespmem:$0x10800] =	vst v63  }
0xd8: {  	s19 =	sadd.s32 $0x1780, s18  }
0xd9: {  	_ =	swait.ge [sflag:s9], $0x1000  }
0xda: {  	[sflag:s9] =	ssyncset.done $0x0  }
0xdb: {  	s4 =	sadd.s32 $0x400, s18;
	[sflag:s9] =	ssyncadd.s32 $0xFFFFF000  }
0xdc: {  	[tilespmem:s26], [sflag:$0x1] =	stream.indirect.gather [spmem:s1], $0x20, s4, s25, $0xb8;
	[tilespmem:$0x10800] =	vst v63  }
0xdd: {  	_ =	swait.ge [sflag:s21], $0x1000  }
0xde: {  	[sflag:s21] =	ssyncset.done $0x0  }
0xdf: {  	[sflag:s21] =	ssyncadd.s32 $0xFFFFF000  }
0xe0: {  	[spmem:s3] =	stream.indirect.scatter.add.f32 [tilespmem:s5], [sflag:$0x8], $0x20, s19, s25, $0xb8;
	[tilespmem:$0x10800] =	vst v63  }
.Ltmp5:
0xe1: {  	_ = 	snop;
	(pc) =	sbr.rel .LBB2_5-.Ltmp5, $4  }
0xe2: {  	_ =	swait.ge [sflag:s12], $0x1000  }
0xe3: {  	[sflag:s12] =	ssyncset.done $0x0  }
0xe4: {  	s17 =	sadd.s32 $0x800, s17;
	s19 =	sadd.s32 $0x480, s18;
	[sflag:s12] =	ssyncadd.s32 $0xFFFFF000  }
0xe5: {  	[tilespmem:s28], [sflag:$0x2] =	stream.indirect.gather [spmem:s1], $0x20, s19, s25, $0xb8;
	[tilespmem:$0x10800] =	vst v63  }
.LBB2_7:
0xe6: {  	_ =	swait.ge [sflag:s21], $0x1000  }
0xe7: {  	[sflag:s21] =	ssyncset.done $0x0  }
0xe8: {  	[sflag:s21] =	ssyncadd.s32 $0xFFFFF000  }
0xe9: {  	[spmem:s3] =	stream.indirect.scatter.add.f32 [tilespmem:s5], [sflag:$0x8], $0x20, s19, s25, $0xb8;
	[tilespmem:$0x10800] =	vst v63  }
0xea: {  	_ =	swait.ge [sflag:s9], $0x1000  }
0xeb: {  	[sflag:s9] =	ssyncset.done $0x0  }
0xec: {  	[sflag:s9] =	ssyncadd.s32 $0xFFFFF000  }
0xed: {  	_ =	swait.ge [sflag:s12], $0x1000  }
0xee: {  	[sflag:s12] =	ssyncset.done $0x0  }
0xef: {  	[sflag:s12] =	ssyncadd.s32 $0xFFFFF000  }
0xf0: {  	_ =	swait.ge [sflag:s14], $0x1000  }
0xf1: {  	[sflag:s14] =	ssyncset.done $0x0  }
0xf2: {  	[sflag:s14] =	ssyncadd.s32 $0xFFFFF000  }
0xf3: {  	_ =	swait.ge [sflag:s22], $0x1000  }
0xf4: {  	[sflag:s22] =	ssyncset.done $0x0  }
0xf5: {  	s17 =	simm.s32 $0x0;
	s4 =	rddreg [dreg:$0xc];
	[sflag:s22] =	ssyncadd.s32 $0xFFFFF000  }
0xf6: {  	[tilespmem:s17], [sflag:$0x9] =	stream.linear.gather [hbm4b:s4+s17], $0x1400, $0x38;
	[tilespmem:$0x10800] =	vst v63  }
0xf7: {  	_ =	swait.ge [sflag:s23], $0x1400  }
0xf8: {  	[sflag:s23] =	ssyncset.done $0x0  }
0xf9: {  	s19 =	rddreg [dreg:$0xd];
	[sflag:s23] =	ssyncadd.s32 $0xFFFFEC00  }
0xfa: {  	[tilespmem:s24], [sflag:$0x9] =	stream.linear.gather [hbm4b:s19+s17], $0x1400, $0x38;
	[tilespmem:$0x10800] =	vst v63  }
0xfb: {  	_ =	swait.ge [sflag:s23], $0x1400  }
0xfc: {  	[sflag:s23] =	ssyncset.done $0x0  }
0xfd: {  	[sflag:s23] =	ssyncadd.s32 $0xFFFFEC00  }
0xfe: {  	[tilespmem:s26], [sflag:$0x1] =	stream.indirect.gather [spmem:s1], $0x20, s17, s25, $0xb8;
	[tilespmem:$0x10800] =	vst v63  }
0xff: {  	_ = 	snop  }
0x100: {  	[tilespmem:s28], [sflag:$0x2] =	stream.indirect.gather [spmem:s1], $0x20, s25, s25, $0xb8;
	[tilespmem:$0x10800] =	vst v63  }
0x101: {  	_ =	swait.ge [sflag:s20], $0x1000  }
0x102: {  	[sflag:s20] =	ssyncset.done $0x0  }
0x103: {  	[sflag:s20] =	ssyncadd.s32 $0xFFFFF000  }
0x104: {  	[spmem:s3] =	stream.indirect.scatter.add.f32 [tilespmem:s26], [sflag:$0x5], $0x20, s24, s25, $0xb8;
	[tilespmem:$0x10800] =	vst v63  }
0x105: {  	_ = 	snop  }
0x106: {  	[tilespmem:s30], [sflag:$0x3] =	stream.indirect.gather [spmem:s1], $0x20, s29, s25, $0xb8;
	[tilespmem:$0x10800] =	vst v63  }
0x107: {  	_ =	swait.ge [sflag:s31], $0x1000  }
0x108: {  	[sflag:s31] =	ssyncset.done $0x0  }
0x109: {  	[sflag:s31] =	ssyncadd.s32 $0xFFFFF000  }
0x10a: {  	[spmem:s3] =	stream.indirect.scatter.add.f32 [tilespmem:s28], [sflag:$0x6], $0x20, s0, s25, $0xb8;
	[tilespmem:$0x10800] =	vst v63  }
0x10b: {  	_ = 	snop  }
0x10c: {  	[tilespmem:s5], [sflag:$0x4] =	stream.indirect.gather [spmem:s1], $0x20, s2, s25, $0xb8;
	[tilespmem:$0x10800] =	vst v63  }
0x10d: {  	_ =	swait.ge [sflag:s6], $0x1000  }
0x10e: {  	[sflag:s6] =	ssyncset.done $0x0  }
0x10f: {  	[sflag:s6] =	ssyncadd.s32 $0xFFFFF000  }
0x110: {  	[spmem:s3] =	stream.indirect.scatter.add.f32 [tilespmem:s30], [sflag:$0x7], $0x20, s8, s25, $0xb8;
	[tilespmem:$0x10800] =	vst v63  }
0x111: {  	_ =	swait.ge [sflag:s9], $0x1000  }
0x112: {  	[sflag:s9] =	ssyncset.done $0x0  }
0x113: {  	[sflag:s9] =	ssyncadd.s32 $0xFFFFF000  }
0x114: {  	[tilespmem:s26], [sflag:$0x1] =	stream.indirect.gather [spmem:s1], $0x20, s10, s25, $0xb8;
	[tilespmem:$0x10800] =	vst v63  }
0x115: {  	_ =	swait.ge [sflag:s21], $0x1000  }
0x116: {  	[sflag:s21] =	ssyncset.done $0x0  }
0x117: {  	[sflag:s21] =	ssyncadd.s32 $0xFFFFF000  }
0x118: {  	[spmem:s3] =	stream.indirect.scatter.add.f32 [tilespmem:s5], [sflag:$0x8], $0x20, s11, s25, $0xb8;
	[tilespmem:$0x10800] =	vst v63  }
0x119: {  	_ =	swait.ge [sflag:s12], $0x1000  }
0x11a: {  	[sflag:s12] =	ssyncset.done $0x0  }
0x11b: {  	[sflag:s12] =	ssyncadd.s32 $0xFFFFF000  }
0x11c: {  	[tilespmem:s28], [sflag:$0x2] =	stream.indirect.gather [spmem:s1], $0x20, s13, s25, $0xb8;
	[tilespmem:$0x10800] =	vst v63  }
.LBB2_8:
0x11d: {  	_ =	swait.ge [sflag:s20], $0x1000  }
0x11e: {  	s18 =	sshra.s32 s17, $0x2;
	[sflag:s20] =	ssyncset.done $0x0  }
0x11f: {  	s4 =	sadd.s32 $0x1600, s18;
	[sflag:s20] =	ssyncadd.s32 $0xFFFFF000  }
0x120: {  	[spmem:s3] =	stream.indirect.scatter.add.f32 [tilespmem:s26], [sflag:$0x5], $0x20, s4, s25, $0xb8;
	[tilespmem:$0x10800] =	vst v63  }
0x121: {  	_ =	swait.ge [sflag:s14], $0x1000  }
0x122: {  	[sflag:s14] =	ssyncset.done $0x0  }
0x123: {  	s19 =	sadd.s32 $0x300, s18;
	[sflag:s14] =	ssyncadd.s32 $0xFFFFF000  }
0x124: {  	[tilespmem:s30], [sflag:$0x3] =	stream.indirect.gather [spmem:s1], $0x20, s19, s25, $0xb8;
	[tilespmem:$0x10800] =	vst v63  }
0x125: {  	_ =	swait.ge [sflag:s31], $0x1000  }
0x126: {  	[sflag:s31] =	ssyncset.done $0x0  }
0x127: {  	s19 =	sadd.s32 $0x1680, s18;
	[sflag:s31] =	ssyncadd.s32 $0xFFFFF000  }
0x128: {  	[spmem:s3] =	stream.indirect.scatter.add.f32 [tilespmem:s28], [sflag:$0x6], $0x20, s19, s25, $0xb8;
	[tilespmem:$0x10800] =	vst v63  }
0x129: {  	_ =	swait.ge [sflag:s22], $0x1000  }
0x12a: {  	[sflag:s22] =	ssyncset.done $0x0  }
0x12b: {  	p0 =	seq.s32 s17, $0x4000;
	s19 =	sadd.s32 $0x380, s18;
	[sflag:s22] =	ssyncadd.s32 $0xFFFFF000  }
0x12c: {  	[tilespmem:s5], [sflag:$0x4] =	stream.indirect.gather [spmem:s1], $0x20, s19, s25, $0xb8;
	[tilespmem:$0x10800] =	vst v63  }
.Ltmp6:
0x12d: {  	_ =	swait.ge [sflag:s6], $0x1000;
	(pc) =	sbr.rel @p0 .LBB2_10-.Ltmp6, $4  }
0x12e: {  	[sflag:s6] =	ssyncset.done $0x0  }
0x12f: {  	s19 =	sadd.s32 $0x1700, s18;
	[sflag:s6] =	ssyncadd.s32 $0xFFFFF000  }
0x130: {  	[spmem:s3] =	stream.indirect.scatter.add.f32 [tilespmem:s30], [sflag:$0x7], $0x20, s19, s25, $0xb8;
	[tilespmem:$0x10800] =	vst v63  }
0x131: {  	s19 =	sadd.s32 $0x1780, s18  }
0x132: {  	_ =	swait.ge [sflag:s9], $0x1000  }
0x133: {  	[sflag:s9] =	ssyncset.done $0x0  }
0x134: {  	s4 =	sadd.s32 $0x400, s18;
	[sflag:s9] =	ssyncadd.s32 $0xFFFFF000  }
0x135: {  	[tilespmem:s26], [sflag:$0x1] =	stream.indirect.gather [spmem:s1], $0x20, s4, s25, $0xb8;
	[tilespmem:$0x10800] =	vst v63  }
0x136: {  	_ =	swait.ge [sflag:s21], $0x1000  }
0x137: {  	[sflag:s21] =	ssyncset.done $0x0  }
0x138: {  	[sflag:s21] =	ssyncadd.s32 $0xFFFFF000  }
0x139: {  	[spmem:s3] =	stream.indirect.scatter.add.f32 [tilespmem:s5], [sflag:$0x8], $0x20, s19, s25, $0xb8;
	[tilespmem:$0x10800] =	vst v63  }
.Ltmp7:
0x13a: {  	_ = 	snop;
	(pc) =	sbr.rel .LBB2_8-.Ltmp7, $4  }
0x13b: {  	_ =	swait.ge [sflag:s12], $0x1000  }
0x13c: {  	[sflag:s12] =	ssyncset.done $0x0  }
0x13d: {  	s17 =	sadd.s32 $0x800, s17;
	s19 =	sadd.s32 $0x480, s18;
	[sflag:s12] =	ssyncadd.s32 $0xFFFFF000  }
0x13e: {  	[tilespmem:s28], [sflag:$0x2] =	stream.indirect.gather [spmem:s1], $0x20, s19, s25, $0xb8;
	[tilespmem:$0x10800] =	vst v63  }
.LBB2_10:
0x13f: {  	_ =	swait.ge [sflag:s21], $0x1000  }
0x140: {  	[sflag:s21] =	ssyncset.done $0x0  }
0x141: {  	[sflag:s21] =	ssyncadd.s32 $0xFFFFF000  }
0x142: {  	[spmem:s3] =	stream.indirect.scatter.add.f32 [tilespmem:s5], [sflag:$0x8], $0x20, s19, s25, $0xb8;
	[tilespmem:$0x10800] =	vst v63  }
0x143: {  	_ =	swait.ge [sflag:s9], $0x1000  }
0x144: {  	[sflag:s9] =	ssyncset.done $0x0  }
0x145: {  	[sflag:s9] =	ssyncadd.s32 $0xFFFFF000  }
0x146: {  	_ =	swait.ge [sflag:s12], $0x1000  }
0x147: {  	[sflag:s12] =	ssyncset.done $0x0  }
0x148: {  	[sflag:s12] =	ssyncadd.s32 $0xFFFFF000  }
0x149: {  	_ =	swait.ge [sflag:s14], $0x1000  }
0x14a: {  	[sflag:s14] =	ssyncset.done $0x0  }
0x14b: {  	[sflag:s14] =	ssyncadd.s32 $0xFFFFF000  }
0x14c: {  	_ =	swait.ge [sflag:s22], $0x1000  }
0x14d: {  	[sflag:s22] =	ssyncset.done $0x0  }
0x14e: {  	s17 =	simm.s32 $0x0;
	s4 =	rddreg [dreg:$0xe];
	[sflag:s22] =	ssyncadd.s32 $0xFFFFF000  }
0x14f: {  	[tilespmem:s17], [sflag:$0x9] =	stream.linear.gather [hbm4b:s4+s17], $0x1400, $0x38;
	[tilespmem:$0x10800] =	vst v63  }
0x150: {  	_ =	swait.ge [sflag:s23], $0x1400  }
0x151: {  	[sflag:s23] =	ssyncset.done $0x0  }
0x152: {  	s19 =	rddreg [dreg:$0xf];
	[sflag:s23] =	ssyncadd.s32 $0xFFFFEC00  }
0x153: {  	[tilespmem:s24], [sflag:$0x9] =	stream.linear.gather [hbm4b:s19+s17], $0x1400, $0x38;
	[tilespmem:$0x10800] =	vst v63  }
0x154: {  	_ =	swait.ge [sflag:s23], $0x1400  }
0x155: {  	[sflag:s23] =	ssyncset.done $0x0  }
0x156: {  	[sflag:s23] =	ssyncadd.s32 $0xFFFFEC00  }
0x157: {  	[tilespmem:s26], [sflag:$0x1] =	stream.indirect.gather [spmem:s1], $0x20, s17, s25, $0xb8;
	[tilespmem:$0x10800] =	vst v63  }
0x158: {  	_ = 	snop  }
0x159: {  	[tilespmem:s28], [sflag:$0x2] =	stream.indirect.gather [spmem:s1], $0x20, s25, s25, $0xb8;
	[tilespmem:$0x10800] =	vst v63  }
0x15a: {  	_ =	swait.ge [sflag:s20], $0x1000  }
0x15b: {  	[sflag:s20] =	ssyncset.done $0x0  }
0x15c: {  	[sflag:s20] =	ssyncadd.s32 $0xFFFFF000  }
0x15d: {  	[spmem:s3] =	stream.indirect.scatter.add.f32 [tilespmem:s26], [sflag:$0x5], $0x20, s24, s25, $0xb8;
	[tilespmem:$0x10800] =	vst v63  }
0x15e: {  	_ = 	snop  }
0x15f: {  	[tilespmem:s30], [sflag:$0x3] =	stream.indirect.gather [spmem:s1], $0x20, s29, s25, $0xb8;
	[tilespmem:$0x10800] =	vst v63  }
0x160: {  	_ =	swait.ge [sflag:s31], $0x1000  }
0x161: {  	[sflag:s31] =	ssyncset.done $0x0  }
0x162: {  	[sflag:s31] =	ssyncadd.s32 $0xFFFFF000  }
0x163: {  	[spmem:s3] =	stream.indirect.scatter.add.f32 [tilespmem:s28], [sflag:$0x6], $0x20, s0, s25, $0xb8;
	[tilespmem:$0x10800] =	vst v63  }
0x164: {  	_ = 	snop  }
0x165: {  	[tilespmem:s5], [sflag:$0x4] =	stream.indirect.gather [spmem:s1], $0x20, s2, s25, $0xb8;
	[tilespmem:$0x10800] =	vst v63  }
0x166: {  	_ =	swait.ge [sflag:s6], $0x1000  }
0x167: {  	[sflag:s6] =	ssyncset.done $0x0  }
0x168: {  	[sflag:s6] =	ssyncadd.s32 $0xFFFFF000  }
0x169: {  	[spmem:s3] =	stream.indirect.scatter.add.f32 [tilespmem:s30], [sflag:$0x7], $0x20, s8, s25, $0xb8;
	[tilespmem:$0x10800] =	vst v63  }
0x16a: {  	_ =	swait.ge [sflag:s9], $0x1000  }
0x16b: {  	[sflag:s9] =	ssyncset.done $0x0  }
0x16c: {  	[sflag:s9] =	ssyncadd.s32 $0xFFFFF000  }
0x16d: {  	[tilespmem:s26], [sflag:$0x1] =	stream.indirect.gather [spmem:s1], $0x20, s10, s25, $0xb8;
	[tilespmem:$0x10800] =	vst v63  }
0x16e: {  	_ =	swait.ge [sflag:s21], $0x1000  }
0x16f: {  	[sflag:s21] =	ssyncset.done $0x0  }
0x170: {  	[sflag:s21] =	ssyncadd.s32 $0xFFFFF000  }
0x171: {  	[spmem:s3] =	stream.indirect.scatter.add.f32 [tilespmem:s5], [sflag:$0x8], $0x20, s11, s25, $0xb8;
	[tilespmem:$0x10800] =	vst v63  }
0x172: {  	_ =	swait.ge [sflag:s12], $0x1000  }
0x173: {  	[sflag:s12] =	ssyncset.done $0x0  }
0x174: {  	[sflag:s12] =	ssyncadd.s32 $0xFFFFF000  }
0x175: {  	[tilespmem:s28], [sflag:$0x2] =	stream.indirect.gather [spmem:s1], $0x20, s13, s25, $0xb8;
	[tilespmem:$0x10800] =	vst v63  }
.LBB2_11:
0x176: {  	_ =	swait.ge [sflag:s20], $0x1000  }
0x177: {  	s18 =	sshra.s32 s17, $0x2;
	[sflag:s20] =	ssyncset.done $0x0  }
0x178: {  	s4 =	sadd.s32 $0x1600, s18;
	[sflag:s20] =	ssyncadd.s32 $0xFFFFF000  }
0x179: {  	[spmem:s3] =	stream.indirect.scatter.add.f32 [tilespmem:s26], [sflag:$0x5], $0x20, s4, s25, $0xb8;
	[tilespmem:$0x10800] =	vst v63  }
0x17a: {  	_ =	swait.ge [sflag:s14], $0x1000  }
0x17b: {  	[sflag:s14] =	ssyncset.done $0x0  }
0x17c: {  	s19 =	sadd.s32 $0x300, s18;
	[sflag:s14] =	ssyncadd.s32 $0xFFFFF000  }
0x17d: {  	[tilespmem:s30], [sflag:$0x3] =	stream.indirect.gather [spmem:s1], $0x20, s19, s25, $0xb8;
	[tilespmem:$0x10800] =	vst v63  }
0x17e: {  	_ =	swait.ge [sflag:s31], $0x1000  }
0x17f: {  	[sflag:s31] =	ssyncset.done $0x0  }
0x180: {  	s19 =	sadd.s32 $0x1680, s18;
	[sflag:s31] =	ssyncadd.s32 $0xFFFFF000  }
0x181: {  	[spmem:s3] =	stream.indirect.scatter.add.f32 [tilespmem:s28], [sflag:$0x6], $0x20, s19, s25, $0xb8;
	[tilespmem:$0x10800] =	vst v63  }
0x182: {  	_ =	swait.ge [sflag:s22], $0x1000  }
0x183: {  	[sflag:s22] =	ssyncset.done $0x0  }
0x184: {  	p0 =	seq.s32 s17, $0x4000;
	s19 =	sadd.s32 $0x380, s18;
	[sflag:s22] =	ssyncadd.s32 $0xFFFFF000  }
0x185: {  	[tilespmem:s5], [sflag:$0x4] =	stream.indirect.gather [spmem:s1], $0x20, s19, s25, $0xb8;
	[tilespmem:$0x10800] =	vst v63  }
.Ltmp8:
0x186: {  	_ =	swait.ge [sflag:s6], $0x1000;
	(pc) =	sbr.rel @p0 .LBB2_13-.Ltmp8, $4  }
0x187: {  	[sflag:s6] =	ssyncset.done $0x0  }
0x188: {  	s19 =	sadd.s32 $0x1700, s18;
	[sflag:s6] =	ssyncadd.s32 $0xFFFFF000  }
0x189: {  	[spmem:s3] =	stream.indirect.scatter.add.f32 [tilespmem:s30], [sflag:$0x7], $0x20, s19, s25, $0xb8;
	[tilespmem:$0x10800] =	vst v63  }
0x18a: {  	s19 =	sadd.s32 $0x1780, s18  }
0x18b: {  	_ =	swait.ge [sflag:s9], $0x1000  }
0x18c: {  	[sflag:s9] =	ssyncset.done $0x0  }
0x18d: {  	s4 =	sadd.s32 $0x400, s18;
	[sflag:s9] =	ssyncadd.s32 $0xFFFFF000  }
0x18e: {  	[tilespmem:s26], [sflag:$0x1] =	stream.indirect.gather [spmem:s1], $0x20, s4, s25, $0xb8;
	[tilespmem:$0x10800] =	vst v63  }
0x18f: {  	_ =	swait.ge [sflag:s21], $0x1000  }
0x190: {  	[sflag:s21] =	ssyncset.done $0x0  }
0x191: {  	[sflag:s21] =	ssyncadd.s32 $0xFFFFF000  }
0x192: {  	[spmem:s3] =	stream.indirect.scatter.add.f32 [tilespmem:s5], [sflag:$0x8], $0x20, s19, s25, $0xb8;
	[tilespmem:$0x10800] =	vst v63  }
.Ltmp9:
0x193: {  	_ = 	snop;
	(pc) =	sbr.rel .LBB2_11-.Ltmp9, $4  }
0x194: {  	_ =	swait.ge [sflag:s12], $0x1000  }
0x195: {  	[sflag:s12] =	ssyncset.done $0x0  }
0x196: {  	s17 =	sadd.s32 $0x800, s17;
	s19 =	sadd.s32 $0x480, s18;
	[sflag:s12] =	ssyncadd.s32 $0xFFFFF000  }
0x197: {  	[tilespmem:s28], [sflag:$0x2] =	stream.indirect.gather [spmem:s1], $0x20, s19, s25, $0xb8;
	[tilespmem:$0x10800] =	vst v63  }
.LBB2_14:
0x198: {  	_ =	sfence.sel $0x180000  }
0x199: {  	[bflag:$0x0] =	sbarrier.arrive $0xFFFF  }
0x19a: {  	_ =	strace $0x9000004D  }
0x19b: {  	s0 =	stileid.u32;
	[bflag:$0x2] =	sbarrier.arrive $0xFFFF  }
0x19c: {  	p0 =	sne.s32 s0, $0x0;
	s0 =	rddreg [dreg:$0x4]  }
0x19d: {  	s0 =	sadd.s32 @!p0 $0x100000, s0  }
0x19e: {  	[sflag:s0] =	ssyncadd.tile.s32 @!p0 $0x1;
	_ =	shalt  }
.Lfunc_end2:
_tile_overlayer_lowered:
.L_overlay_start_2:
0x19f: {  	(tag) =	ssettag $0x2  }
0x1a0: {  	s0 =	rddreg [dreg:$0x0];
	s2 =	stileid.u32  }
0x1a1: {  	s1 =	rddreg [dreg:$0x1];
	p0 =	sne.s32 s2, $0x0  }
0x1a2: {  	s3 =	rddreg [dreg:$0x2];
	[bflag:$0x3] =	sbarrier.arrive $0xFFFF;
	s2 =	simm.s32 @!p0 $0x1C09  }
0x1a3: {  	[timem:s3], [sflag:s2] =	dma.local @!p0 [hbm:s0], s1  }
0x1a4: {  	s0 =	simm.s32 @!p0 $0x9  }
0x1a5: {  	_ =	swait.ge @!p0 [sflag:s0], s1  }
0x1a6: {  	s1 =	ssub.s32 @!p0 $0x0, s1;
	[sflag:s0] =	ssyncset.done @!p0 $0x0  }
0x1a7: {  	[sflag:s0] =	ssyncadd.s32 @!p0 s1  }
0x1a8: {  	[bflag:$0x3] =	sbarrier.arrive $0xFFFF  }
0x1a9: {  	_ =	shalt  }

// kernel: kernel.7.cloned.1.call-start
scs
__scs_entry_jumppad:
0x0: {  	(pc) =	sbr.rel $0x88, $3  }
0x1: {  	(tag) =	ssettag $0x0;
	lr =	simm.s32 $0x1  }
0x2: {  	[smem:$0x3F9B] =	sst lr;
	_ =	strace $0xD0000000  }
0x3: {  	_ = 	snop  }
0x4: {  	_ = 	snop  }
0x5: {  	_ = 	snop  }
0x6: {  	_ = 	snop  }
0x7: {  	_ = 	snop  }
__scs_overlays_trampoline_lowered:
0x8: {  	[smem:$0x3FAA] =	sst s0  }
0x9: {  	[smem:$0x3FAB] =	sst s1  }
0xa: {  	[smem:$0x3FAC] =	sst s2  }
0xb: {  	[smem:$0x3FAD] =	sst s3  }
0xc: {  	[smem:$0x3FAE] =	sst s4  }
0xd: {  	[smem:$0x3FAF] =	sst s5  }
0xe: {  	[smem:$0x3FB0] =	sst s6  }
0xf: {  	[smem:$0x3FB1] =	sst s7  }
0x10: {  	[smem:$0x3FB2] =	sst s8  }
0x11: {  	[smem:$0x3FB3] =	sst s9;
	s0 =	simm.s32 @!p0 $0x0  }
0x12: {  	s1 =	sld [smem:$0x3F99];
	s0 =	simm.s32 @p0 $0x1  }
0x13: {  	[smem:$0x3FB4] =	sst s0;
	s0 =	simm.s32 @!p1 $0x0  }
0x14: {  	s2 =	sld [smem:$0x3F98];
	s0 =	simm.s32 @p1 $0x1  }
0x15: {  	[smem:$0x3FB5] =	sst s0;
	s0 =	simm.s32 @!p2 $0x0  }
0x16: {  	s3 =	sld [smem:$0x3FDB];
	s0 =	simm.s32 @p2 $0x1  }
0x17: {  	s4 =	simm.s32 $0x1BF5;
	[smem:$0x3FB7] =	sst s0  }
0x18: {  	s0 =	sld [smem:$0x3F9A];
	_ =	swait.ge [sflag:s4], $0x0  }
0x19: {  	s7 =	sld [smem:$0x3F9B]  }
0x1a: {  	s8 =	sadd.s32 $0xFFFFE003, lr  }
0x1b: {  	s9 =	sadd.s32 $0xFFFFFEF7, lr;
	s5 =	simm.s32 $0xFFFFFFFF;
	p2 =	slt.u32 s8, $0xFFFFF086  }
0x1c: {  	p1 =	slt.u32 s9, $0xF7A;
	s5 =	simm.s32 @!p2 $0x0  }
0x1d: {  	s5 =	simm.s32 @p1 $0x1;
	p0 =	seq.s32 s7, s2  }
0x1e: {  	s7 =	smul.u32 @!p0 $0xF7A, s2;
	p2 =	seq.s32 @!p0 s5, $0x0  }
0x1f: {  	s9 =	smul.u32 $0xF7A, s1;
	s8 =	simm.s32 @!p0 $0x1BF5;
	p2 =	por !p2, p0  }
0x20: {  	[sflag:s8] =	ssyncset.s32 @!p0 $0xFFFFF086;
	s6 =	sadd.s32 @!p0 s3, s7;
	s7 =	simm.s32 @!p0 $0x108  }
0x21: {  	s3 =	sadd.s32 s3, s9;
	s6 =	sadd.s32 @!p0 $0x88, s6;
	s7 =	simm.s32 @p2 $0x1082  }
0x22: {  	[simem:s7], [sflag:s8] =	dma.local @!p0 [hbm:s6], $0xF7A  }
0x23: {  	s9 =	sor.u32 $0xD0000000, s2;
	s6 =	simm.s32 $0x108;
	_ =	swait.ge @!p0 [sflag:s8], $0x0  }
0x24: {  	s3 =	sadd.s32 $0x88, s3;
	s6 =	simm.s32 @!p1 $0x1082;
	[sflag:s4] =	ssyncset.s32 $0xFFFFF086  }
0x25: {  	[simem:s6], [sflag:s4] =	dma.local [hbm:s3], $0xF7A  }
0x26: {  	[smem:$0x3F9B] =	sst s1;
	(tag) =	ssettag s2;
	_ =	strace s9  }
0x27: {  	s1 =	sld [smem:$0x3FAB]  }
0x28: {  	s2 =	sld [smem:$0x3FAC]  }
0x29: {  	s4 =	sld [smem:$0x3FAE]  }
0x2a: {  	p0 =	seq.s32 s5, $0x0;
	s5 =	sld [smem:$0x3FAF]  }
0x2b: {  	s6 =	sld [smem:$0x3FB0]  }
0x2c: {  	s7 =	sld [smem:$0x3FB1]  }
0x2d: {  	s3 =	simm.s32 $0x108;
	s8 =	sld [smem:$0x3FB2]  }
0x2e: {  	s3 =	simm.s32 @!p0 $0x1082;
	s9 =	sld [smem:$0x3FB3]  }
0x2f: {  	lr =	sadd.s32 s0, s3;
	s0 =	sld [smem:$0x3FAA]  }
0x30: {  	s3 =	sld [smem:$0x3FAD]  }
0x31: {  	[smem:$0x3FB6] =	sst s10  }
0x32: {  	s10 =	sld [smem:$0x3FB4];
	_ =	sdelay $0x3  }
0x33: {  	p0 =	seq.s32 s10, $0x1;
	s10 =	sld [smem:$0x3FB6];
	_ =	sdelay $0x3  }
0x34: {  	[smem:$0x3FB6] =	sst s10  }
0x35: {  	s10 =	sld [smem:$0x3FB5];
	_ =	sdelay $0x3  }
0x36: {  	p1 =	seq.s32 s10, $0x1;
	s10 =	sld [smem:$0x3FB6];
	_ =	sdelay $0x3  }
0x37: {  	[smem:$0x3FB6] =	sst s10  }
0x38: {  	s10 =	sld [smem:$0x3FB7]  }
0x39: {  	_ = 	snop;
	(pc) =	sbr.ind lr, $3  }
0x3a: {  	_ = 	snop  }
0x3b: {  	_ = 	snop  }
0x3c: {  	p2 =	seq.s32 s10, $0x1;
	s10 =	sld [smem:$0x3FB6]  }
0x3d: {  	_ =	shalt  }
0x3e: {  	_ =	shalt  }
0x3f: {  	_ =	shalt  }
0x40: {  	_ =	shalt  }
0x41: {  	_ =	shalt  }
0x42: {  	_ =	shalt  }
0x43: {  	_ =	shalt  }
0x44: {  	_ =	shalt  }
0x45: {  	_ =	shalt  }
0x46: {  	_ =	shalt  }
0x47: {  	_ =	shalt  }
0x48: {  	_ =	shalt  }
0x49: {  	_ =	shalt  }
0x4a: {  	_ =	shalt  }
0x4b: {  	_ =	shalt  }
0x4c: {  	_ =	shalt  }
0x4d: {  	_ =	shalt  }
0x4e: {  	_ =	shalt  }
0x4f: {  	_ =	shalt  }
0x50: {  	_ =	shalt  }
0x51: {  	_ =	shalt  }
0x52: {  	_ =	shalt  }
0x53: {  	_ =	shalt  }
0x54: {  	_ =	shalt  }
0x55: {  	_ =	shalt  }
0x56: {  	_ =	shalt  }
0x57: {  	_ =	shalt  }
0x58: {  	_ =	shalt  }
0x59: {  	_ =	shalt  }
0x5a: {  	_ =	shalt  }
0x5b: {  	_ =	shalt  }
0x5c: {  	_ =	shalt  }
0x5d: {  	_ =	shalt  }
0x5e: {  	_ =	shalt  }
0x5f: {  	_ =	shalt  }
0x60: {  	_ =	shalt  }
0x61: {  	_ =	shalt  }
0x62: {  	_ =	shalt  }
0x63: {  	_ =	shalt  }
0x64: {  	_ =	shalt  }
0x65: {  	_ =	shalt  }
0x66: {  	_ =	shalt  }
0x67: {  	_ =	shalt  }
0x68: {  	_ =	shalt  }
0x69: {  	_ =	shalt  }
0x6a: {  	_ =	shalt  }
0x6b: {  	_ =	shalt  }
0x6c: {  	_ =	shalt  }
0x6d: {  	_ =	shalt  }
0x6e: {  	_ =	shalt  }
0x6f: {  	_ =	shalt  }
0x70: {  	_ =	shalt  }
0x71: {  	_ =	shalt  }
0x72: {  	_ =	shalt  }
0x73: {  	_ =	shalt  }
0x74: {  	_ =	shalt  }
0x75: {  	_ =	shalt  }
0x76: {  	_ =	shalt  }
0x77: {  	_ =	shalt  }
0x78: {  	_ =	shalt  }
0x79: {  	_ =	shalt  }
0x7a: {  	_ =	shalt  }
0x7b: {  	_ =	shalt  }
0x7c: {  	_ =	shalt  }
0x7d: {  	_ =	shalt  }
0x7e: {  	_ =	shalt  }
0x7f: {  	_ =	shalt  }
0x80: {  	_ =	shalt  }
0x81: {  	_ =	shalt  }
0x82: {  	_ =	shalt  }
0x83: {  	_ =	shalt  }
0x84: {  	_ =	shalt  }
0x85: {  	_ =	shalt  }
0x86: {  	_ =	shalt  }
0x87: {  	_ =	shalt  }
.Lfunc_end0:
.L_simem_size_0:
called_computation_lowered:
.L_overlay_start_0:
0x88: {  	s2 =	sld [smem:$0x3FD9]  }
0x89: {  	s3 =	sld [smem:$0x3FFE];
	_ =	sdelay $0x1  }
0x8a: {  	s1 =	srdreg.scid  }
0x8b: {  	s0 =	sand.u32 $0x1, s1  }
0x8c: {  	s17 =	sshll.u32 s0, $0xA;
	s2 =	sadd.s32 s3, s2  }
0x8d: {  	s2 =	sadd.s32 s2, s17  }
0x8e: {  	[smem:$0x3FC2] =	sst s2  }
0x8f: {  	_ = 	snop  }
0x90: {  	s2 =	sld [smem:$0x3FD0];
	(tm) =	ssettm $0x1  }
0x91: {  	s18 =	sld [smem:$0x3FFB];
	_ =	sdelay $0x3  }
0x92: {  	_ =	strace s18  }
0x93: {  	s3 =	sld [smem:$0x3FFC];
	_ =	sdelay $0x3  }
0x94: {  	_ =	strace s3  }
0x95: {  	s3 =	sld [smem:$0x3FFD];
	_ =	sdelay $0x3  }
0x96: {  	_ =	strace s3  }
0x97: {  	_ =	strace $0x8FFFFFFF  }
0x98: {  	s19 =	sld [smem:$0x3FDB];
	_ =	sdelay $0x1  }
0x99: {  	s4 =	simm.s32 $_scs_section_size  }
0x9a: {  	s5 =	simm.s32 $_size__tile_overlayer_lowered;
	s6 =	simm.s32 $_tile_overlayer_lowered  }
0x9b: {  	s22 =	simm.s32 $0x1BFF;
	s21 =	sshll.u32 s6, $0x1;
	s3 =	sadd.s32 s4, s19  }
0x9c: {  	s7 =	simm.s32 $0x0;
	s20 =	sshll.u32 s5, $0x1;
	s5 =	sadd.s32 s21, s3  }
0x9d: {  	[timem:s7], [sflag:s22] =	dma.local [hbm:s5], s20  }
0x9e: {  	_ =	swait.ge [sflag:s22], s20  }
0x9f: {  	s4 =	ssub.s32 $0x0, s20;
	[sflag:s22] =	ssyncset.done $0x0  }
0xa0: {  	[sflag:s22] =	ssyncadd.s32 s4;
	_ =	sdelay $0x1  }
0xa1: {  	s23 =	simm.s32 $0x1B8B  }
0xa2: {  	_ =	swait.ge [sflag:s23], $0x1  }
0xa3: {  	[sflag:s23] =	ssyncset.done $0x0  }
0xa4: {  	s25 =	simm.s32 $0x1B8E;
	s24 =	sld [smem:$0x3FFE];
	[sflag:s23] =	ssyncadd.s32 $0xFFFFFFFF  }
0xa5: {  	s26 =	simm.s32 $execute0_lowered;
	[smem:$0x3FD2] =	sst s25  }
0xa6: {  	s5 =	sshll.u32 s26, $0x1;
	_ =	strace $0x80000046;
	[dreg:$0x1] =	wrdreg $0xFFFFFFFF  }
0xa7: {  	s28 =	simm.s32 $_size_execute0_lowered;
	s3 =	sadd.s32 s3, s5;
	[dreg:$0x0] =	wrdreg $0x0  }
0xa8: {  	s5 =	sshll.u32 s28, $0x1;
	[dreg:$0x2] =	wrdreg s3  }
0xa9: {  	[dreg:$0x3] =	wrdreg s5  }
0xaa: {  	[dreg:$0x4] =	wrdreg $0xC0  }
0xab: {  	_ =	task [dreg:s7], $0x5FFFF  }
0xac: {  	[dreg:$0x1] =	wrdreg $0xFFFFFFFF  }
0xad: {  	[dreg:$0x0] =	wrdreg $0x60  }
0xae: {  	[dreg:$0x2] =	wrdreg s2  }
0xaf: {  	[dreg:$0x3] =	wrdreg s24  }
0xb0: {  	[dreg:$0x4] =	wrdreg $0x1C000  }
0xb1: {  	[dreg:$0x5] =	wrdreg $0x9  }
0xb2: {  	_ =	task.clear_ibuf [dreg:s7], $0x6FFFF;
	_ =	strace $0x90000046  }
0xb3: {  	s29 =	simm.s32 $0x9;
	_ =	strace $0x80000048  }
0xb4: {  	_ =	swait.ge [sflag:s29], $0x1  }
0xb5: {  	[sflag:s29] =	ssyncadd.s32 $0xFFFFFFFF  }
0xb6: {  	_ =	strace $0x90000048  }
0xb7: {  	_ =	sfence  }
0xb8: {  	s30 =	sld [smem:$0x0];
	_ =	sdelay $0x2  }
0xb9: {  	s31 =	sshll.u32 s1, $0xD;
	s1 =	sshrl.u32 s1, $0x2  }
0xba: {  	s3 =	sand.u32 $0x4000, s31;
	s1 =	sadd.s32 s1, s30  }
0xbb: {  	s0 =	sor.u32 s3, s0;
	s1 =	sshll.u32 s1, $0x11  }
0xbc: {  	s0 =	sor.u32 s1, s0  }
0xbd: {  	s0 =	sadd.s32 $0x8F2B, s0  }
0xbe: {  	[sflag:s0] =	ssyncadd.remote.s32 $0x1  }
0xbf: {  	_ =	sfence.sel $0xFFFF  }
0xc0: {  	[dreg:$0x0] =	wrdreg $0xFFFFFFFF;
	(pc) =	sbr.abs _section_cstart, $3  }
0xc1: {  	[dreg:$0x1] =	wrdreg $0xFFFFFFFF  }
0xc2: {  	_ =	task.clear_ibuf [dreg:s7], $0x2FFFF;
	_ =	strace $0x9FFFFFFF  }
0xc3: {  	(tm) =	ssettm $0x7FFFFFFF  }
tec
execute0_lowered:
.L_overlay_start_1:
0x0: {  	(tag) =	ssettag $0x1  }
0x1: {  	s6 =	rddreg [dreg:$0x0]  }
0x2: {  	s7 =	rddreg [dreg:$0x1];
	s1 =	srdreg.scid  }
0x3: {  	s0 =	stileid.u32;
	s2 =	rddreg [dreg:$0x2];
	s3 =	simm.s32 $0x0  }
0x4: {  	s14 =	simm.s32 $0x80;
	s15 =	simm.s32 $0x0;
	s9 =	smul.u32 $0x2800, s0  }
0x5: {  	s8 =	sand.u32 $0x1, s1;
	s1 =	rddreg [dreg:$0x3];
	s11 =	smul.u32 $0x5000, s0  }
0x6: {  	[smem:$0x7FF] =	sst s3;
	s4 =	sadd.s32 $0x800, s7;
	s10 =	smul.u32 $0x28000, s8  }
0x7: {  	s5 =	sadd.s32 $0xA00, s7;
	s12 =	smul.u32 $0x1400, s8;
	s8 =	ssub.s32 $0x2, s8  }
0x8: {  	s31 =	sshll.u32 s0, $0x6;
	_ =	strace $0x80000047;
	s13 =	sshrl.u32 s8, $0x1  }
0x9: {  	s30 =	sadd.s32 s9, s2;
	s10 =	sadd.s32 s9, s10;
	s11 =	sadd.s32 s12, s11  }
0xa: {  	s28 =	ssub.s32 s8, s13;
	s12 =	simm.s32 $0x1;
	s13 =	simm.s32 $0x1400  }
0xb: {  	s10 =	sshrl.u32 s10, $0x3;
	s29 =	sshrl.u32 s11, $0x3;
	s11 =	sshrl.u32 s30, $0x3  }
0xc: {  	s10 =	sadd.s32 s10, s7;
	s6 =	sadd.s32 s6, s29;
	s7 =	sor.u32 $0x1C01, s31  }
0xd: {  	s8 =	sadd.s32 $0x500, s6;
	s9 =	sadd.s32 $0x1000, s10;
	s10 =	smax.u32 s28, $0x1  }
.LBB2_1:
0xe: {  	[spmem:s11], [sflag:s7] =	dma.local [hbm:s5], $0x500  }
0xf: {  	_ =	swait.ge [sflag:s12], $0x500  }
0x10: {  	[sflag:s12] =	ssyncset.done $0x0  }
0x11: {  	[sflag:s12] =	ssyncadd.s32 $0xFFFFFB00  }
0x12: {  	[tilespmem:s13], [sflag:$0x1] =	stream.linear.gather [hbm4b:s4+s3], $0x800, $0x38;
	[tilespmem:$0x4400] =	vst v63  }
0x13: {  	_ =	swait.ge [sflag:s12], $0x800  }
0x14: {  	[sflag:s12] =	ssyncset.done $0x0  }
0x15: {  	[sflag:s12] =	ssyncadd.s32 $0xFFFFF800  }
0x16: {  	[bflag:$0x0] =	sbarrier.arrive $0xFFFF  }
0x17: {  	[tilespmem:s3], [sflag:$0x1] =	stream.linear.gather [hbm4b:s6+s3], $0x1400, $0x38;
	[tilespmem:$0x4400] =	vst v63  }
0x18: {  	_ =	swait.ge [sflag:s12], $0x1400  }
0x19: {  	[sflag:s12] =	ssyncset.done $0x0  }
0x1a: {  	s16 =	simm.s32 $0x0;
	[sflag:s12] =	ssyncadd.s32 $0xFFFFEC00  }
0x1b: {  	[spmem:s2] =	stream.indirect.scatter.add.f32 [tilespmem:s13], [sflag:$0x1], $0x10, s16, s14, $0xb8;
	[tilespmem:$0x4400] =	vst v63  }
0x1c: {  	_ =	swait.ge [sflag:s12], $0x800  }
0x1d: {  	s16 =	simm.s32 $0x200;
	[sflag:s12] =	ssyncset.done $0x0  }
.LBB2_2:
0x1e: {  	s17 =	sshra.s32 s16, $0x2;
	[sflag:s12] =	ssyncadd.s32 $0xFFFFF800;
	p0 =	sne.s32 s16, $0x4E00  }
0x1f: {  	[spmem:s2] =	stream.indirect.scatter.add.f32 [tilespmem:s13], [sflag:$0x1], $0x10, s17, s14, $0xb8;
	[tilespmem:$0x4400] =	vst v63  }
.Ltmp0:
0x20: {  	_ = 	snop;
	(pc) =	sbr.rel @p0 .LBB2_2-.Ltmp0, $4  }
0x21: {  	_ = 	snop  }
0x22: {  	s16 =	sadd.s32 $0x200, s16  }
0x23: {  	_ =	swait.ge [sflag:s12], $0x800  }
0x24: {  	[sflag:s12] =	ssyncset.done $0x0  }
0x25: {  	[sflag:s12] =	ssyncadd.s32 $0xFFFFF800;
	s16 =	simm.s32 $0x0  }
0x26: {  	[tilespmem:s16], [sflag:$0x1] =	stream.linear.gather [hbm4b:s8+s16], $0x1400, $0x38;
	[tilespmem:$0x4400] =	vst v63  }
0x27: {  	_ =	swait.ge [sflag:s12], $0x1400  }
0x28: {  	[sflag:s12] =	ssyncset.done $0x0  }
0x29: {  	s31 =	simm.s32 $0x0;
	[sflag:s12] =	ssyncadd.s32 $0xFFFFEC00  }
0x2a: {  	[spmem:s2] =	stream.indirect.scatter.add.f32 [tilespmem:s13], [sflag:$0x1], $0x10, s31, s14, $0xb8;
	[tilespmem:$0x4400] =	vst v63  }
0x2b: {  	_ =	swait.ge [sflag:s12], $0x800  }
0x2c: {  	s16 =	simm.s32 $0x200;
	[sflag:s12] =	ssyncset.done $0x0  }
.LBB2_4:
0x2d: {  	s17 =	sshra.s32 s16, $0x2;
	[sflag:s12] =	ssyncadd.s32 $0xFFFFF800;
	p0 =	sne.s32 s16, $0x4E00  }
0x2e: {  	[spmem:s2] =	stream.indirect.scatter.add.f32 [tilespmem:s13], [sflag:$0x1], $0x10, s17, s14, $0xb8;
	[tilespmem:$0x4400] =	vst v63  }
.Ltmp1:
0x2f: {  	_ = 	snop;
	(pc) =	sbr.rel @p0 .LBB2_4-.Ltmp1, $4  }
0x30: {  	_ = 	snop  }
0x31: {  	s16 =	sadd.s32 $0x200, s16  }
0x32: {  	_ =	swait.ge [sflag:s12], $0x800  }
0x33: {  	[sflag:s12] =	ssyncset.done $0x0  }
0x34: {  	s15 =	sadd.s32 $0x1, s15  }
0x35: {  	[sflag:s12] =	ssyncadd.s32 $0xFFFFF800;
	p0 =	sne.s32 s15, s10  }
.Ltmp2:
0x36: {  	[bflag:$0x0] =	sbarrier.arrive $0xFFFF;
	(pc) =	sbr.rel @p0 .LBB2_1-.Ltmp2, $4  }
0x37: {  	[hbm:s9], [sflag:s7] =	dma.local [spmem:s11], $0x500  }
0x38: {  	_ =	swait.ge [sflag:s12], $0x500  }
0x39: {  	[sflag:s12] =	ssyncset.done $0x0  }
0x3a: {  	[sflag:s12] =	ssyncadd.s32 $0xFFFFFB00  }
0x3b: {  	_ =	sfence.sel $0x180000  }
0x3c: {  	[bflag:$0x0] =	sbarrier.arrive $0xFFFF  }
0x3d: {  	p0 =	sne.s32 s0, $0x0;
	_ =	strace $0x90000047  }
0x3e: {  	s0 =	sadd.s32 @!p0 $0x100000, s1;
	[bflag:$0x2] =	sbarrier.arrive $0xFFFF  }
0x3f: {  	[sflag:s0] =	ssyncadd.tile.s32 @!p0 $0x1;
	_ =	shalt  }
.Lfunc_end2:
_tile_overlayer_lowered:
.L_overlay_start_2:
0x40: {  	(tag) =	ssettag $0x2  }
0x41: {  	s0 =	rddreg [dreg:$0x0];
	s2 =	stileid.u32  }
0x42: {  	s1 =	rddreg [dreg:$0x1];
	p0 =	sne.s32 s2, $0x0  }
0x43: {  	s3 =	rddreg [dreg:$0x2];
	[bflag:$0x3] =	sbarrier.arrive $0xFFFF;
	s2 =	simm.s32 @!p0 $0x1C01  }
0x44: {  	[timem:s3], [sflag:s2] =	dma.local @!p0 [hbm:s0], s1  }
0x45: {  	s0 =	simm.s32 @!p0 $0x1  }
0x46: {  	_ =	swait.ge @!p0 [sflag:s0], s1  }
0x47: {  	s1 =	ssub.s32 @!p0 $0x0, s1;
	[sflag:s0] =	ssyncset.done @!p0 $0x0  }
0x48: {  	[sflag:s0] =	ssyncadd.s32 @!p0 s1  }
0x49: {  	[bflag:$0x3] =	sbarrier.arrive $0xFFFF  }
0x4a: {  	_ =	shalt  }

</sc_bundles>
